<compile_context>
chip_gen: v7x
topology: tpu7x:2x2x1
jax: 0.10.2.dev20260603
libtpu: 0.0.44.dev20260713+nightly
codegen_flags: <defaults>
</compile_context>

<pallas_src>
import functools

import jax
import jax.numpy as jnp
from jax import lax
from jax.experimental import pallas as pl
from jax.experimental.pallas import tpu as pltpu
from jax.experimental.pallas import tpu_sc as plsc

N_NODES = 10000
N_PAD = 10240
E = 320000
E_PAD = 323584
EPW = E_PAD // 32
CHUNK = 128
NCH = EPW // CHUNK
RPW = N_PAD // 16
NB = 512
NBLK = N_PAD // NB
HR = N_PAD // CHUNK
FC = 128


def _mesh():
    return plsc.VectorSubcoreMesh(core_axis_name="c", subcore_axis_name="s")


def _make_scatter(stacked):
    epw = (E_PAD // 16) if stacked else EPW
    nch = epw // CHUNK

    @functools.partial(
        pl.kernel,
        out_type=jax.ShapeDtypeStruct((2 * N_PAD, FC), jnp.float32),
        mesh=_mesh(),
        scratch_types=[
            pltpu.VMEM((CHUNK, FC), jnp.float32),
            pltpu.VMEM((CHUNK,), jnp.int32),
            pltpu.VMEM((CHUNK,), jnp.int32),
            pltpu.SemaphoreType.DMA,
            pltpu.VMEM_SHARED((N_PAD, FC), jnp.float32),
        ],
    )
    def s_kernel(g, src_hbm, dst_hbm, out, rows_v, src_v, dst_v, sem, acc):
        c = lax.axis_index("c")
        s = lax.axis_index("s")
        wid = s if stacked else s * 2 + c

        z16 = jnp.zeros((16,), jnp.float32)

        def zrow(i, carry):
            for j in range(FC // 16):
                rows_v[i, pl.ds(j * 16, 16)] = z16
            return carry

        lax.fori_loop(0, CHUNK, zrow, 0)
        for t in range(RPW // CHUNK):
            pltpu.sync_copy(rows_v, acc.at[pl.ds(s * RPW + t * CHUNK, CHUNK)])
        plsc.subcore_barrier()

        sbase = (c * E_PAD if stacked else 0) + wid * epw
        dbase = wid * epw

        def body(j, carry):
            pltpu.sync_copy(src_hbm.at[pl.ds(sbase + j * CHUNK, CHUNK)], src_v)
            pltpu.sync_copy(dst_hbm.at[pl.ds(dbase + j * CHUNK, CHUNK)], dst_v)
            pltpu.async_copy(g.at[src_v], rows_v, sem).wait()
            pltpu.sync_copy(rows_v, acc.at[dst_v], add=True)
            return carry

        lax.fori_loop(0, nch, body, 0)
        plsc.subcore_barrier()

        for t in range(RPW // CHUNK):
            r0 = s * RPW + t * CHUNK
            pltpu.sync_copy(acc.at[pl.ds(r0, CHUNK)], rows_v)
            pltpu.sync_copy(rows_v, out.at[pl.ds(c * N_PAD + r0, CHUNK)])

    return s_kernel


_scatter_es = _make_scatter(False)
_scatter_cs = _make_scatter(True)


@functools.partial(
    pl.kernel,
    out_type=jax.ShapeDtypeStruct((2 * N_PAD,), jnp.float32),
    mesh=_mesh(),
    scratch_types=[
        pltpu.VMEM((RPW,), jnp.float32),
        pltpu.VMEM((CHUNK,), jnp.float32),
        pltpu.VMEM((CHUNK,), jnp.int32),
        pltpu.VMEM_SHARED((N_PAD,), jnp.float32),
        pltpu.SemaphoreType.DMA,
    ],
)
def _deg_kernel(src_hbm, deg_out, stage, ones_v, src_v, acc, sem):
    c = lax.axis_index("c")
    s = lax.axis_index("s")
    wid = s * 2 + c

    z16 = jnp.zeros((16,), jnp.float32)
    one16 = jnp.ones((16,), jnp.float32)

    def zh(i, carry):
        stage[pl.ds(i * 16, 16)] = z16
        return carry

    lax.fori_loop(0, RPW // 16, zh, 0)
    for u in range(CHUNK // 16):
        ones_v[pl.ds(u * 16, 16)] = one16

    pltpu.sync_copy(stage, acc.at[pl.ds(s * RPW, RPW)])
    plsc.subcore_barrier()

    def body(j, carry):
        base = wid * EPW + j * CHUNK
        pltpu.sync_copy(src_hbm.at[pl.ds(base, CHUNK)], src_v)
        pltpu.sync_copy(ones_v, acc.at[src_v], add=True)
        return carry

    lax.fori_loop(0, NCH, body, 0)
    plsc.subcore_barrier()

    r0 = s * RPW
    pltpu.sync_copy(acc.at[pl.ds(r0, RPW)], stage)
    pltpu.sync_copy(stage, deg_out.at[pl.ds(c * N_PAD + r0, RPW)])


def _dinv_body(da_ref, db_ref, o_ref):
    d = da_ref[...] + db_ref[...]
    o_ref[...] = jnp.where(d > 0, lax.rsqrt(d), 0.0)


def _premul0_body(x_ref, dv_ref, g_ref):
    dv = dv_ref[...]
    g_ref[...] = -(dv * x_ref[...])


def _premul_sum_body(sa_ref, sb_ref, dv_ref, g_ref):
    dv = dv_ref[...]
    g_ref[...] = -(dv * dv) * (sa_ref[...] + sb_ref[...])


def _q_sum_body(sa_ref, sb_ref, x_ref, dv_ref, g_ref):
    dv = dv_ref[...]
    g_ref[...] = -dv * (2.0 * dv * (sa_ref[...] + sb_ref[...]) - x_ref[...])


def _premul_stk_body(s_ref, dv_ref, g_ref):
    dv = dv_ref[...]
    g_ref[...] = -(dv * dv) * s_ref[...]


def _q_stk_body(s_ref, t_ref, dv_ref, g_ref):
    dv = dv_ref[...]
    g_ref[...] = -dv * (2.0 * dv * s_ref[...] - t_ref[...])


def _m1_body(x_ref, s1a_ref, s1b_ref, s2a_ref, s2b_ref,
             s3a_ref, s3b_ref, dv_ref, w_ref, b_ref,
             ha_ref, hb_ref, ga_ref, gb_ref):
    dv = dv_ref[...]
    tx0 = x_ref[...]
    tx1 = dv * (s1a_ref[...] + s1b_ref[...])
    tx2 = 2.0 * dv * (s2a_ref[...] + s2b_ref[...]) - tx0
    tx3 = 2.0 * dv * (s3a_ref[...] + s3b_ref[...]) - tx1
    acc = b_ref[...] * jnp.ones((tx0.shape[0], 1), jnp.float32)
    for k, tx in enumerate((tx0, tx1, tx2, tx3)):
        acc = acc + jnp.dot(tx, w_ref[k], preferred_element_type=jnp.float32)
    hout = jnp.maximum(acc, 0.0)
    fo = hout.shape[1] // 2
    ha_ref[...] = hout[:, :fo]
    hb_ref[...] = hout[:, fo:]
    ga_ref[...] = -dv * hout[:, :fo]
    gb_ref[...] = -dv * hout[:, fo:]


def _m2_body(xa_ref, xb_ref, s1a_ref, s1b_ref, s2a_ref, s2b_ref,
             s3a_ref, s3b_ref, dv_ref, w_ref, b_ref, o_ref):
    n = pl.program_id(0)
    dv = dv_ref[...]
    fin = w_ref.shape[1]
    h = fin // 2
    acc = b_ref[...] * jnp.ones((xa_ref.shape[0], 1), jnp.float32)
    for c, (x_r, s1_r, s2_r, s3_r) in enumerate(
            ((xa_ref, s1a_ref, s2a_ref, s3a_ref),
             (xb_ref, s1b_ref, s2b_ref, s3b_ref))):
        tx0 = x_r[...]
        tx1 = dv * s1_r[...]
        tx2 = 2.0 * dv * s2_r[...] - tx0
        tx3 = 2.0 * dv * s3_r[...] - tx1
        w0 = w_ref[0, pl.ds(c * h, h), :]
        w1 = w_ref[1, pl.ds(c * h, h), :]
        w2 = w_ref[2, pl.ds(c * h, h), :]
        w3 = w_ref[3, pl.ds(c * h, h), :]
        acc = acc + jnp.dot(tx0, w0, preferred_element_type=jnp.float32)
        acc = acc + jnp.dot(tx1, w1, preferred_element_type=jnp.float32)
        acc = acc + jnp.dot(tx2, w2, preferred_element_type=jnp.float32)
        acc = acc + jnp.dot(tx3, w3, preferred_element_type=jnp.float32)
    hout = jnp.maximum(acc, 0.0)
    rows = n * NB + lax.broadcasted_iota(jnp.int32, (NB, 1), 0)
    hout = jnp.where(rows < N_NODES, hout, 0.0)
    colsum = jnp.sum(hout, axis=0, keepdims=True)

    @pl.when(n == 0)
    def _():
        o_ref[...] = colsum

    @pl.when(n > 0)
    def _():
        o_ref[...] = o_ref[...] + colsum


def _head_body(p_ref, w_ref, b_ref, o_ref):
    o_ref[...] = jnp.dot(p_ref[...], w_ref[...],
                         preferred_element_type=jnp.float32) + b_ref[...]


def _specA(fc=FC):
    return pl.BlockSpec((NB, fc), lambda n: (n, 0))


def _specB(fc=FC):
    return pl.BlockSpec((NB, fc), lambda n: (n + NBLK, 0))


def _dvspec():
    return pl.BlockSpec((NB, 1), lambda n: (n, 0))


def _f32(rows, cols=FC):
    return jax.ShapeDtypeStruct((rows, cols), jnp.float32)


def _premul0(x_pad, dinv_b):
    return pl.pallas_call(
        _premul0_body, grid=(NBLK,),
        in_specs=[_specA(), _dvspec()],
        out_specs=_specA(), out_shape=_f32(N_PAD),
    )(x_pad, dinv_b)


def _premul_sum(s_stk, dinv_b):
    return pl.pallas_call(
        _premul_sum_body, grid=(NBLK,),
        in_specs=[_specA(), _specB(), _dvspec()],
        out_specs=_specA(), out_shape=_f32(N_PAD),
    )(s_stk, s_stk, dinv_b)


def _q_sum(s_stk, x_pad, dinv_b):
    return pl.pallas_call(
        _q_sum_body, grid=(NBLK,),
        in_specs=[_specA(), _specB(), _specA(), _dvspec()],
        out_specs=_specA(), out_shape=_f32(N_PAD),
    )(s_stk, s_stk, x_pad, dinv_b)


def _premul_stk(s_stk, dinv_b):
    return pl.pallas_call(
        _premul_stk_body, grid=(2 * NBLK,),
        in_specs=[_specA(), pl.BlockSpec((NB, 1), lambda n: (n % NBLK, 0))],
        out_specs=_specA(), out_shape=_f32(2 * N_PAD),
    )(s_stk, dinv_b)


def _q_stk(s_stk, t_stk, dinv_b):
    return pl.pallas_call(
        _q_stk_body, grid=(2 * NBLK,),
        in_specs=[_specA(), _specA(),
                  pl.BlockSpec((NB, 1), lambda n: (n % NBLK, 0))],
        out_specs=_specA(), out_shape=_f32(2 * N_PAD),
    )(s_stk, t_stk, dinv_b)


def _m1(x_pad, s1, s2, s3, dinv_b, W, b):
    wspec = pl.BlockSpec(W.shape, lambda n: (0, 0, 0))
    bspec = pl.BlockSpec((1, 256), lambda n: (0, 0))
    return pl.pallas_call(
        _m1_body, grid=(NBLK,),
        in_specs=[_specA(), _specA(), _specB(), _specA(), _specB(),
                  _specA(), _specB(), _dvspec(), wspec, bspec],
        out_specs=[_specA()] * 4,
        out_shape=[_f32(N_PAD)] * 4,
    )(x_pad, s1, s1, s2, s2, s3, s3, dinv_b, W, b)


def _m2(h1a, h1b, t1, t2, t3, dinv_b, W, b):
    wspec = pl.BlockSpec(W.shape, lambda n: (0, 0, 0))
    bspec = pl.BlockSpec((1, 256), lambda n: (0, 0))
    return pl.pallas_call(
        _m2_body, grid=(NBLK,),
        in_specs=[_specA(), _specA(), _specA(), _specB(), _specA(), _specB(),
                  _specA(), _specB(), _dvspec(), wspec, bspec],
        out_specs=pl.BlockSpec((1, 256), lambda n: (0, 0)),
        out_shape=jax.ShapeDtypeStruct((1, 256), jnp.float32),
    )(h1a, h1b, t1, t1, t2, t2, t3, t3, dinv_b, W, b)


def kernel(x, edge_index, W1, b1, W2, b2, lin_W, lin_b):
    src = edge_index[0].astype(jnp.int32)
    dst = edge_index[1].astype(jnp.int32)
    srcp = jnp.pad(src, (0, E_PAD - E), constant_values=N_NODES)
    dstp = jnp.pad(dst, (0, E_PAD - E), constant_values=N_NODES)
    srcp2 = jnp.concatenate([srcp, srcp + N_PAD])
    x_pad = jnp.pad(x, ((0, N_PAD - N_NODES), (0, 0)))

    degs = _deg_kernel(srcp)
    dinv2 = pl.pallas_call(
        _dinv_body,
        out_shape=jax.ShapeDtypeStruct((HR, CHUNK), jnp.float32),
    )(degs[:N_PAD].reshape(HR, CHUNK), degs[N_PAD:].reshape(HR, CHUNK))
    dinv_b = dinv2.reshape(N_PAD, 1)

    g0 = _premul0(x_pad, dinv_b)
    s1 = _scatter_es(g0, srcp, dstp)
    g1 = _premul_sum(s1, dinv_b)
    s2 = _scatter_es(g1, srcp, dstp)
    g2 = _q_sum(s2, x_pad, dinv_b)
    s3 = _scatter_es(g2, srcp, dstp)
    h1a, h1b, g0a, g0b = _m1(x_pad, s1, s2, s3, dinv_b, W1,
                             b1.reshape(1, -1))

    h1s = jnp.concatenate([h1a, h1b], axis=0)
    g0s = jnp.concatenate([g0a, g0b], axis=0)
    t1 = _scatter_cs(g0s, srcp2, dstp)
    g1p = _premul_stk(t1, dinv_b)
    t2 = _scatter_cs(g1p, srcp2, dstp)
    g2p = _q_stk(t2, h1s, dinv_b)
    t3 = _scatter_cs(g2p, srcp2, dstp)
    pooled = _m2(h1a, h1b, t1, t2, t3, dinv_b, W2, b2.reshape(1, -1))

    out = pl.pallas_call(
        _head_body,
        out_shape=jax.ShapeDtypeStruct((1, lin_W.shape[1]), jnp.float32),
    )(pooled, lin_W, lin_b.reshape(1, -1))
    return (pooled, out)

# --- scband reference (transcript-rebuilt; emitter-appended) ---
"""Pipeline reference for scband-cheb-gcnn-81063212744720 (READ-ONLY COPY).

The authoritative reference and input builder live on the scoring server;
editing this copy changes nothing except your own understanding.
"""

import jax, jax.numpy as jnp
import numpy as np

N_NODES = 10000
N_EDGES = 320000
IN_F = 128
CL1_F = 256
CL2_F = 256
K = 4
OUT_F = 64


def setup_inputs(seed: int = 0) -> dict:
    key = jax.random.key(seed)
    ks = jax.random.split(key, 10)
    x = jax.random.normal(ks[0], (N_NODES, IN_F), dtype=jnp.float32)
    edge_index = jax.random.randint(ks[1], (2, N_EDGES), 0, N_NODES, dtype=jnp.int64 if jax.config.jax_enable_x64 else jnp.int32)
    # ChebConv weights: [K, in, out] (one linear per Chebyshev order)
    W1 = jax.random.normal(ks[2], (K, IN_F, CL1_F), dtype=jnp.float32) * (1.0 / np.sqrt(IN_F))
    b1 = jnp.zeros((CL1_F,), dtype=jnp.float32)
    W2 = jax.random.normal(ks[3], (K, CL1_F, CL2_F), dtype=jnp.float32) * (1.0 / np.sqrt(CL1_F))
    b2 = jnp.zeros((CL2_F,), dtype=jnp.float32)
    lin_W = jax.random.normal(ks[4], (CL2_F, OUT_F), dtype=jnp.float32) * (1.0 / np.sqrt(CL2_F))
    lin_b = jnp.zeros((OUT_F,), dtype=jnp.float32)
    return {"x": x, "edge_index": edge_index, "W1": W1, "b1": b1,
            "W2": W2, "b2": b2, "lin_W": lin_W, "lin_b": lin_b}


def _cheb_conv(x, edge_index, W, b):
    # PyG ChebConv with normalization='sym', lambda_max=2.0:
    # Lhat = 2/lambda_max * (I - D^{-1/2} A D^{-1/2}) - I = -D^{-1/2} A D^{-1/2}
    src = edge_index[0]
    dst = edge_index[1]
    deg = jax.ops.segment_sum(jnp.ones((src.shape[0],), dtype=x.dtype), src,
                              num_segments=N_NODES)
    dinv = jnp.where(deg > 0, 1.0 / jnp.sqrt(deg), 0.0)
    norm = -dinv[src] * dinv[dst]

    def lhat(h):
        # message: h_j * norm, aggregated (sum) at target node i
        return jax.ops.segment_sum(norm[:, None] * jnp.take(h, src, axis=0), dst,
                                   num_segments=N_NODES)

    Tx0 = x
    out = Tx0 @ W[0]
    Tx1 = lhat(x)
    out = out + Tx1 @ W[1]
    for k in range(2, W.shape[0]):
        Tx2 = 2.0 * lhat(Tx1) - Tx0
        out = out + Tx2 @ W[k]
        Tx0, Tx1 = Tx1, Tx2
    return out + b


def reference(x, edge_index, W1, b1, W2, b2, lin_W, lin_b):
    h = jax.nn.relu(_cheb_conv(x, edge_index, W1, b1))
    h = jax.nn.relu(_cheb_conv(h, edge_index, W2, b2))
    # global_add_pool with batch=None: sum over all nodes, keepdim -> [1, CL2_F]
    pooled = jnp.sum(h, axis=0, keepdims=True)
    out = pooled @ lin_W + lin_b
    return (pooled, out)

if __name__ == "__main__":
    import jax
    _d = setup_inputs()
    print(jax.jit(kernel)(*tuple(_d.values())))

</pallas_src>

<mosaic_0001>
#map = affine_map<(d0, d1) -> (0, 0)>
#map1 = affine_map<(d0, d1) -> (0)>
module attributes {stable_mosaic.version = 14 : i64} {
  func.func @s_kernel(%arg0: i32, %arg1: i32, %arg2: memref<10240x128xf32, #tpu.memory_space<hbm>>, %arg3: memref<323584xi32, #tpu.memory_space<hbm>>, %arg4: memref<323584xi32, #tpu.memory_space<hbm>>, %arg5: memref<20480x128xf32, #tpu.memory_space<hbm>>, %arg6: memref<128x128xf32, #tpu.memory_space<vmem>>, %arg7: memref<128xi32, #tpu.memory_space<vmem>>, %arg8: memref<128xi32, #tpu.memory_space<vmem>>, %arg9: memref<!tpu.dma_semaphore, #tpu.memory_space<semaphore_mem>>, %arg10: memref<10240x128xf32, #tpu.memory_space<vmem_shared>>) attributes {dimension_semantics = [#tpu.dimension_semantics<core_parallel>, #tpu.dimension_semantics<subcore_parallel>], iteration_bounds = array<i64: 2, 16>, scalar_prefetch = 0 : i64, scratch_operands = 5 : i64, tpu.core_type = #tpu.core_type<sc_vector_subcore>, window_params = [{transform_indices = #map}, {transform_indices = #map1}, {transform_indices = #map1}, {transform_indices = #map}]} {
    %mul3A = arith.constant 2 : i32
    %mul3A_0 = arith.muli %arg1, %mul3A : i32
    %add3A = arith.addi %mul3A_0, %arg0 : i32
    %broadcast_in_dim3A = arith.constant 0.000000e+00 : f32
    %broadcast_in_dim3A_1 = vector.broadcast %broadcast_in_dim3A : f32 to vector<16xf32>
    %scan3A = arith.constant 0 : i32
    %scan3A_2 = arith.constant 0 : i32
    %scan3A_3 = arith.constant 128 : i32
    %scan3A_4 = arith.addi %scan3A_2, %scan3A_3 : i32
    %scan3A_5 = arith.constant 1 : i32
    scf.for %scan3A_75 = %scan3A_2 to %scan3A_4 step %scan3A_5  : i32 {
      %swap3A = arith.index_cast %scan3A_75 : i32 to index
      %swap3A_76 = arith.constant 0 : index
      %swap3A_77 = tpu.vector_load %arg6[%swap3A, %swap3A_76] {strides = array<i32>} : memref<128x128xf32, #tpu.memory_space<vmem>>, vector<1x16xf32>,
      %swap3A_78 = vector.shape_cast %swap3A_77 : vector<1x16xf32> to vector<16xf32>
      %swap3A_79 = vector.shape_cast %broadcast_in_dim3A_1 : vector<16xf32> to vector<1x16xf32>
      tpu.vector_store %arg6[%swap3A, %swap3A_76], %swap3A_79 {strides = array<i32>} : memref<128x128xf32, #tpu.memory_space<vmem>>, vector<1x16xf32>,
      %swap3A_80 = arith.index_cast %scan3A_75 : i32 to index
      %swap3A_81 = arith.constant 16 : index
      %swap3A_82 = tpu.vector_load %arg6[%swap3A_80, %swap3A_81] {strides = array<i32>} : memref<128x128xf32, #tpu.memory_space<vmem>>, vector<1x16xf32>,
      %swap3A_83 = vector.shape_cast %swap3A_82 : vector<1x16xf32> to vector<16xf32>
      %swap3A_84 = vector.shape_cast %broadcast_in_dim3A_1 : vector<16xf32> to vector<1x16xf32>
      tpu.vector_store %arg6[%swap3A_80, %swap3A_81], %swap3A_84 {strides = array<i32>} : memref<128x128xf32, #tpu.memory_space<vmem>>, vector<1x16xf32>,
      %swap3A_85 = arith.index_cast %scan3A_75 : i32 to index
      %swap3A_86 = arith.constant 32 : index
      %swap3A_87 = tpu.vector_load %arg6[%swap3A_85, %swap3A_86] {strides = array<i32>} : memref<128x128xf32, #tpu.memory_space<vmem>>, vector<1x16xf32>,
      %swap3A_88 = vector.shape_cast %swap3A_87 : vector<1x16xf32> to vector<16xf32>
      %swap3A_89 = vector.shape_cast %broadcast_in_dim3A_1 : vector<16xf32> to vector<1x16xf32>
      tpu.vector_store %arg6[%swap3A_85, %swap3A_86], %swap3A_89 {strides = array<i32>} : memref<128x128xf32, #tpu.memory_space<vmem>>, vector<1x16xf32>,
      %swap3A_90 = arith.index_cast %scan3A_75 : i32 to index
      %swap3A_91 = arith.constant 48 : index
      %swap3A_92 = tpu.vector_load %arg6[%swap3A_90, %swap3A_91] {strides = array<i32>} : memref<128x128xf32, #tpu.memory_space<vmem>>, vector<1x16xf32>,
      %swap3A_93 = vector.shape_cast %swap3A_92 : vector<1x16xf32> to vector<16xf32>
      %swap3A_94 = vector.shape_cast %broadcast_in_dim3A_1 : vector<16xf32> to vector<1x16xf32>
      tpu.vector_store %arg6[%swap3A_90, %swap3A_91], %swap3A_94 {strides = array<i32>} : memref<128x128xf32, #tpu.memory_space<vmem>>, vector<1x16xf32>,
      %swap3A_95 = arith.index_cast %scan3A_75 : i32 to index
      %swap3A_96 = arith.constant 64 : index
      %swap3A_97 = tpu.vector_load %arg6[%swap3A_95, %swap3A_96] {strides = array<i32>} : memref<128x128xf32, #tpu.memory_space<vmem>>, vector<1x16xf32>,
      %swap3A_98 = vector.shape_cast %swap3A_97 : vector<1x16xf32> to vector<16xf32>
      %swap3A_99 = vector.shape_cast %broadcast_in_dim3A_1 : vector<16xf32> to vector<1x16xf32>
      tpu.vector_store %arg6[%swap3A_95, %swap3A_96], %swap3A_99 {strides = array<i32>} : memref<128x128xf32, #tpu.memory_space<vmem>>, vector<1x16xf32>,
      %swap3A_100 = arith.index_cast %scan3A_75 : i32 to index
      %swap3A_101 = arith.constant 80 : index
      %swap3A_102 = tpu.vector_load %arg6[%swap3A_100, %swap3A_101] {strides = array<i32>} : memref<128x128xf32, #tpu.memory_space<vmem>>, vector<1x16xf32>,
      %swap3A_103 = vector.shape_cast %swap3A_102 : vector<1x16xf32> to vector<16xf32>
      %swap3A_104 = vector.shape_cast %broadcast_in_dim3A_1 : vector<16xf32> to vector<1x16xf32>
      tpu.vector_store %arg6[%swap3A_100, %swap3A_101], %swap3A_104 {strides = array<i32>} : memref<128x128xf32, #tpu.memory_space<vmem>>, vector<1x16xf32>,
      %swap3A_105 = arith.index_cast %scan3A_75 : i32 to index
      %swap3A_106 = arith.constant 96 : index
      %swap3A_107 = tpu.vector_load %arg6[%swap3A_105, %swap3A_106] {strides = array<i32>} : memref<128x128xf32, #tpu.memory_space<vmem>>, vector<1x16xf32>,
      %swap3A_108 = vector.shape_cast %swap3A_107 : vector<1x16xf32> to vector<16xf32>
      %swap3A_109 = vector.shape_cast %broadcast_in_dim3A_1 : vector<16xf32> to vector<1x16xf32>
      tpu.vector_store %arg6[%swap3A_105, %swap3A_106], %swap3A_109 {strides = array<i32>} : memref<128x128xf32, #tpu.memory_space<vmem>>, vector<1x16xf32>,
      %swap3A_110 = arith.index_cast %scan3A_75 : i32 to index
      %swap3A_111 = arith.constant 112 : index
      %swap3A_112 = tpu.vector_load %arg6[%swap3A_110, %swap3A_111] {strides = array<i32>} : memref<128x128xf32, #tpu.memory_space<vmem>>, vector<1x16xf32>,
      %swap3A_113 = vector.shape_cast %swap3A_112 : vector<1x16xf32> to vector<16xf32>
      %swap3A_114 = vector.shape_cast %broadcast_in_dim3A_1 : vector<16xf32> to vector<1x16xf32>
      tpu.vector_store %arg6[%swap3A_110, %swap3A_111], %swap3A_114 {strides = array<i32>} : memref<128x128xf32, #tpu.memory_space<vmem>>, vector<1x16xf32>,
    }
    %scan3A_6 = arith.constant 128 : i32
    %mul3A_7 = arith.constant 640 : i32
    %mul3A_8 = arith.muli %arg1, %mul3A_7 : i32
    %add3A_9 = arith.constant 0 : i32
    %add3A_10 = arith.addi %mul3A_8, %add3A_9 : i32
    "tpu.region"() ({
      %run_scoped3A = tpu.sem_alloc : memref<!tpu.dma_semaphore, #tpu.memory_space<semaphore_mem>>
      %dma_start3A = arith.constant 0 : i32
      %dma_start3A_75 = tpu.memref_slice %arg10[%add3A_10, %dma_start3A] : memref<10240x128xf32, #tpu.memory_space<vmem_shared>> -> memref<128x128xf32, #tpu.memory_space<vmem_shared>>
      %dma_start3A_76 = arith.constant 0 : i32
      %dma_start3A_77 = tpu.memref_slice %arg10[%add3A_10, %dma_start3A_76] : memref<10240x128xf32, #tpu.memory_space<vmem_shared>> -> memref<128x128xf32, #tpu.memory_space<vmem_shared>>
      tpu.enqueue_dma source(%arg6 : memref<128x128xf32, #tpu.memory_space<vmem>>) target(%dma_start3A_77 : memref<128x128xf32, #tpu.memory_space<vmem_shared>>) target_semaphore(%run_scoped3A : memref<!tpu.dma_semaphore, #tpu.memory_space<semaphore_mem>>)
      %dma_wait3A = arith.constant 0 : i32
      %dma_wait3A_78 = tpu.memref_slice %arg10[%add3A_10, %dma_wait3A] : memref<10240x128xf32, #tpu.memory_space<vmem_shared>> -> memref<128x128xf32, #tpu.memory_space<vmem_shared>>
      %dma_wait3A_79 = arith.constant 0 : i32
      %dma_wait3A_80 = tpu.memref_slice %arg10[%add3A_10, %dma_wait3A_79] : memref<10240x128xf32, #tpu.memory_space<vmem_shared>> -> memref<128x128xf32, #tpu.memory_space<vmem_shared>>
      tpu.wait_dma2 semaphore(%run_scoped3A : memref<!tpu.dma_semaphore, #tpu.memory_space<semaphore_mem>>) src(%arg6 : memref<128x128xf32, #tpu.memory_space<vmem>>) dst(%dma_wait3A_80 : memref<128x128xf32, #tpu.memory_space<vmem_shared>>)
      tpu.yield
    }) : () -> ()
    %mul3A_11 = arith.constant 640 : i32
    %mul3A_12 = arith.muli %arg1, %mul3A_11 : i32
    %add3A_13 = arith.constant 128 : i32
    %add3A_14 = arith.addi %mul3A_12, %add3A_13 : i32
    "tpu.region"() ({
      %run_scoped3A = tpu.sem_alloc : memref<!tpu.dma_semaphore, #tpu.memory_space<semaphore_mem>>
      %dma_start3A = arith.constant 0 : i32
      %dma_start3A_75 = tpu.memref_slice %arg10[%add3A_14, %dma_start3A] : memref<10240x128xf32, #tpu.memory_space<vmem_shared>> -> memref<128x128xf32, #tpu.memory_space<vmem_shared>>
      %dma_start3A_76 = arith.constant 0 : i32
      %dma_start3A_77 = tpu.memref_slice %arg10[%add3A_14, %dma_start3A_76] : memref<10240x128xf32, #tpu.memory_space<vmem_shared>> -> memref<128x128xf32, #tpu.memory_space<vmem_shared>>
      tpu.enqueue_dma source(%arg6 : memref<128x128xf32, #tpu.memory_space<vmem>>) target(%dma_start3A_77 : memref<128x128xf32, #tpu.memory_space<vmem_shared>>) target_semaphore(%run_scoped3A : memref<!tpu.dma_semaphore, #tpu.memory_space<semaphore_mem>>)
      %dma_wait3A = arith.constant 0 : i32
      %dma_wait3A_78 = tpu.memref_slice %arg10[%add3A_14, %dma_wait3A] : memref<10240x128xf32, #tpu.memory_space<vmem_shared>> -> memref<128x128xf32, #tpu.memory_space<vmem_shared>>
      %dma_wait3A_79 = arith.constant 0 : i32
      %dma_wait3A_80 = tpu.memref_slice %arg10[%add3A_14, %dma_wait3A_79] : memref<10240x128xf32, #tpu.memory_space<vmem_shared>> -> memref<128x128xf32, #tpu.memory_space<vmem_shared>>
      tpu.wait_dma2 semaphore(%run_scoped3A : memref<!tpu.dma_semaphore, #tpu.memory_space<semaphore_mem>>) src(%arg6 : memref<128x128xf32, #tpu.memory_space<vmem>>) dst(%dma_wait3A_80 : memref<128x128xf32, #tpu.memory_space<vmem_shared>>)
      tpu.yield
    }) : () -> ()
    %mul3A_15 = arith.constant 640 : i32
    %mul3A_16 = arith.muli %arg1, %mul3A_15 : i32
    %add3A_17 = arith.constant 256 : i32
    %add3A_18 = arith.addi %mul3A_16, %add3A_17 : i32
    "tpu.region"() ({
      %run_scoped3A = tpu.sem_alloc : memref<!tpu.dma_semaphore, #tpu.memory_space<semaphore_mem>>
      %dma_start3A = arith.constant 0 : i32
      %dma_start3A_75 = tpu.memref_slice %arg10[%add3A_18, %dma_start3A] : memref<10240x128xf32, #tpu.memory_space<vmem_shared>> -> memref<128x128xf32, #tpu.memory_space<vmem_shared>>
      %dma_start3A_76 = arith.constant 0 : i32
      %dma_start3A_77 = tpu.memref_slice %arg10[%add3A_18, %dma_start3A_76] : memref<10240x128xf32, #tpu.memory_space<vmem_shared>> -> memref<128x128xf32, #tpu.memory_space<vmem_shared>>
      tpu.enqueue_dma source(%arg6 : memref<128x128xf32, #tpu.memory_space<vmem>>) target(%dma_start3A_77 : memref<128x128xf32, #tpu.memory_space<vmem_shared>>) target_semaphore(%run_scoped3A : memref<!tpu.dma_semaphore, #tpu.memory_space<semaphore_mem>>)
      %dma_wait3A = arith.constant 0 : i32
      %dma_wait3A_78 = tpu.memref_slice %arg10[%add3A_18, %dma_wait3A] : memref<10240x128xf32, #tpu.memory_space<vmem_shared>> -> memref<128x128xf32, #tpu.memory_space<vmem_shared>>
      %dma_wait3A_79 = arith.constant 0 : i32
      %dma_wait3A_80 = tpu.memref_slice %arg10[%add3A_18, %dma_wait3A_79] : memref<10240x128xf32, #tpu.memory_space<vmem_shared>> -> memref<128x128xf32, #tpu.memory_space<vmem_shared>>
      tpu.wait_dma2 semaphore(%run_scoped3A : memref<!tpu.dma_semaphore, #tpu.memory_space<semaphore_mem>>) src(%arg6 : memref<128x128xf32, #tpu.memory_space<vmem>>) dst(%dma_wait3A_80 : memref<128x128xf32, #tpu.memory_space<vmem_shared>>)
      tpu.yield
    }) : () -> ()
    %mul3A_19 = arith.constant 640 : i32
    %mul3A_20 = arith.muli %arg1, %mul3A_19 : i32
    %add3A_21 = arith.constant 384 : i32
    %add3A_22 = arith.addi %mul3A_20, %add3A_21 : i32
    "tpu.region"() ({
      %run_scoped3A = tpu.sem_alloc : memref<!tpu.dma_semaphore, #tpu.memory_space<semaphore_mem>>
      %dma_start3A = arith.constant 0 : i32
      %dma_start3A_75 = tpu.memref_slice %arg10[%add3A_22, %dma_start3A] : memref<10240x128xf32, #tpu.memory_space<vmem_shared>> -> memref<128x128xf32, #tpu.memory_space<vmem_shared>>
      %dma_start3A_76 = arith.constant 0 : i32
      %dma_start3A_77 = tpu.memref_slice %arg10[%add3A_22, %dma_start3A_76] : memref<10240x128xf32, #tpu.memory_space<vmem_shared>> -> memref<128x128xf32, #tpu.memory_space<vmem_shared>>
      tpu.enqueue_dma source(%arg6 : memref<128x128xf32, #tpu.memory_space<vmem>>) target(%dma_start3A_77 : memref<128x128xf32, #tpu.memory_space<vmem_shared>>) target_semaphore(%run_scoped3A : memref<!tpu.dma_semaphore, #tpu.memory_space<semaphore_mem>>)
      %dma_wait3A = arith.constant 0 : i32
      %dma_wait3A_78 = tpu.memref_slice %arg10[%add3A_22, %dma_wait3A] : memref<10240x128xf32, #tpu.memory_space<vmem_shared>> -> memref<128x128xf32, #tpu.memory_space<vmem_shared>>
      %dma_wait3A_79 = arith.constant 0 : i32
      %dma_wait3A_80 = tpu.memref_slice %arg10[%add3A_22, %dma_wait3A_79] : memref<10240x128xf32, #tpu.memory_space<vmem_shared>> -> memref<128x128xf32, #tpu.memory_space<vmem_shared>>
      tpu.wait_dma2 semaphore(%run_scoped3A : memref<!tpu.dma_semaphore, #tpu.memory_space<semaphore_mem>>) src(%arg6 : memref<128x128xf32, #tpu.memory_space<vmem>>) dst(%dma_wait3A_80 : memref<128x128xf32, #tpu.memory_space<vmem_shared>>)
      tpu.yield
    }) : () -> ()
    %mul3A_23 = arith.constant 640 : i32
    %mul3A_24 = arith.muli %arg1, %mul3A_23 : i32
    %add3A_25 = arith.constant 512 : i32
    %add3A_26 = arith.addi %mul3A_24, %add3A_25 : i32
    "tpu.region"() ({
      %run_scoped3A = tpu.sem_alloc : memref<!tpu.dma_semaphore, #tpu.memory_space<semaphore_mem>>
      %dma_start3A = arith.constant 0 : i32
      %dma_start3A_75 = tpu.memref_slice %arg10[%add3A_26, %dma_start3A] : memref<10240x128xf32, #tpu.memory_space<vmem_shared>> -> memref<128x128xf32, #tpu.memory_space<vmem_shared>>
      %dma_start3A_76 = arith.constant 0 : i32
      %dma_start3A_77 = tpu.memref_slice %arg10[%add3A_26, %dma_start3A_76] : memref<10240x128xf32, #tpu.memory_space<vmem_shared>> -> memref<128x128xf32, #tpu.memory_space<vmem_shared>>
      tpu.enqueue_dma source(%arg6 : memref<128x128xf32, #tpu.memory_space<vmem>>) target(%dma_start3A_77 : memref<128x128xf32, #tpu.memory_space<vmem_shared>>) target_semaphore(%run_scoped3A : memref<!tpu.dma_semaphore, #tpu.memory_space<semaphore_mem>>)
      %dma_wait3A = arith.constant 0 : i32
      %dma_wait3A_78 = tpu.memref_slice %arg10[%add3A_26, %dma_wait3A] : memref<10240x128xf32, #tpu.memory_space<vmem_shared>> -> memref<128x128xf32, #tpu.memory_space<vmem_shared>>
      %dma_wait3A_79 = arith.constant 0 : i32
      %dma_wait3A_80 = tpu.memref_slice %arg10[%add3A_26, %dma_wait3A_79] : memref<10240x128xf32, #tpu.memory_space<vmem_shared>> -> memref<128x128xf32, #tpu.memory_space<vmem_shared>>
      tpu.wait_dma2 semaphore(%run_scoped3A : memref<!tpu.dma_semaphore, #tpu.memory_space<semaphore_mem>>) src(%arg6 : memref<128x128xf32, #tpu.memory_space<vmem>>) dst(%dma_wait3A_80 : memref<128x128xf32, #tpu.memory_space<vmem_shared>>)
      tpu.yield
    }) : () -> ()
    %barrier3A = arith.constant 0 : index
    tpu.barrier barrier_id(%barrier3A)
    %mul3A_27 = arith.constant 10112 : i32
    %mul3A_28 = arith.muli %add3A, %mul3A_27 : i32
    %add3A_29 = arith.constant 0 : i32
    %add3A_30 = arith.addi %add3A_29, %mul3A_28 : i32
    %mul3A_31 = arith.constant 10112 : i32
    %mul3A_32 = arith.muli %add3A, %mul3A_31 : i32
    %scan3A_33 = arith.constant 0 : i32
    %scan3A_34 = arith.constant 0 : i32
    %scan3A_35 = arith.constant 79 : i32
    %scan3A_36 = arith.addi %scan3A_34, %scan3A_35 : i32
    %scan3A_37 = arith.constant 1 : i32
    scf.for %scan3A_75 = %scan3A_34 to %scan3A_36 step %scan3A_37  : i32 {
      %mul3A_76 = arith.constant 128 : i32
      %mul3A_77 = arith.muli %scan3A_75, %mul3A_76 : i32
      %add3A_78 = arith.addi %add3A_30, %mul3A_77 : i32
      "tpu.region"() ({
        %run_scoped3A = tpu.sem_alloc : memref<!tpu.dma_semaphore, #tpu.memory_space<semaphore_mem>>
        %dma_start3A_86 = tpu.memref_slice %arg3[%add3A_78] : memref<323584xi32, #tpu.memory_space<hbm>> -> memref<128xi32, #tpu.memory_space<hbm>>
        %dma_start3A_87 = tpu.memref_slice %arg3[%add3A_78] : memref<323584xi32, #tpu.memory_space<hbm>> -> memref<128xi32, #tpu.memory_space<hbm>>
        tpu.enqueue_dma source(%dma_start3A_87 : memref<128xi32, #tpu.memory_space<hbm>>) target(%arg7 : memref<128xi32, #tpu.memory_space<vmem>>) target_semaphore(%run_scoped3A : memref<!tpu.dma_semaphore, #tpu.memory_space<semaphore_mem>>)
        %dma_wait3A_88 = tpu.memref_slice %arg3[%add3A_78] : memref<323584xi32, #tpu.memory_space<hbm>> -> memref<128xi32, #tpu.memory_space<hbm>>
        %dma_wait3A_89 = tpu.memref_slice %arg3[%add3A_78] : memref<323584xi32, #tpu.memory_space<hbm>> -> memref<128xi32, #tpu.memory_space<hbm>>
        tpu.wait_dma2 semaphore(%run_scoped3A : memref<!tpu.dma_semaphore, #tpu.memory_space<semaphore_mem>>) src(%dma_wait3A_89 : memref<128xi32, #tpu.memory_space<hbm>>) dst(%arg7 : memref<128xi32, #tpu.memory_space<vmem>>)
        tpu.yield
      }) : () -> ()
      %mul3A_79 = arith.constant 128 : i32
      %mul3A_80 = arith.muli %scan3A_75, %mul3A_79 : i32
      %add3A_81 = arith.addi %mul3A_32, %mul3A_80 : i32
      "tpu.region"() ({
        %run_scoped3A = tpu.sem_alloc : memref<!tpu.dma_semaphore, #tpu.memory_space<semaphore_mem>>
        %dma_start3A_86 = tpu.memref_slice %arg4[%add3A_81] : memref<323584xi32, #tpu.memory_space<hbm>> -> memref<128xi32, #tpu.memory_space<hbm>>
        %dma_start3A_87 = tpu.memref_slice %arg4[%add3A_81] : memref<323584xi32, #tpu.memory_space<hbm>> -> memref<128xi32, #tpu.memory_space<hbm>>
        tpu.enqueue_dma source(%dma_start3A_87 : memref<128xi32, #tpu.memory_space<hbm>>) target(%arg8 : memref<128xi32, #tpu.memory_space<vmem>>) target_semaphore(%run_scoped3A : memref<!tpu.dma_semaphore, #tpu.memory_space<semaphore_mem>>)
        %dma_wait3A_88 = tpu.memref_slice %arg4[%add3A_81] : memref<323584xi32, #tpu.memory_space<hbm>> -> memref<128xi32, #tpu.memory_space<hbm>>
        %dma_wait3A_89 = tpu.memref_slice %arg4[%add3A_81] : memref<323584xi32, #tpu.memory_space<hbm>> -> memref<128xi32, #tpu.memory_space<hbm>>
        tpu.wait_dma2 semaphore(%run_scoped3A : memref<!tpu.dma_semaphore, #tpu.memory_space<semaphore_mem>>) src(%dma_wait3A_89 : memref<128xi32, #tpu.memory_space<hbm>>) dst(%arg8 : memref<128xi32, #tpu.memory_space<vmem>>)
        tpu.yield
      }) : () -> ()
      %dma_start3A = arith.constant 0 : i32
      %dma_start3A_82 = arith.constant 0 : i32
      %dma_start3A_83 = tpu.memref_slice %arg2[%dma_start3A, %dma_start3A_82] : memref<10240x128xf32, #tpu.memory_space<hbm>> -> memref<10240x128xf32, #tpu.memory_space<hbm>>
      tpu.enqueue_indirect_dma source(%dma_start3A_83 : memref<10240x128xf32, #tpu.memory_space<hbm>>) target(%arg6 : memref<128x128xf32, #tpu.memory_space<vmem>>) offsets(%arg7 : memref<128xi32, #tpu.memory_space<vmem>>) semaphore(%arg9 : memref<!tpu.dma_semaphore, #tpu.memory_space<semaphore_mem>>)
      %dma_wait3A = arith.constant 0 : i32
      %dma_wait3A_84 = arith.constant 0 : i32
      %dma_wait3A_85 = tpu.memref_slice %arg2[%dma_wait3A, %dma_wait3A_84] : memref<10240x128xf32, #tpu.memory_space<hbm>> -> memref<10240x128xf32, #tpu.memory_space<hbm>>
      tpu.wait_indirect_dma semaphore(%arg9 : memref<!tpu.dma_semaphore, #tpu.memory_space<semaphore_mem>>) src(%dma_wait3A_85 : memref<10240x128xf32, #tpu.memory_space<hbm>>) dst(%arg6 : memref<128x128xf32, #tpu.memory_space<vmem>>)
      "tpu.region"() ({
        %run_scoped3A = tpu.sem_alloc : memref<!tpu.dma_semaphore, #tpu.memory_space<semaphore_mem>>
        %dma_start3A_86 = arith.constant 0 : i32
        %dma_start3A_87 = arith.constant 0 : i32
        %dma_start3A_88 = tpu.memref_slice %arg10[%dma_start3A_86, %dma_start3A_87] : memref<10240x128xf32, #tpu.memory_space<vmem_shared>> -> memref<10240x128xf32, #tpu.memory_space<vmem_shared>>
        tpu.enqueue_indirect_dma source(%arg6 : memref<128x128xf32, #tpu.memory_space<vmem>>) target(%dma_start3A_88 : memref<10240x128xf32, #tpu.memory_space<vmem_shared>>) offsets(%arg8 : memref<128xi32, #tpu.memory_space<vmem>>) semaphore(%run_scoped3A : memref<!tpu.dma_semaphore, #tpu.memory_space<semaphore_mem>>) {add = true}
        %dma_wait3A_89 = arith.constant 0 : i32
        %dma_wait3A_90 = arith.constant 0 : i32
        %dma_wait3A_91 = tpu.memref_slice %arg10[%dma_wait3A_89, %dma_wait3A_90] : memref<10240x128xf32, #tpu.memory_space<vmem_shared>> -> memref<10240x128xf32, #tpu.memory_space<vmem_shared>>
        tpu.wait_indirect_dma semaphore(%run_scoped3A : memref<!tpu.dma_semaphore, #tpu.memory_space<semaphore_mem>>) src(%arg6 : memref<128x128xf32, #tpu.memory_space<vmem>>) dst(%dma_wait3A_91 : memref<10240x128xf32, #tpu.memory_space<vmem_shared>>)
        tpu.yield
      }) : () -> ()
    }
    %scan3A_38 = arith.constant 79 : i32
    %barrier3A_39 = arith.constant 0 : index
    tpu.barrier barrier_id(%barrier3A_39)
    %mul3A_40 = arith.constant 640 : i32
    %mul3A_41 = arith.muli %arg1, %mul3A_40 : i32
    %add3A_42 = arith.constant 0 : i32
    %add3A_43 = arith.addi %mul3A_41, %add3A_42 : i32
    "tpu.region"() ({
      %run_scoped3A = tpu.sem_alloc : memref<!tpu.dma_semaphore, #tpu.memory_space<semaphore_mem>>
      %dma_start3A = arith.constant 0 : i32
      %dma_start3A_75 = tpu.memref_slice %arg10[%add3A_43, %dma_start3A] : memref<10240x128xf32, #tpu.memory_space<vmem_shared>> -> memref<128x128xf32, #tpu.memory_space<vmem_shared>>
      %dma_start3A_76 = arith.constant 0 : i32
      %dma_start3A_77 = tpu.memref_slice %arg10[%add3A_43, %dma_start3A_76] : memref<10240x128xf32, #tpu.memory_space<vmem_shared>> -> memref<128x128xf32, #tpu.memory_space<vmem_shared>>
      tpu.enqueue_dma source(%dma_start3A_77 : memref<128x128xf32, #tpu.memory_space<vmem_shared>>) target(%arg6 : memref<128x128xf32, #tpu.memory_space<vmem>>) target_semaphore(%run_scoped3A : memref<!tpu.dma_semaphore, #tpu.memory_space<semaphore_mem>>)
      %dma_wait3A = arith.constant 0 : i32
      %dma_wait3A_78 = tpu.memref_slice %arg10[%add3A_43, %dma_wait3A] : memref<10240x128xf32, #tpu.memory_space<vmem_shared>> -> memref<128x128xf32, #tpu.memory_space<vmem_shared>>
      %dma_wait3A_79 = arith.constant 0 : i32
      %dma_wait3A_80 = tpu.memref_slice %arg10[%add3A_43, %dma_wait3A_79] : memref<10240x128xf32, #tpu.memory_space<vmem_shared>> -> memref<128x128xf32, #tpu.memory_space<vmem_shared>>
      tpu.wait_dma2 semaphore(%run_scoped3A : memref<!tpu.dma_semaphore, #tpu.memory_space<semaphore_mem>>) src(%dma_wait3A_80 : memref<128x128xf32, #tpu.memory_space<vmem_shared>>) dst(%arg6 : memref<128x128xf32, #tpu.memory_space<vmem>>)
      tpu.yield
    }) : () -> ()
    %mul3A_44 = arith.constant 10240 : i32
    %mul3A_45 = arith.muli %arg0, %mul3A_44 : i32
    %add3A_46 = arith.addi %mul3A_45, %add3A_43 : i32
    "tpu.region"() ({
      %run_scoped3A = tpu.sem_alloc : memref<!tpu.dma_semaphore, #tpu.memory_space<semaphore_mem>>
      %dma_start3A = arith.constant 0 : i32
      %dma_start3A_75 = tpu.memref_slice %arg5[%add3A_46, %dma_start3A] : memref<20480x128xf32, #tpu.memory_space<hbm>> -> memref<128x128xf32, #tpu.memory_space<hbm>>
      %dma_start3A_76 = arith.constant 0 : i32
      %dma_start3A_77 = tpu.memref_slice %arg5[%add3A_46, %dma_start3A_76] : memref<20480x128xf32, #tpu.memory_space<hbm>> -> memref<128x128xf32, #tpu.memory_space<hbm>>
      tpu.enqueue_dma source(%arg6 : memref<128x128xf32, #tpu.memory_space<vmem>>) target(%dma_start3A_77 : memref<128x128xf32, #tpu.memory_space<hbm>>) target_semaphore(%run_scoped3A : memref<!tpu.dma_semaphore, #tpu.memory_space<semaphore_mem>>)
      %dma_wait3A = arith.constant 0 : i32
      %dma_wait3A_78 = tpu.memref_slice %arg5[%add3A_46, %dma_wait3A] : memref<20480x128xf32, #tpu.memory_space<hbm>> -> memref<128x128xf32, #tpu.memory_space<hbm>>
      %dma_wait3A_79 = arith.constant 0 : i32
      %dma_wait3A_80 = tpu.memref_slice %arg5[%add3A_46, %dma_wait3A_79] : memref<20480x128xf32, #tpu.memory_space<hbm>> -> memref<128x128xf32, #tpu.memory_space<hbm>>
      tpu.wait_dma2 semaphore(%run_scoped3A : memref<!tpu.dma_semaphore, #tpu.memory_space<semaphore_mem>>) src(%arg6 : memref<128x128xf32, #tpu.memory_space<vmem>>) dst(%dma_wait3A_80 : memref<128x128xf32, #tpu.memory_space<hbm>>)
      tpu.yield
    }) : () -> ()
    %mul3A_47 = arith.constant 640 : i32
    %mul3A_48 = arith.muli %arg1, %mul3A_47 : i32
    %add3A_49 = arith.constant 128 : i32
    %add3A_50 = arith.addi %mul3A_48, %add3A_49 : i32
    "tpu.region"() ({
      %run_scoped3A = tpu.sem_alloc : memref<!tpu.dma_semaphore, #tpu.memory_space<semaphore_mem>>
      %dma_start3A = arith.constant 0 : i32
      %dma_start3A_75 = tpu.memref_slice %arg10[%add3A_50, %dma_start3A] : memref<10240x128xf32, #tpu.memory_space<vmem_shared>> -> memref<128x128xf32, #tpu.memory_space<vmem_shared>>
      %dma_start3A_76 = arith.constant 0 : i32
      %dma_start3A_77 = tpu.memref_slice %arg10[%add3A_50, %dma_start3A_76] : memref<10240x128xf32, #tpu.memory_space<vmem_shared>> -> memref<128x128xf32, #tpu.memory_space<vmem_shared>>
      tpu.enqueue_dma source(%dma_start3A_77 : memref<128x128xf32, #tpu.memory_space<vmem_shared>>) target(%arg6 : memref<128x128xf32, #tpu.memory_space<vmem>>) target_semaphore(%run_scoped3A : memref<!tpu.dma_semaphore, #tpu.memory_space<semaphore_mem>>)
      %dma_wait3A = arith.constant 0 : i32
      %dma_wait3A_78 = tpu.memref_slice %arg10[%add3A_50, %dma_wait3A] : memref<10240x128xf32, #tpu.memory_space<vmem_shared>> -> memref<128x128xf32, #tpu.memory_space<vmem_shared>>
      %dma_wait3A_79 = arith.constant 0 : i32
      %dma_wait3A_80 = tpu.memref_slice %arg10[%add3A_50, %dma_wait3A_79] : memref<10240x128xf32, #tpu.memory_space<vmem_shared>> -> memref<128x128xf32, #tpu.memory_space<vmem_shared>>
      tpu.wait_dma2 semaphore(%run_scoped3A : memref<!tpu.dma_semaphore, #tpu.memory_space<semaphore_mem>>) src(%dma_wait3A_80 : memref<128x128xf32, #tpu.memory_space<vmem_shared>>) dst(%arg6 : memref<128x128xf32, #tpu.memory_space<vmem>>)
      tpu.yield
    }) : () -> ()
    %mul3A_51 = arith.constant 10240 : i32
    %mul3A_52 = arith.muli %arg0, %mul3A_51 : i32
    %add3A_53 = arith.addi %mul3A_52, %add3A_50 : i32
    "tpu.region"() ({
      %run_scoped3A = tpu.sem_alloc : memref<!tpu.dma_semaphore, #tpu.memory_space<semaphore_mem>>
      %dma_start3A = arith.constant 0 : i32
      %dma_start3A_75 = tpu.memref_slice %arg5[%add3A_53, %dma_start3A] : memref<20480x128xf32, #tpu.memory_space<hbm>> -> memref<128x128xf32, #tpu.memory_space<hbm>>
      %dma_start3A_76 = arith.constant 0 : i32
      %dma_start3A_77 = tpu.memref_slice %arg5[%add3A_53, %dma_start3A_76] : memref<20480x128xf32, #tpu.memory_space<hbm>> -> memref<128x128xf32, #tpu.memory_space<hbm>>
      tpu.enqueue_dma source(%arg6 : memref<128x128xf32, #tpu.memory_space<vmem>>) target(%dma_start3A_77 : memref<128x128xf32, #tpu.memory_space<hbm>>) target_semaphore(%run_scoped3A : memref<!tpu.dma_semaphore, #tpu.memory_space<semaphore_mem>>)
      %dma_wait3A = arith.constant 0 : i32
      %dma_wait3A_78 = tpu.memref_slice %arg5[%add3A_53, %dma_wait3A] : memref<20480x128xf32, #tpu.memory_space<hbm>> -> memref<128x128xf32, #tpu.memory_space<hbm>>
      %dma_wait3A_79 = arith.constant 0 : i32
      %dma_wait3A_80 = tpu.memref_slice %arg5[%add3A_53, %dma_wait3A_79] : memref<20480x128xf32, #tpu.memory_space<hbm>> -> memref<128x128xf32, #tpu.memory_space<hbm>>
      tpu.wait_dma2 semaphore(%run_scoped3A : memref<!tpu.dma_semaphore, #tpu.memory_space<semaphore_mem>>) src(%arg6 : memref<128x128xf32, #tpu.memory_space<vmem>>) dst(%dma_wait3A_80 : memref<128x128xf32, #tpu.memory_space<hbm>>)
      tpu.yield
    }) : () -> ()
    %mul3A_54 = arith.constant 640 : i32
    %mul3A_55 = arith.muli %arg1, %mul3A_54 : i32
    %add3A_56 = arith.constant 256 : i32
    %add3A_57 = arith.addi %mul3A_55, %add3A_56 : i32
    "tpu.region"() ({
      %run_scoped3A = tpu.sem_alloc : memref<!tpu.dma_semaphore, #tpu.memory_space<semaphore_mem>>
      %dma_start3A = arith.constant 0 : i32
      %dma_start3A_75 = tpu.memref_slice %arg10[%add3A_57, %dma_start3A] : memref<10240x128xf32, #tpu.memory_space<vmem_shared>> -> memref<128x128xf32, #tpu.memory_space<vmem_shared>>
      %dma_start3A_76 = arith.constant 0 : i32
      %dma_start3A_77 = tpu.memref_slice %arg10[%add3A_57, %dma_start3A_76] : memref<10240x128xf32, #tpu.memory_space<vmem_shared>> -> memref<128x128xf32, #tpu.memory_space<vmem_shared>>
      tpu.enqueue_dma source(%dma_start3A_77 : memref<128x128xf32, #tpu.memory_space<vmem_shared>>) target(%arg6 : memref<128x128xf32, #tpu.memory_space<vmem>>) target_semaphore(%run_scoped3A : memref<!tpu.dma_semaphore, #tpu.memory_space<semaphore_mem>>)
      %dma_wait3A = arith.constant 0 : i32
      %dma_wait3A_78 = tpu.memref_slice %arg10[%add3A_57, %dma_wait3A] : memref<10240x128xf32, #tpu.memory_space<vmem_shared>> -> memref<128x128xf32, #tpu.memory_space<vmem_shared>>
      %dma_wait3A_79 = arith.constant 0 : i32
      %dma_wait3A_80 = tpu.memref_slice %arg10[%add3A_57, %dma_wait3A_79] : memref<10240x128xf32, #tpu.memory_space<vmem_shared>> -> memref<128x128xf32, #tpu.memory_space<vmem_shared>>
      tpu.wait_dma2 semaphore(%run_scoped3A : memref<!tpu.dma_semaphore, #tpu.memory_space<semaphore_mem>>) src(%dma_wait3A_80 : memref<128x128xf32, #tpu.memory_space<vmem_shared>>) dst(%arg6 : memref<128x128xf32, #tpu.memory_space<vmem>>)
      tpu.yield
    }) : () -> ()
    %mul3A_58 = arith.constant 10240 : i32
    %mul3A_59 = arith.muli %arg0, %mul3A_58 : i32
    %add3A_60 = arith.addi %mul3A_59, %add3A_57 : i32
    "tpu.region"() ({
      %run_scoped3A = tpu.sem_alloc : memref<!tpu.dma_semaphore, #tpu.memory_space<semaphore_mem>>
      %dma_start3A = arith.constant 0 : i32
      %dma_start3A_75 = tpu.memref_slice %arg5[%add3A_60, %dma_start3A] : memref<20480x128xf32, #tpu.memory_space<hbm>> -> memref<128x128xf32, #tpu.memory_space<hbm>>
      %dma_start3A_76 = arith.constant 0 : i32
      %dma_start3A_77 = tpu.memref_slice %arg5[%add3A_60, %dma_start3A_76] : memref<20480x128xf32, #tpu.memory_space<hbm>> -> memref<128x128xf32, #tpu.memory_space<hbm>>
      tpu.enqueue_dma source(%arg6 : memref<128x128xf32, #tpu.memory_space<vmem>>) target(%dma_start3A_77 : memref<128x128xf32, #tpu.memory_space<hbm>>) target_semaphore(%run_scoped3A : memref<!tpu.dma_semaphore, #tpu.memory_space<semaphore_mem>>)
      %dma_wait3A = arith.constant 0 : i32
      %dma_wait3A_78 = tpu.memref_slice %arg5[%add3A_60, %dma_wait3A] : memref<20480x128xf32, #tpu.memory_space<hbm>> -> memref<128x128xf32, #tpu.memory_space<hbm>>
      %dma_wait3A_79 = arith.constant 0 : i32
      %dma_wait3A_80 = tpu.memref_slice %arg5[%add3A_60, %dma_wait3A_79] : memref<20480x128xf32, #tpu.memory_space<hbm>> -> memref<128x128xf32, #tpu.memory_space<hbm>>
      tpu.wait_dma2 semaphore(%run_scoped3A : memref<!tpu.dma_semaphore, #tpu.memory_space<semaphore_mem>>) src(%arg6 : memref<128x128xf32, #tpu.memory_space<vmem>>) dst(%dma_wait3A_80 : memref<128x128xf32, #tpu.memory_space<hbm>>)
      tpu.yield
    }) : () -> ()
    %mul3A_61 = arith.constant 640 : i32
    %mul3A_62 = arith.muli %arg1, %mul3A_61 : i32
    %add3A_63 = arith.constant 384 : i32
    %add3A_64 = arith.addi %mul3A_62, %add3A_63 : i32
    "tpu.region"() ({
      %run_scoped3A = tpu.sem_alloc : memref<!tpu.dma_semaphore, #tpu.memory_space<semaphore_mem>>
      %dma_start3A = arith.constant 0 : i32
      %dma_start3A_75 = tpu.memref_slice %arg10[%add3A_64, %dma_start3A] : memref<10240x128xf32, #tpu.memory_space<vmem_shared>> -> memref<128x128xf32, #tpu.memory_space<vmem_shared>>
      %dma_start3A_76 = arith.constant 0 : i32
      %dma_start3A_77 = tpu.memref_slice %arg10[%add3A_64, %dma_start3A_76] : memref<10240x128xf32, #tpu.memory_space<vmem_shared>> -> memref<128x128xf32, #tpu.memory_space<vmem_shared>>
      tpu.enqueue_dma source(%dma_start3A_77 : memref<128x128xf32, #tpu.memory_space<vmem_shared>>) target(%arg6 : memref<128x128xf32, #tpu.memory_space<vmem>>) target_semaphore(%run_scoped3A : memref<!tpu.dma_semaphore, #tpu.memory_space<semaphore_mem>>)
      %dma_wait3A = arith.constant 0 : i32
      %dma_wait3A_78 = tpu.memref_slice %arg10[%add3A_64, %dma_wait3A] : memref<10240x128xf32, #tpu.memory_space<vmem_shared>> -> memref<128x128xf32, #tpu.memory_space<vmem_shared>>
      %dma_wait3A_79 = arith.constant 0 : i32
      %dma_wait3A_80 = tpu.memref_slice %arg10[%add3A_64, %dma_wait3A_79] : memref<10240x128xf32, #tpu.memory_space<vmem_shared>> -> memref<128x128xf32, #tpu.memory_space<vmem_shared>>
      tpu.wait_dma2 semaphore(%run_scoped3A : memref<!tpu.dma_semaphore, #tpu.memory_space<semaphore_mem>>) src(%dma_wait3A_80 : memref<128x128xf32, #tpu.memory_space<vmem_shared>>) dst(%arg6 : memref<128x128xf32, #tpu.memory_space<vmem>>)
      tpu.yield
    }) : () -> ()
    %mul3A_65 = arith.constant 10240 : i32
    %mul3A_66 = arith.muli %arg0, %mul3A_65 : i32
    %add3A_67 = arith.addi %mul3A_66, %add3A_64 : i32
    "tpu.region"() ({
      %run_scoped3A = tpu.sem_alloc : memref<!tpu.dma_semaphore, #tpu.memory_space<semaphore_mem>>
      %dma_start3A = arith.constant 0 : i32
      %dma_start3A_75 = tpu.memref_slice %arg5[%add3A_67, %dma_start3A] : memref<20480x128xf32, #tpu.memory_space<hbm>> -> memref<128x128xf32, #tpu.memory_space<hbm>>
      %dma_start3A_76 = arith.constant 0 : i32
      %dma_start3A_77 = tpu.memref_slice %arg5[%add3A_67, %dma_start3A_76] : memref<20480x128xf32, #tpu.memory_space<hbm>> -> memref<128x128xf32, #tpu.memory_space<hbm>>
      tpu.enqueue_dma source(%arg6 : memref<128x128xf32, #tpu.memory_space<vmem>>) target(%dma_start3A_77 : memref<128x128xf32, #tpu.memory_space<hbm>>) target_semaphore(%run_scoped3A : memref<!tpu.dma_semaphore, #tpu.memory_space<semaphore_mem>>)
      %dma_wait3A = arith.constant 0 : i32
      %dma_wait3A_78 = tpu.memref_slice %arg5[%add3A_67, %dma_wait3A] : memref<20480x128xf32, #tpu.memory_space<hbm>> -> memref<128x128xf32, #tpu.memory_space<hbm>>
      %dma_wait3A_79 = arith.constant 0 : i32
      %dma_wait3A_80 = tpu.memref_slice %arg5[%add3A_67, %dma_wait3A_79] : memref<20480x128xf32, #tpu.memory_space<hbm>> -> memref<128x128xf32, #tpu.memory_space<hbm>>
      tpu.wait_dma2 semaphore(%run_scoped3A : memref<!tpu.dma_semaphore, #tpu.memory_space<semaphore_mem>>) src(%arg6 : memref<128x128xf32, #tpu.memory_space<vmem>>) dst(%dma_wait3A_80 : memref<128x128xf32, #tpu.memory_space<hbm>>)
      tpu.yield
    }) : () -> ()
    %mul3A_68 = arith.constant 640 : i32
    %mul3A_69 = arith.muli %arg1, %mul3A_68 : i32
    %add3A_70 = arith.constant 512 : i32
    %add3A_71 = arith.addi %mul3A_69, %add3A_70 : i32
    "tpu.region"() ({
      %run_scoped3A = tpu.sem_alloc : memref<!tpu.dma_semaphore, #tpu.memory_space<semaphore_mem>>
      %dma_start3A = arith.constant 0 : i32
      %dma_start3A_75 = tpu.memref_slice %arg10[%add3A_71, %dma_start3A] : memref<10240x128xf32, #tpu.memory_space<vmem_shared>> -> memref<128x128xf32, #tpu.memory_space<vmem_shared>>
      %dma_start3A_76 = arith.constant 0 : i32
      %dma_start3A_77 = tpu.memref_slice %arg10[%add3A_71, %dma_start3A_76] : memref<10240x128xf32, #tpu.memory_space<vmem_shared>> -> memref<128x128xf32, #tpu.memory_space<vmem_shared>>
      tpu.enqueue_dma source(%dma_start3A_77 : memref<128x128xf32, #tpu.memory_space<vmem_shared>>) target(%arg6 : memref<128x128xf32, #tpu.memory_space<vmem>>) target_semaphore(%run_scoped3A : memref<!tpu.dma_semaphore, #tpu.memory_space<semaphore_mem>>)
      %dma_wait3A = arith.constant 0 : i32
      %dma_wait3A_78 = tpu.memref_slice %arg10[%add3A_71, %dma_wait3A] : memref<10240x128xf32, #tpu.memory_space<vmem_shared>> -> memref<128x128xf32, #tpu.memory_space<vmem_shared>>
      %dma_wait3A_79 = arith.constant 0 : i32
      %dma_wait3A_80 = tpu.memref_slice %arg10[%add3A_71, %dma_wait3A_79] : memref<10240x128xf32, #tpu.memory_space<vmem_shared>> -> memref<128x128xf32, #tpu.memory_space<vmem_shared>>
      tpu.wait_dma2 semaphore(%run_scoped3A : memref<!tpu.dma_semaphore, #tpu.memory_space<semaphore_mem>>) src(%dma_wait3A_80 : memref<128x128xf32, #tpu.memory_space<vmem_shared>>) dst(%arg6 : memref<128x128xf32, #tpu.memory_space<vmem>>)
      tpu.yield
    }) : () -> ()
    %mul3A_72 = arith.constant 10240 : i32
    %mul3A_73 = arith.muli %arg0, %mul3A_72 : i32
    %add3A_74 = arith.addi %mul3A_73, %add3A_71 : i32
    "tpu.region"() ({
      %run_scoped3A = tpu.sem_alloc : memref<!tpu.dma_semaphore, #tpu.memory_space<semaphore_mem>>
      %dma_start3A = arith.constant 0 : i32
      %dma_start3A_75 = tpu.memref_slice %arg5[%add3A_74, %dma_start3A] : memref<20480x128xf32, #tpu.memory_space<hbm>> -> memref<128x128xf32, #tpu.memory_space<hbm>>
      %dma_start3A_76 = arith.constant 0 : i32
      %dma_start3A_77 = tpu.memref_slice %arg5[%add3A_74, %dma_start3A_76] : memref<20480x128xf32, #tpu.memory_space<hbm>> -> memref<128x128xf32, #tpu.memory_space<hbm>>
      tpu.enqueue_dma source(%arg6 : memref<128x128xf32, #tpu.memory_space<vmem>>) target(%dma_start3A_77 : memref<128x128xf32, #tpu.memory_space<hbm>>) target_semaphore(%run_scoped3A : memref<!tpu.dma_semaphore, #tpu.memory_space<semaphore_mem>>)
      %dma_wait3A = arith.constant 0 : i32
      %dma_wait3A_78 = tpu.memref_slice %arg5[%add3A_74, %dma_wait3A] : memref<20480x128xf32, #tpu.memory_space<hbm>> -> memref<128x128xf32, #tpu.memory_space<hbm>>
      %dma_wait3A_79 = arith.constant 0 : i32
      %dma_wait3A_80 = tpu.memref_slice %arg5[%add3A_74, %dma_wait3A_79] : memref<20480x128xf32, #tpu.memory_space<hbm>> -> memref<128x128xf32, #tpu.memory_space<hbm>>
      tpu.wait_dma2 semaphore(%run_scoped3A : memref<!tpu.dma_semaphore, #tpu.memory_space<semaphore_mem>>) src(%arg6 : memref<128x128xf32, #tpu.memory_space<vmem>>) dst(%dma_wait3A_80 : memref<128x128xf32, #tpu.memory_space<hbm>>)
      tpu.yield
    }) : () -> ()
    return
  }
}

#map = affine_map<(d0, d1) -> (0)>
module attributes {stable_mosaic.version = 14 : i64} {
  func.func @_deg_kernel(%arg0: i32, %arg1: i32, %arg2: memref<323584xi32, #tpu.memory_space<hbm>>, %arg3: memref<20480xf32, #tpu.memory_space<hbm>>, %arg4: memref<640xf32, #tpu.memory_space<vmem>>, %arg5: memref<128xf32, #tpu.memory_space<vmem>>, %arg6: memref<128xi32, #tpu.memory_space<vmem>>, %arg7: memref<10240xf32, #tpu.memory_space<vmem_shared>>, %arg8: memref<!tpu.dma_semaphore, #tpu.memory_space<semaphore_mem>>) attributes {dimension_semantics = [#tpu.dimension_semantics<core_parallel>, #tpu.dimension_semantics<subcore_parallel>], iteration_bounds = array<i64: 2, 16>, scalar_prefetch = 0 : i64, scratch_operands = 5 : i64, tpu.core_type = #tpu.core_type<sc_vector_subcore>, window_params = [{transform_indices = #map}, {transform_indices = #map}]} {
    %mul3A = arith.constant 2 : i32
    %mul3A_0 = arith.muli %arg1, %mul3A : i32
    %add3A = arith.addi %mul3A_0, %arg0 : i32
    %broadcast_in_dim3A = arith.constant 0.000000e+00 : f32
    %broadcast_in_dim3A_1 = vector.broadcast %broadcast_in_dim3A : f32 to vector<16xf32>
    %broadcast_in_dim3A_2 = arith.constant 1.000000e+00 : f32
    %broadcast_in_dim3A_3 = vector.broadcast %broadcast_in_dim3A_2 : f32 to vector<16xf32>
    %scan3A = arith.constant 0 : i32
    %scan3A_4 = arith.constant 0 : i32
    %scan3A_5 = arith.constant 40 : i32
    %scan3A_6 = arith.addi %scan3A_4, %scan3A_5 : i32
    %scan3A_7 = arith.constant 1 : i32
    scf.for %scan3A_54 = %scan3A_4 to %scan3A_6 step %scan3A_7  : i32 {
      %mul3A_55 = arith.constant 16 : i32
      %mul3A_56 = arith.muli %scan3A_54, %mul3A_55 : i32
      %swap3A_57 = arith.index_cast %mul3A_56 : i32 to index
      %swap3A_58 = tpu.vector_load %arg4[%swap3A_57] {strides = array<i32>} : memref<640xf32, #tpu.memory_space<vmem>>, vector<16xf32>,
      %swap3A_59 = vector.shape_cast %swap3A_58 : vector<16xf32> to vector<16xf32>
      %swap3A_60 = vector.shape_cast %broadcast_in_dim3A_1 : vector<16xf32> to vector<16xf32>
      tpu.vector_store %arg4[%swap3A_57], %swap3A_60 {strides = array<i32>} : memref<640xf32, #tpu.memory_space<vmem>>, vector<16xf32>,
    }
    %scan3A_8 = arith.constant 40 : i32
    %swap3A = arith.constant 0 : index
    %swap3A_9 = tpu.vector_load %arg5[%swap3A] {strides = array<i32>} : memref<128xf32, #tpu.memory_space<vmem>>, vector<16xf32>,
    %swap3A_10 = vector.shape_cast %swap3A_9 : vector<16xf32> to vector<16xf32>
    %swap3A_11 = vector.shape_cast %broadcast_in_dim3A_3 : vector<16xf32> to vector<16xf32>
    tpu.vector_store %arg5[%swap3A], %swap3A_11 {strides = array<i32>} : memref<128xf32, #tpu.memory_space<vmem>>, vector<16xf32>,
    %swap3A_12 = arith.constant 16 : index
    %swap3A_13 = tpu.vector_load %arg5[%swap3A_12] {strides = array<i32>} : memref<128xf32, #tpu.memory_space<vmem>>, vector<16xf32>,
    %swap3A_14 = vector.shape_cast %swap3A_13 : vector<16xf32> to vector<16xf32>
    %swap3A_15 = vector.shape_cast %broadcast_in_dim3A_3 : vector<16xf32> to vector<16xf32>
    tpu.vector_store %arg5[%swap3A_12], %swap3A_15 {strides = array<i32>} : memref<128xf32, #tpu.memory_space<vmem>>, vector<16xf32>,
    %swap3A_16 = arith.constant 32 : index
    %swap3A_17 = tpu.vector_load %arg5[%swap3A_16] {strides = array<i32>} : memref<128xf32, #tpu.memory_space<vmem>>, vector<16xf32>,
    %swap3A_18 = vector.shape_cast %swap3A_17 : vector<16xf32> to vector<16xf32>
    %swap3A_19 = vector.shape_cast %broadcast_in_dim3A_3 : vector<16xf32> to vector<16xf32>
    tpu.vector_store %arg5[%swap3A_16], %swap3A_19 {strides = array<i32>} : memref<128xf32, #tpu.memory_space<vmem>>, vector<16xf32>,
    %swap3A_20 = arith.constant 48 : index
    %swap3A_21 = tpu.vector_load %arg5[%swap3A_20] {strides = array<i32>} : memref<128xf32, #tpu.memory_space<vmem>>, vector<16xf32>,
    %swap3A_22 = vector.shape_cast %swap3A_21 : vector<16xf32> to vector<16xf32>
    %swap3A_23 = vector.shape_cast %broadcast_in_dim3A_3 : vector<16xf32> to vector<16xf32>
    tpu.vector_store %arg5[%swap3A_20], %swap3A_23 {strides = array<i32>} : memref<128xf32, #tpu.memory_space<vmem>>, vector<16xf32>,
    %swap3A_24 = arith.constant 64 : index
    %swap3A_25 = tpu.vector_load %arg5[%swap3A_24] {strides = array<i32>} : memref<128xf32, #tpu.memory_space<vmem>>, vector<16xf32>,
    %swap3A_26 = vector.shape_cast %swap3A_25 : vector<16xf32> to vector<16xf32>
    %swap3A_27 = vector.shape_cast %broadcast_in_dim3A_3 : vector<16xf32> to vector<16xf32>
    tpu.vector_store %arg5[%swap3A_24], %swap3A_27 {strides = array<i32>} : memref<128xf32, #tpu.memory_space<vmem>>, vector<16xf32>,
    %swap3A_28 = arith.constant 80 : index
    %swap3A_29 = tpu.vector_load %arg5[%swap3A_28] {strides = array<i32>} : memref<128xf32, #tpu.memory_space<vmem>>, vector<16xf32>,
    %swap3A_30 = vector.shape_cast %swap3A_29 : vector<16xf32> to vector<16xf32>
    %swap3A_31 = vector.shape_cast %broadcast_in_dim3A_3 : vector<16xf32> to vector<16xf32>
    tpu.vector_store %arg5[%swap3A_28], %swap3A_31 {strides = array<i32>} : memref<128xf32, #tpu.memory_space<vmem>>, vector<16xf32>,
    %swap3A_32 = arith.constant 96 : index
    %swap3A_33 = tpu.vector_load %arg5[%swap3A_32] {strides = array<i32>} : memref<128xf32, #tpu.memory_space<vmem>>, vector<16xf32>,
    %swap3A_34 = vector.shape_cast %swap3A_33 : vector<16xf32> to vector<16xf32>
    %swap3A_35 = vector.shape_cast %broadcast_in_dim3A_3 : vector<16xf32> to vector<16xf32>
    tpu.vector_store %arg5[%swap3A_32], %swap3A_35 {strides = array<i32>} : memref<128xf32, #tpu.memory_space<vmem>>, vector<16xf32>,
    %swap3A_36 = arith.constant 112 : index
    %swap3A_37 = tpu.vector_load %arg5[%swap3A_36] {strides = array<i32>} : memref<128xf32, #tpu.memory_space<vmem>>, vector<16xf32>,
    %swap3A_38 = vector.shape_cast %swap3A_37 : vector<16xf32> to vector<16xf32>
    %swap3A_39 = vector.shape_cast %broadcast_in_dim3A_3 : vector<16xf32> to vector<16xf32>
    tpu.vector_store %arg5[%swap3A_36], %swap3A_39 {strides = array<i32>} : memref<128xf32, #tpu.memory_space<vmem>>, vector<16xf32>,
    %mul3A_40 = arith.constant 640 : i32
    %mul3A_41 = arith.muli %arg1, %mul3A_40 : i32
    "tpu.region"() ({
      %run_scoped3A = tpu.sem_alloc : memref<!tpu.dma_semaphore, #tpu.memory_space<semaphore_mem>>
      %dma_start3A = tpu.memref_slice %arg7[%mul3A_41] : memref<10240xf32, #tpu.memory_space<vmem_shared>> -> memref<640xf32, #tpu.memory_space<vmem_shared>>
      %dma_start3A_54 = tpu.memref_slice %arg7[%mul3A_41] : memref<10240xf32, #tpu.memory_space<vmem_shared>> -> memref<640xf32, #tpu.memory_space<vmem_shared>>
      tpu.enqueue_dma source(%arg4 : memref<640xf32, #tpu.memory_space<vmem>>) target(%dma_start3A_54 : memref<640xf32, #tpu.memory_space<vmem_shared>>) target_semaphore(%run_scoped3A : memref<!tpu.dma_semaphore, #tpu.memory_space<semaphore_mem>>)
      %dma_wait3A = tpu.memref_slice %arg7[%mul3A_41] : memref<10240xf32, #tpu.memory_space<vmem_shared>> -> memref<640xf32, #tpu.memory_space<vmem_shared>>
      %dma_wait3A_55 = tpu.memref_slice %arg7[%mul3A_41] : memref<10240xf32, #tpu.memory_space<vmem_shared>> -> memref<640xf32, #tpu.memory_space<vmem_shared>>
      tpu.wait_dma2 semaphore(%run_scoped3A : memref<!tpu.dma_semaphore, #tpu.memory_space<semaphore_mem>>) src(%arg4 : memref<640xf32, #tpu.memory_space<vmem>>) dst(%dma_wait3A_55 : memref<640xf32, #tpu.memory_space<vmem_shared>>)
      tpu.yield
    }) : () -> ()
    %barrier3A = arith.constant 0 : index
    tpu.barrier barrier_id(%barrier3A)
    %scan3A_42 = arith.constant 0 : i32
    %scan3A_43 = arith.constant 0 : i32
    %scan3A_44 = arith.constant 79 : i32
    %scan3A_45 = arith.addi %scan3A_43, %scan3A_44 : i32
    %scan3A_46 = arith.constant 1 : i32
    scf.for %scan3A_54 = %scan3A_43 to %scan3A_45 step %scan3A_46  : i32 {
      %mul3A_55 = arith.constant 10112 : i32
      %mul3A_56 = arith.muli %add3A, %mul3A_55 : i32
      %mul3A_57 = arith.constant 128 : i32
      %mul3A_58 = arith.muli %scan3A_54, %mul3A_57 : i32
      %add3A_59 = arith.addi %mul3A_56, %mul3A_58 : i32
      "tpu.region"() ({
        %run_scoped3A = tpu.sem_alloc : memref<!tpu.dma_semaphore, #tpu.memory_space<semaphore_mem>>
        %dma_start3A = tpu.memref_slice %arg2[%add3A_59] : memref<323584xi32, #tpu.memory_space<hbm>> -> memref<128xi32, #tpu.memory_space<hbm>>
        %dma_start3A_60 = tpu.memref_slice %arg2[%add3A_59] : memref<323584xi32, #tpu.memory_space<hbm>> -> memref<128xi32, #tpu.memory_space<hbm>>
        tpu.enqueue_dma source(%dma_start3A_60 : memref<128xi32, #tpu.memory_space<hbm>>) target(%arg6 : memref<128xi32, #tpu.memory_space<vmem>>) target_semaphore(%run_scoped3A : memref<!tpu.dma_semaphore, #tpu.memory_space<semaphore_mem>>)
        %dma_wait3A = tpu.memref_slice %arg2[%add3A_59] : memref<323584xi32, #tpu.memory_space<hbm>> -> memref<128xi32, #tpu.memory_space<hbm>>
        %dma_wait3A_61 = tpu.memref_slice %arg2[%add3A_59] : memref<323584xi32, #tpu.memory_space<hbm>> -> memref<128xi32, #tpu.memory_space<hbm>>
        tpu.wait_dma2 semaphore(%run_scoped3A : memref<!tpu.dma_semaphore, #tpu.memory_space<semaphore_mem>>) src(%dma_wait3A_61 : memref<128xi32, #tpu.memory_space<hbm>>) dst(%arg6 : memref<128xi32, #tpu.memory_space<vmem>>)
        tpu.yield
      }) : () -> ()
      "tpu.region"() ({
        %run_scoped3A = tpu.sem_alloc : memref<!tpu.dma_semaphore, #tpu.memory_space<semaphore_mem>>
        %dma_start3A = arith.constant 0 : i32
        %dma_start3A_60 = tpu.memref_slice %arg7[%dma_start3A] : memref<10240xf32, #tpu.memory_space<vmem_shared>> -> memref<10240xf32, #tpu.memory_space<vmem_shared>>
        tpu.enqueue_indirect_dma source(%arg5 : memref<128xf32, #tpu.memory_space<vmem>>) target(%dma_start3A_60 : memref<10240xf32, #tpu.memory_space<vmem_shared>>) offsets(%arg6 : memref<128xi32, #tpu.memory_space<vmem>>) semaphore(%run_scoped3A : memref<!tpu.dma_semaphore, #tpu.memory_space<semaphore_mem>>) {add = true}
        %dma_wait3A = arith.constant 0 : i32
        %dma_wait3A_61 = tpu.memref_slice %arg7[%dma_wait3A] : memref<10240xf32, #tpu.memory_space<vmem_shared>> -> memref<10240xf32, #tpu.memory_space<vmem_shared>>
        tpu.wait_indirect_dma semaphore(%run_scoped3A : memref<!tpu.dma_semaphore, #tpu.memory_space<semaphore_mem>>) src(%arg5 : memref<128xf32, #tpu.memory_space<vmem>>) dst(%dma_wait3A_61 : memref<10240xf32, #tpu.memory_space<vmem_shared>>)
        tpu.yield
      }) : () -> ()
    }
    %scan3A_47 = arith.constant 79 : i32
    %barrier3A_48 = arith.constant 0 : index
    tpu.barrier barrier_id(%barrier3A_48)
    %mul3A_49 = arith.constant 640 : i32
    %mul3A_50 = arith.muli %arg1, %mul3A_49 : i32
    "tpu.region"() ({
      %run_scoped3A = tpu.sem_alloc : memref<!tpu.dma_semaphore, #tpu.memory_space<semaphore_mem>>
      %dma_start3A = tpu.memref_slice %arg7[%mul3A_50] : memref<10240xf32, #tpu.memory_space<vmem_shared>> -> memref<640xf32, #tpu.memory_space<vmem_shared>>
      %dma_start3A_54 = tpu.memref_slice %arg7[%mul3A_50] : memref<10240xf32, #tpu.memory_space<vmem_shared>> -> memref<640xf32, #tpu.memory_space<vmem_shared>>
      tpu.enqueue_dma source(%dma_start3A_54 : memref<640xf32, #tpu.memory_space<vmem_shared>>) target(%arg4 : memref<640xf32, #tpu.memory_space<vmem>>) target_semaphore(%run_scoped3A : memref<!tpu.dma_semaphore, #tpu.memory_space<semaphore_mem>>)
      %dma_wait3A = tpu.memref_slice %arg7[%mul3A_50] : memref<10240xf32, #tpu.memory_space<vmem_shared>> -> memref<640xf32, #tpu.memory_space<vmem_shared>>
      %dma_wait3A_55 = tpu.memref_slice %arg7[%mul3A_50] : memref<10240xf32, #tpu.memory_space<vmem_shared>> -> memref<640xf32, #tpu.memory_space<vmem_shared>>
      tpu.wait_dma2 semaphore(%run_scoped3A : memref<!tpu.dma_semaphore, #tpu.memory_space<semaphore_mem>>) src(%dma_wait3A_55 : memref<640xf32, #tpu.memory_space<vmem_shared>>) dst(%arg4 : memref<640xf32, #tpu.memory_space<vmem>>)
      tpu.yield
    }) : () -> ()
    %mul3A_51 = arith.constant 10240 : i32
    %mul3A_52 = arith.muli %arg0, %mul3A_51 : i32
    %add3A_53 = arith.addi %mul3A_52, %mul3A_50 : i32
    "tpu.region"() ({
      %run_scoped3A = tpu.sem_alloc : memref<!tpu.dma_semaphore, #tpu.memory_space<semaphore_mem>>
      %dma_start3A = tpu.memref_slice %arg3[%add3A_53] : memref<20480xf32, #tpu.memory_space<hbm>> -> memref<640xf32, #tpu.memory_space<hbm>>
      %dma_start3A_54 = tpu.memref_slice %arg3[%add3A_53] : memref<20480xf32, #tpu.memory_space<hbm>> -> memref<640xf32, #tpu.memory_space<hbm>>
      tpu.enqueue_dma source(%arg4 : memref<640xf32, #tpu.memory_space<vmem>>) target(%dma_start3A_54 : memref<640xf32, #tpu.memory_space<hbm>>) target_semaphore(%run_scoped3A : memref<!tpu.dma_semaphore, #tpu.memory_space<semaphore_mem>>)
      %dma_wait3A = tpu.memref_slice %arg3[%add3A_53] : memref<20480xf32, #tpu.memory_space<hbm>> -> memref<640xf32, #tpu.memory_space<hbm>>
      %dma_wait3A_55 = tpu.memref_slice %arg3[%add3A_53] : memref<20480xf32, #tpu.memory_space<hbm>> -> memref<640xf32, #tpu.memory_space<hbm>>
      tpu.wait_dma2 semaphore(%run_scoped3A : memref<!tpu.dma_semaphore, #tpu.memory_space<semaphore_mem>>) src(%arg4 : memref<640xf32, #tpu.memory_space<vmem>>) dst(%dma_wait3A_55 : memref<640xf32, #tpu.memory_space<hbm>>)
      tpu.yield
    }) : () -> ()
    return
  }
}

#map = affine_map<(d0, d1) -> (0, 0)>
#map1 = affine_map<(d0, d1) -> (0)>
module attributes {stable_mosaic.version = 14 : i64} {
  func.func @s_kernel(%arg0: i32, %arg1: i32, %arg2: memref<10240x128xf32, #tpu.memory_space<hbm>>, %arg3: memref<323584xi32, #tpu.memory_space<hbm>>, %arg4: memref<323584xi32, #tpu.memory_space<hbm>>, %arg5: memref<20480x128xf32, #tpu.memory_space<hbm>>, %arg6: memref<128x128xf32, #tpu.memory_space<vmem>>, %arg7: memref<128xi32, #tpu.memory_space<vmem>>, %arg8: memref<128xi32, #tpu.memory_space<vmem>>, %arg9: memref<!tpu.dma_semaphore, #tpu.memory_space<semaphore_mem>>, %arg10: memref<10240x128xf32, #tpu.memory_space<vmem_shared>>) attributes {dimension_semantics = [#tpu.dimension_semantics<core_parallel>, #tpu.dimension_semantics<subcore_parallel>], iteration_bounds = array<i64: 2, 16>, scalar_prefetch = 0 : i64, scratch_operands = 5 : i64, tpu.core_type = #tpu.core_type<sc_vector_subcore>, window_params = [{transform_indices = #map}, {transform_indices = #map1}, {transform_indices = #map1}, {transform_indices = #map}]} {
    %mul3A = arith.constant 2 : i32
    %mul3A_0 = arith.muli %arg1, %mul3A : i32
    %add3A = arith.addi %mul3A_0, %arg0 : i32
    %broadcast_in_dim3A = arith.constant 0.000000e+00 : f32
    %broadcast_in_dim3A_1 = vector.broadcast %broadcast_in_dim3A : f32 to vector<16xf32>
    %scan3A = arith.constant 0 : i32
    %scan3A_2 = arith.constant 0 : i32
    %scan3A_3 = arith.constant 128 : i32
    %scan3A_4 = arith.addi %scan3A_2, %scan3A_3 : i32
    %scan3A_5 = arith.constant 1 : i32
    scf.for %scan3A_75 = %scan3A_2 to %scan3A_4 step %scan3A_5  : i32 {
      %swap3A = arith.index_cast %scan3A_75 : i32 to index
      %swap3A_76 = arith.constant 0 : index
      %swap3A_77 = tpu.vector_load %arg6[%swap3A, %swap3A_76] {strides = array<i32>} : memref<128x128xf32, #tpu.memory_space<vmem>>, vector<1x16xf32>,
      %swap3A_78 = vector.shape_cast %swap3A_77 : vector<1x16xf32> to vector<16xf32>
      %swap3A_79 = vector.shape_cast %broadcast_in_dim3A_1 : vector<16xf32> to vector<1x16xf32>
      tpu.vector_store %arg6[%swap3A, %swap3A_76], %swap3A_79 {strides = array<i32>} : memref<128x128xf32, #tpu.memory_space<vmem>>, vector<1x16xf32>,
      %swap3A_80 = arith.index_cast %scan3A_75 : i32 to index
      %swap3A_81 = arith.constant 16 : index
      %swap3A_82 = tpu.vector_load %arg6[%swap3A_80, %swap3A_81] {strides = array<i32>} : memref<128x128xf32, #tpu.memory_space<vmem>>, vector<1x16xf32>,
      %swap3A_83 = vector.shape_cast %swap3A_82 : vector<1x16xf32> to vector<16xf32>
      %swap3A_84 = vector.shape_cast %broadcast_in_dim3A_1 : vector<16xf32> to vector<1x16xf32>
      tpu.vector_store %arg6[%swap3A_80, %swap3A_81], %swap3A_84 {strides = array<i32>} : memref<128x128xf32, #tpu.memory_space<vmem>>, vector<1x16xf32>,
      %swap3A_85 = arith.index_cast %scan3A_75 : i32 to index
      %swap3A_86 = arith.constant 32 : index
      %swap3A_87 = tpu.vector_load %arg6[%swap3A_85, %swap3A_86] {strides = array<i32>} : memref<128x128xf32, #tpu.memory_space<vmem>>, vector<1x16xf32>,
      %swap3A_88 = vector.shape_cast %swap3A_87 : vector<1x16xf32> to vector<16xf32>
      %swap3A_89 = vector.shape_cast %broadcast_in_dim3A_1 : vector<16xf32> to vector<1x16xf32>
      tpu.vector_store %arg6[%swap3A_85, %swap3A_86], %swap3A_89 {strides = array<i32>} : memref<128x128xf32, #tpu.memory_space<vmem>>, vector<1x16xf32>,
      %swap3A_90 = arith.index_cast %scan3A_75 : i32 to index
      %swap3A_91 = arith.constant 48 : index
      %swap3A_92 = tpu.vector_load %arg6[%swap3A_90, %swap3A_91] {strides = array<i32>} : memref<128x128xf32, #tpu.memory_space<vmem>>, vector<1x16xf32>,
      %swap3A_93 = vector.shape_cast %swap3A_92 : vector<1x16xf32> to vector<16xf32>
      %swap3A_94 = vector.shape_cast %broadcast_in_dim3A_1 : vector<16xf32> to vector<1x16xf32>
      tpu.vector_store %arg6[%swap3A_90, %swap3A_91], %swap3A_94 {strides = array<i32>} : memref<128x128xf32, #tpu.memory_space<vmem>>, vector<1x16xf32>,
      %swap3A_95 = arith.index_cast %scan3A_75 : i32 to index
      %swap3A_96 = arith.constant 64 : index
      %swap3A_97 = tpu.vector_load %arg6[%swap3A_95, %swap3A_96] {strides = array<i32>} : memref<128x128xf32, #tpu.memory_space<vmem>>, vector<1x16xf32>,
      %swap3A_98 = vector.shape_cast %swap3A_97 : vector<1x16xf32> to vector<16xf32>
      %swap3A_99 = vector.shape_cast %broadcast_in_dim3A_1 : vector<16xf32> to vector<1x16xf32>
      tpu.vector_store %arg6[%swap3A_95, %swap3A_96], %swap3A_99 {strides = array<i32>} : memref<128x128xf32, #tpu.memory_space<vmem>>, vector<1x16xf32>,
      %swap3A_100 = arith.index_cast %scan3A_75 : i32 to index
      %swap3A_101 = arith.constant 80 : index
      %swap3A_102 = tpu.vector_load %arg6[%swap3A_100, %swap3A_101] {strides = array<i32>} : memref<128x128xf32, #tpu.memory_space<vmem>>, vector<1x16xf32>,
      %swap3A_103 = vector.shape_cast %swap3A_102 : vector<1x16xf32> to vector<16xf32>
      %swap3A_104 = vector.shape_cast %broadcast_in_dim3A_1 : vector<16xf32> to vector<1x16xf32>
      tpu.vector_store %arg6[%swap3A_100, %swap3A_101], %swap3A_104 {strides = array<i32>} : memref<128x128xf32, #tpu.memory_space<vmem>>, vector<1x16xf32>,
      %swap3A_105 = arith.index_cast %scan3A_75 : i32 to index
      %swap3A_106 = arith.constant 96 : index
      %swap3A_107 = tpu.vector_load %arg6[%swap3A_105, %swap3A_106] {strides = array<i32>} : memref<128x128xf32, #tpu.memory_space<vmem>>, vector<1x16xf32>,
      %swap3A_108 = vector.shape_cast %swap3A_107 : vector<1x16xf32> to vector<16xf32>
      %swap3A_109 = vector.shape_cast %broadcast_in_dim3A_1 : vector<16xf32> to vector<1x16xf32>
      tpu.vector_store %arg6[%swap3A_105, %swap3A_106], %swap3A_109 {strides = array<i32>} : memref<128x128xf32, #tpu.memory_space<vmem>>, vector<1x16xf32>,
      %swap3A_110 = arith.index_cast %scan3A_75 : i32 to index
      %swap3A_111 = arith.constant 112 : index
      %swap3A_112 = tpu.vector_load %arg6[%swap3A_110, %swap3A_111] {strides = array<i32>} : memref<128x128xf32, #tpu.memory_space<vmem>>, vector<1x16xf32>,
      %swap3A_113 = vector.shape_cast %swap3A_112 : vector<1x16xf32> to vector<16xf32>
      %swap3A_114 = vector.shape_cast %broadcast_in_dim3A_1 : vector<16xf32> to vector<1x16xf32>
      tpu.vector_store %arg6[%swap3A_110, %swap3A_111], %swap3A_114 {strides = array<i32>} : memref<128x128xf32, #tpu.memory_space<vmem>>, vector<1x16xf32>,
    }
    %scan3A_6 = arith.constant 128 : i32
    %mul3A_7 = arith.constant 640 : i32
    %mul3A_8 = arith.muli %arg1, %mul3A_7 : i32
    %add3A_9 = arith.constant 0 : i32
    %add3A_10 = arith.addi %mul3A_8, %add3A_9 : i32
    "tpu.region"() ({
      %run_scoped3A = tpu.sem_alloc : memref<!tpu.dma_semaphore, #tpu.memory_space<semaphore_mem>>
      %dma_start3A = arith.constant 0 : i32
      %dma_start3A_75 = tpu.memref_slice %arg10[%add3A_10, %dma_start3A] : memref<10240x128xf32, #tpu.memory_space<vmem_shared>> -> memref<128x128xf32, #tpu.memory_space<vmem_shared>>
      %dma_start3A_76 = arith.constant 0 : i32
      %dma_start3A_77 = tpu.memref_slice %arg10[%add3A_10, %dma_start3A_76] : memref<10240x128xf32, #tpu.memory_space<vmem_shared>> -> memref<128x128xf32, #tpu.memory_space<vmem_shared>>
      tpu.enqueue_dma source(%arg6 : memref<128x128xf32, #tpu.memory_space<vmem>>) target(%dma_start3A_77 : memref<128x128xf32, #tpu.memory_space<vmem_shared>>) target_semaphore(%run_scoped3A : memref<!tpu.dma_semaphore, #tpu.memory_space<semaphore_mem>>)
      %dma_wait3A = arith.constant 0 : i32
      %dma_wait3A_78 = tpu.memref_slice %arg10[%add3A_10, %dma_wait3A] : memref<10240x128xf32, #tpu.memory_space<vmem_shared>> -> memref<128x128xf32, #tpu.memory_space<vmem_shared>>
      %dma_wait3A_79 = arith.constant 0 : i32
      %dma_wait3A_80 = tpu.memref_slice %arg10[%add3A_10, %dma_wait3A_79] : memref<10240x128xf32, #tpu.memory_space<vmem_shared>> -> memref<128x128xf32, #tpu.memory_space<vmem_shared>>
      tpu.wait_dma2 semaphore(%run_scoped3A : memref<!tpu.dma_semaphore, #tpu.memory_space<semaphore_mem>>) src(%arg6 : memref<128x128xf32, #tpu.memory_space<vmem>>) dst(%dma_wait3A_80 : memref<128x128xf32, #tpu.memory_space<vmem_shared>>)
      tpu.yield
    }) : () -> ()
    %mul3A_11 = arith.constant 640 : i32
    %mul3A_12 = arith.muli %arg1, %mul3A_11 : i32
    %add3A_13 = arith.constant 128 : i32
    %add3A_14 = arith.addi %mul3A_12, %add3A_13 : i32
    "tpu.region"() ({
      %run_scoped3A = tpu.sem_alloc : memref<!tpu.dma_semaphore, #tpu.memory_space<semaphore_mem>>
      %dma_start3A = arith.constant 0 : i32
      %dma_start3A_75 = tpu.memref_slice %arg10[%add3A_14, %dma_start3A] : memref<10240x128xf32, #tpu.memory_space<vmem_shared>> -> memref<128x128xf32, #tpu.memory_space<vmem_shared>>
      %dma_start3A_76 = arith.constant 0 : i32
      %dma_start3A_77 = tpu.memref_slice %arg10[%add3A_14, %dma_start3A_76] : memref<10240x128xf32, #tpu.memory_space<vmem_shared>> -> memref<128x128xf32, #tpu.memory_space<vmem_shared>>
      tpu.enqueue_dma source(%arg6 : memref<128x128xf32, #tpu.memory_space<vmem>>) target(%dma_start3A_77 : memref<128x128xf32, #tpu.memory_space<vmem_shared>>) target_semaphore(%run_scoped3A : memref<!tpu.dma_semaphore, #tpu.memory_space<semaphore_mem>>)
      %dma_wait3A = arith.constant 0 : i32
      %dma_wait3A_78 = tpu.memref_slice %arg10[%add3A_14, %dma_wait3A] : memref<10240x128xf32, #tpu.memory_space<vmem_shared>> -> memref<128x128xf32, #tpu.memory_space<vmem_shared>>
      %dma_wait3A_79 = arith.constant 0 : i32
      %dma_wait3A_80 = tpu.memref_slice %arg10[%add3A_14, %dma_wait3A_79] : memref<10240x128xf32, #tpu.memory_space<vmem_shared>> -> memref<128x128xf32, #tpu.memory_space<vmem_shared>>
      tpu.wait_dma2 semaphore(%run_scoped3A : memref<!tpu.dma_semaphore, #tpu.memory_space<semaphore_mem>>) src(%arg6 : memref<128x128xf32, #tpu.memory_space<vmem>>) dst(%dma_wait3A_80 : memref<128x128xf32, #tpu.memory_space<vmem_shared>>)
      tpu.yield
    }) : () -> ()
    %mul3A_15 = arith.constant 640 : i32
    %mul3A_16 = arith.muli %arg1, %mul3A_15 : i32
    %add3A_17 = arith.constant 256 : i32
    %add3A_18 = arith.addi %mul3A_16, %add3A_17 : i32
    "tpu.region"() ({
      %run_scoped3A = tpu.sem_alloc : memref<!tpu.dma_semaphore, #tpu.memory_space<semaphore_mem>>
      %dma_start3A = arith.constant 0 : i32
      %dma_start3A_75 = tpu.memref_slice %arg10[%add3A_18, %dma_start3A] : memref<10240x128xf32, #tpu.memory_space<vmem_shared>> -> memref<128x128xf32, #tpu.memory_space<vmem_shared>>
      %dma_start3A_76 = arith.constant 0 : i32
      %dma_start3A_77 = tpu.memref_slice %arg10[%add3A_18, %dma_start3A_76] : memref<10240x128xf32, #tpu.memory_space<vmem_shared>> -> memref<128x128xf32, #tpu.memory_space<vmem_shared>>
      tpu.enqueue_dma source(%arg6 : memref<128x128xf32, #tpu.memory_space<vmem>>) target(%dma_start3A_77 : memref<128x128xf32, #tpu.memory_space<vmem_shared>>) target_semaphore(%run_scoped3A : memref<!tpu.dma_semaphore, #tpu.memory_space<semaphore_mem>>)
      %dma_wait3A = arith.constant 0 : i32
      %dma_wait3A_78 = tpu.memref_slice %arg10[%add3A_18, %dma_wait3A] : memref<10240x128xf32, #tpu.memory_space<vmem_shared>> -> memref<128x128xf32, #tpu.memory_space<vmem_shared>>
      %dma_wait3A_79 = arith.constant 0 : i32
      %dma_wait3A_80 = tpu.memref_slice %arg10[%add3A_18, %dma_wait3A_79] : memref<10240x128xf32, #tpu.memory_space<vmem_shared>> -> memref<128x128xf32, #tpu.memory_space<vmem_shared>>
      tpu.wait_dma2 semaphore(%run_scoped3A : memref<!tpu.dma_semaphore, #tpu.memory_space<semaphore_mem>>) src(%arg6 : memref<128x128xf32, #tpu.memory_space<vmem>>) dst(%dma_wait3A_80 : memref<128x128xf32, #tpu.memory_space<vmem_shared>>)
      tpu.yield
    }) : () -> ()
    %mul3A_19 = arith.constant 640 : i32
    %mul3A_20 = arith.muli %arg1, %mul3A_19 : i32
    %add3A_21 = arith.constant 384 : i32
    %add3A_22 = arith.addi %mul3A_20, %add3A_21 : i32
    "tpu.region"() ({
      %run_scoped3A = tpu.sem_alloc : memref<!tpu.dma_semaphore, #tpu.memory_space<semaphore_mem>>
      %dma_start3A = arith.constant 0 : i32
      %dma_start3A_75 = tpu.memref_slice %arg10[%add3A_22, %dma_start3A] : memref<10240x128xf32, #tpu.memory_space<vmem_shared>> -> memref<128x128xf32, #tpu.memory_space<vmem_shared>>
      %dma_start3A_76 = arith.constant 0 : i32
      %dma_start3A_77 = tpu.memref_slice %arg10[%add3A_22, %dma_start3A_76] : memref<10240x128xf32, #tpu.memory_space<vmem_shared>> -> memref<128x128xf32, #tpu.memory_space<vmem_shared>>
      tpu.enqueue_dma source(%arg6 : memref<128x128xf32, #tpu.memory_space<vmem>>) target(%dma_start3A_77 : memref<128x128xf32, #tpu.memory_space<vmem_shared>>) target_semaphore(%run_scoped3A : memref<!tpu.dma_semaphore, #tpu.memory_space<semaphore_mem>>)
      %dma_wait3A = arith.constant 0 : i32
      %dma_wait3A_78 = tpu.memref_slice %arg10[%add3A_22, %dma_wait3A] : memref<10240x128xf32, #tpu.memory_space<vmem_shared>> -> memref<128x128xf32, #tpu.memory_space<vmem_shared>>
      %dma_wait3A_79 = arith.constant 0 : i32
      %dma_wait3A_80 = tpu.memref_slice %arg10[%add3A_22, %dma_wait3A_79] : memref<10240x128xf32, #tpu.memory_space<vmem_shared>> -> memref<128x128xf32, #tpu.memory_space<vmem_shared>>
      tpu.wait_dma2 semaphore(%run_scoped3A : memref<!tpu.dma_semaphore, #tpu.memory_space<semaphore_mem>>) src(%arg6 : memref<128x128xf32, #tpu.memory_space<vmem>>) dst(%dma_wait3A_80 : memref<128x128xf32, #tpu.memory_space<vmem_shared>>)
      tpu.yield
    }) : () -> ()
    %mul3A_23 = arith.constant 640 : i32
    %mul3A_24 = arith.muli %arg1, %mul3A_23 : i32
    %add3A_25 = arith.constant 512 : i32
    %add3A_26 = arith.addi %mul3A_24, %add3A_25 : i32
    "tpu.region"() ({
      %run_scoped3A = tpu.sem_alloc : memref<!tpu.dma_semaphore, #tpu.memory_space<semaphore_mem>>
      %dma_start3A = arith.constant 0 : i32
      %dma_start3A_75 = tpu.memref_slice %arg10[%add3A_26, %dma_start3A] : memref<10240x128xf32, #tpu.memory_space<vmem_shared>> -> memref<128x128xf32, #tpu.memory_space<vmem_shared>>
      %dma_start3A_76 = arith.constant 0 : i32
      %dma_start3A_77 = tpu.memref_slice %arg10[%add3A_26, %dma_start3A_76] : memref<10240x128xf32, #tpu.memory_space<vmem_shared>> -> memref<128x128xf32, #tpu.memory_space<vmem_shared>>
      tpu.enqueue_dma source(%arg6 : memref<128x128xf32, #tpu.memory_space<vmem>>) target(%dma_start3A_77 : memref<128x128xf32, #tpu.memory_space<vmem_shared>>) target_semaphore(%run_scoped3A : memref<!tpu.dma_semaphore, #tpu.memory_space<semaphore_mem>>)
      %dma_wait3A = arith.constant 0 : i32
      %dma_wait3A_78 = tpu.memref_slice %arg10[%add3A_26, %dma_wait3A] : memref<10240x128xf32, #tpu.memory_space<vmem_shared>> -> memref<128x128xf32, #tpu.memory_space<vmem_shared>>
      %dma_wait3A_79 = arith.constant 0 : i32
      %dma_wait3A_80 = tpu.memref_slice %arg10[%add3A_26, %dma_wait3A_79] : memref<10240x128xf32, #tpu.memory_space<vmem_shared>> -> memref<128x128xf32, #tpu.memory_space<vmem_shared>>
      tpu.wait_dma2 semaphore(%run_scoped3A : memref<!tpu.dma_semaphore, #tpu.memory_space<semaphore_mem>>) src(%arg6 : memref<128x128xf32, #tpu.memory_space<vmem>>) dst(%dma_wait3A_80 : memref<128x128xf32, #tpu.memory_space<vmem_shared>>)
      tpu.yield
    }) : () -> ()
    %barrier3A = arith.constant 0 : index
    tpu.barrier barrier_id(%barrier3A)
    %mul3A_27 = arith.constant 10112 : i32
    %mul3A_28 = arith.muli %add3A, %mul3A_27 : i32
    %add3A_29 = arith.constant 0 : i32
    %add3A_30 = arith.addi %add3A_29, %mul3A_28 : i32
    %mul3A_31 = arith.constant 10112 : i32
    %mul3A_32 = arith.muli %add3A, %mul3A_31 : i32
    %scan3A_33 = arith.constant 0 : i32
    %scan3A_34 = arith.constant 0 : i32
    %scan3A_35 = arith.constant 79 : i32
    %scan3A_36 = arith.addi %scan3A_34, %scan3A_35 : i32
    %scan3A_37 = arith.constant 1 : i32
    scf.for %scan3A_75 = %scan3A_34 to %scan3A_36 step %scan3A_37  : i32 {
      %mul3A_76 = arith.constant 128 : i32
      %mul3A_77 = arith.muli %scan3A_75, %mul3A_76 : i32
      %add3A_78 = arith.addi %add3A_30, %mul3A_77 : i32
      "tpu.region"() ({
        %run_scoped3A = tpu.sem_alloc : memref<!tpu.dma_semaphore, #tpu.memory_space<semaphore_mem>>
        %dma_start3A_86 = tpu.memref_slice %arg3[%add3A_78] : memref<323584xi32, #tpu.memory_space<hbm>> -> memref<128xi32, #tpu.memory_space<hbm>>
        %dma_start3A_87 = tpu.memref_slice %arg3[%add3A_78] : memref<323584xi32, #tpu.memory_space<hbm>> -> memref<128xi32, #tpu.memory_space<hbm>>
        tpu.enqueue_dma source(%dma_start3A_87 : memref<128xi32, #tpu.memory_space<hbm>>) target(%arg7 : memref<128xi32, #tpu.memory_space<vmem>>) target_semaphore(%run_scoped3A : memref<!tpu.dma_semaphore, #tpu.memory_space<semaphore_mem>>)
        %dma_wait3A_88 = tpu.memref_slice %arg3[%add3A_78] : memref<323584xi32, #tpu.memory_space<hbm>> -> memref<128xi32, #tpu.memory_space<hbm>>
        %dma_wait3A_89 = tpu.memref_slice %arg3[%add3A_78] : memref<323584xi32, #tpu.memory_space<hbm>> -> memref<128xi32, #tpu.memory_space<hbm>>
        tpu.wait_dma2 semaphore(%run_scoped3A : memref<!tpu.dma_semaphore, #tpu.memory_space<semaphore_mem>>) src(%dma_wait3A_89 : memref<128xi32, #tpu.memory_space<hbm>>) dst(%arg7 : memref<128xi32, #tpu.memory_space<vmem>>)
        tpu.yield
      }) : () -> ()
      %mul3A_79 = arith.constant 128 : i32
      %mul3A_80 = arith.muli %scan3A_75, %mul3A_79 : i32
      %add3A_81 = arith.addi %mul3A_32, %mul3A_80 : i32
      "tpu.region"() ({
        %run_scoped3A = tpu.sem_alloc : memref<!tpu.dma_semaphore, #tpu.memory_space<semaphore_mem>>
        %dma_start3A_86 = tpu.memref_slice %arg4[%add3A_81] : memref<323584xi32, #tpu.memory_space<hbm>> -> memref<128xi32, #tpu.memory_space<hbm>>
        %dma_start3A_87 = tpu.memref_slice %arg4[%add3A_81] : memref<323584xi32, #tpu.memory_space<hbm>> -> memref<128xi32, #tpu.memory_space<hbm>>
        tpu.enqueue_dma source(%dma_start3A_87 : memref<128xi32, #tpu.memory_space<hbm>>) target(%arg8 : memref<128xi32, #tpu.memory_space<vmem>>) target_semaphore(%run_scoped3A : memref<!tpu.dma_semaphore, #tpu.memory_space<semaphore_mem>>)
        %dma_wait3A_88 = tpu.memref_slice %arg4[%add3A_81] : memref<323584xi32, #tpu.memory_space<hbm>> -> memref<128xi32, #tpu.memory_space<hbm>>
        %dma_wait3A_89 = tpu.memref_slice %arg4[%add3A_81] : memref<323584xi32, #tpu.memory_space<hbm>> -> memref<128xi32, #tpu.memory_space<hbm>>
        tpu.wait_dma2 semaphore(%run_scoped3A : memref<!tpu.dma_semaphore, #tpu.memory_space<semaphore_mem>>) src(%dma_wait3A_89 : memref<128xi32, #tpu.memory_space<hbm>>) dst(%arg8 : memref<128xi32, #tpu.memory_space<vmem>>)
        tpu.yield
      }) : () -> ()
      %dma_start3A = arith.constant 0 : i32
      %dma_start3A_82 = arith.constant 0 : i32
      %dma_start3A_83 = tpu.memref_slice %arg2[%dma_start3A, %dma_start3A_82] : memref<10240x128xf32, #tpu.memory_space<hbm>> -> memref<10240x128xf32, #tpu.memory_space<hbm>>
      tpu.enqueue_indirect_dma source(%dma_start3A_83 : memref<10240x128xf32, #tpu.memory_space<hbm>>) target(%arg6 : memref<128x128xf32, #tpu.memory_space<vmem>>) offsets(%arg7 : memref<128xi32, #tpu.memory_space<vmem>>) semaphore(%arg9 : memref<!tpu.dma_semaphore, #tpu.memory_space<semaphore_mem>>)
      %dma_wait3A = arith.constant 0 : i32
      %dma_wait3A_84 = arith.constant 0 : i32
      %dma_wait3A_85 = tpu.memref_slice %arg2[%dma_wait3A, %dma_wait3A_84] : memref<10240x128xf32, #tpu.memory_space<hbm>> -> memref<10240x128xf32, #tpu.memory_space<hbm>>
      tpu.wait_indirect_dma semaphore(%arg9 : memref<!tpu.dma_semaphore, #tpu.memory_space<semaphore_mem>>) src(%dma_wait3A_85 : memref<10240x128xf32, #tpu.memory_space<hbm>>) dst(%arg6 : memref<128x128xf32, #tpu.memory_space<vmem>>)
      "tpu.region"() ({
        %run_scoped3A = tpu.sem_alloc : memref<!tpu.dma_semaphore, #tpu.memory_space<semaphore_mem>>
        %dma_start3A_86 = arith.constant 0 : i32
        %dma_start3A_87 = arith.constant 0 : i32
        %dma_start3A_88 = tpu.memref_slice %arg10[%dma_start3A_86, %dma_start3A_87] : memref<10240x128xf32, #tpu.memory_space<vmem_shared>> -> memref<10240x128xf32, #tpu.memory_space<vmem_shared>>
        tpu.enqueue_indirect_dma source(%arg6 : memref<128x128xf32, #tpu.memory_space<vmem>>) target(%dma_start3A_88 : memref<10240x128xf32, #tpu.memory_space<vmem_shared>>) offsets(%arg8 : memref<128xi32, #tpu.memory_space<vmem>>) semaphore(%run_scoped3A : memref<!tpu.dma_semaphore, #tpu.memory_space<semaphore_mem>>) {add = true}
        %dma_wait3A_89 = arith.constant 0 : i32
        %dma_wait3A_90 = arith.constant 0 : i32
        %dma_wait3A_91 = tpu.memref_slice %arg10[%dma_wait3A_89, %dma_wait3A_90] : memref<10240x128xf32, #tpu.memory_space<vmem_shared>> -> memref<10240x128xf32, #tpu.memory_space<vmem_shared>>
        tpu.wait_indirect_dma semaphore(%run_scoped3A : memref<!tpu.dma_semaphore, #tpu.memory_space<semaphore_mem>>) src(%arg6 : memref<128x128xf32, #tpu.memory_space<vmem>>) dst(%dma_wait3A_91 : memref<10240x128xf32, #tpu.memory_space<vmem_shared>>)
        tpu.yield
      }) : () -> ()
    }
    %scan3A_38 = arith.constant 79 : i32
    %barrier3A_39 = arith.constant 0 : index
    tpu.barrier barrier_id(%barrier3A_39)
    %mul3A_40 = arith.constant 640 : i32
    %mul3A_41 = arith.muli %arg1, %mul3A_40 : i32
    %add3A_42 = arith.constant 0 : i32
    %add3A_43 = arith.addi %mul3A_41, %add3A_42 : i32
    "tpu.region"() ({
      %run_scoped3A = tpu.sem_alloc : memref<!tpu.dma_semaphore, #tpu.memory_space<semaphore_mem>>
      %dma_start3A = arith.constant 0 : i32
      %dma_start3A_75 = tpu.memref_slice %arg10[%add3A_43, %dma_start3A] : memref<10240x128xf32, #tpu.memory_space<vmem_shared>> -> memref<128x128xf32, #tpu.memory_space<vmem_shared>>
      %dma_start3A_76 = arith.constant 0 : i32
      %dma_start3A_77 = tpu.memref_slice %arg10[%add3A_43, %dma_start3A_76] : memref<10240x128xf32, #tpu.memory_space<vmem_shared>> -> memref<128x128xf32, #tpu.memory_space<vmem_shared>>
      tpu.enqueue_dma source(%dma_start3A_77 : memref<128x128xf32, #tpu.memory_space<vmem_shared>>) target(%arg6 : memref<128x128xf32, #tpu.memory_space<vmem>>) target_semaphore(%run_scoped3A : memref<!tpu.dma_semaphore, #tpu.memory_space<semaphore_mem>>)
      %dma_wait3A = arith.constant 0 : i32
      %dma_wait3A_78 = tpu.memref_slice %arg10[%add3A_43, %dma_wait3A] : memref<10240x128xf32, #tpu.memory_space<vmem_shared>> -> memref<128x128xf32, #tpu.memory_space<vmem_shared>>
      %dma_wait3A_79 = arith.constant 0 : i32
      %dma_wait3A_80 = tpu.memref_slice %arg10[%add3A_43, %dma_wait3A_79] : memref<10240x128xf32, #tpu.memory_space<vmem_shared>> -> memref<128x128xf32, #tpu.memory_space<vmem_shared>>
      tpu.wait_dma2 semaphore(%run_scoped3A : memref<!tpu.dma_semaphore, #tpu.memory_space<semaphore_mem>>) src(%dma_wait3A_80 : memref<128x128xf32, #tpu.memory_space<vmem_shared>>) dst(%arg6 : memref<128x128xf32, #tpu.memory_space<vmem>>)
      tpu.yield
    }) : () -> ()
    %mul3A_44 = arith.constant 10240 : i32
    %mul3A_45 = arith.muli %arg0, %mul3A_44 : i32
    %add3A_46 = arith.addi %mul3A_45, %add3A_43 : i32
    "tpu.region"() ({
      %run_scoped3A = tpu.sem_alloc : memref<!tpu.dma_semaphore, #tpu.memory_space<semaphore_mem>>
      %dma_start3A = arith.constant 0 : i32
      %dma_start3A_75 = tpu.memref_slice %arg5[%add3A_46, %dma_start3A] : memref<20480x128xf32, #tpu.memory_space<hbm>> -> memref<128x128xf32, #tpu.memory_space<hbm>>
      %dma_start3A_76 = arith.constant 0 : i32
      %dma_start3A_77 = tpu.memref_slice %arg5[%add3A_46, %dma_start3A_76] : memref<20480x128xf32, #tpu.memory_space<hbm>> -> memref<128x128xf32, #tpu.memory_space<hbm>>
      tpu.enqueue_dma source(%arg6 : memref<128x128xf32, #tpu.memory_space<vmem>>) target(%dma_start3A_77 : memref<128x128xf32, #tpu.memory_space<hbm>>) target_semaphore(%run_scoped3A : memref<!tpu.dma_semaphore, #tpu.memory_space<semaphore_mem>>)
      %dma_wait3A = arith.constant 0 : i32
      %dma_wait3A_78 = tpu.memref_slice %arg5[%add3A_46, %dma_wait3A] : memref<20480x128xf32, #tpu.memory_space<hbm>> -> memref<128x128xf32, #tpu.memory_space<hbm>>
      %dma_wait3A_79 = arith.constant 0 : i32
      %dma_wait3A_80 = tpu.memref_slice %arg5[%add3A_46, %dma_wait3A_79] : memref<20480x128xf32, #tpu.memory_space<hbm>> -> memref<128x128xf32, #tpu.memory_space<hbm>>
      tpu.wait_dma2 semaphore(%run_scoped3A : memref<!tpu.dma_semaphore, #tpu.memory_space<semaphore_mem>>) src(%arg6 : memref<128x128xf32, #tpu.memory_space<vmem>>) dst(%dma_wait3A_80 : memref<128x128xf32, #tpu.memory_space<hbm>>)
      tpu.yield
    }) : () -> ()
    %mul3A_47 = arith.constant 640 : i32
    %mul3A_48 = arith.muli %arg1, %mul3A_47 : i32
    %add3A_49 = arith.constant 128 : i32
    %add3A_50 = arith.addi %mul3A_48, %add3A_49 : i32
    "tpu.region"() ({
      %run_scoped3A = tpu.sem_alloc : memref<!tpu.dma_semaphore, #tpu.memory_space<semaphore_mem>>
      %dma_start3A = arith.constant 0 : i32
      %dma_start3A_75 = tpu.memref_slice %arg10[%add3A_50, %dma_start3A] : memref<10240x128xf32, #tpu.memory_space<vmem_shared>> -> memref<128x128xf32, #tpu.memory_space<vmem_shared>>
      %dma_start3A_76 = arith.constant 0 : i32
      %dma_start3A_77 = tpu.memref_slice %arg10[%add3A_50, %dma_start3A_76] : memref<10240x128xf32, #tpu.memory_space<vmem_shared>> -> memref<128x128xf32, #tpu.memory_space<vmem_shared>>
      tpu.enqueue_dma source(%dma_start3A_77 : memref<128x128xf32, #tpu.memory_space<vmem_shared>>) target(%arg6 : memref<128x128xf32, #tpu.memory_space<vmem>>) target_semaphore(%run_scoped3A : memref<!tpu.dma_semaphore, #tpu.memory_space<semaphore_mem>>)
      %dma_wait3A = arith.constant 0 : i32
      %dma_wait3A_78 = tpu.memref_slice %arg10[%add3A_50, %dma_wait3A] : memref<10240x128xf32, #tpu.memory_space<vmem_shared>> -> memref<128x128xf32, #tpu.memory_space<vmem_shared>>
      %dma_wait3A_79 = arith.constant 0 : i32
      %dma_wait3A_80 = tpu.memref_slice %arg10[%add3A_50, %dma_wait3A_79] : memref<10240x128xf32, #tpu.memory_space<vmem_shared>> -> memref<128x128xf32, #tpu.memory_space<vmem_shared>>
      tpu.wait_dma2 semaphore(%run_scoped3A : memref<!tpu.dma_semaphore, #tpu.memory_space<semaphore_mem>>) src(%dma_wait3A_80 : memref<128x128xf32, #tpu.memory_space<vmem_shared>>) dst(%arg6 : memref<128x128xf32, #tpu.memory_space<vmem>>)
      tpu.yield
    }) : () -> ()
    %mul3A_51 = arith.constant 10240 : i32
    %mul3A_52 = arith.muli %arg0, %mul3A_51 : i32
    %add3A_53 = arith.addi %mul3A_52, %add3A_50 : i32
    "tpu.region"() ({
      %run_scoped3A = tpu.sem_alloc : memref<!tpu.dma_semaphore, #tpu.memory_space<semaphore_mem>>
      %dma_start3A = arith.constant 0 : i32
      %dma_start3A_75 = tpu.memref_slice %arg5[%add3A_53, %dma_start3A] : memref<20480x128xf32, #tpu.memory_space<hbm>> -> memref<128x128xf32, #tpu.memory_space<hbm>>
      %dma_start3A_76 = arith.constant 0 : i32
      %dma_start3A_77 = tpu.memref_slice %arg5[%add3A_53, %dma_start3A_76] : memref<20480x128xf32, #tpu.memory_space<hbm>> -> memref<128x128xf32, #tpu.memory_space<hbm>>
      tpu.enqueue_dma source(%arg6 : memref<128x128xf32, #tpu.memory_space<vmem>>) target(%dma_start3A_77 : memref<128x128xf32, #tpu.memory_space<hbm>>) target_semaphore(%run_scoped3A : memref<!tpu.dma_semaphore, #tpu.memory_space<semaphore_mem>>)
      %dma_wait3A = arith.constant 0 : i32
      %dma_wait3A_78 = tpu.memref_slice %arg5[%add3A_53, %dma_wait3A] : memref<20480x128xf32, #tpu.memory_space<hbm>> -> memref<128x128xf32, #tpu.memory_space<hbm>>
      %dma_wait3A_79 = arith.constant 0 : i32
      %dma_wait3A_80 = tpu.memref_slice %arg5[%add3A_53, %dma_wait3A_79] : memref<20480x128xf32, #tpu.memory_space<hbm>> -> memref<128x128xf32, #tpu.memory_space<hbm>>
      tpu.wait_dma2 semaphore(%run_scoped3A : memref<!tpu.dma_semaphore, #tpu.memory_space<semaphore_mem>>) src(%arg6 : memref<128x128xf32, #tpu.memory_space<vmem>>) dst(%dma_wait3A_80 : memref<128x128xf32, #tpu.memory_space<hbm>>)
      tpu.yield
    }) : () -> ()
    %mul3A_54 = arith.constant 640 : i32
    %mul3A_55 = arith.muli %arg1, %mul3A_54 : i32
    %add3A_56 = arith.constant 256 : i32
    %add3A_57 = arith.addi %mul3A_55, %add3A_56 : i32
    "tpu.region"() ({
      %run_scoped3A = tpu.sem_alloc : memref<!tpu.dma_semaphore, #tpu.memory_space<semaphore_mem>>
      %dma_start3A = arith.constant 0 : i32
      %dma_start3A_75 = tpu.memref_slice %arg10[%add3A_57, %dma_start3A] : memref<10240x128xf32, #tpu.memory_space<vmem_shared>> -> memref<128x128xf32, #tpu.memory_space<vmem_shared>>
      %dma_start3A_76 = arith.constant 0 : i32
      %dma_start3A_77 = tpu.memref_slice %arg10[%add3A_57, %dma_start3A_76] : memref<10240x128xf32, #tpu.memory_space<vmem_shared>> -> memref<128x128xf32, #tpu.memory_space<vmem_shared>>
      tpu.enqueue_dma source(%dma_start3A_77 : memref<128x128xf32, #tpu.memory_space<vmem_shared>>) target(%arg6 : memref<128x128xf32, #tpu.memory_space<vmem>>) target_semaphore(%run_scoped3A : memref<!tpu.dma_semaphore, #tpu.memory_space<semaphore_mem>>)
      %dma_wait3A = arith.constant 0 : i32
      %dma_wait3A_78 = tpu.memref_slice %arg10[%add3A_57, %dma_wait3A] : memref<10240x128xf32, #tpu.memory_space<vmem_shared>> -> memref<128x128xf32, #tpu.memory_space<vmem_shared>>
      %dma_wait3A_79 = arith.constant 0 : i32
      %dma_wait3A_80 = tpu.memref_slice %arg10[%add3A_57, %dma_wait3A_79] : memref<10240x128xf32, #tpu.memory_space<vmem_shared>> -> memref<128x128xf32, #tpu.memory_space<vmem_shared>>
      tpu.wait_dma2 semaphore(%run_scoped3A : memref<!tpu.dma_semaphore, #tpu.memory_space<semaphore_mem>>) src(%dma_wait3A_80 : memref<128x128xf32, #tpu.memory_space<vmem_shared>>) dst(%arg6 : memref<128x128xf32, #tpu.memory_space<vmem>>)
      tpu.yield
    }) : () -> ()
    %mul3A_58 = arith.constant 10240 : i32
    %mul3A_59 = arith.muli %arg0, %mul3A_58 : i32
    %add3A_60 = arith.addi %mul3A_59, %add3A_57 : i32
    "tpu.region"() ({
      %run_scoped3A = tpu.sem_alloc : memref<!tpu.dma_semaphore, #tpu.memory_space<semaphore_mem>>
      %dma_start3A = arith.constant 0 : i32
      %dma_start3A_75 = tpu.memref_slice %arg5[%add3A_60, %dma_start3A] : memref<20480x128xf32, #tpu.memory_space<hbm>> -> memref<128x128xf32, #tpu.memory_space<hbm>>
      %dma_start3A_76 = arith.constant 0 : i32
      %dma_start3A_77 = tpu.memref_slice %arg5[%add3A_60, %dma_start3A_76] : memref<20480x128xf32, #tpu.memory_space<hbm>> -> memref<128x128xf32, #tpu.memory_space<hbm>>
      tpu.enqueue_dma source(%arg6 : memref<128x128xf32, #tpu.memory_space<vmem>>) target(%dma_start3A_77 : memref<128x128xf32, #tpu.memory_space<hbm>>) target_semaphore(%run_scoped3A : memref<!tpu.dma_semaphore, #tpu.memory_space<semaphore_mem>>)
      %dma_wait3A = arith.constant 0 : i32
      %dma_wait3A_78 = tpu.memref_slice %arg5[%add3A_60, %dma_wait3A] : memref<20480x128xf32, #tpu.memory_space<hbm>> -> memref<128x128xf32, #tpu.memory_space<hbm>>
      %dma_wait3A_79 = arith.constant 0 : i32
      %dma_wait3A_80 = tpu.memref_slice %arg5[%add3A_60, %dma_wait3A_79] : memref<20480x128xf32, #tpu.memory_space<hbm>> -> memref<128x128xf32, #tpu.memory_space<hbm>>
      tpu.wait_dma2 semaphore(%run_scoped3A : memref<!tpu.dma_semaphore, #tpu.memory_space<semaphore_mem>>) src(%arg6 : memref<128x128xf32, #tpu.memory_space<vmem>>) dst(%dma_wait3A_80 : memref<128x128xf32, #tpu.memory_space<hbm>>)
      tpu.yield
    }) : () -> ()
    %mul3A_61 = arith.constant 640 : i32
    %mul3A_62 = arith.muli %arg1, %mul3A_61 : i32
    %add3A_63 = arith.constant 384 : i32
    %add3A_64 = arith.addi %mul3A_62, %add3A_63 : i32
    "tpu.region"() ({
      %run_scoped3A = tpu.sem_alloc : memref<!tpu.dma_semaphore, #tpu.memory_space<semaphore_mem>>
      %dma_start3A = arith.constant 0 : i32
      %dma_start3A_75 = tpu.memref_slice %arg10[%add3A_64, %dma_start3A] : memref<10240x128xf32, #tpu.memory_space<vmem_shared>> -> memref<128x128xf32, #tpu.memory_space<vmem_shared>>
      %dma_start3A_76 = arith.constant 0 : i32
      %dma_start3A_77 = tpu.memref_slice %arg10[%add3A_64, %dma_start3A_76] : memref<10240x128xf32, #tpu.memory_space<vmem_shared>> -> memref<128x128xf32, #tpu.memory_space<vmem_shared>>
      tpu.enqueue_dma source(%dma_start3A_77 : memref<128x128xf32, #tpu.memory_space<vmem_shared>>) target(%arg6 : memref<128x128xf32, #tpu.memory_space<vmem>>) target_semaphore(%run_scoped3A : memref<!tpu.dma_semaphore, #tpu.memory_space<semaphore_mem>>)
      %dma_wait3A = arith.constant 0 : i32
      %dma_wait3A_78 = tpu.memref_slice %arg10[%add3A_64, %dma_wait3A] : memref<10240x128xf32, #tpu.memory_space<vmem_shared>> -> memref<128x128xf32, #tpu.memory_space<vmem_shared>>
      %dma_wait3A_79 = arith.constant 0 : i32
      %dma_wait3A_80 = tpu.memref_slice %arg10[%add3A_64, %dma_wait3A_79] : memref<10240x128xf32, #tpu.memory_space<vmem_shared>> -> memref<128x128xf32, #tpu.memory_space<vmem_shared>>
      tpu.wait_dma2 semaphore(%run_scoped3A : memref<!tpu.dma_semaphore, #tpu.memory_space<semaphore_mem>>) src(%dma_wait3A_80 : memref<128x128xf32, #tpu.memory_space<vmem_shared>>) dst(%arg6 : memref<128x128xf32, #tpu.memory_space<vmem>>)
      tpu.yield
    }) : () -> ()
    %mul3A_65 = arith.constant 10240 : i32
    %mul3A_66 = arith.muli %arg0, %mul3A_65 : i32
    %add3A_67 = arith.addi %mul3A_66, %add3A_64 : i32
    "tpu.region"() ({
      %run_scoped3A = tpu.sem_alloc : memref<!tpu.dma_semaphore, #tpu.memory_space<semaphore_mem>>
      %dma_start3A = arith.constant 0 : i32
      %dma_start3A_75 = tpu.memref_slice %arg5[%add3A_67, %dma_start3A] : memref<20480x128xf32, #tpu.memory_space<hbm>> -> memref<128x128xf32, #tpu.memory_space<hbm>>
      %dma_start3A_76 = arith.constant 0 : i32
      %dma_start3A_77 = tpu.memref_slice %arg5[%add3A_67, %dma_start3A_76] : memref<20480x128xf32, #tpu.memory_space<hbm>> -> memref<128x128xf32, #tpu.memory_space<hbm>>
      tpu.enqueue_dma source(%arg6 : memref<128x128xf32, #tpu.memory_space<vmem>>) target(%dma_start3A_77 : memref<128x128xf32, #tpu.memory_space<hbm>>) target_semaphore(%run_scoped3A : memref<!tpu.dma_semaphore, #tpu.memory_space<semaphore_mem>>)
      %dma_wait3A = arith.constant 0 : i32
      %dma_wait3A_78 = tpu.memref_slice %arg5[%add3A_67, %dma_wait3A] : memref<20480x128xf32, #tpu.memory_space<hbm>> -> memref<128x128xf32, #tpu.memory_space<hbm>>
      %dma_wait3A_79 = arith.constant 0 : i32
      %dma_wait3A_80 = tpu.memref_slice %arg5[%add3A_67, %dma_wait3A_79] : memref<20480x128xf32, #tpu.memory_space<hbm>> -> memref<128x128xf32, #tpu.memory_space<hbm>>
      tpu.wait_dma2 semaphore(%run_scoped3A : memref<!tpu.dma_semaphore, #tpu.memory_space<semaphore_mem>>) src(%arg6 : memref<128x128xf32, #tpu.memory_space<vmem>>) dst(%dma_wait3A_80 : memref<128x128xf32, #tpu.memory_space<hbm>>)
      tpu.yield
    }) : () -> ()
    %mul3A_68 = arith.constant 640 : i32
    %mul3A_69 = arith.muli %arg1, %mul3A_68 : i32
    %add3A_70 = arith.constant 512 : i32
    %add3A_71 = arith.addi %mul3A_69, %add3A_70 : i32
    "tpu.region"() ({
      %run_scoped3A = tpu.sem_alloc : memref<!tpu.dma_semaphore, #tpu.memory_space<semaphore_mem>>
      %dma_start3A = arith.constant 0 : i32
      %dma_start3A_75 = tpu.memref_slice %arg10[%add3A_71, %dma_start3A] : memref<10240x128xf32, #tpu.memory_space<vmem_shared>> -> memref<128x128xf32, #tpu.memory_space<vmem_shared>>
      %dma_start3A_76 = arith.constant 0 : i32
      %dma_start3A_77 = tpu.memref_slice %arg10[%add3A_71, %dma_start3A_76] : memref<10240x128xf32, #tpu.memory_space<vmem_shared>> -> memref<128x128xf32, #tpu.memory_space<vmem_shared>>
      tpu.enqueue_dma source(%dma_start3A_77 : memref<128x128xf32, #tpu.memory_space<vmem_shared>>) target(%arg6 : memref<128x128xf32, #tpu.memory_space<vmem>>) target_semaphore(%run_scoped3A : memref<!tpu.dma_semaphore, #tpu.memory_space<semaphore_mem>>)
      %dma_wait3A = arith.constant 0 : i32
      %dma_wait3A_78 = tpu.memref_slice %arg10[%add3A_71, %dma_wait3A] : memref<10240x128xf32, #tpu.memory_space<vmem_shared>> -> memref<128x128xf32, #tpu.memory_space<vmem_shared>>
      %dma_wait3A_79 = arith.constant 0 : i32
      %dma_wait3A_80 = tpu.memref_slice %arg10[%add3A_71, %dma_wait3A_79] : memref<10240x128xf32, #tpu.memory_space<vmem_shared>> -> memref<128x128xf32, #tpu.memory_space<vmem_shared>>
      tpu.wait_dma2 semaphore(%run_scoped3A : memref<!tpu.dma_semaphore, #tpu.memory_space<semaphore_mem>>) src(%dma_wait3A_80 : memref<128x128xf32, #tpu.memory_space<vmem_shared>>) dst(%arg6 : memref<128x128xf32, #tpu.memory_space<vmem>>)
      tpu.yield
    }) : () -> ()
    %mul3A_72 = arith.constant 10240 : i32
    %mul3A_73 = arith.muli %arg0, %mul3A_72 : i32
    %add3A_74 = arith.addi %mul3A_73, %add3A_71 : i32
    "tpu.region"() ({
      %run_scoped3A = tpu.sem_alloc : memref<!tpu.dma_semaphore, #tpu.memory_space<semaphore_mem>>
      %dma_start3A = arith.constant 0 : i32
      %dma_start3A_75 = tpu.memref_slice %arg5[%add3A_74, %dma_start3A] : memref<20480x128xf32, #tpu.memory_space<hbm>> -> memref<128x128xf32, #tpu.memory_space<hbm>>
      %dma_start3A_76 = arith.constant 0 : i32
      %dma_start3A_77 = tpu.memref_slice %arg5[%add3A_74, %dma_start3A_76] : memref<20480x128xf32, #tpu.memory_space<hbm>> -> memref<128x128xf32, #tpu.memory_space<hbm>>
      tpu.enqueue_dma source(%arg6 : memref<128x128xf32, #tpu.memory_space<vmem>>) target(%dma_start3A_77 : memref<128x128xf32, #tpu.memory_space<hbm>>) target_semaphore(%run_scoped3A : memref<!tpu.dma_semaphore, #tpu.memory_space<semaphore_mem>>)
      %dma_wait3A = arith.constant 0 : i32
      %dma_wait3A_78 = tpu.memref_slice %arg5[%add3A_74, %dma_wait3A] : memref<20480x128xf32, #tpu.memory_space<hbm>> -> memref<128x128xf32, #tpu.memory_space<hbm>>
      %dma_wait3A_79 = arith.constant 0 : i32
      %dma_wait3A_80 = tpu.memref_slice %arg5[%add3A_74, %dma_wait3A_79] : memref<20480x128xf32, #tpu.memory_space<hbm>> -> memref<128x128xf32, #tpu.memory_space<hbm>>
      tpu.wait_dma2 semaphore(%run_scoped3A : memref<!tpu.dma_semaphore, #tpu.memory_space<semaphore_mem>>) src(%arg6 : memref<128x128xf32, #tpu.memory_space<vmem>>) dst(%dma_wait3A_80 : memref<128x128xf32, #tpu.memory_space<hbm>>)
      tpu.yield
    }) : () -> ()
    return
  }
}

#map = affine_map<(d0, d1) -> (0, 0)>
#map1 = affine_map<(d0, d1) -> (0)>
module attributes {stable_mosaic.version = 14 : i64} {
  func.func @s_kernel(%arg0: i32, %arg1: i32, %arg2: memref<10240x128xf32, #tpu.memory_space<hbm>>, %arg3: memref<323584xi32, #tpu.memory_space<hbm>>, %arg4: memref<323584xi32, #tpu.memory_space<hbm>>, %arg5: memref<20480x128xf32, #tpu.memory_space<hbm>>, %arg6: memref<128x128xf32, #tpu.memory_space<vmem>>, %arg7: memref<128xi32, #tpu.memory_space<vmem>>, %arg8: memref<128xi32, #tpu.memory_space<vmem>>, %arg9: memref<!tpu.dma_semaphore, #tpu.memory_space<semaphore_mem>>, %arg10: memref<10240x128xf32, #tpu.memory_space<vmem_shared>>) attributes {dimension_semantics = [#tpu.dimension_semantics<core_parallel>, #tpu.dimension_semantics<subcore_parallel>], iteration_bounds = array<i64: 2, 16>, scalar_prefetch = 0 : i64, scratch_operands = 5 : i64, tpu.core_type = #tpu.core_type<sc_vector_subcore>, window_params = [{transform_indices = #map}, {transform_indices = #map1}, {transform_indices = #map1}, {transform_indices = #map}]} {
    %mul3A = arith.constant 2 : i32
    %mul3A_0 = arith.muli %arg1, %mul3A : i32
    %add3A = arith.addi %mul3A_0, %arg0 : i32
    %broadcast_in_dim3A = arith.constant 0.000000e+00 : f32
    %broadcast_in_dim3A_1 = vector.broadcast %broadcast_in_dim3A : f32 to vector<16xf32>
    %scan3A = arith.constant 0 : i32
    %scan3A_2 = arith.constant 0 : i32
    %scan3A_3 = arith.constant 128 : i32
    %scan3A_4 = arith.addi %scan3A_2, %scan3A_3 : i32
    %scan3A_5 = arith.constant 1 : i32
    scf.for %scan3A_75 = %scan3A_2 to %scan3A_4 step %scan3A_5  : i32 {
      %swap3A = arith.index_cast %scan3A_75 : i32 to index
      %swap3A_76 = arith.constant 0 : index
      %swap3A_77 = tpu.vector_load %arg6[%swap3A, %swap3A_76] {strides = array<i32>} : memref<128x128xf32, #tpu.memory_space<vmem>>, vector<1x16xf32>,
      %swap3A_78 = vector.shape_cast %swap3A_77 : vector<1x16xf32> to vector<16xf32>
      %swap3A_79 = vector.shape_cast %broadcast_in_dim3A_1 : vector<16xf32> to vector<1x16xf32>
      tpu.vector_store %arg6[%swap3A, %swap3A_76], %swap3A_79 {strides = array<i32>} : memref<128x128xf32, #tpu.memory_space<vmem>>, vector<1x16xf32>,
      %swap3A_80 = arith.index_cast %scan3A_75 : i32 to index
      %swap3A_81 = arith.constant 16 : index
      %swap3A_82 = tpu.vector_load %arg6[%swap3A_80, %swap3A_81] {strides = array<i32>} : memref<128x128xf32, #tpu.memory_space<vmem>>, vector<1x16xf32>,
      %swap3A_83 = vector.shape_cast %swap3A_82 : vector<1x16xf32> to vector<16xf32>
      %swap3A_84 = vector.shape_cast %broadcast_in_dim3A_1 : vector<16xf32> to vector<1x16xf32>
      tpu.vector_store %arg6[%swap3A_80, %swap3A_81], %swap3A_84 {strides = array<i32>} : memref<128x128xf32, #tpu.memory_space<vmem>>, vector<1x16xf32>,
      %swap3A_85 = arith.index_cast %scan3A_75 : i32 to index
      %swap3A_86 = arith.constant 32 : index
      %swap3A_87 = tpu.vector_load %arg6[%swap3A_85, %swap3A_86] {strides = array<i32>} : memref<128x128xf32, #tpu.memory_space<vmem>>, vector<1x16xf32>,
      %swap3A_88 = vector.shape_cast %swap3A_87 : vector<1x16xf32> to vector<16xf32>
      %swap3A_89 = vector.shape_cast %broadcast_in_dim3A_1 : vector<16xf32> to vector<1x16xf32>
      tpu.vector_store %arg6[%swap3A_85, %swap3A_86], %swap3A_89 {strides = array<i32>} : memref<128x128xf32, #tpu.memory_space<vmem>>, vector<1x16xf32>,
      %swap3A_90 = arith.index_cast %scan3A_75 : i32 to index
      %swap3A_91 = arith.constant 48 : index
      %swap3A_92 = tpu.vector_load %arg6[%swap3A_90, %swap3A_91] {strides = array<i32>} : memref<128x128xf32, #tpu.memory_space<vmem>>, vector<1x16xf32>,
      %swap3A_93 = vector.shape_cast %swap3A_92 : vector<1x16xf32> to vector<16xf32>
      %swap3A_94 = vector.shape_cast %broadcast_in_dim3A_1 : vector<16xf32> to vector<1x16xf32>
      tpu.vector_store %arg6[%swap3A_90, %swap3A_91], %swap3A_94 {strides = array<i32>} : memref<128x128xf32, #tpu.memory_space<vmem>>, vector<1x16xf32>,
      %swap3A_95 = arith.index_cast %scan3A_75 : i32 to index
      %swap3A_96 = arith.constant 64 : index
      %swap3A_97 = tpu.vector_load %arg6[%swap3A_95, %swap3A_96] {strides = array<i32>} : memref<128x128xf32, #tpu.memory_space<vmem>>, vector<1x16xf32>,
      %swap3A_98 = vector.shape_cast %swap3A_97 : vector<1x16xf32> to vector<16xf32>
      %swap3A_99 = vector.shape_cast %broadcast_in_dim3A_1 : vector<16xf32> to vector<1x16xf32>
      tpu.vector_store %arg6[%swap3A_95, %swap3A_96], %swap3A_99 {strides = array<i32>} : memref<128x128xf32, #tpu.memory_space<vmem>>, vector<1x16xf32>,
      %swap3A_100 = arith.index_cast %scan3A_75 : i32 to index
      %swap3A_101 = arith.constant 80 : index
      %swap3A_102 = tpu.vector_load %arg6[%swap3A_100, %swap3A_101] {strides = array<i32>} : memref<128x128xf32, #tpu.memory_space<vmem>>, vector<1x16xf32>,
      %swap3A_103 = vector.shape_cast %swap3A_102 : vector<1x16xf32> to vector<16xf32>
      %swap3A_104 = vector.shape_cast %broadcast_in_dim3A_1 : vector<16xf32> to vector<1x16xf32>
      tpu.vector_store %arg6[%swap3A_100, %swap3A_101], %swap3A_104 {strides = array<i32>} : memref<128x128xf32, #tpu.memory_space<vmem>>, vector<1x16xf32>,
      %swap3A_105 = arith.index_cast %scan3A_75 : i32 to index
      %swap3A_106 = arith.constant 96 : index
      %swap3A_107 = tpu.vector_load %arg6[%swap3A_105, %swap3A_106] {strides = array<i32>} : memref<128x128xf32, #tpu.memory_space<vmem>>, vector<1x16xf32>,
      %swap3A_108 = vector.shape_cast %swap3A_107 : vector<1x16xf32> to vector<16xf32>
      %swap3A_109 = vector.shape_cast %broadcast_in_dim3A_1 : vector<16xf32> to vector<1x16xf32>
      tpu.vector_store %arg6[%swap3A_105, %swap3A_106], %swap3A_109 {strides = array<i32>} : memref<128x128xf32, #tpu.memory_space<vmem>>, vector<1x16xf32>,
      %swap3A_110 = arith.index_cast %scan3A_75 : i32 to index
      %swap3A_111 = arith.constant 112 : index
      %swap3A_112 = tpu.vector_load %arg6[%swap3A_110, %swap3A_111] {strides = array<i32>} : memref<128x128xf32, #tpu.memory_space<vmem>>, vector<1x16xf32>,
      %swap3A_113 = vector.shape_cast %swap3A_112 : vector<1x16xf32> to vector<16xf32>
      %swap3A_114 = vector.shape_cast %broadcast_in_dim3A_1 : vector<16xf32> to vector<1x16xf32>
      tpu.vector_store %arg6[%swap3A_110, %swap3A_111], %swap3A_114 {strides = array<i32>} : memref<128x128xf32, #tpu.memory_space<vmem>>, vector<1x16xf32>,
    }
    %scan3A_6 = arith.constant 128 : i32
    %mul3A_7 = arith.constant 640 : i32
    %mul3A_8 = arith.muli %arg1, %mul3A_7 : i32
    %add3A_9 = arith.constant 0 : i32
    %add3A_10 = arith.addi %mul3A_8, %add3A_9 : i32
    "tpu.region"() ({
      %run_scoped3A = tpu.sem_alloc : memref<!tpu.dma_semaphore, #tpu.memory_space<semaphore_mem>>
      %dma_start3A = arith.constant 0 : i32
      %dma_start3A_75 = tpu.memref_slice %arg10[%add3A_10, %dma_start3A] : memref<10240x128xf32, #tpu.memory_space<vmem_shared>> -> memref<128x128xf32, #tpu.memory_space<vmem_shared>>
      %dma_start3A_76 = arith.constant 0 : i32
      %dma_start3A_77 = tpu.memref_slice %arg10[%add3A_10, %dma_start3A_76] : memref<10240x128xf32, #tpu.memory_space<vmem_shared>> -> memref<128x128xf32, #tpu.memory_space<vmem_shared>>
      tpu.enqueue_dma source(%arg6 : memref<128x128xf32, #tpu.memory_space<vmem>>) target(%dma_start3A_77 : memref<128x128xf32, #tpu.memory_space<vmem_shared>>) target_semaphore(%run_scoped3A : memref<!tpu.dma_semaphore, #tpu.memory_space<semaphore_mem>>)
      %dma_wait3A = arith.constant 0 : i32
      %dma_wait3A_78 = tpu.memref_slice %arg10[%add3A_10, %dma_wait3A] : memref<10240x128xf32, #tpu.memory_space<vmem_shared>> -> memref<128x128xf32, #tpu.memory_space<vmem_shared>>
      %dma_wait3A_79 = arith.constant 0 : i32
      %dma_wait3A_80 = tpu.memref_slice %arg10[%add3A_10, %dma_wait3A_79] : memref<10240x128xf32, #tpu.memory_space<vmem_shared>> -> memref<128x128xf32, #tpu.memory_space<vmem_shared>>
      tpu.wait_dma2 semaphore(%run_scoped3A : memref<!tpu.dma_semaphore, #tpu.memory_space<semaphore_mem>>) src(%arg6 : memref<128x128xf32, #tpu.memory_space<vmem>>) dst(%dma_wait3A_80 : memref<128x128xf32, #tpu.memory_space<vmem_shared>>)
      tpu.yield
    }) : () -> ()
    %mul3A_11 = arith.constant 640 : i32
    %mul3A_12 = arith.muli %arg1, %mul3A_11 : i32
    %add3A_13 = arith.constant 128 : i32
    %add3A_14 = arith.addi %mul3A_12, %add3A_13 : i32
    "tpu.region"() ({
      %run_scoped3A = tpu.sem_alloc : memref<!tpu.dma_semaphore, #tpu.memory_space<semaphore_mem>>
      %dma_start3A = arith.constant 0 : i32
      %dma_start3A_75 = tpu.memref_slice %arg10[%add3A_14, %dma_start3A] : memref<10240x128xf32, #tpu.memory_space<vmem_shared>> -> memref<128x128xf32, #tpu.memory_space<vmem_shared>>
      %dma_start3A_76 = arith.constant 0 : i32
      %dma_start3A_77 = tpu.memref_slice %arg10[%add3A_14, %dma_start3A_76] : memref<10240x128xf32, #tpu.memory_space<vmem_shared>> -> memref<128x128xf32, #tpu.memory_space<vmem_shared>>
      tpu.enqueue_dma source(%arg6 : memref<128x128xf32, #tpu.memory_space<vmem>>) target(%dma_start3A_77 : memref<128x128xf32, #tpu.memory_space<vmem_shared>>) target_semaphore(%run_scoped3A : memref<!tpu.dma_semaphore, #tpu.memory_space<semaphore_mem>>)
      %dma_wait3A = arith.constant 0 : i32
      %dma_wait3A_78 = tpu.memref_slice %arg10[%add3A_14, %dma_wait3A] : memref<10240x128xf32, #tpu.memory_space<vmem_shared>> -> memref<128x128xf32, #tpu.memory_space<vmem_shared>>
      %dma_wait3A_79 = arith.constant 0 : i32
      %dma_wait3A_80 = tpu.memref_slice %arg10[%add3A_14, %dma_wait3A_79] : memref<10240x128xf32, #tpu.memory_space<vmem_shared>> -> memref<128x128xf32, #tpu.memory_space<vmem_shared>>
      tpu.wait_dma2 semaphore(%run_scoped3A : memref<!tpu.dma_semaphore, #tpu.memory_space<semaphore_mem>>) src(%arg6 : memref<128x128xf32, #tpu.memory_space<vmem>>) dst(%dma_wait3A_80 : memref<128x128xf32, #tpu.memory_space<vmem_shared>>)
      tpu.yield
    }) : () -> ()
    %mul3A_15 = arith.constant 640 : i32
    %mul3A_16 = arith.muli %arg1, %mul3A_15 : i32
    %add3A_17 = arith.constant 256 : i32
    %add3A_18 = arith.addi %mul3A_16, %add3A_17 : i32
    "tpu.region"() ({
      %run_scoped3A = tpu.sem_alloc : memref<!tpu.dma_semaphore, #tpu.memory_space<semaphore_mem>>
      %dma_start3A = arith.constant 0 : i32
      %dma_start3A_75 = tpu.memref_slice %arg10[%add3A_18, %dma_start3A] : memref<10240x128xf32, #tpu.memory_space<vmem_shared>> -> memref<128x128xf32, #tpu.memory_space<vmem_shared>>
      %dma_start3A_76 = arith.constant 0 : i32
      %dma_start3A_77 = tpu.memref_slice %arg10[%add3A_18, %dma_start3A_76] : memref<10240x128xf32, #tpu.memory_space<vmem_shared>> -> memref<128x128xf32, #tpu.memory_space<vmem_shared>>
      tpu.enqueue_dma source(%arg6 : memref<128x128xf32, #tpu.memory_space<vmem>>) target(%dma_start3A_77 : memref<128x128xf32, #tpu.memory_space<vmem_shared>>) target_semaphore(%run_scoped3A : memref<!tpu.dma_semaphore, #tpu.memory_space<semaphore_mem>>)
      %dma_wait3A = arith.constant 0 : i32
      %dma_wait3A_78 = tpu.memref_slice %arg10[%add3A_18, %dma_wait3A] : memref<10240x128xf32, #tpu.memory_space<vmem_shared>> -> memref<128x128xf32, #tpu.memory_space<vmem_shared>>
      %dma_wait3A_79 = arith.constant 0 : i32
      %dma_wait3A_80 = tpu.memref_slice %arg10[%add3A_18, %dma_wait3A_79] : memref<10240x128xf32, #tpu.memory_space<vmem_shared>> -> memref<128x128xf32, #tpu.memory_space<vmem_shared>>
      tpu.wait_dma2 semaphore(%run_scoped3A : memref<!tpu.dma_semaphore, #tpu.memory_space<semaphore_mem>>) src(%arg6 : memref<128x128xf32, #tpu.memory_space<vmem>>) dst(%dma_wait3A_80 : memref<128x128xf32, #tpu.memory_space<vmem_shared>>)
      tpu.yield
    }) : () -> ()
    %mul3A_19 = arith.constant 640 : i32
    %mul3A_20 = arith.muli %arg1, %mul3A_19 : i32
    %add3A_21 = arith.constant 384 : i32
    %add3A_22 = arith.addi %mul3A_20, %add3A_21 : i32
    "tpu.region"() ({
      %run_scoped3A = tpu.sem_alloc : memref<!tpu.dma_semaphore, #tpu.memory_space<semaphore_mem>>
      %dma_start3A = arith.constant 0 : i32
      %dma_start3A_75 = tpu.memref_slice %arg10[%add3A_22, %dma_start3A] : memref<10240x128xf32, #tpu.memory_space<vmem_shared>> -> memref<128x128xf32, #tpu.memory_space<vmem_shared>>
      %dma_start3A_76 = arith.constant 0 : i32
      %dma_start3A_77 = tpu.memref_slice %arg10[%add3A_22, %dma_start3A_76] : memref<10240x128xf32, #tpu.memory_space<vmem_shared>> -> memref<128x128xf32, #tpu.memory_space<vmem_shared>>
      tpu.enqueue_dma source(%arg6 : memref<128x128xf32, #tpu.memory_space<vmem>>) target(%dma_start3A_77 : memref<128x128xf32, #tpu.memory_space<vmem_shared>>) target_semaphore(%run_scoped3A : memref<!tpu.dma_semaphore, #tpu.memory_space<semaphore_mem>>)
      %dma_wait3A = arith.constant 0 : i32
      %dma_wait3A_78 = tpu.memref_slice %arg10[%add3A_22, %dma_wait3A] : memref<10240x128xf32, #tpu.memory_space<vmem_shared>> -> memref<128x128xf32, #tpu.memory_space<vmem_shared>>
      %dma_wait3A_79 = arith.constant 0 : i32
      %dma_wait3A_80 = tpu.memref_slice %arg10[%add3A_22, %dma_wait3A_79] : memref<10240x128xf32, #tpu.memory_space<vmem_shared>> -> memref<128x128xf32, #tpu.memory_space<vmem_shared>>
      tpu.wait_dma2 semaphore(%run_scoped3A : memref<!tpu.dma_semaphore, #tpu.memory_space<semaphore_mem>>) src(%arg6 : memref<128x128xf32, #tpu.memory_space<vmem>>) dst(%dma_wait3A_80 : memref<128x128xf32, #tpu.memory_space<vmem_shared>>)
      tpu.yield
    }) : () -> ()
    %mul3A_23 = arith.constant 640 : i32
    %mul3A_24 = arith.muli %arg1, %mul3A_23 : i32
    %add3A_25 = arith.constant 512 : i32
    %add3A_26 = arith.addi %mul3A_24, %add3A_25 : i32
    "tpu.region"() ({
      %run_scoped3A = tpu.sem_alloc : memref<!tpu.dma_semaphore, #tpu.memory_space<semaphore_mem>>
      %dma_start3A = arith.constant 0 : i32
      %dma_start3A_75 = tpu.memref_slice %arg10[%add3A_26, %dma_start3A] : memref<10240x128xf32, #tpu.memory_space<vmem_shared>> -> memref<128x128xf32, #tpu.memory_space<vmem_shared>>
      %dma_start3A_76 = arith.constant 0 : i32
      %dma_start3A_77 = tpu.memref_slice %arg10[%add3A_26, %dma_start3A_76] : memref<10240x128xf32, #tpu.memory_space<vmem_shared>> -> memref<128x128xf32, #tpu.memory_space<vmem_shared>>
      tpu.enqueue_dma source(%arg6 : memref<128x128xf32, #tpu.memory_space<vmem>>) target(%dma_start3A_77 : memref<128x128xf32, #tpu.memory_space<vmem_shared>>) target_semaphore(%run_scoped3A : memref<!tpu.dma_semaphore, #tpu.memory_space<semaphore_mem>>)
      %dma_wait3A = arith.constant 0 : i32
      %dma_wait3A_78 = tpu.memref_slice %arg10[%add3A_26, %dma_wait3A] : memref<10240x128xf32, #tpu.memory_space<vmem_shared>> -> memref<128x128xf32, #tpu.memory_space<vmem_shared>>
      %dma_wait3A_79 = arith.constant 0 : i32
      %dma_wait3A_80 = tpu.memref_slice %arg10[%add3A_26, %dma_wait3A_79] : memref<10240x128xf32, #tpu.memory_space<vmem_shared>> -> memref<128x128xf32, #tpu.memory_space<vmem_shared>>
      tpu.wait_dma2 semaphore(%run_scoped3A : memref<!tpu.dma_semaphore, #tpu.memory_space<semaphore_mem>>) src(%arg6 : memref<128x128xf32, #tpu.memory_space<vmem>>) dst(%dma_wait3A_80 : memref<128x128xf32, #tpu.memory_space<vmem_shared>>)
      tpu.yield
    }) : () -> ()
    %barrier3A = arith.constant 0 : index
    tpu.barrier barrier_id(%barrier3A)
    %mul3A_27 = arith.constant 10112 : i32
    %mul3A_28 = arith.muli %add3A, %mul3A_27 : i32
    %add3A_29 = arith.constant 0 : i32
    %add3A_30 = arith.addi %add3A_29, %mul3A_28 : i32
    %mul3A_31 = arith.constant 10112 : i32
    %mul3A_32 = arith.muli %add3A, %mul3A_31 : i32
    %scan3A_33 = arith.constant 0 : i32
    %scan3A_34 = arith.constant 0 : i32
    %scan3A_35 = arith.constant 79 : i32
    %scan3A_36 = arith.addi %scan3A_34, %scan3A_35 : i32
    %scan3A_37 = arith.constant 1 : i32
    scf.for %scan3A_75 = %scan3A_34 to %scan3A_36 step %scan3A_37  : i32 {
      %mul3A_76 = arith.constant 128 : i32
      %mul3A_77 = arith.muli %scan3A_75, %mul3A_76 : i32
      %add3A_78 = arith.addi %add3A_30, %mul3A_77 : i32
      "tpu.region"() ({
        %run_scoped3A = tpu.sem_alloc : memref<!tpu.dma_semaphore, #tpu.memory_space<semaphore_mem>>
        %dma_start3A_86 = tpu.memref_slice %arg3[%add3A_78] : memref<323584xi32, #tpu.memory_space<hbm>> -> memref<128xi32, #tpu.memory_space<hbm>>
        %dma_start3A_87 = tpu.memref_slice %arg3[%add3A_78] : memref<323584xi32, #tpu.memory_space<hbm>> -> memref<128xi32, #tpu.memory_space<hbm>>
        tpu.enqueue_dma source(%dma_start3A_87 : memref<128xi32, #tpu.memory_space<hbm>>) target(%arg7 : memref<128xi32, #tpu.memory_space<vmem>>) target_semaphore(%run_scoped3A : memref<!tpu.dma_semaphore, #tpu.memory_space<semaphore_mem>>)
        %dma_wait3A_88 = tpu.memref_slice %arg3[%add3A_78] : memref<323584xi32, #tpu.memory_space<hbm>> -> memref<128xi32, #tpu.memory_space<hbm>>
        %dma_wait3A_89 = tpu.memref_slice %arg3[%add3A_78] : memref<323584xi32, #tpu.memory_space<hbm>> -> memref<128xi32, #tpu.memory_space<hbm>>
        tpu.wait_dma2 semaphore(%run_scoped3A : memref<!tpu.dma_semaphore, #tpu.memory_space<semaphore_mem>>) src(%dma_wait3A_89 : memref<128xi32, #tpu.memory_space<hbm>>) dst(%arg7 : memref<128xi32, #tpu.memory_space<vmem>>)
        tpu.yield
      }) : () -> ()
      %mul3A_79 = arith.constant 128 : i32
      %mul3A_80 = arith.muli %scan3A_75, %mul3A_79 : i32
      %add3A_81 = arith.addi %mul3A_32, %mul3A_80 : i32
      "tpu.region"() ({
        %run_scoped3A = tpu.sem_alloc : memref<!tpu.dma_semaphore, #tpu.memory_space<semaphore_mem>>
        %dma_start3A_86 = tpu.memref_slice %arg4[%add3A_81] : memref<323584xi32, #tpu.memory_space<hbm>> -> memref<128xi32, #tpu.memory_space<hbm>>
        %dma_start3A_87 = tpu.memref_slice %arg4[%add3A_81] : memref<323584xi32, #tpu.memory_space<hbm>> -> memref<128xi32, #tpu.memory_space<hbm>>
        tpu.enqueue_dma source(%dma_start3A_87 : memref<128xi32, #tpu.memory_space<hbm>>) target(%arg8 : memref<128xi32, #tpu.memory_space<vmem>>) target_semaphore(%run_scoped3A : memref<!tpu.dma_semaphore, #tpu.memory_space<semaphore_mem>>)
        %dma_wait3A_88 = tpu.memref_slice %arg4[%add3A_81] : memref<323584xi32, #tpu.memory_space<hbm>> -> memref<128xi32, #tpu.memory_space<hbm>>
        %dma_wait3A_89 = tpu.memref_slice %arg4[%add3A_81] : memref<323584xi32, #tpu.memory_space<hbm>> -> memref<128xi32, #tpu.memory_space<hbm>>
        tpu.wait_dma2 semaphore(%run_scoped3A : memref<!tpu.dma_semaphore, #tpu.memory_space<semaphore_mem>>) src(%dma_wait3A_89 : memref<128xi32, #tpu.memory_space<hbm>>) dst(%arg8 : memref<128xi32, #tpu.memory_space<vmem>>)
        tpu.yield
      }) : () -> ()
      %dma_start3A = arith.constant 0 : i32
      %dma_start3A_82 = arith.constant 0 : i32
      %dma_start3A_83 = tpu.memref_slice %arg2[%dma_start3A, %dma_start3A_82] : memref<10240x128xf32, #tpu.memory_space<hbm>> -> memref<10240x128xf32, #tpu.memory_space<hbm>>
      tpu.enqueue_indirect_dma source(%dma_start3A_83 : memref<10240x128xf32, #tpu.memory_space<hbm>>) target(%arg6 : memref<128x128xf32, #tpu.memory_space<vmem>>) offsets(%arg7 : memref<128xi32, #tpu.memory_space<vmem>>) semaphore(%arg9 : memref<!tpu.dma_semaphore, #tpu.memory_space<semaphore_mem>>)
      %dma_wait3A = arith.constant 0 : i32
      %dma_wait3A_84 = arith.constant 0 : i32
      %dma_wait3A_85 = tpu.memref_slice %arg2[%dma_wait3A, %dma_wait3A_84] : memref<10240x128xf32, #tpu.memory_space<hbm>> -> memref<10240x128xf32, #tpu.memory_space<hbm>>
      tpu.wait_indirect_dma semaphore(%arg9 : memref<!tpu.dma_semaphore, #tpu.memory_space<semaphore_mem>>) src(%dma_wait3A_85 : memref<10240x128xf32, #tpu.memory_space<hbm>>) dst(%arg6 : memref<128x128xf32, #tpu.memory_space<vmem>>)
      "tpu.region"() ({
        %run_scoped3A = tpu.sem_alloc : memref<!tpu.dma_semaphore, #tpu.memory_space<semaphore_mem>>
        %dma_start3A_86 = arith.constant 0 : i32
        %dma_start3A_87 = arith.constant 0 : i32
        %dma_start3A_88 = tpu.memref_slice %arg10[%dma_start3A_86, %dma_start3A_87] : memref<10240x128xf32, #tpu.memory_space<vmem_shared>> -> memref<10240x128xf32, #tpu.memory_space<vmem_shared>>
        tpu.enqueue_indirect_dma source(%arg6 : memref<128x128xf32, #tpu.memory_space<vmem>>) target(%dma_start3A_88 : memref<10240x128xf32, #tpu.memory_space<vmem_shared>>) offsets(%arg8 : memref<128xi32, #tpu.memory_space<vmem>>) semaphore(%run_scoped3A : memref<!tpu.dma_semaphore, #tpu.memory_space<semaphore_mem>>) {add = true}
        %dma_wait3A_89 = arith.constant 0 : i32
        %dma_wait3A_90 = arith.constant 0 : i32
        %dma_wait3A_91 = tpu.memref_slice %arg10[%dma_wait3A_89, %dma_wait3A_90] : memref<10240x128xf32, #tpu.memory_space<vmem_shared>> -> memref<10240x128xf32, #tpu.memory_space<vmem_shared>>
        tpu.wait_indirect_dma semaphore(%run_scoped3A : memref<!tpu.dma_semaphore, #tpu.memory_space<semaphore_mem>>) src(%arg6 : memref<128x128xf32, #tpu.memory_space<vmem>>) dst(%dma_wait3A_91 : memref<10240x128xf32, #tpu.memory_space<vmem_shared>>)
        tpu.yield
      }) : () -> ()
    }
    %scan3A_38 = arith.constant 79 : i32
    %barrier3A_39 = arith.constant 0 : index
    tpu.barrier barrier_id(%barrier3A_39)
    %mul3A_40 = arith.constant 640 : i32
    %mul3A_41 = arith.muli %arg1, %mul3A_40 : i32
    %add3A_42 = arith.constant 0 : i32
    %add3A_43 = arith.addi %mul3A_41, %add3A_42 : i32
    "tpu.region"() ({
      %run_scoped3A = tpu.sem_alloc : memref<!tpu.dma_semaphore, #tpu.memory_space<semaphore_mem>>
      %dma_start3A = arith.constant 0 : i32
      %dma_start3A_75 = tpu.memref_slice %arg10[%add3A_43, %dma_start3A] : memref<10240x128xf32, #tpu.memory_space<vmem_shared>> -> memref<128x128xf32, #tpu.memory_space<vmem_shared>>
      %dma_start3A_76 = arith.constant 0 : i32
      %dma_start3A_77 = tpu.memref_slice %arg10[%add3A_43, %dma_start3A_76] : memref<10240x128xf32, #tpu.memory_space<vmem_shared>> -> memref<128x128xf32, #tpu.memory_space<vmem_shared>>
      tpu.enqueue_dma source(%dma_start3A_77 : memref<128x128xf32, #tpu.memory_space<vmem_shared>>) target(%arg6 : memref<128x128xf32, #tpu.memory_space<vmem>>) target_semaphore(%run_scoped3A : memref<!tpu.dma_semaphore, #tpu.memory_space<semaphore_mem>>)
      %dma_wait3A = arith.constant 0 : i32
      %dma_wait3A_78 = tpu.memref_slice %arg10[%add3A_43, %dma_wait3A] : memref<10240x128xf32, #tpu.memory_space<vmem_shared>> -> memref<128x128xf32, #tpu.memory_space<vmem_shared>>
      %dma_wait3A_79 = arith.constant 0 : i32
      %dma_wait3A_80 = tpu.memref_slice %arg10[%add3A_43, %dma_wait3A_79] : memref<10240x128xf32, #tpu.memory_space<vmem_shared>> -> memref<128x128xf32, #tpu.memory_space<vmem_shared>>
      tpu.wait_dma2 semaphore(%run_scoped3A : memref<!tpu.dma_semaphore, #tpu.memory_space<semaphore_mem>>) src(%dma_wait3A_80 : memref<128x128xf32, #tpu.memory_space<vmem_shared>>) dst(%arg6 : memref<128x128xf32, #tpu.memory_space<vmem>>)
      tpu.yield
    }) : () -> ()
    %mul3A_44 = arith.constant 10240 : i32
    %mul3A_45 = arith.muli %arg0, %mul3A_44 : i32
    %add3A_46 = arith.addi %mul3A_45, %add3A_43 : i32
    "tpu.region"() ({
      %run_scoped3A = tpu.sem_alloc : memref<!tpu.dma_semaphore, #tpu.memory_space<semaphore_mem>>
      %dma_start3A = arith.constant 0 : i32
      %dma_start3A_75 = tpu.memref_slice %arg5[%add3A_46, %dma_start3A] : memref<20480x128xf32, #tpu.memory_space<hbm>> -> memref<128x128xf32, #tpu.memory_space<hbm>>
      %dma_start3A_76 = arith.constant 0 : i32
      %dma_start3A_77 = tpu.memref_slice %arg5[%add3A_46, %dma_start3A_76] : memref<20480x128xf32, #tpu.memory_space<hbm>> -> memref<128x128xf32, #tpu.memory_space<hbm>>
      tpu.enqueue_dma source(%arg6 : memref<128x128xf32, #tpu.memory_space<vmem>>) target(%dma_start3A_77 : memref<128x128xf32, #tpu.memory_space<hbm>>) target_semaphore(%run_scoped3A : memref<!tpu.dma_semaphore, #tpu.memory_space<semaphore_mem>>)
      %dma_wait3A = arith.constant 0 : i32
      %dma_wait3A_78 = tpu.memref_slice %arg5[%add3A_46, %dma_wait3A] : memref<20480x128xf32, #tpu.memory_space<hbm>> -> memref<128x128xf32, #tpu.memory_space<hbm>>
      %dma_wait3A_79 = arith.constant 0 : i32
      %dma_wait3A_80 = tpu.memref_slice %arg5[%add3A_46, %dma_wait3A_79] : memref<20480x128xf32, #tpu.memory_space<hbm>> -> memref<128x128xf32, #tpu.memory_space<hbm>>
      tpu.wait_dma2 semaphore(%run_scoped3A : memref<!tpu.dma_semaphore, #tpu.memory_space<semaphore_mem>>) src(%arg6 : memref<128x128xf32, #tpu.memory_space<vmem>>) dst(%dma_wait3A_80 : memref<128x128xf32, #tpu.memory_space<hbm>>)
      tpu.yield
    }) : () -> ()
    %mul3A_47 = arith.constant 640 : i32
    %mul3A_48 = arith.muli %arg1, %mul3A_47 : i32
    %add3A_49 = arith.constant 128 : i32
    %add3A_50 = arith.addi %mul3A_48, %add3A_49 : i32
    "tpu.region"() ({
      %run_scoped3A = tpu.sem_alloc : memref<!tpu.dma_semaphore, #tpu.memory_space<semaphore_mem>>
      %dma_start3A = arith.constant 0 : i32
      %dma_start3A_75 = tpu.memref_slice %arg10[%add3A_50, %dma_start3A] : memref<10240x128xf32, #tpu.memory_space<vmem_shared>> -> memref<128x128xf32, #tpu.memory_space<vmem_shared>>
      %dma_start3A_76 = arith.constant 0 : i32
      %dma_start3A_77 = tpu.memref_slice %arg10[%add3A_50, %dma_start3A_76] : memref<10240x128xf32, #tpu.memory_space<vmem_shared>> -> memref<128x128xf32, #tpu.memory_space<vmem_shared>>
      tpu.enqueue_dma source(%dma_start3A_77 : memref<128x128xf32, #tpu.memory_space<vmem_shared>>) target(%arg6 : memref<128x128xf32, #tpu.memory_space<vmem>>) target_semaphore(%run_scoped3A : memref<!tpu.dma_semaphore, #tpu.memory_space<semaphore_mem>>)
      %dma_wait3A = arith.constant 0 : i32
      %dma_wait3A_78 = tpu.memref_slice %arg10[%add3A_50, %dma_wait3A] : memref<10240x128xf32, #tpu.memory_space<vmem_shared>> -> memref<128x128xf32, #tpu.memory_space<vmem_shared>>
      %dma_wait3A_79 = arith.constant 0 : i32
      %dma_wait3A_80 = tpu.memref_slice %arg10[%add3A_50, %dma_wait3A_79] : memref<10240x128xf32, #tpu.memory_space<vmem_shared>> -> memref<128x128xf32, #tpu.memory_space<vmem_shared>>
      tpu.wait_dma2 semaphore(%run_scoped3A : memref<!tpu.dma_semaphore, #tpu.memory_space<semaphore_mem>>) src(%dma_wait3A_80 : memref<128x128xf32, #tpu.memory_space<vmem_shared>>) dst(%arg6 : memref<128x128xf32, #tpu.memory_space<vmem>>)
      tpu.yield
    }) : () -> ()
    %mul3A_51 = arith.constant 10240 : i32
    %mul3A_52 = arith.muli %arg0, %mul3A_51 : i32
    %add3A_53 = arith.addi %mul3A_52, %add3A_50 : i32
    "tpu.region"() ({
      %run_scoped3A = tpu.sem_alloc : memref<!tpu.dma_semaphore, #tpu.memory_space<semaphore_mem>>
      %dma_start3A = arith.constant 0 : i32
      %dma_start3A_75 = tpu.memref_slice %arg5[%add3A_53, %dma_start3A] : memref<20480x128xf32, #tpu.memory_space<hbm>> -> memref<128x128xf32, #tpu.memory_space<hbm>>
      %dma_start3A_76 = arith.constant 0 : i32
      %dma_start3A_77 = tpu.memref_slice %arg5[%add3A_53, %dma_start3A_76] : memref<20480x128xf32, #tpu.memory_space<hbm>> -> memref<128x128xf32, #tpu.memory_space<hbm>>
      tpu.enqueue_dma source(%arg6 : memref<128x128xf32, #tpu.memory_space<vmem>>) target(%dma_start3A_77 : memref<128x128xf32, #tpu.memory_space<hbm>>) target_semaphore(%run_scoped3A : memref<!tpu.dma_semaphore, #tpu.memory_space<semaphore_mem>>)
      %dma_wait3A = arith.constant 0 : i32
      %dma_wait3A_78 = tpu.memref_slice %arg5[%add3A_53, %dma_wait3A] : memref<20480x128xf32, #tpu.memory_space<hbm>> -> memref<128x128xf32, #tpu.memory_space<hbm>>
      %dma_wait3A_79 = arith.constant 0 : i32
      %dma_wait3A_80 = tpu.memref_slice %arg5[%add3A_53, %dma_wait3A_79] : memref<20480x128xf32, #tpu.memory_space<hbm>> -> memref<128x128xf32, #tpu.memory_space<hbm>>
      tpu.wait_dma2 semaphore(%run_scoped3A : memref<!tpu.dma_semaphore, #tpu.memory_space<semaphore_mem>>) src(%arg6 : memref<128x128xf32, #tpu.memory_space<vmem>>) dst(%dma_wait3A_80 : memref<128x128xf32, #tpu.memory_space<hbm>>)
      tpu.yield
    }) : () -> ()
    %mul3A_54 = arith.constant 640 : i32
    %mul3A_55 = arith.muli %arg1, %mul3A_54 : i32
    %add3A_56 = arith.constant 256 : i32
    %add3A_57 = arith.addi %mul3A_55, %add3A_56 : i32
    "tpu.region"() ({
      %run_scoped3A = tpu.sem_alloc : memref<!tpu.dma_semaphore, #tpu.memory_space<semaphore_mem>>
      %dma_start3A = arith.constant 0 : i32
      %dma_start3A_75 = tpu.memref_slice %arg10[%add3A_57, %dma_start3A] : memref<10240x128xf32, #tpu.memory_space<vmem_shared>> -> memref<128x128xf32, #tpu.memory_space<vmem_shared>>
      %dma_start3A_76 = arith.constant 0 : i32
      %dma_start3A_77 = tpu.memref_slice %arg10[%add3A_57, %dma_start3A_76] : memref<10240x128xf32, #tpu.memory_space<vmem_shared>> -> memref<128x128xf32, #tpu.memory_space<vmem_shared>>
      tpu.enqueue_dma source(%dma_start3A_77 : memref<128x128xf32, #tpu.memory_space<vmem_shared>>) target(%arg6 : memref<128x128xf32, #tpu.memory_space<vmem>>) target_semaphore(%run_scoped3A : memref<!tpu.dma_semaphore, #tpu.memory_space<semaphore_mem>>)
      %dma_wait3A = arith.constant 0 : i32
      %dma_wait3A_78 = tpu.memref_slice %arg10[%add3A_57, %dma_wait3A] : memref<10240x128xf32, #tpu.memory_space<vmem_shared>> -> memref<128x128xf32, #tpu.memory_space<vmem_shared>>
      %dma_wait3A_79 = arith.constant 0 : i32
      %dma_wait3A_80 = tpu.memref_slice %arg10[%add3A_57, %dma_wait3A_79] : memref<10240x128xf32, #tpu.memory_space<vmem_shared>> -> memref<128x128xf32, #tpu.memory_space<vmem_shared>>
      tpu.wait_dma2 semaphore(%run_scoped3A : memref<!tpu.dma_semaphore, #tpu.memory_space<semaphore_mem>>) src(%dma_wait3A_80 : memref<128x128xf32, #tpu.memory_space<vmem_shared>>) dst(%arg6 : memref<128x128xf32, #tpu.memory_space<vmem>>)
      tpu.yield
    }) : () -> ()
    %mul3A_58 = arith.constant 10240 : i32
    %mul3A_59 = arith.muli %arg0, %mul3A_58 : i32
    %add3A_60 = arith.addi %mul3A_59, %add3A_57 : i32
    "tpu.region"() ({
      %run_scoped3A = tpu.sem_alloc : memref<!tpu.dma_semaphore, #tpu.memory_space<semaphore_mem>>
      %dma_start3A = arith.constant 0 : i32
      %dma_start3A_75 = tpu.memref_slice %arg5[%add3A_60, %dma_start3A] : memref<20480x128xf32, #tpu.memory_space<hbm>> -> memref<128x128xf32, #tpu.memory_space<hbm>>
      %dma_start3A_76 = arith.constant 0 : i32
      %dma_start3A_77 = tpu.memref_slice %arg5[%add3A_60, %dma_start3A_76] : memref<20480x128xf32, #tpu.memory_space<hbm>> -> memref<128x128xf32, #tpu.memory_space<hbm>>
      tpu.enqueue_dma source(%arg6 : memref<128x128xf32, #tpu.memory_space<vmem>>) target(%dma_start3A_77 : memref<128x128xf32, #tpu.memory_space<hbm>>) target_semaphore(%run_scoped3A : memref<!tpu.dma_semaphore, #tpu.memory_space<semaphore_mem>>)
      %dma_wait3A = arith.constant 0 : i32
      %dma_wait3A_78 = tpu.memref_slice %arg5[%add3A_60, %dma_wait3A] : memref<20480x128xf32, #tpu.memory_space<hbm>> -> memref<128x128xf32, #tpu.memory_space<hbm>>
      %dma_wait3A_79 = arith.constant 0 : i32
      %dma_wait3A_80 = tpu.memref_slice %arg5[%add3A_60, %dma_wait3A_79] : memref<20480x128xf32, #tpu.memory_space<hbm>> -> memref<128x128xf32, #tpu.memory_space<hbm>>
      tpu.wait_dma2 semaphore(%run_scoped3A : memref<!tpu.dma_semaphore, #tpu.memory_space<semaphore_mem>>) src(%arg6 : memref<128x128xf32, #tpu.memory_space<vmem>>) dst(%dma_wait3A_80 : memref<128x128xf32, #tpu.memory_space<hbm>>)
      tpu.yield
    }) : () -> ()
    %mul3A_61 = arith.constant 640 : i32
    %mul3A_62 = arith.muli %arg1, %mul3A_61 : i32
    %add3A_63 = arith.constant 384 : i32
    %add3A_64 = arith.addi %mul3A_62, %add3A_63 : i32
    "tpu.region"() ({
      %run_scoped3A = tpu.sem_alloc : memref<!tpu.dma_semaphore, #tpu.memory_space<semaphore_mem>>
      %dma_start3A = arith.constant 0 : i32
      %dma_start3A_75 = tpu.memref_slice %arg10[%add3A_64, %dma_start3A] : memref<10240x128xf32, #tpu.memory_space<vmem_shared>> -> memref<128x128xf32, #tpu.memory_space<vmem_shared>>
      %dma_start3A_76 = arith.constant 0 : i32
      %dma_start3A_77 = tpu.memref_slice %arg10[%add3A_64, %dma_start3A_76] : memref<10240x128xf32, #tpu.memory_space<vmem_shared>> -> memref<128x128xf32, #tpu.memory_space<vmem_shared>>
      tpu.enqueue_dma source(%dma_start3A_77 : memref<128x128xf32, #tpu.memory_space<vmem_shared>>) target(%arg6 : memref<128x128xf32, #tpu.memory_space<vmem>>) target_semaphore(%run_scoped3A : memref<!tpu.dma_semaphore, #tpu.memory_space<semaphore_mem>>)
      %dma_wait3A = arith.constant 0 : i32
      %dma_wait3A_78 = tpu.memref_slice %arg10[%add3A_64, %dma_wait3A] : memref<10240x128xf32, #tpu.memory_space<vmem_shared>> -> memref<128x128xf32, #tpu.memory_space<vmem_shared>>
      %dma_wait3A_79 = arith.constant 0 : i32
      %dma_wait3A_80 = tpu.memref_slice %arg10[%add3A_64, %dma_wait3A_79] : memref<10240x128xf32, #tpu.memory_space<vmem_shared>> -> memref<128x128xf32, #tpu.memory_space<vmem_shared>>
      tpu.wait_dma2 semaphore(%run_scoped3A : memref<!tpu.dma_semaphore, #tpu.memory_space<semaphore_mem>>) src(%dma_wait3A_80 : memref<128x128xf32, #tpu.memory_space<vmem_shared>>) dst(%arg6 : memref<128x128xf32, #tpu.memory_space<vmem>>)
      tpu.yield
    }) : () -> ()
    %mul3A_65 = arith.constant 10240 : i32
    %mul3A_66 = arith.muli %arg0, %mul3A_65 : i32
    %add3A_67 = arith.addi %mul3A_66, %add3A_64 : i32
    "tpu.region"() ({
      %run_scoped3A = tpu.sem_alloc : memref<!tpu.dma_semaphore, #tpu.memory_space<semaphore_mem>>
      %dma_start3A = arith.constant 0 : i32
      %dma_start3A_75 = tpu.memref_slice %arg5[%add3A_67, %dma_start3A] : memref<20480x128xf32, #tpu.memory_space<hbm>> -> memref<128x128xf32, #tpu.memory_space<hbm>>
      %dma_start3A_76 = arith.constant 0 : i32
      %dma_start3A_77 = tpu.memref_slice %arg5[%add3A_67, %dma_start3A_76] : memref<20480x128xf32, #tpu.memory_space<hbm>> -> memref<128x128xf32, #tpu.memory_space<hbm>>
      tpu.enqueue_dma source(%arg6 : memref<128x128xf32, #tpu.memory_space<vmem>>) target(%dma_start3A_77 : memref<128x128xf32, #tpu.memory_space<hbm>>) target_semaphore(%run_scoped3A : memref<!tpu.dma_semaphore, #tpu.memory_space<semaphore_mem>>)
      %dma_wait3A = arith.constant 0 : i32
      %dma_wait3A_78 = tpu.memref_slice %arg5[%add3A_67, %dma_wait3A] : memref<20480x128xf32, #tpu.memory_space<hbm>> -> memref<128x128xf32, #tpu.memory_space<hbm>>
      %dma_wait3A_79 = arith.constant 0 : i32
      %dma_wait3A_80 = tpu.memref_slice %arg5[%add3A_67, %dma_wait3A_79] : memref<20480x128xf32, #tpu.memory_space<hbm>> -> memref<128x128xf32, #tpu.memory_space<hbm>>
      tpu.wait_dma2 semaphore(%run_scoped3A : memref<!tpu.dma_semaphore, #tpu.memory_space<semaphore_mem>>) src(%arg6 : memref<128x128xf32, #tpu.memory_space<vmem>>) dst(%dma_wait3A_80 : memref<128x128xf32, #tpu.memory_space<hbm>>)
      tpu.yield
    }) : () -> ()
    %mul3A_68 = arith.constant 640 : i32
    %mul3A_69 = arith.muli %arg1, %mul3A_68 : i32
    %add3A_70 = arith.constant 512 : i32
    %add3A_71 = arith.addi %mul3A_69, %add3A_70 : i32
    "tpu.region"() ({
      %run_scoped3A = tpu.sem_alloc : memref<!tpu.dma_semaphore, #tpu.memory_space<semaphore_mem>>
      %dma_start3A = arith.constant 0 : i32
      %dma_start3A_75 = tpu.memref_slice %arg10[%add3A_71, %dma_start3A] : memref<10240x128xf32, #tpu.memory_space<vmem_shared>> -> memref<128x128xf32, #tpu.memory_space<vmem_shared>>
      %dma_start3A_76 = arith.constant 0 : i32
      %dma_start3A_77 = tpu.memref_slice %arg10[%add3A_71, %dma_start3A_76] : memref<10240x128xf32, #tpu.memory_space<vmem_shared>> -> memref<128x128xf32, #tpu.memory_space<vmem_shared>>
      tpu.enqueue_dma source(%dma_start3A_77 : memref<128x128xf32, #tpu.memory_space<vmem_shared>>) target(%arg6 : memref<128x128xf32, #tpu.memory_space<vmem>>) target_semaphore(%run_scoped3A : memref<!tpu.dma_semaphore, #tpu.memory_space<semaphore_mem>>)
      %dma_wait3A = arith.constant 0 : i32
      %dma_wait3A_78 = tpu.memref_slice %arg10[%add3A_71, %dma_wait3A] : memref<10240x128xf32, #tpu.memory_space<vmem_shared>> -> memref<128x128xf32, #tpu.memory_space<vmem_shared>>
      %dma_wait3A_79 = arith.constant 0 : i32
      %dma_wait3A_80 = tpu.memref_slice %arg10[%add3A_71, %dma_wait3A_79] : memref<10240x128xf32, #tpu.memory_space<vmem_shared>> -> memref<128x128xf32, #tpu.memory_space<vmem_shared>>
      tpu.wait_dma2 semaphore(%run_scoped3A : memref<!tpu.dma_semaphore, #tpu.memory_space<semaphore_mem>>) src(%dma_wait3A_80 : memref<128x128xf32, #tpu.memory_space<vmem_shared>>) dst(%arg6 : memref<128x128xf32, #tpu.memory_space<vmem>>)
      tpu.yield
    }) : () -> ()
    %mul3A_72 = arith.constant 10240 : i32
    %mul3A_73 = arith.muli %arg0, %mul3A_72 : i32
    %add3A_74 = arith.addi %mul3A_73, %add3A_71 : i32
    "tpu.region"() ({
      %run_scoped3A = tpu.sem_alloc : memref<!tpu.dma_semaphore, #tpu.memory_space<semaphore_mem>>
      %dma_start3A = arith.constant 0 : i32
      %dma_start3A_75 = tpu.memref_slice %arg5[%add3A_74, %dma_start3A] : memref<20480x128xf32, #tpu.memory_space<hbm>> -> memref<128x128xf32, #tpu.memory_space<hbm>>
      %dma_start3A_76 = arith.constant 0 : i32
      %dma_start3A_77 = tpu.memref_slice %arg5[%add3A_74, %dma_start3A_76] : memref<20480x128xf32, #tpu.memory_space<hbm>> -> memref<128x128xf32, #tpu.memory_space<hbm>>
      tpu.enqueue_dma source(%arg6 : memref<128x128xf32, #tpu.memory_space<vmem>>) target(%dma_start3A_77 : memref<128x128xf32, #tpu.memory_space<hbm>>) target_semaphore(%run_scoped3A : memref<!tpu.dma_semaphore, #tpu.memory_space<semaphore_mem>>)
      %dma_wait3A = arith.constant 0 : i32
      %dma_wait3A_78 = tpu.memref_slice %arg5[%add3A_74, %dma_wait3A] : memref<20480x128xf32, #tpu.memory_space<hbm>> -> memref<128x128xf32, #tpu.memory_space<hbm>>
      %dma_wait3A_79 = arith.constant 0 : i32
      %dma_wait3A_80 = tpu.memref_slice %arg5[%add3A_74, %dma_wait3A_79] : memref<20480x128xf32, #tpu.memory_space<hbm>> -> memref<128x128xf32, #tpu.memory_space<hbm>>
      tpu.wait_dma2 semaphore(%run_scoped3A : memref<!tpu.dma_semaphore, #tpu.memory_space<semaphore_mem>>) src(%arg6 : memref<128x128xf32, #tpu.memory_space<vmem>>) dst(%dma_wait3A_80 : memref<128x128xf32, #tpu.memory_space<hbm>>)
      tpu.yield
    }) : () -> ()
    return
  }
}

#map = affine_map<(d0, d1) -> (0, 0)>
#map1 = affine_map<(d0, d1) -> (0)>
module attributes {stable_mosaic.version = 14 : i64} {
  func.func @s_kernel(%arg0: i32, %arg1: i32, %arg2: memref<20480x128xf32, #tpu.memory_space<hbm>>, %arg3: memref<647168xi32, #tpu.memory_space<hbm>>, %arg4: memref<323584xi32, #tpu.memory_space<hbm>>, %arg5: memref<20480x128xf32, #tpu.memory_space<hbm>>, %arg6: memref<128x128xf32, #tpu.memory_space<vmem>>, %arg7: memref<128xi32, #tpu.memory_space<vmem>>, %arg8: memref<128xi32, #tpu.memory_space<vmem>>, %arg9: memref<!tpu.dma_semaphore, #tpu.memory_space<semaphore_mem>>, %arg10: memref<10240x128xf32, #tpu.memory_space<vmem_shared>>) attributes {dimension_semantics = [#tpu.dimension_semantics<core_parallel>, #tpu.dimension_semantics<subcore_parallel>], iteration_bounds = array<i64: 2, 16>, scalar_prefetch = 0 : i64, scratch_operands = 5 : i64, tpu.core_type = #tpu.core_type<sc_vector_subcore>, window_params = [{transform_indices = #map}, {transform_indices = #map1}, {transform_indices = #map1}, {transform_indices = #map}]} {
    %broadcast_in_dim3A = arith.constant 0.000000e+00 : f32
    %broadcast_in_dim3A_0 = vector.broadcast %broadcast_in_dim3A : f32 to vector<16xf32>
    %scan3A = arith.constant 0 : i32
    %scan3A_1 = arith.constant 0 : i32
    %scan3A_2 = arith.constant 128 : i32
    %scan3A_3 = arith.addi %scan3A_1, %scan3A_2 : i32
    %scan3A_4 = arith.constant 1 : i32
    scf.for %scan3A_73 = %scan3A_1 to %scan3A_3 step %scan3A_4  : i32 {
      %swap3A = arith.index_cast %scan3A_73 : i32 to index
      %swap3A_74 = arith.constant 0 : index
      %swap3A_75 = tpu.vector_load %arg6[%swap3A, %swap3A_74] {strides = array<i32>} : memref<128x128xf32, #tpu.memory_space<vmem>>, vector<1x16xf32>,
      %swap3A_76 = vector.shape_cast %swap3A_75 : vector<1x16xf32> to vector<16xf32>
      %swap3A_77 = vector.shape_cast %broadcast_in_dim3A_0 : vector<16xf32> to vector<1x16xf32>
      tpu.vector_store %arg6[%swap3A, %swap3A_74], %swap3A_77 {strides = array<i32>} : memref<128x128xf32, #tpu.memory_space<vmem>>, vector<1x16xf32>,
      %swap3A_78 = arith.index_cast %scan3A_73 : i32 to index
      %swap3A_79 = arith.constant 16 : index
      %swap3A_80 = tpu.vector_load %arg6[%swap3A_78, %swap3A_79] {strides = array<i32>} : memref<128x128xf32, #tpu.memory_space<vmem>>, vector<1x16xf32>,
      %swap3A_81 = vector.shape_cast %swap3A_80 : vector<1x16xf32> to vector<16xf32>
      %swap3A_82 = vector.shape_cast %broadcast_in_dim3A_0 : vector<16xf32> to vector<1x16xf32>
      tpu.vector_store %arg6[%swap3A_78, %swap3A_79], %swap3A_82 {strides = array<i32>} : memref<128x128xf32, #tpu.memory_space<vmem>>, vector<1x16xf32>,
      %swap3A_83 = arith.index_cast %scan3A_73 : i32 to index
      %swap3A_84 = arith.constant 32 : index
      %swap3A_85 = tpu.vector_load %arg6[%swap3A_83, %swap3A_84] {strides = array<i32>} : memref<128x128xf32, #tpu.memory_space<vmem>>, vector<1x16xf32>,
      %swap3A_86 = vector.shape_cast %swap3A_85 : vector<1x16xf32> to vector<16xf32>
      %swap3A_87 = vector.shape_cast %broadcast_in_dim3A_0 : vector<16xf32> to vector<1x16xf32>
      tpu.vector_store %arg6[%swap3A_83, %swap3A_84], %swap3A_87 {strides = array<i32>} : memref<128x128xf32, #tpu.memory_space<vmem>>, vector<1x16xf32>,
      %swap3A_88 = arith.index_cast %scan3A_73 : i32 to index
      %swap3A_89 = arith.constant 48 : index
      %swap3A_90 = tpu.vector_load %arg6[%swap3A_88, %swap3A_89] {strides = array<i32>} : memref<128x128xf32, #tpu.memory_space<vmem>>, vector<1x16xf32>,
      %swap3A_91 = vector.shape_cast %swap3A_90 : vector<1x16xf32> to vector<16xf32>
      %swap3A_92 = vector.shape_cast %broadcast_in_dim3A_0 : vector<16xf32> to vector<1x16xf32>
      tpu.vector_store %arg6[%swap3A_88, %swap3A_89], %swap3A_92 {strides = array<i32>} : memref<128x128xf32, #tpu.memory_space<vmem>>, vector<1x16xf32>,
      %swap3A_93 = arith.index_cast %scan3A_73 : i32 to index
      %swap3A_94 = arith.constant 64 : index
      %swap3A_95 = tpu.vector_load %arg6[%swap3A_93, %swap3A_94] {strides = array<i32>} : memref<128x128xf32, #tpu.memory_space<vmem>>, vector<1x16xf32>,
      %swap3A_96 = vector.shape_cast %swap3A_95 : vector<1x16xf32> to vector<16xf32>
      %swap3A_97 = vector.shape_cast %broadcast_in_dim3A_0 : vector<16xf32> to vector<1x16xf32>
      tpu.vector_store %arg6[%swap3A_93, %swap3A_94], %swap3A_97 {strides = array<i32>} : memref<128x128xf32, #tpu.memory_space<vmem>>, vector<1x16xf32>,
      %swap3A_98 = arith.index_cast %scan3A_73 : i32 to index
      %swap3A_99 = arith.constant 80 : index
      %swap3A_100 = tpu.vector_load %arg6[%swap3A_98, %swap3A_99] {strides = array<i32>} : memref<128x128xf32, #tpu.memory_space<vmem>>, vector<1x16xf32>,
      %swap3A_101 = vector.shape_cast %swap3A_100 : vector<1x16xf32> to vector<16xf32>
      %swap3A_102 = vector.shape_cast %broadcast_in_dim3A_0 : vector<16xf32> to vector<1x16xf32>
      tpu.vector_store %arg6[%swap3A_98, %swap3A_99], %swap3A_102 {strides = array<i32>} : memref<128x128xf32, #tpu.memory_space<vmem>>, vector<1x16xf32>,
      %swap3A_103 = arith.index_cast %scan3A_73 : i32 to index
      %swap3A_104 = arith.constant 96 : index
      %swap3A_105 = tpu.vector_load %arg6[%swap3A_103, %swap3A_104] {strides = array<i32>} : memref<128x128xf32, #tpu.memory_space<vmem>>, vector<1x16xf32>,
      %swap3A_106 = vector.shape_cast %swap3A_105 : vector<1x16xf32> to vector<16xf32>
      %swap3A_107 = vector.shape_cast %broadcast_in_dim3A_0 : vector<16xf32> to vector<1x16xf32>
      tpu.vector_store %arg6[%swap3A_103, %swap3A_104], %swap3A_107 {strides = array<i32>} : memref<128x128xf32, #tpu.memory_space<vmem>>, vector<1x16xf32>,
      %swap3A_108 = arith.index_cast %scan3A_73 : i32 to index
      %swap3A_109 = arith.constant 112 : index
      %swap3A_110 = tpu.vector_load %arg6[%swap3A_108, %swap3A_109] {strides = array<i32>} : memref<128x128xf32, #tpu.memory_space<vmem>>, vector<1x16xf32>,
      %swap3A_111 = vector.shape_cast %swap3A_110 : vector<1x16xf32> to vector<16xf32>
      %swap3A_112 = vector.shape_cast %broadcast_in_dim3A_0 : vector<16xf32> to vector<1x16xf32>
      tpu.vector_store %arg6[%swap3A_108, %swap3A_109], %swap3A_112 {strides = array<i32>} : memref<128x128xf32, #tpu.memory_space<vmem>>, vector<1x16xf32>,
    }
    %scan3A_5 = arith.constant 128 : i32
    %mul3A = arith.constant 640 : i32
    %mul3A_6 = arith.muli %arg1, %mul3A : i32
    %add3A = arith.constant 0 : i32
    %add3A_7 = arith.addi %mul3A_6, %add3A : i32
    "tpu.region"() ({
      %run_scoped3A = tpu.sem_alloc : memref<!tpu.dma_semaphore, #tpu.memory_space<semaphore_mem>>
      %dma_start3A = arith.constant 0 : i32
      %dma_start3A_73 = tpu.memref_slice %arg10[%add3A_7, %dma_start3A] : memref<10240x128xf32, #tpu.memory_space<vmem_shared>> -> memref<128x128xf32, #tpu.memory_space<vmem_shared>>
      %dma_start3A_74 = arith.constant 0 : i32
      %dma_start3A_75 = tpu.memref_slice %arg10[%add3A_7, %dma_start3A_74] : memref<10240x128xf32, #tpu.memory_space<vmem_shared>> -> memref<128x128xf32, #tpu.memory_space<vmem_shared>>
      tpu.enqueue_dma source(%arg6 : memref<128x128xf32, #tpu.memory_space<vmem>>) target(%dma_start3A_75 : memref<128x128xf32, #tpu.memory_space<vmem_shared>>) target_semaphore(%run_scoped3A : memref<!tpu.dma_semaphore, #tpu.memory_space<semaphore_mem>>)
      %dma_wait3A = arith.constant 0 : i32
      %dma_wait3A_76 = tpu.memref_slice %arg10[%add3A_7, %dma_wait3A] : memref<10240x128xf32, #tpu.memory_space<vmem_shared>> -> memref<128x128xf32, #tpu.memory_space<vmem_shared>>
      %dma_wait3A_77 = arith.constant 0 : i32
      %dma_wait3A_78 = tpu.memref_slice %arg10[%add3A_7, %dma_wait3A_77] : memref<10240x128xf32, #tpu.memory_space<vmem_shared>> -> memref<128x128xf32, #tpu.memory_space<vmem_shared>>
      tpu.wait_dma2 semaphore(%run_scoped3A : memref<!tpu.dma_semaphore, #tpu.memory_space<semaphore_mem>>) src(%arg6 : memref<128x128xf32, #tpu.memory_space<vmem>>) dst(%dma_wait3A_78 : memref<128x128xf32, #tpu.memory_space<vmem_shared>>)
      tpu.yield
    }) : () -> ()
    %mul3A_8 = arith.constant 640 : i32
    %mul3A_9 = arith.muli %arg1, %mul3A_8 : i32
    %add3A_10 = arith.constant 128 : i32
    %add3A_11 = arith.addi %mul3A_9, %add3A_10 : i32
    "tpu.region"() ({
      %run_scoped3A = tpu.sem_alloc : memref<!tpu.dma_semaphore, #tpu.memory_space<semaphore_mem>>
      %dma_start3A = arith.constant 0 : i32
      %dma_start3A_73 = tpu.memref_slice %arg10[%add3A_11, %dma_start3A] : memref<10240x128xf32, #tpu.memory_space<vmem_shared>> -> memref<128x128xf32, #tpu.memory_space<vmem_shared>>
      %dma_start3A_74 = arith.constant 0 : i32
      %dma_start3A_75 = tpu.memref_slice %arg10[%add3A_11, %dma_start3A_74] : memref<10240x128xf32, #tpu.memory_space<vmem_shared>> -> memref<128x128xf32, #tpu.memory_space<vmem_shared>>
      tpu.enqueue_dma source(%arg6 : memref<128x128xf32, #tpu.memory_space<vmem>>) target(%dma_start3A_75 : memref<128x128xf32, #tpu.memory_space<vmem_shared>>) target_semaphore(%run_scoped3A : memref<!tpu.dma_semaphore, #tpu.memory_space<semaphore_mem>>)
      %dma_wait3A = arith.constant 0 : i32
      %dma_wait3A_76 = tpu.memref_slice %arg10[%add3A_11, %dma_wait3A] : memref<10240x128xf32, #tpu.memory_space<vmem_shared>> -> memref<128x128xf32, #tpu.memory_space<vmem_shared>>
      %dma_wait3A_77 = arith.constant 0 : i32
      %dma_wait3A_78 = tpu.memref_slice %arg10[%add3A_11, %dma_wait3A_77] : memref<10240x128xf32, #tpu.memory_space<vmem_shared>> -> memref<128x128xf32, #tpu.memory_space<vmem_shared>>
      tpu.wait_dma2 semaphore(%run_scoped3A : memref<!tpu.dma_semaphore, #tpu.memory_space<semaphore_mem>>) src(%arg6 : memref<128x128xf32, #tpu.memory_space<vmem>>) dst(%dma_wait3A_78 : memref<128x128xf32, #tpu.memory_space<vmem_shared>>)
      tpu.yield
    }) : () -> ()
    %mul3A_12 = arith.constant 640 : i32
    %mul3A_13 = arith.muli %arg1, %mul3A_12 : i32
    %add3A_14 = arith.constant 256 : i32
    %add3A_15 = arith.addi %mul3A_13, %add3A_14 : i32
    "tpu.region"() ({
      %run_scoped3A = tpu.sem_alloc : memref<!tpu.dma_semaphore, #tpu.memory_space<semaphore_mem>>
      %dma_start3A = arith.constant 0 : i32
      %dma_start3A_73 = tpu.memref_slice %arg10[%add3A_15, %dma_start3A] : memref<10240x128xf32, #tpu.memory_space<vmem_shared>> -> memref<128x128xf32, #tpu.memory_space<vmem_shared>>
      %dma_start3A_74 = arith.constant 0 : i32
      %dma_start3A_75 = tpu.memref_slice %arg10[%add3A_15, %dma_start3A_74] : memref<10240x128xf32, #tpu.memory_space<vmem_shared>> -> memref<128x128xf32, #tpu.memory_space<vmem_shared>>
      tpu.enqueue_dma source(%arg6 : memref<128x128xf32, #tpu.memory_space<vmem>>) target(%dma_start3A_75 : memref<128x128xf32, #tpu.memory_space<vmem_shared>>) target_semaphore(%run_scoped3A : memref<!tpu.dma_semaphore, #tpu.memory_space<semaphore_mem>>)
      %dma_wait3A = arith.constant 0 : i32
      %dma_wait3A_76 = tpu.memref_slice %arg10[%add3A_15, %dma_wait3A] : memref<10240x128xf32, #tpu.memory_space<vmem_shared>> -> memref<128x128xf32, #tpu.memory_space<vmem_shared>>
      %dma_wait3A_77 = arith.constant 0 : i32
      %dma_wait3A_78 = tpu.memref_slice %arg10[%add3A_15, %dma_wait3A_77] : memref<10240x128xf32, #tpu.memory_space<vmem_shared>> -> memref<128x128xf32, #tpu.memory_space<vmem_shared>>
      tpu.wait_dma2 semaphore(%run_scoped3A : memref<!tpu.dma_semaphore, #tpu.memory_space<semaphore_mem>>) src(%arg6 : memref<128x128xf32, #tpu.memory_space<vmem>>) dst(%dma_wait3A_78 : memref<128x128xf32, #tpu.memory_space<vmem_shared>>)
      tpu.yield
    }) : () -> ()
    %mul3A_16 = arith.constant 640 : i32
    %mul3A_17 = arith.muli %arg1, %mul3A_16 : i32
    %add3A_18 = arith.constant 384 : i32
    %add3A_19 = arith.addi %mul3A_17, %add3A_18 : i32
    "tpu.region"() ({
      %run_scoped3A = tpu.sem_alloc : memref<!tpu.dma_semaphore, #tpu.memory_space<semaphore_mem>>
      %dma_start3A = arith.constant 0 : i32
      %dma_start3A_73 = tpu.memref_slice %arg10[%add3A_19, %dma_start3A] : memref<10240x128xf32, #tpu.memory_space<vmem_shared>> -> memref<128x128xf32, #tpu.memory_space<vmem_shared>>
      %dma_start3A_74 = arith.constant 0 : i32
      %dma_start3A_75 = tpu.memref_slice %arg10[%add3A_19, %dma_start3A_74] : memref<10240x128xf32, #tpu.memory_space<vmem_shared>> -> memref<128x128xf32, #tpu.memory_space<vmem_shared>>
      tpu.enqueue_dma source(%arg6 : memref<128x128xf32, #tpu.memory_space<vmem>>) target(%dma_start3A_75 : memref<128x128xf32, #tpu.memory_space<vmem_shared>>) target_semaphore(%run_scoped3A : memref<!tpu.dma_semaphore, #tpu.memory_space<semaphore_mem>>)
      %dma_wait3A = arith.constant 0 : i32
      %dma_wait3A_76 = tpu.memref_slice %arg10[%add3A_19, %dma_wait3A] : memref<10240x128xf32, #tpu.memory_space<vmem_shared>> -> memref<128x128xf32, #tpu.memory_space<vmem_shared>>
      %dma_wait3A_77 = arith.constant 0 : i32
      %dma_wait3A_78 = tpu.memref_slice %arg10[%add3A_19, %dma_wait3A_77] : memref<10240x128xf32, #tpu.memory_space<vmem_shared>> -> memref<128x128xf32, #tpu.memory_space<vmem_shared>>
      tpu.wait_dma2 semaphore(%run_scoped3A : memref<!tpu.dma_semaphore, #tpu.memory_space<semaphore_mem>>) src(%arg6 : memref<128x128xf32, #tpu.memory_space<vmem>>) dst(%dma_wait3A_78 : memref<128x128xf32, #tpu.memory_space<vmem_shared>>)
      tpu.yield
    }) : () -> ()
    %mul3A_20 = arith.constant 640 : i32
    %mul3A_21 = arith.muli %arg1, %mul3A_20 : i32
    %add3A_22 = arith.constant 512 : i32
    %add3A_23 = arith.addi %mul3A_21, %add3A_22 : i32
    "tpu.region"() ({
      %run_scoped3A = tpu.sem_alloc : memref<!tpu.dma_semaphore, #tpu.memory_space<semaphore_mem>>
      %dma_start3A = arith.constant 0 : i32
      %dma_start3A_73 = tpu.memref_slice %arg10[%add3A_23, %dma_start3A] : memref<10240x128xf32, #tpu.memory_space<vmem_shared>> -> memref<128x128xf32, #tpu.memory_space<vmem_shared>>
      %dma_start3A_74 = arith.constant 0 : i32
      %dma_start3A_75 = tpu.memref_slice %arg10[%add3A_23, %dma_start3A_74] : memref<10240x128xf32, #tpu.memory_space<vmem_shared>> -> memref<128x128xf32, #tpu.memory_space<vmem_shared>>
      tpu.enqueue_dma source(%arg6 : memref<128x128xf32, #tpu.memory_space<vmem>>) target(%dma_start3A_75 : memref<128x128xf32, #tpu.memory_space<vmem_shared>>) target_semaphore(%run_scoped3A : memref<!tpu.dma_semaphore, #tpu.memory_space<semaphore_mem>>)
      %dma_wait3A = arith.constant 0 : i32
      %dma_wait3A_76 = tpu.memref_slice %arg10[%add3A_23, %dma_wait3A] : memref<10240x128xf32, #tpu.memory_space<vmem_shared>> -> memref<128x128xf32, #tpu.memory_space<vmem_shared>>
      %dma_wait3A_77 = arith.constant 0 : i32
      %dma_wait3A_78 = tpu.memref_slice %arg10[%add3A_23, %dma_wait3A_77] : memref<10240x128xf32, #tpu.memory_space<vmem_shared>> -> memref<128x128xf32, #tpu.memory_space<vmem_shared>>
      tpu.wait_dma2 semaphore(%run_scoped3A : memref<!tpu.dma_semaphore, #tpu.memory_space<semaphore_mem>>) src(%arg6 : memref<128x128xf32, #tpu.memory_space<vmem>>) dst(%dma_wait3A_78 : memref<128x128xf32, #tpu.memory_space<vmem_shared>>)
      tpu.yield
    }) : () -> ()
    %barrier3A = arith.constant 0 : index
    tpu.barrier barrier_id(%barrier3A)
    %mul3A_24 = arith.constant 323584 : i32
    %mul3A_25 = arith.muli %arg0, %mul3A_24 : i32
    %mul3A_26 = arith.constant 20224 : i32
    %mul3A_27 = arith.muli %arg1, %mul3A_26 : i32
    %add3A_28 = arith.addi %mul3A_25, %mul3A_27 : i32
    %mul3A_29 = arith.constant 20224 : i32
    %mul3A_30 = arith.muli %arg1, %mul3A_29 : i32
    %scan3A_31 = arith.constant 0 : i32
    %scan3A_32 = arith.constant 0 : i32
    %scan3A_33 = arith.constant 158 : i32
    %scan3A_34 = arith.addi %scan3A_32, %scan3A_33 : i32
    %scan3A_35 = arith.constant 1 : i32
    scf.for %scan3A_73 = %scan3A_32 to %scan3A_34 step %scan3A_35  : i32 {
      %mul3A_74 = arith.constant 128 : i32
      %mul3A_75 = arith.muli %scan3A_73, %mul3A_74 : i32
      %add3A_76 = arith.addi %add3A_28, %mul3A_75 : i32
      "tpu.region"() ({
        %run_scoped3A = tpu.sem_alloc : memref<!tpu.dma_semaphore, #tpu.memory_space<semaphore_mem>>
        %dma_start3A_84 = tpu.memref_slice %arg3[%add3A_76] : memref<647168xi32, #tpu.memory_space<hbm>> -> memref<128xi32, #tpu.memory_space<hbm>>
        %dma_start3A_85 = tpu.memref_slice %arg3[%add3A_76] : memref<647168xi32, #tpu.memory_space<hbm>> -> memref<128xi32, #tpu.memory_space<hbm>>
        tpu.enqueue_dma source(%dma_start3A_85 : memref<128xi32, #tpu.memory_space<hbm>>) target(%arg7 : memref<128xi32, #tpu.memory_space<vmem>>) target_semaphore(%run_scoped3A : memref<!tpu.dma_semaphore, #tpu.memory_space<semaphore_mem>>)
        %dma_wait3A_86 = tpu.memref_slice %arg3[%add3A_76] : memref<647168xi32, #tpu.memory_space<hbm>> -> memref<128xi32, #tpu.memory_space<hbm>>
        %dma_wait3A_87 = tpu.memref_slice %arg3[%add3A_76] : memref<647168xi32, #tpu.memory_space<hbm>> -> memref<128xi32, #tpu.memory_space<hbm>>
        tpu.wait_dma2 semaphore(%run_scoped3A : memref<!tpu.dma_semaphore, #tpu.memory_space<semaphore_mem>>) src(%dma_wait3A_87 : memref<128xi32, #tpu.memory_space<hbm>>) dst(%arg7 : memref<128xi32, #tpu.memory_space<vmem>>)
        tpu.yield
      }) : () -> ()
      %mul3A_77 = arith.constant 128 : i32
      %mul3A_78 = arith.muli %scan3A_73, %mul3A_77 : i32
      %add3A_79 = arith.addi %mul3A_30, %mul3A_78 : i32
      "tpu.region"() ({
        %run_scoped3A = tpu.sem_alloc : memref<!tpu.dma_semaphore, #tpu.memory_space<semaphore_mem>>
        %dma_start3A_84 = tpu.memref_slice %arg4[%add3A_79] : memref<323584xi32, #tpu.memory_space<hbm>> -> memref<128xi32, #tpu.memory_space<hbm>>
        %dma_start3A_85 = tpu.memref_slice %arg4[%add3A_79] : memref<323584xi32, #tpu.memory_space<hbm>> -> memref<128xi32, #tpu.memory_space<hbm>>
        tpu.enqueue_dma source(%dma_start3A_85 : memref<128xi32, #tpu.memory_space<hbm>>) target(%arg8 : memref<128xi32, #tpu.memory_space<vmem>>) target_semaphore(%run_scoped3A : memref<!tpu.dma_semaphore, #tpu.memory_space<semaphore_mem>>)
        %dma_wait3A_86 = tpu.memref_slice %arg4[%add3A_79] : memref<323584xi32, #tpu.memory_space<hbm>> -> memref<128xi32, #tpu.memory_space<hbm>>
        %dma_wait3A_87 = tpu.memref_slice %arg4[%add3A_79] : memref<323584xi32, #tpu.memory_space<hbm>> -> memref<128xi32, #tpu.memory_space<hbm>>
        tpu.wait_dma2 semaphore(%run_scoped3A : memref<!tpu.dma_semaphore, #tpu.memory_space<semaphore_mem>>) src(%dma_wait3A_87 : memref<128xi32, #tpu.memory_space<hbm>>) dst(%arg8 : memref<128xi32, #tpu.memory_space<vmem>>)
        tpu.yield
      }) : () -> ()
      %dma_start3A = arith.constant 0 : i32
      %dma_start3A_80 = arith.constant 0 : i32
      %dma_start3A_81 = tpu.memref_slice %arg2[%dma_start3A, %dma_start3A_80] : memref<20480x128xf32, #tpu.memory_space<hbm>> -> memref<20480x128xf32, #tpu.memory_space<hbm>>
      tpu.enqueue_indirect_dma source(%dma_start3A_81 : memref<20480x128xf32, #tpu.memory_space<hbm>>) target(%arg6 : memref<128x128xf32, #tpu.memory_space<vmem>>) offsets(%arg7 : memref<128xi32, #tpu.memory_space<vmem>>) semaphore(%arg9 : memref<!tpu.dma_semaphore, #tpu.memory_space<semaphore_mem>>)
      %dma_wait3A = arith.constant 0 : i32
      %dma_wait3A_82 = arith.constant 0 : i32
      %dma_wait3A_83 = tpu.memref_slice %arg2[%dma_wait3A, %dma_wait3A_82] : memref<20480x128xf32, #tpu.memory_space<hbm>> -> memref<20480x128xf32, #tpu.memory_space<hbm>>
      tpu.wait_indirect_dma semaphore(%arg9 : memref<!tpu.dma_semaphore, #tpu.memory_space<semaphore_mem>>) src(%dma_wait3A_83 : memref<20480x128xf32, #tpu.memory_space<hbm>>) dst(%arg6 : memref<128x128xf32, #tpu.memory_space<vmem>>)
      "tpu.region"() ({
        %run_scoped3A = tpu.sem_alloc : memref<!tpu.dma_semaphore, #tpu.memory_space<semaphore_mem>>
        %dma_start3A_84 = arith.constant 0 : i32
        %dma_start3A_85 = arith.constant 0 : i32
        %dma_start3A_86 = tpu.memref_slice %arg10[%dma_start3A_84, %dma_start3A_85] : memref<10240x128xf32, #tpu.memory_space<vmem_shared>> -> memref<10240x128xf32, #tpu.memory_space<vmem_shared>>
        tpu.enqueue_indirect_dma source(%arg6 : memref<128x128xf32, #tpu.memory_space<vmem>>) target(%dma_start3A_86 : memref<10240x128xf32, #tpu.memory_space<vmem_shared>>) offsets(%arg8 : memref<128xi32, #tpu.memory_space<vmem>>) semaphore(%run_scoped3A : memref<!tpu.dma_semaphore, #tpu.memory_space<semaphore_mem>>) {add = true}
        %dma_wait3A_87 = arith.constant 0 : i32
        %dma_wait3A_88 = arith.constant 0 : i32
        %dma_wait3A_89 = tpu.memref_slice %arg10[%dma_wait3A_87, %dma_wait3A_88] : memref<10240x128xf32, #tpu.memory_space<vmem_shared>> -> memref<10240x128xf32, #tpu.memory_space<vmem_shared>>
        tpu.wait_indirect_dma semaphore(%run_scoped3A : memref<!tpu.dma_semaphore, #tpu.memory_space<semaphore_mem>>) src(%arg6 : memref<128x128xf32, #tpu.memory_space<vmem>>) dst(%dma_wait3A_89 : memref<10240x128xf32, #tpu.memory_space<vmem_shared>>)
        tpu.yield
      }) : () -> ()
    }
    %scan3A_36 = arith.constant 158 : i32
    %barrier3A_37 = arith.constant 0 : index
    tpu.barrier barrier_id(%barrier3A_37)
    %mul3A_38 = arith.constant 640 : i32
    %mul3A_39 = arith.muli %arg1, %mul3A_38 : i32
    %add3A_40 = arith.constant 0 : i32
    %add3A_41 = arith.addi %mul3A_39, %add3A_40 : i32
    "tpu.region"() ({
      %run_scoped3A = tpu.sem_alloc : memref<!tpu.dma_semaphore, #tpu.memory_space<semaphore_mem>>
      %dma_start3A = arith.constant 0 : i32
      %dma_start3A_73 = tpu.memref_slice %arg10[%add3A_41, %dma_start3A] : memref<10240x128xf32, #tpu.memory_space<vmem_shared>> -> memref<128x128xf32, #tpu.memory_space<vmem_shared>>
      %dma_start3A_74 = arith.constant 0 : i32
      %dma_start3A_75 = tpu.memref_slice %arg10[%add3A_41, %dma_start3A_74] : memref<10240x128xf32, #tpu.memory_space<vmem_shared>> -> memref<128x128xf32, #tpu.memory_space<vmem_shared>>
      tpu.enqueue_dma source(%dma_start3A_75 : memref<128x128xf32, #tpu.memory_space<vmem_shared>>) target(%arg6 : memref<128x128xf32, #tpu.memory_space<vmem>>) target_semaphore(%run_scoped3A : memref<!tpu.dma_semaphore, #tpu.memory_space<semaphore_mem>>)
      %dma_wait3A = arith.constant 0 : i32
      %dma_wait3A_76 = tpu.memref_slice %arg10[%add3A_41, %dma_wait3A] : memref<10240x128xf32, #tpu.memory_space<vmem_shared>> -> memref<128x128xf32, #tpu.memory_space<vmem_shared>>
      %dma_wait3A_77 = arith.constant 0 : i32
      %dma_wait3A_78 = tpu.memref_slice %arg10[%add3A_41, %dma_wait3A_77] : memref<10240x128xf32, #tpu.memory_space<vmem_shared>> -> memref<128x128xf32, #tpu.memory_space<vmem_shared>>
      tpu.wait_dma2 semaphore(%run_scoped3A : memref<!tpu.dma_semaphore, #tpu.memory_space<semaphore_mem>>) src(%dma_wait3A_78 : memref<128x128xf32, #tpu.memory_space<vmem_shared>>) dst(%arg6 : memref<128x128xf32, #tpu.memory_space<vmem>>)
      tpu.yield
    }) : () -> ()
    %mul3A_42 = arith.constant 10240 : i32
    %mul3A_43 = arith.muli %arg0, %mul3A_42 : i32
    %add3A_44 = arith.addi %mul3A_43, %add3A_41 : i32
    "tpu.region"() ({
      %run_scoped3A = tpu.sem_alloc : memref<!tpu.dma_semaphore, #tpu.memory_space<semaphore_mem>>
      %dma_start3A = arith.constant 0 : i32
      %dma_start3A_73 = tpu.memref_slice %arg5[%add3A_44, %dma_start3A] : memref<20480x128xf32, #tpu.memory_space<hbm>> -> memref<128x128xf32, #tpu.memory_space<hbm>>
      %dma_start3A_74 = arith.constant 0 : i32
      %dma_start3A_75 = tpu.memref_slice %arg5[%add3A_44, %dma_start3A_74] : memref<20480x128xf32, #tpu.memory_space<hbm>> -> memref<128x128xf32, #tpu.memory_space<hbm>>
      tpu.enqueue_dma source(%arg6 : memref<128x128xf32, #tpu.memory_space<vmem>>) target(%dma_start3A_75 : memref<128x128xf32, #tpu.memory_space<hbm>>) target_semaphore(%run_scoped3A : memref<!tpu.dma_semaphore, #tpu.memory_space<semaphore_mem>>)
      %dma_wait3A = arith.constant 0 : i32
      %dma_wait3A_76 = tpu.memref_slice %arg5[%add3A_44, %dma_wait3A] : memref<20480x128xf32, #tpu.memory_space<hbm>> -> memref<128x128xf32, #tpu.memory_space<hbm>>
      %dma_wait3A_77 = arith.constant 0 : i32
      %dma_wait3A_78 = tpu.memref_slice %arg5[%add3A_44, %dma_wait3A_77] : memref<20480x128xf32, #tpu.memory_space<hbm>> -> memref<128x128xf32, #tpu.memory_space<hbm>>
      tpu.wait_dma2 semaphore(%run_scoped3A : memref<!tpu.dma_semaphore, #tpu.memory_space<semaphore_mem>>) src(%arg6 : memref<128x128xf32, #tpu.memory_space<vmem>>) dst(%dma_wait3A_78 : memref<128x128xf32, #tpu.memory_space<hbm>>)
      tpu.yield
    }) : () -> ()
    %mul3A_45 = arith.constant 640 : i32
    %mul3A_46 = arith.muli %arg1, %mul3A_45 : i32
    %add3A_47 = arith.constant 128 : i32
    %add3A_48 = arith.addi %mul3A_46, %add3A_47 : i32
    "tpu.region"() ({
      %run_scoped3A = tpu.sem_alloc : memref<!tpu.dma_semaphore, #tpu.memory_space<semaphore_mem>>
      %dma_start3A = arith.constant 0 : i32
      %dma_start3A_73 = tpu.memref_slice %arg10[%add3A_48, %dma_start3A] : memref<10240x128xf32, #tpu.memory_space<vmem_shared>> -> memref<128x128xf32, #tpu.memory_space<vmem_shared>>
      %dma_start3A_74 = arith.constant 0 : i32
      %dma_start3A_75 = tpu.memref_slice %arg10[%add3A_48, %dma_start3A_74] : memref<10240x128xf32, #tpu.memory_space<vmem_shared>> -> memref<128x128xf32, #tpu.memory_space<vmem_shared>>
      tpu.enqueue_dma source(%dma_start3A_75 : memref<128x128xf32, #tpu.memory_space<vmem_shared>>) target(%arg6 : memref<128x128xf32, #tpu.memory_space<vmem>>) target_semaphore(%run_scoped3A : memref<!tpu.dma_semaphore, #tpu.memory_space<semaphore_mem>>)
      %dma_wait3A = arith.constant 0 : i32
      %dma_wait3A_76 = tpu.memref_slice %arg10[%add3A_48, %dma_wait3A] : memref<10240x128xf32, #tpu.memory_space<vmem_shared>> -> memref<128x128xf32, #tpu.memory_space<vmem_shared>>
      %dma_wait3A_77 = arith.constant 0 : i32
      %dma_wait3A_78 = tpu.memref_slice %arg10[%add3A_48, %dma_wait3A_77] : memref<10240x128xf32, #tpu.memory_space<vmem_shared>> -> memref<128x128xf32, #tpu.memory_space<vmem_shared>>
      tpu.wait_dma2 semaphore(%run_scoped3A : memref<!tpu.dma_semaphore, #tpu.memory_space<semaphore_mem>>) src(%dma_wait3A_78 : memref<128x128xf32, #tpu.memory_space<vmem_shared>>) dst(%arg6 : memref<128x128xf32, #tpu.memory_space<vmem>>)
      tpu.yield
    }) : () -> ()
    %mul3A_49 = arith.constant 10240 : i32
    %mul3A_50 = arith.muli %arg0, %mul3A_49 : i32
    %add3A_51 = arith.addi %mul3A_50, %add3A_48 : i32
    "tpu.region"() ({
      %run_scoped3A = tpu.sem_alloc : memref<!tpu.dma_semaphore, #tpu.memory_space<semaphore_mem>>
      %dma_start3A = arith.constant 0 : i32
      %dma_start3A_73 = tpu.memref_slice %arg5[%add3A_51, %dma_start3A] : memref<20480x128xf32, #tpu.memory_space<hbm>> -> memref<128x128xf32, #tpu.memory_space<hbm>>
      %dma_start3A_74 = arith.constant 0 : i32
      %dma_start3A_75 = tpu.memref_slice %arg5[%add3A_51, %dma_start3A_74] : memref<20480x128xf32, #tpu.memory_space<hbm>> -> memref<128x128xf32, #tpu.memory_space<hbm>>
      tpu.enqueue_dma source(%arg6 : memref<128x128xf32, #tpu.memory_space<vmem>>) target(%dma_start3A_75 : memref<128x128xf32, #tpu.memory_space<hbm>>) target_semaphore(%run_scoped3A : memref<!tpu.dma_semaphore, #tpu.memory_space<semaphore_mem>>)
      %dma_wait3A = arith.constant 0 : i32
      %dma_wait3A_76 = tpu.memref_slice %arg5[%add3A_51, %dma_wait3A] : memref<20480x128xf32, #tpu.memory_space<hbm>> -> memref<128x128xf32, #tpu.memory_space<hbm>>
      %dma_wait3A_77 = arith.constant 0 : i32
      %dma_wait3A_78 = tpu.memref_slice %arg5[%add3A_51, %dma_wait3A_77] : memref<20480x128xf32, #tpu.memory_space<hbm>> -> memref<128x128xf32, #tpu.memory_space<hbm>>
      tpu.wait_dma2 semaphore(%run_scoped3A : memref<!tpu.dma_semaphore, #tpu.memory_space<semaphore_mem>>) src(%arg6 : memref<128x128xf32, #tpu.memory_space<vmem>>) dst(%dma_wait3A_78 : memref<128x128xf32, #tpu.memory_space<hbm>>)
      tpu.yield
    }) : () -> ()
    %mul3A_52 = arith.constant 640 : i32
    %mul3A_53 = arith.muli %arg1, %mul3A_52 : i32
    %add3A_54 = arith.constant 256 : i32
    %add3A_55 = arith.addi %mul3A_53, %add3A_54 : i32
    "tpu.region"() ({
      %run_scoped3A = tpu.sem_alloc : memref<!tpu.dma_semaphore, #tpu.memory_space<semaphore_mem>>
      %dma_start3A = arith.constant 0 : i32
      %dma_start3A_73 = tpu.memref_slice %arg10[%add3A_55, %dma_start3A] : memref<10240x128xf32, #tpu.memory_space<vmem_shared>> -> memref<128x128xf32, #tpu.memory_space<vmem_shared>>
      %dma_start3A_74 = arith.constant 0 : i32
      %dma_start3A_75 = tpu.memref_slice %arg10[%add3A_55, %dma_start3A_74] : memref<10240x128xf32, #tpu.memory_space<vmem_shared>> -> memref<128x128xf32, #tpu.memory_space<vmem_shared>>
      tpu.enqueue_dma source(%dma_start3A_75 : memref<128x128xf32, #tpu.memory_space<vmem_shared>>) target(%arg6 : memref<128x128xf32, #tpu.memory_space<vmem>>) target_semaphore(%run_scoped3A : memref<!tpu.dma_semaphore, #tpu.memory_space<semaphore_mem>>)
      %dma_wait3A = arith.constant 0 : i32
      %dma_wait3A_76 = tpu.memref_slice %arg10[%add3A_55, %dma_wait3A] : memref<10240x128xf32, #tpu.memory_space<vmem_shared>> -> memref<128x128xf32, #tpu.memory_space<vmem_shared>>
      %dma_wait3A_77 = arith.constant 0 : i32
      %dma_wait3A_78 = tpu.memref_slice %arg10[%add3A_55, %dma_wait3A_77] : memref<10240x128xf32, #tpu.memory_space<vmem_shared>> -> memref<128x128xf32, #tpu.memory_space<vmem_shared>>
      tpu.wait_dma2 semaphore(%run_scoped3A : memref<!tpu.dma_semaphore, #tpu.memory_space<semaphore_mem>>) src(%dma_wait3A_78 : memref<128x128xf32, #tpu.memory_space<vmem_shared>>) dst(%arg6 : memref<128x128xf32, #tpu.memory_space<vmem>>)
      tpu.yield
    }) : () -> ()
    %mul3A_56 = arith.constant 10240 : i32
    %mul3A_57 = arith.muli %arg0, %mul3A_56 : i32
    %add3A_58 = arith.addi %mul3A_57, %add3A_55 : i32
    "tpu.region"() ({
      %run_scoped3A = tpu.sem_alloc : memref<!tpu.dma_semaphore, #tpu.memory_space<semaphore_mem>>
      %dma_start3A = arith.constant 0 : i32
      %dma_start3A_73 = tpu.memref_slice %arg5[%add3A_58, %dma_start3A] : memref<20480x128xf32, #tpu.memory_space<hbm>> -> memref<128x128xf32, #tpu.memory_space<hbm>>
      %dma_start3A_74 = arith.constant 0 : i32
      %dma_start3A_75 = tpu.memref_slice %arg5[%add3A_58, %dma_start3A_74] : memref<20480x128xf32, #tpu.memory_space<hbm>> -> memref<128x128xf32, #tpu.memory_space<hbm>>
      tpu.enqueue_dma source(%arg6 : memref<128x128xf32, #tpu.memory_space<vmem>>) target(%dma_start3A_75 : memref<128x128xf32, #tpu.memory_space<hbm>>) target_semaphore(%run_scoped3A : memref<!tpu.dma_semaphore, #tpu.memory_space<semaphore_mem>>)
      %dma_wait3A = arith.constant 0 : i32
      %dma_wait3A_76 = tpu.memref_slice %arg5[%add3A_58, %dma_wait3A] : memref<20480x128xf32, #tpu.memory_space<hbm>> -> memref<128x128xf32, #tpu.memory_space<hbm>>
      %dma_wait3A_77 = arith.constant 0 : i32
      %dma_wait3A_78 = tpu.memref_slice %arg5[%add3A_58, %dma_wait3A_77] : memref<20480x128xf32, #tpu.memory_space<hbm>> -> memref<128x128xf32, #tpu.memory_space<hbm>>
      tpu.wait_dma2 semaphore(%run_scoped3A : memref<!tpu.dma_semaphore, #tpu.memory_space<semaphore_mem>>) src(%arg6 : memref<128x128xf32, #tpu.memory_space<vmem>>) dst(%dma_wait3A_78 : memref<128x128xf32, #tpu.memory_space<hbm>>)
      tpu.yield
    }) : () -> ()
    %mul3A_59 = arith.constant 640 : i32
    %mul3A_60 = arith.muli %arg1, %mul3A_59 : i32
    %add3A_61 = arith.constant 384 : i32
    %add3A_62 = arith.addi %mul3A_60, %add3A_61 : i32
    "tpu.region"() ({
      %run_scoped3A = tpu.sem_alloc : memref<!tpu.dma_semaphore, #tpu.memory_space<semaphore_mem>>
      %dma_start3A = arith.constant 0 : i32
      %dma_start3A_73 = tpu.memref_slice %arg10[%add3A_62, %dma_start3A] : memref<10240x128xf32, #tpu.memory_space<vmem_shared>> -> memref<128x128xf32, #tpu.memory_space<vmem_shared>>
      %dma_start3A_74 = arith.constant 0 : i32
      %dma_start3A_75 = tpu.memref_slice %arg10[%add3A_62, %dma_start3A_74] : memref<10240x128xf32, #tpu.memory_space<vmem_shared>> -> memref<128x128xf32, #tpu.memory_space<vmem_shared>>
      tpu.enqueue_dma source(%dma_start3A_75 : memref<128x128xf32, #tpu.memory_space<vmem_shared>>) target(%arg6 : memref<128x128xf32, #tpu.memory_space<vmem>>) target_semaphore(%run_scoped3A : memref<!tpu.dma_semaphore, #tpu.memory_space<semaphore_mem>>)
      %dma_wait3A = arith.constant 0 : i32
      %dma_wait3A_76 = tpu.memref_slice %arg10[%add3A_62, %dma_wait3A] : memref<10240x128xf32, #tpu.memory_space<vmem_shared>> -> memref<128x128xf32, #tpu.memory_space<vmem_shared>>
      %dma_wait3A_77 = arith.constant 0 : i32
      %dma_wait3A_78 = tpu.memref_slice %arg10[%add3A_62, %dma_wait3A_77] : memref<10240x128xf32, #tpu.memory_space<vmem_shared>> -> memref<128x128xf32, #tpu.memory_space<vmem_shared>>
      tpu.wait_dma2 semaphore(%run_scoped3A : memref<!tpu.dma_semaphore, #tpu.memory_space<semaphore_mem>>) src(%dma_wait3A_78 : memref<128x128xf32, #tpu.memory_space<vmem_shared>>) dst(%arg6 : memref<128x128xf32, #tpu.memory_space<vmem>>)
      tpu.yield
    }) : () -> ()
    %mul3A_63 = arith.constant 10240 : i32
    %mul3A_64 = arith.muli %arg0, %mul3A_63 : i32
    %add3A_65 = arith.addi %mul3A_64, %add3A_62 : i32
    "tpu.region"() ({
      %run_scoped3A = tpu.sem_alloc : memref<!tpu.dma_semaphore, #tpu.memory_space<semaphore_mem>>
      %dma_start3A = arith.constant 0 : i32
      %dma_start3A_73 = tpu.memref_slice %arg5[%add3A_65, %dma_start3A] : memref<20480x128xf32, #tpu.memory_space<hbm>> -> memref<128x128xf32, #tpu.memory_space<hbm>>
      %dma_start3A_74 = arith.constant 0 : i32
      %dma_start3A_75 = tpu.memref_slice %arg5[%add3A_65, %dma_start3A_74] : memref<20480x128xf32, #tpu.memory_space<hbm>> -> memref<128x128xf32, #tpu.memory_space<hbm>>
      tpu.enqueue_dma source(%arg6 : memref<128x128xf32, #tpu.memory_space<vmem>>) target(%dma_start3A_75 : memref<128x128xf32, #tpu.memory_space<hbm>>) target_semaphore(%run_scoped3A : memref<!tpu.dma_semaphore, #tpu.memory_space<semaphore_mem>>)
      %dma_wait3A = arith.constant 0 : i32
      %dma_wait3A_76 = tpu.memref_slice %arg5[%add3A_65, %dma_wait3A] : memref<20480x128xf32, #tpu.memory_space<hbm>> -> memref<128x128xf32, #tpu.memory_space<hbm>>
      %dma_wait3A_77 = arith.constant 0 : i32
      %dma_wait3A_78 = tpu.memref_slice %arg5[%add3A_65, %dma_wait3A_77] : memref<20480x128xf32, #tpu.memory_space<hbm>> -> memref<128x128xf32, #tpu.memory_space<hbm>>
      tpu.wait_dma2 semaphore(%run_scoped3A : memref<!tpu.dma_semaphore, #tpu.memory_space<semaphore_mem>>) src(%arg6 : memref<128x128xf32, #tpu.memory_space<vmem>>) dst(%dma_wait3A_78 : memref<128x128xf32, #tpu.memory_space<hbm>>)
      tpu.yield
    }) : () -> ()
    %mul3A_66 = arith.constant 640 : i32
    %mul3A_67 = arith.muli %arg1, %mul3A_66 : i32
    %add3A_68 = arith.constant 512 : i32
    %add3A_69 = arith.addi %mul3A_67, %add3A_68 : i32
    "tpu.region"() ({
      %run_scoped3A = tpu.sem_alloc : memref<!tpu.dma_semaphore, #tpu.memory_space<semaphore_mem>>
      %dma_start3A = arith.constant 0 : i32
      %dma_start3A_73 = tpu.memref_slice %arg10[%add3A_69, %dma_start3A] : memref<10240x128xf32, #tpu.memory_space<vmem_shared>> -> memref<128x128xf32, #tpu.memory_space<vmem_shared>>
      %dma_start3A_74 = arith.constant 0 : i32
      %dma_start3A_75 = tpu.memref_slice %arg10[%add3A_69, %dma_start3A_74] : memref<10240x128xf32, #tpu.memory_space<vmem_shared>> -> memref<128x128xf32, #tpu.memory_space<vmem_shared>>
      tpu.enqueue_dma source(%dma_start3A_75 : memref<128x128xf32, #tpu.memory_space<vmem_shared>>) target(%arg6 : memref<128x128xf32, #tpu.memory_space<vmem>>) target_semaphore(%run_scoped3A : memref<!tpu.dma_semaphore, #tpu.memory_space<semaphore_mem>>)
      %dma_wait3A = arith.constant 0 : i32
      %dma_wait3A_76 = tpu.memref_slice %arg10[%add3A_69, %dma_wait3A] : memref<10240x128xf32, #tpu.memory_space<vmem_shared>> -> memref<128x128xf32, #tpu.memory_space<vmem_shared>>
      %dma_wait3A_77 = arith.constant 0 : i32
      %dma_wait3A_78 = tpu.memref_slice %arg10[%add3A_69, %dma_wait3A_77] : memref<10240x128xf32, #tpu.memory_space<vmem_shared>> -> memref<128x128xf32, #tpu.memory_space<vmem_shared>>
      tpu.wait_dma2 semaphore(%run_scoped3A : memref<!tpu.dma_semaphore, #tpu.memory_space<semaphore_mem>>) src(%dma_wait3A_78 : memref<128x128xf32, #tpu.memory_space<vmem_shared>>) dst(%arg6 : memref<128x128xf32, #tpu.memory_space<vmem>>)
      tpu.yield
    }) : () -> ()
    %mul3A_70 = arith.constant 10240 : i32
    %mul3A_71 = arith.muli %arg0, %mul3A_70 : i32
    %add3A_72 = arith.addi %mul3A_71, %add3A_69 : i32
    "tpu.region"() ({
      %run_scoped3A = tpu.sem_alloc : memref<!tpu.dma_semaphore, #tpu.memory_space<semaphore_mem>>
      %dma_start3A = arith.constant 0 : i32
      %dma_start3A_73 = tpu.memref_slice %arg5[%add3A_72, %dma_start3A] : memref<20480x128xf32, #tpu.memory_space<hbm>> -> memref<128x128xf32, #tpu.memory_space<hbm>>
      %dma_start3A_74 = arith.constant 0 : i32
      %dma_start3A_75 = tpu.memref_slice %arg5[%add3A_72, %dma_start3A_74] : memref<20480x128xf32, #tpu.memory_space<hbm>> -> memref<128x128xf32, #tpu.memory_space<hbm>>
      tpu.enqueue_dma source(%arg6 : memref<128x128xf32, #tpu.memory_space<vmem>>) target(%dma_start3A_75 : memref<128x128xf32, #tpu.memory_space<hbm>>) target_semaphore(%run_scoped3A : memref<!tpu.dma_semaphore, #tpu.memory_space<semaphore_mem>>)
      %dma_wait3A = arith.constant 0 : i32
      %dma_wait3A_76 = tpu.memref_slice %arg5[%add3A_72, %dma_wait3A] : memref<20480x128xf32, #tpu.memory_space<hbm>> -> memref<128x128xf32, #tpu.memory_space<hbm>>
      %dma_wait3A_77 = arith.constant 0 : i32
      %dma_wait3A_78 = tpu.memref_slice %arg5[%add3A_72, %dma_wait3A_77] : memref<20480x128xf32, #tpu.memory_space<hbm>> -> memref<128x128xf32, #tpu.memory_space<hbm>>
      tpu.wait_dma2 semaphore(%run_scoped3A : memref<!tpu.dma_semaphore, #tpu.memory_space<semaphore_mem>>) src(%arg6 : memref<128x128xf32, #tpu.memory_space<vmem>>) dst(%dma_wait3A_78 : memref<128x128xf32, #tpu.memory_space<hbm>>)
      tpu.yield
    }) : () -> ()
    return
  }
}

#map = affine_map<(d0, d1) -> (0, 0)>
#map1 = affine_map<(d0, d1) -> (0)>
module attributes {stable_mosaic.version = 14 : i64} {
  func.func @s_kernel(%arg0: i32, %arg1: i32, %arg2: memref<20480x128xf32, #tpu.memory_space<hbm>>, %arg3: memref<647168xi32, #tpu.memory_space<hbm>>, %arg4: memref<323584xi32, #tpu.memory_space<hbm>>, %arg5: memref<20480x128xf32, #tpu.memory_space<hbm>>, %arg6: memref<128x128xf32, #tpu.memory_space<vmem>>, %arg7: memref<128xi32, #tpu.memory_space<vmem>>, %arg8: memref<128xi32, #tpu.memory_space<vmem>>, %arg9: memref<!tpu.dma_semaphore, #tpu.memory_space<semaphore_mem>>, %arg10: memref<10240x128xf32, #tpu.memory_space<vmem_shared>>) attributes {dimension_semantics = [#tpu.dimension_semantics<core_parallel>, #tpu.dimension_semantics<subcore_parallel>], iteration_bounds = array<i64: 2, 16>, scalar_prefetch = 0 : i64, scratch_operands = 5 : i64, tpu.core_type = #tpu.core_type<sc_vector_subcore>, window_params = [{transform_indices = #map}, {transform_indices = #map1}, {transform_indices = #map1}, {transform_indices = #map}]} {
    %broadcast_in_dim3A = arith.constant 0.000000e+00 : f32
    %broadcast_in_dim3A_0 = vector.broadcast %broadcast_in_dim3A : f32 to vector<16xf32>
    %scan3A = arith.constant 0 : i32
    %scan3A_1 = arith.constant 0 : i32
    %scan3A_2 = arith.constant 128 : i32
    %scan3A_3 = arith.addi %scan3A_1, %scan3A_2 : i32
    %scan3A_4 = arith.constant 1 : i32
    scf.for %scan3A_73 = %scan3A_1 to %scan3A_3 step %scan3A_4  : i32 {
      %swap3A = arith.index_cast %scan3A_73 : i32 to index
      %swap3A_74 = arith.constant 0 : index
      %swap3A_75 = tpu.vector_load %arg6[%swap3A, %swap3A_74] {strides = array<i32>} : memref<128x128xf32, #tpu.memory_space<vmem>>, vector<1x16xf32>,
      %swap3A_76 = vector.shape_cast %swap3A_75 : vector<1x16xf32> to vector<16xf32>
      %swap3A_77 = vector.shape_cast %broadcast_in_dim3A_0 : vector<16xf32> to vector<1x16xf32>
      tpu.vector_store %arg6[%swap3A, %swap3A_74], %swap3A_77 {strides = array<i32>} : memref<128x128xf32, #tpu.memory_space<vmem>>, vector<1x16xf32>,
      %swap3A_78 = arith.index_cast %scan3A_73 : i32 to index
      %swap3A_79 = arith.constant 16 : index
      %swap3A_80 = tpu.vector_load %arg6[%swap3A_78, %swap3A_79] {strides = array<i32>} : memref<128x128xf32, #tpu.memory_space<vmem>>, vector<1x16xf32>,
      %swap3A_81 = vector.shape_cast %swap3A_80 : vector<1x16xf32> to vector<16xf32>
      %swap3A_82 = vector.shape_cast %broadcast_in_dim3A_0 : vector<16xf32> to vector<1x16xf32>
      tpu.vector_store %arg6[%swap3A_78, %swap3A_79], %swap3A_82 {strides = array<i32>} : memref<128x128xf32, #tpu.memory_space<vmem>>, vector<1x16xf32>,
      %swap3A_83 = arith.index_cast %scan3A_73 : i32 to index
      %swap3A_84 = arith.constant 32 : index
      %swap3A_85 = tpu.vector_load %arg6[%swap3A_83, %swap3A_84] {strides = array<i32>} : memref<128x128xf32, #tpu.memory_space<vmem>>, vector<1x16xf32>,
      %swap3A_86 = vector.shape_cast %swap3A_85 : vector<1x16xf32> to vector<16xf32>
      %swap3A_87 = vector.shape_cast %broadcast_in_dim3A_0 : vector<16xf32> to vector<1x16xf32>
      tpu.vector_store %arg6[%swap3A_83, %swap3A_84], %swap3A_87 {strides = array<i32>} : memref<128x128xf32, #tpu.memory_space<vmem>>, vector<1x16xf32>,
      %swap3A_88 = arith.index_cast %scan3A_73 : i32 to index
      %swap3A_89 = arith.constant 48 : index
      %swap3A_90 = tpu.vector_load %arg6[%swap3A_88, %swap3A_89] {strides = array<i32>} : memref<128x128xf32, #tpu.memory_space<vmem>>, vector<1x16xf32>,
      %swap3A_91 = vector.shape_cast %swap3A_90 : vector<1x16xf32> to vector<16xf32>
      %swap3A_92 = vector.shape_cast %broadcast_in_dim3A_0 : vector<16xf32> to vector<1x16xf32>
      tpu.vector_store %arg6[%swap3A_88, %swap3A_89], %swap3A_92 {strides = array<i32>} : memref<128x128xf32, #tpu.memory_space<vmem>>, vector<1x16xf32>,
      %swap3A_93 = arith.index_cast %scan3A_73 : i32 to index
      %swap3A_94 = arith.constant 64 : index
      %swap3A_95 = tpu.vector_load %arg6[%swap3A_93, %swap3A_94] {strides = array<i32>} : memref<128x128xf32, #tpu.memory_space<vmem>>, vector<1x16xf32>,
      %swap3A_96 = vector.shape_cast %swap3A_95 : vector<1x16xf32> to vector<16xf32>
      %swap3A_97 = vector.shape_cast %broadcast_in_dim3A_0 : vector<16xf32> to vector<1x16xf32>
      tpu.vector_store %arg6[%swap3A_93, %swap3A_94], %swap3A_97 {strides = array<i32>} : memref<128x128xf32, #tpu.memory_space<vmem>>, vector<1x16xf32>,
      %swap3A_98 = arith.index_cast %scan3A_73 : i32 to index
      %swap3A_99 = arith.constant 80 : index
      %swap3A_100 = tpu.vector_load %arg6[%swap3A_98, %swap3A_99] {strides = array<i32>} : memref<128x128xf32, #tpu.memory_space<vmem>>, vector<1x16xf32>,
      %swap3A_101 = vector.shape_cast %swap3A_100 : vector<1x16xf32> to vector<16xf32>
      %swap3A_102 = vector.shape_cast %broadcast_in_dim3A_0 : vector<16xf32> to vector<1x16xf32>
      tpu.vector_store %arg6[%swap3A_98, %swap3A_99], %swap3A_102 {strides = array<i32>} : memref<128x128xf32, #tpu.memory_space<vmem>>, vector<1x16xf32>,
      %swap3A_103 = arith.index_cast %scan3A_73 : i32 to index
      %swap3A_104 = arith.constant 96 : index
      %swap3A_105 = tpu.vector_load %arg6[%swap3A_103, %swap3A_104] {strides = array<i32>} : memref<128x128xf32, #tpu.memory_space<vmem>>, vector<1x16xf32>,
      %swap3A_106 = vector.shape_cast %swap3A_105 : vector<1x16xf32> to vector<16xf32>
      %swap3A_107 = vector.shape_cast %broadcast_in_dim3A_0 : vector<16xf32> to vector<1x16xf32>
      tpu.vector_store %arg6[%swap3A_103, %swap3A_104], %swap3A_107 {strides = array<i32>} : memref<128x128xf32, #tpu.memory_space<vmem>>, vector<1x16xf32>,
      %swap3A_108 = arith.index_cast %scan3A_73 : i32 to index
      %swap3A_109 = arith.constant 112 : index
      %swap3A_110 = tpu.vector_load %arg6[%swap3A_108, %swap3A_109] {strides = array<i32>} : memref<128x128xf32, #tpu.memory_space<vmem>>, vector<1x16xf32>,
      %swap3A_111 = vector.shape_cast %swap3A_110 : vector<1x16xf32> to vector<16xf32>
      %swap3A_112 = vector.shape_cast %broadcast_in_dim3A_0 : vector<16xf32> to vector<1x16xf32>
      tpu.vector_store %arg6[%swap3A_108, %swap3A_109], %swap3A_112 {strides = array<i32>} : memref<128x128xf32, #tpu.memory_space<vmem>>, vector<1x16xf32>,
    }
    %scan3A_5 = arith.constant 128 : i32
    %mul3A = arith.constant 640 : i32
    %mul3A_6 = arith.muli %arg1, %mul3A : i32
    %add3A = arith.constant 0 : i32
    %add3A_7 = arith.addi %mul3A_6, %add3A : i32
    "tpu.region"() ({
      %run_scoped3A = tpu.sem_alloc : memref<!tpu.dma_semaphore, #tpu.memory_space<semaphore_mem>>
      %dma_start3A = arith.constant 0 : i32
      %dma_start3A_73 = tpu.memref_slice %arg10[%add3A_7, %dma_start3A] : memref<10240x128xf32, #tpu.memory_space<vmem_shared>> -> memref<128x128xf32, #tpu.memory_space<vmem_shared>>
      %dma_start3A_74 = arith.constant 0 : i32
      %dma_start3A_75 = tpu.memref_slice %arg10[%add3A_7, %dma_start3A_74] : memref<10240x128xf32, #tpu.memory_space<vmem_shared>> -> memref<128x128xf32, #tpu.memory_space<vmem_shared>>
      tpu.enqueue_dma source(%arg6 : memref<128x128xf32, #tpu.memory_space<vmem>>) target(%dma_start3A_75 : memref<128x128xf32, #tpu.memory_space<vmem_shared>>) target_semaphore(%run_scoped3A : memref<!tpu.dma_semaphore, #tpu.memory_space<semaphore_mem>>)
      %dma_wait3A = arith.constant 0 : i32
      %dma_wait3A_76 = tpu.memref_slice %arg10[%add3A_7, %dma_wait3A] : memref<10240x128xf32, #tpu.memory_space<vmem_shared>> -> memref<128x128xf32, #tpu.memory_space<vmem_shared>>
      %dma_wait3A_77 = arith.constant 0 : i32
      %dma_wait3A_78 = tpu.memref_slice %arg10[%add3A_7, %dma_wait3A_77] : memref<10240x128xf32, #tpu.memory_space<vmem_shared>> -> memref<128x128xf32, #tpu.memory_space<vmem_shared>>
      tpu.wait_dma2 semaphore(%run_scoped3A : memref<!tpu.dma_semaphore, #tpu.memory_space<semaphore_mem>>) src(%arg6 : memref<128x128xf32, #tpu.memory_space<vmem>>) dst(%dma_wait3A_78 : memref<128x128xf32, #tpu.memory_space<vmem_shared>>)
      tpu.yield
    }) : () -> ()
    %mul3A_8 = arith.constant 640 : i32
    %mul3A_9 = arith.muli %arg1, %mul3A_8 : i32
    %add3A_10 = arith.constant 128 : i32
    %add3A_11 = arith.addi %mul3A_9, %add3A_10 : i32
    "tpu.region"() ({
      %run_scoped3A = tpu.sem_alloc : memref<!tpu.dma_semaphore, #tpu.memory_space<semaphore_mem>>
      %dma_start3A = arith.constant 0 : i32
      %dma_start3A_73 = tpu.memref_slice %arg10[%add3A_11, %dma_start3A] : memref<10240x128xf32, #tpu.memory_space<vmem_shared>> -> memref<128x128xf32, #tpu.memory_space<vmem_shared>>
      %dma_start3A_74 = arith.constant 0 : i32
      %dma_start3A_75 = tpu.memref_slice %arg10[%add3A_11, %dma_start3A_74] : memref<10240x128xf32, #tpu.memory_space<vmem_shared>> -> memref<128x128xf32, #tpu.memory_space<vmem_shared>>
      tpu.enqueue_dma source(%arg6 : memref<128x128xf32, #tpu.memory_space<vmem>>) target(%dma_start3A_75 : memref<128x128xf32, #tpu.memory_space<vmem_shared>>) target_semaphore(%run_scoped3A : memref<!tpu.dma_semaphore, #tpu.memory_space<semaphore_mem>>)
      %dma_wait3A = arith.constant 0 : i32
      %dma_wait3A_76 = tpu.memref_slice %arg10[%add3A_11, %dma_wait3A] : memref<10240x128xf32, #tpu.memory_space<vmem_shared>> -> memref<128x128xf32, #tpu.memory_space<vmem_shared>>
      %dma_wait3A_77 = arith.constant 0 : i32
      %dma_wait3A_78 = tpu.memref_slice %arg10[%add3A_11, %dma_wait3A_77] : memref<10240x128xf32, #tpu.memory_space<vmem_shared>> -> memref<128x128xf32, #tpu.memory_space<vmem_shared>>
      tpu.wait_dma2 semaphore(%run_scoped3A : memref<!tpu.dma_semaphore, #tpu.memory_space<semaphore_mem>>) src(%arg6 : memref<128x128xf32, #tpu.memory_space<vmem>>) dst(%dma_wait3A_78 : memref<128x128xf32, #tpu.memory_space<vmem_shared>>)
      tpu.yield
    }) : () -> ()
    %mul3A_12 = arith.constant 640 : i32
    %mul3A_13 = arith.muli %arg1, %mul3A_12 : i32
    %add3A_14 = arith.constant 256 : i32
    %add3A_15 = arith.addi %mul3A_13, %add3A_14 : i32
    "tpu.region"() ({
      %run_scoped3A = tpu.sem_alloc : memref<!tpu.dma_semaphore, #tpu.memory_space<semaphore_mem>>
      %dma_start3A = arith.constant 0 : i32
      %dma_start3A_73 = tpu.memref_slice %arg10[%add3A_15, %dma_start3A] : memref<10240x128xf32, #tpu.memory_space<vmem_shared>> -> memref<128x128xf32, #tpu.memory_space<vmem_shared>>
      %dma_start3A_74 = arith.constant 0 : i32
      %dma_start3A_75 = tpu.memref_slice %arg10[%add3A_15, %dma_start3A_74] : memref<10240x128xf32, #tpu.memory_space<vmem_shared>> -> memref<128x128xf32, #tpu.memory_space<vmem_shared>>
      tpu.enqueue_dma source(%arg6 : memref<128x128xf32, #tpu.memory_space<vmem>>) target(%dma_start3A_75 : memref<128x128xf32, #tpu.memory_space<vmem_shared>>) target_semaphore(%run_scoped3A : memref<!tpu.dma_semaphore, #tpu.memory_space<semaphore_mem>>)
      %dma_wait3A = arith.constant 0 : i32
      %dma_wait3A_76 = tpu.memref_slice %arg10[%add3A_15, %dma_wait3A] : memref<10240x128xf32, #tpu.memory_space<vmem_shared>> -> memref<128x128xf32, #tpu.memory_space<vmem_shared>>
      %dma_wait3A_77 = arith.constant 0 : i32
      %dma_wait3A_78 = tpu.memref_slice %arg10[%add3A_15, %dma_wait3A_77] : memref<10240x128xf32, #tpu.memory_space<vmem_shared>> -> memref<128x128xf32, #tpu.memory_space<vmem_shared>>
      tpu.wait_dma2 semaphore(%run_scoped3A : memref<!tpu.dma_semaphore, #tpu.memory_space<semaphore_mem>>) src(%arg6 : memref<128x128xf32, #tpu.memory_space<vmem>>) dst(%dma_wait3A_78 : memref<128x128xf32, #tpu.memory_space<vmem_shared>>)
      tpu.yield
    }) : () -> ()
    %mul3A_16 = arith.constant 640 : i32
    %mul3A_17 = arith.muli %arg1, %mul3A_16 : i32
    %add3A_18 = arith.constant 384 : i32
    %add3A_19 = arith.addi %mul3A_17, %add3A_18 : i32
    "tpu.region"() ({
      %run_scoped3A = tpu.sem_alloc : memref<!tpu.dma_semaphore, #tpu.memory_space<semaphore_mem>>
      %dma_start3A = arith.constant 0 : i32
      %dma_start3A_73 = tpu.memref_slice %arg10[%add3A_19, %dma_start3A] : memref<10240x128xf32, #tpu.memory_space<vmem_shared>> -> memref<128x128xf32, #tpu.memory_space<vmem_shared>>
      %dma_start3A_74 = arith.constant 0 : i32
      %dma_start3A_75 = tpu.memref_slice %arg10[%add3A_19, %dma_start3A_74] : memref<10240x128xf32, #tpu.memory_space<vmem_shared>> -> memref<128x128xf32, #tpu.memory_space<vmem_shared>>
      tpu.enqueue_dma source(%arg6 : memref<128x128xf32, #tpu.memory_space<vmem>>) target(%dma_start3A_75 : memref<128x128xf32, #tpu.memory_space<vmem_shared>>) target_semaphore(%run_scoped3A : memref<!tpu.dma_semaphore, #tpu.memory_space<semaphore_mem>>)
      %dma_wait3A = arith.constant 0 : i32
      %dma_wait3A_76 = tpu.memref_slice %arg10[%add3A_19, %dma_wait3A] : memref<10240x128xf32, #tpu.memory_space<vmem_shared>> -> memref<128x128xf32, #tpu.memory_space<vmem_shared>>
      %dma_wait3A_77 = arith.constant 0 : i32
      %dma_wait3A_78 = tpu.memref_slice %arg10[%add3A_19, %dma_wait3A_77] : memref<10240x128xf32, #tpu.memory_space<vmem_shared>> -> memref<128x128xf32, #tpu.memory_space<vmem_shared>>
      tpu.wait_dma2 semaphore(%run_scoped3A : memref<!tpu.dma_semaphore, #tpu.memory_space<semaphore_mem>>) src(%arg6 : memref<128x128xf32, #tpu.memory_space<vmem>>) dst(%dma_wait3A_78 : memref<128x128xf32, #tpu.memory_space<vmem_shared>>)
      tpu.yield
    }) : () -> ()
    %mul3A_20 = arith.constant 640 : i32
    %mul3A_21 = arith.muli %arg1, %mul3A_20 : i32
    %add3A_22 = arith.constant 512 : i32
    %add3A_23 = arith.addi %mul3A_21, %add3A_22 : i32
    "tpu.region"() ({
      %run_scoped3A = tpu.sem_alloc : memref<!tpu.dma_semaphore, #tpu.memory_space<semaphore_mem>>
      %dma_start3A = arith.constant 0 : i32
      %dma_start3A_73 = tpu.memref_slice %arg10[%add3A_23, %dma_start3A] : memref<10240x128xf32, #tpu.memory_space<vmem_shared>> -> memref<128x128xf32, #tpu.memory_space<vmem_shared>>
      %dma_start3A_74 = arith.constant 0 : i32
      %dma_start3A_75 = tpu.memref_slice %arg10[%add3A_23, %dma_start3A_74] : memref<10240x128xf32, #tpu.memory_space<vmem_shared>> -> memref<128x128xf32, #tpu.memory_space<vmem_shared>>
      tpu.enqueue_dma source(%arg6 : memref<128x128xf32, #tpu.memory_space<vmem>>) target(%dma_start3A_75 : memref<128x128xf32, #tpu.memory_space<vmem_shared>>) target_semaphore(%run_scoped3A : memref<!tpu.dma_semaphore, #tpu.memory_space<semaphore_mem>>)
      %dma_wait3A = arith.constant 0 : i32
      %dma_wait3A_76 = tpu.memref_slice %arg10[%add3A_23, %dma_wait3A] : memref<10240x128xf32, #tpu.memory_space<vmem_shared>> -> memref<128x128xf32, #tpu.memory_space<vmem_shared>>
      %dma_wait3A_77 = arith.constant 0 : i32
      %dma_wait3A_78 = tpu.memref_slice %arg10[%add3A_23, %dma_wait3A_77] : memref<10240x128xf32, #tpu.memory_space<vmem_shared>> -> memref<128x128xf32, #tpu.memory_space<vmem_shared>>
      tpu.wait_dma2 semaphore(%run_scoped3A : memref<!tpu.dma_semaphore, #tpu.memory_space<semaphore_mem>>) src(%arg6 : memref<128x128xf32, #tpu.memory_space<vmem>>) dst(%dma_wait3A_78 : memref<128x128xf32, #tpu.memory_space<vmem_shared>>)
      tpu.yield
    }) : () -> ()
    %barrier3A = arith.constant 0 : index
    tpu.barrier barrier_id(%barrier3A)
    %mul3A_24 = arith.constant 323584 : i32
    %mul3A_25 = arith.muli %arg0, %mul3A_24 : i32
    %mul3A_26 = arith.constant 20224 : i32
    %mul3A_27 = arith.muli %arg1, %mul3A_26 : i32
    %add3A_28 = arith.addi %mul3A_25, %mul3A_27 : i32
    %mul3A_29 = arith.constant 20224 : i32
    %mul3A_30 = arith.muli %arg1, %mul3A_29 : i32
    %scan3A_31 = arith.constant 0 : i32
    %scan3A_32 = arith.constant 0 : i32
    %scan3A_33 = arith.constant 158 : i32
    %scan3A_34 = arith.addi %scan3A_32, %scan3A_33 : i32
    %scan3A_35 = arith.constant 1 : i32
    scf.for %scan3A_73 = %scan3A_32 to %scan3A_34 step %scan3A_35  : i32 {
      %mul3A_74 = arith.constant 128 : i32
      %mul3A_75 = arith.muli %scan3A_73, %mul3A_74 : i32
      %add3A_76 = arith.addi %add3A_28, %mul3A_75 : i32
      "tpu.region"() ({
        %run_scoped3A = tpu.sem_alloc : memref<!tpu.dma_semaphore, #tpu.memory_space<semaphore_mem>>
        %dma_start3A_84 = tpu.memref_slice %arg3[%add3A_76] : memref<647168xi32, #tpu.memory_space<hbm>> -> memref<128xi32, #tpu.memory_space<hbm>>
        %dma_start3A_85 = tpu.memref_slice %arg3[%add3A_76] : memref<647168xi32, #tpu.memory_space<hbm>> -> memref<128xi32, #tpu.memory_space<hbm>>
        tpu.enqueue_dma source(%dma_start3A_85 : memref<128xi32, #tpu.memory_space<hbm>>) target(%arg7 : memref<128xi32, #tpu.memory_space<vmem>>) target_semaphore(%run_scoped3A : memref<!tpu.dma_semaphore, #tpu.memory_space<semaphore_mem>>)
        %dma_wait3A_86 = tpu.memref_slice %arg3[%add3A_76] : memref<647168xi32, #tpu.memory_space<hbm>> -> memref<128xi32, #tpu.memory_space<hbm>>
        %dma_wait3A_87 = tpu.memref_slice %arg3[%add3A_76] : memref<647168xi32, #tpu.memory_space<hbm>> -> memref<128xi32, #tpu.memory_space<hbm>>
        tpu.wait_dma2 semaphore(%run_scoped3A : memref<!tpu.dma_semaphore, #tpu.memory_space<semaphore_mem>>) src(%dma_wait3A_87 : memref<128xi32, #tpu.memory_space<hbm>>) dst(%arg7 : memref<128xi32, #tpu.memory_space<vmem>>)
        tpu.yield
      }) : () -> ()
      %mul3A_77 = arith.constant 128 : i32
      %mul3A_78 = arith.muli %scan3A_73, %mul3A_77 : i32
      %add3A_79 = arith.addi %mul3A_30, %mul3A_78 : i32
      "tpu.region"() ({
        %run_scoped3A = tpu.sem_alloc : memref<!tpu.dma_semaphore, #tpu.memory_space<semaphore_mem>>
        %dma_start3A_84 = tpu.memref_slice %arg4[%add3A_79] : memref<323584xi32, #tpu.memory_space<hbm>> -> memref<128xi32, #tpu.memory_space<hbm>>
        %dma_start3A_85 = tpu.memref_slice %arg4[%add3A_79] : memref<323584xi32, #tpu.memory_space<hbm>> -> memref<128xi32, #tpu.memory_space<hbm>>
        tpu.enqueue_dma source(%dma_start3A_85 : memref<128xi32, #tpu.memory_space<hbm>>) target(%arg8 : memref<128xi32, #tpu.memory_space<vmem>>) target_semaphore(%run_scoped3A : memref<!tpu.dma_semaphore, #tpu.memory_space<semaphore_mem>>)
        %dma_wait3A_86 = tpu.memref_slice %arg4[%add3A_79] : memref<323584xi32, #tpu.memory_space<hbm>> -> memref<128xi32, #tpu.memory_space<hbm>>
        %dma_wait3A_87 = tpu.memref_slice %arg4[%add3A_79] : memref<323584xi32, #tpu.memory_space<hbm>> -> memref<128xi32, #tpu.memory_space<hbm>>
        tpu.wait_dma2 semaphore(%run_scoped3A : memref<!tpu.dma_semaphore, #tpu.memory_space<semaphore_mem>>) src(%dma_wait3A_87 : memref<128xi32, #tpu.memory_space<hbm>>) dst(%arg8 : memref<128xi32, #tpu.memory_space<vmem>>)
        tpu.yield
      }) : () -> ()
      %dma_start3A = arith.constant 0 : i32
      %dma_start3A_80 = arith.constant 0 : i32
      %dma_start3A_81 = tpu.memref_slice %arg2[%dma_start3A, %dma_start3A_80] : memref<20480x128xf32, #tpu.memory_space<hbm>> -> memref<20480x128xf32, #tpu.memory_space<hbm>>
      tpu.enqueue_indirect_dma source(%dma_start3A_81 : memref<20480x128xf32, #tpu.memory_space<hbm>>) target(%arg6 : memref<128x128xf32, #tpu.memory_space<vmem>>) offsets(%arg7 : memref<128xi32, #tpu.memory_space<vmem>>) semaphore(%arg9 : memref<!tpu.dma_semaphore, #tpu.memory_space<semaphore_mem>>)
      %dma_wait3A = arith.constant 0 : i32
      %dma_wait3A_82 = arith.constant 0 : i32
      %dma_wait3A_83 = tpu.memref_slice %arg2[%dma_wait3A, %dma_wait3A_82] : memref<20480x128xf32, #tpu.memory_space<hbm>> -> memref<20480x128xf32, #tpu.memory_space<hbm>>
      tpu.wait_indirect_dma semaphore(%arg9 : memref<!tpu.dma_semaphore, #tpu.memory_space<semaphore_mem>>) src(%dma_wait3A_83 : memref<20480x128xf32, #tpu.memory_space<hbm>>) dst(%arg6 : memref<128x128xf32, #tpu.memory_space<vmem>>)
      "tpu.region"() ({
        %run_scoped3A = tpu.sem_alloc : memref<!tpu.dma_semaphore, #tpu.memory_space<semaphore_mem>>
        %dma_start3A_84 = arith.constant 0 : i32
        %dma_start3A_85 = arith.constant 0 : i32
        %dma_start3A_86 = tpu.memref_slice %arg10[%dma_start3A_84, %dma_start3A_85] : memref<10240x128xf32, #tpu.memory_space<vmem_shared>> -> memref<10240x128xf32, #tpu.memory_space<vmem_shared>>
        tpu.enqueue_indirect_dma source(%arg6 : memref<128x128xf32, #tpu.memory_space<vmem>>) target(%dma_start3A_86 : memref<10240x128xf32, #tpu.memory_space<vmem_shared>>) offsets(%arg8 : memref<128xi32, #tpu.memory_space<vmem>>) semaphore(%run_scoped3A : memref<!tpu.dma_semaphore, #tpu.memory_space<semaphore_mem>>) {add = true}
        %dma_wait3A_87 = arith.constant 0 : i32
        %dma_wait3A_88 = arith.constant 0 : i32
        %dma_wait3A_89 = tpu.memref_slice %arg10[%dma_wait3A_87, %dma_wait3A_88] : memref<10240x128xf32, #tpu.memory_space<vmem_shared>> -> memref<10240x128xf32, #tpu.memory_space<vmem_shared>>
        tpu.wait_indirect_dma semaphore(%run_scoped3A : memref<!tpu.dma_semaphore, #tpu.memory_space<semaphore_mem>>) src(%arg6 : memref<128x128xf32, #tpu.memory_space<vmem>>) dst(%dma_wait3A_89 : memref<10240x128xf32, #tpu.memory_space<vmem_shared>>)
        tpu.yield
      }) : () -> ()
    }
    %scan3A_36 = arith.constant 158 : i32
    %barrier3A_37 = arith.constant 0 : index
    tpu.barrier barrier_id(%barrier3A_37)
    %mul3A_38 = arith.constant 640 : i32
    %mul3A_39 = arith.muli %arg1, %mul3A_38 : i32
    %add3A_40 = arith.constant 0 : i32
    %add3A_41 = arith.addi %mul3A_39, %add3A_40 : i32
    "tpu.region"() ({
      %run_scoped3A = tpu.sem_alloc : memref<!tpu.dma_semaphore, #tpu.memory_space<semaphore_mem>>
      %dma_start3A = arith.constant 0 : i32
      %dma_start3A_73 = tpu.memref_slice %arg10[%add3A_41, %dma_start3A] : memref<10240x128xf32, #tpu.memory_space<vmem_shared>> -> memref<128x128xf32, #tpu.memory_space<vmem_shared>>
      %dma_start3A_74 = arith.constant 0 : i32
      %dma_start3A_75 = tpu.memref_slice %arg10[%add3A_41, %dma_start3A_74] : memref<10240x128xf32, #tpu.memory_space<vmem_shared>> -> memref<128x128xf32, #tpu.memory_space<vmem_shared>>
      tpu.enqueue_dma source(%dma_start3A_75 : memref<128x128xf32, #tpu.memory_space<vmem_shared>>) target(%arg6 : memref<128x128xf32, #tpu.memory_space<vmem>>) target_semaphore(%run_scoped3A : memref<!tpu.dma_semaphore, #tpu.memory_space<semaphore_mem>>)
      %dma_wait3A = arith.constant 0 : i32
      %dma_wait3A_76 = tpu.memref_slice %arg10[%add3A_41, %dma_wait3A] : memref<10240x128xf32, #tpu.memory_space<vmem_shared>> -> memref<128x128xf32, #tpu.memory_space<vmem_shared>>
      %dma_wait3A_77 = arith.constant 0 : i32
      %dma_wait3A_78 = tpu.memref_slice %arg10[%add3A_41, %dma_wait3A_77] : memref<10240x128xf32, #tpu.memory_space<vmem_shared>> -> memref<128x128xf32, #tpu.memory_space<vmem_shared>>
      tpu.wait_dma2 semaphore(%run_scoped3A : memref<!tpu.dma_semaphore, #tpu.memory_space<semaphore_mem>>) src(%dma_wait3A_78 : memref<128x128xf32, #tpu.memory_space<vmem_shared>>) dst(%arg6 : memref<128x128xf32, #tpu.memory_space<vmem>>)
      tpu.yield
    }) : () -> ()
    %mul3A_42 = arith.constant 10240 : i32
    %mul3A_43 = arith.muli %arg0, %mul3A_42 : i32
    %add3A_44 = arith.addi %mul3A_43, %add3A_41 : i32
    "tpu.region"() ({
      %run_scoped3A = tpu.sem_alloc : memref<!tpu.dma_semaphore, #tpu.memory_space<semaphore_mem>>
      %dma_start3A = arith.constant 0 : i32
      %dma_start3A_73 = tpu.memref_slice %arg5[%add3A_44, %dma_start3A] : memref<20480x128xf32, #tpu.memory_space<hbm>> -> memref<128x128xf32, #tpu.memory_space<hbm>>
      %dma_start3A_74 = arith.constant 0 : i32
      %dma_start3A_75 = tpu.memref_slice %arg5[%add3A_44, %dma_start3A_74] : memref<20480x128xf32, #tpu.memory_space<hbm>> -> memref<128x128xf32, #tpu.memory_space<hbm>>
      tpu.enqueue_dma source(%arg6 : memref<128x128xf32, #tpu.memory_space<vmem>>) target(%dma_start3A_75 : memref<128x128xf32, #tpu.memory_space<hbm>>) target_semaphore(%run_scoped3A : memref<!tpu.dma_semaphore, #tpu.memory_space<semaphore_mem>>)
      %dma_wait3A = arith.constant 0 : i32
      %dma_wait3A_76 = tpu.memref_slice %arg5[%add3A_44, %dma_wait3A] : memref<20480x128xf32, #tpu.memory_space<hbm>> -> memref<128x128xf32, #tpu.memory_space<hbm>>
      %dma_wait3A_77 = arith.constant 0 : i32
      %dma_wait3A_78 = tpu.memref_slice %arg5[%add3A_44, %dma_wait3A_77] : memref<20480x128xf32, #tpu.memory_space<hbm>> -> memref<128x128xf32, #tpu.memory_space<hbm>>
      tpu.wait_dma2 semaphore(%run_scoped3A : memref<!tpu.dma_semaphore, #tpu.memory_space<semaphore_mem>>) src(%arg6 : memref<128x128xf32, #tpu.memory_space<vmem>>) dst(%dma_wait3A_78 : memref<128x128xf32, #tpu.memory_space<hbm>>)
      tpu.yield
    }) : () -> ()
    %mul3A_45 = arith.constant 640 : i32
    %mul3A_46 = arith.muli %arg1, %mul3A_45 : i32
    %add3A_47 = arith.constant 128 : i32
    %add3A_48 = arith.addi %mul3A_46, %add3A_47 : i32
    "tpu.region"() ({
      %run_scoped3A = tpu.sem_alloc : memref<!tpu.dma_semaphore, #tpu.memory_space<semaphore_mem>>
      %dma_start3A = arith.constant 0 : i32
      %dma_start3A_73 = tpu.memref_slice %arg10[%add3A_48, %dma_start3A] : memref<10240x128xf32, #tpu.memory_space<vmem_shared>> -> memref<128x128xf32, #tpu.memory_space<vmem_shared>>
      %dma_start3A_74 = arith.constant 0 : i32
      %dma_start3A_75 = tpu.memref_slice %arg10[%add3A_48, %dma_start3A_74] : memref<10240x128xf32, #tpu.memory_space<vmem_shared>> -> memref<128x128xf32, #tpu.memory_space<vmem_shared>>
      tpu.enqueue_dma source(%dma_start3A_75 : memref<128x128xf32, #tpu.memory_space<vmem_shared>>) target(%arg6 : memref<128x128xf32, #tpu.memory_space<vmem>>) target_semaphore(%run_scoped3A : memref<!tpu.dma_semaphore, #tpu.memory_space<semaphore_mem>>)
      %dma_wait3A = arith.constant 0 : i32
      %dma_wait3A_76 = tpu.memref_slice %arg10[%add3A_48, %dma_wait3A] : memref<10240x128xf32, #tpu.memory_space<vmem_shared>> -> memref<128x128xf32, #tpu.memory_space<vmem_shared>>
      %dma_wait3A_77 = arith.constant 0 : i32
      %dma_wait3A_78 = tpu.memref_slice %arg10[%add3A_48, %dma_wait3A_77] : memref<10240x128xf32, #tpu.memory_space<vmem_shared>> -> memref<128x128xf32, #tpu.memory_space<vmem_shared>>
      tpu.wait_dma2 semaphore(%run_scoped3A : memref<!tpu.dma_semaphore, #tpu.memory_space<semaphore_mem>>) src(%dma_wait3A_78 : memref<128x128xf32, #tpu.memory_space<vmem_shared>>) dst(%arg6 : memref<128x128xf32, #tpu.memory_space<vmem>>)
      tpu.yield
    }) : () -> ()
    %mul3A_49 = arith.constant 10240 : i32
    %mul3A_50 = arith.muli %arg0, %mul3A_49 : i32
    %add3A_51 = arith.addi %mul3A_50, %add3A_48 : i32
    "tpu.region"() ({
      %run_scoped3A = tpu.sem_alloc : memref<!tpu.dma_semaphore, #tpu.memory_space<semaphore_mem>>
      %dma_start3A = arith.constant 0 : i32
      %dma_start3A_73 = tpu.memref_slice %arg5[%add3A_51, %dma_start3A] : memref<20480x128xf32, #tpu.memory_space<hbm>> -> memref<128x128xf32, #tpu.memory_space<hbm>>
      %dma_start3A_74 = arith.constant 0 : i32
      %dma_start3A_75 = tpu.memref_slice %arg5[%add3A_51, %dma_start3A_74] : memref<20480x128xf32, #tpu.memory_space<hbm>> -> memref<128x128xf32, #tpu.memory_space<hbm>>
      tpu.enqueue_dma source(%arg6 : memref<128x128xf32, #tpu.memory_space<vmem>>) target(%dma_start3A_75 : memref<128x128xf32, #tpu.memory_space<hbm>>) target_semaphore(%run_scoped3A : memref<!tpu.dma_semaphore, #tpu.memory_space<semaphore_mem>>)
      %dma_wait3A = arith.constant 0 : i32
      %dma_wait3A_76 = tpu.memref_slice %arg5[%add3A_51, %dma_wait3A] : memref<20480x128xf32, #tpu.memory_space<hbm>> -> memref<128x128xf32, #tpu.memory_space<hbm>>
      %dma_wait3A_77 = arith.constant 0 : i32
      %dma_wait3A_78 = tpu.memref_slice %arg5[%add3A_51, %dma_wait3A_77] : memref<20480x128xf32, #tpu.memory_space<hbm>> -> memref<128x128xf32, #tpu.memory_space<hbm>>
      tpu.wait_dma2 semaphore(%run_scoped3A : memref<!tpu.dma_semaphore, #tpu.memory_space<semaphore_mem>>) src(%arg6 : memref<128x128xf32, #tpu.memory_space<vmem>>) dst(%dma_wait3A_78 : memref<128x128xf32, #tpu.memory_space<hbm>>)
      tpu.yield
    }) : () -> ()
    %mul3A_52 = arith.constant 640 : i32
    %mul3A_53 = arith.muli %arg1, %mul3A_52 : i32
    %add3A_54 = arith.constant 256 : i32
    %add3A_55 = arith.addi %mul3A_53, %add3A_54 : i32
    "tpu.region"() ({
      %run_scoped3A = tpu.sem_alloc : memref<!tpu.dma_semaphore, #tpu.memory_space<semaphore_mem>>
      %dma_start3A = arith.constant 0 : i32
      %dma_start3A_73 = tpu.memref_slice %arg10[%add3A_55, %dma_start3A] : memref<10240x128xf32, #tpu.memory_space<vmem_shared>> -> memref<128x128xf32, #tpu.memory_space<vmem_shared>>
      %dma_start3A_74 = arith.constant 0 : i32
      %dma_start3A_75 = tpu.memref_slice %arg10[%add3A_55, %dma_start3A_74] : memref<10240x128xf32, #tpu.memory_space<vmem_shared>> -> memref<128x128xf32, #tpu.memory_space<vmem_shared>>
      tpu.enqueue_dma source(%dma_start3A_75 : memref<128x128xf32, #tpu.memory_space<vmem_shared>>) target(%arg6 : memref<128x128xf32, #tpu.memory_space<vmem>>) target_semaphore(%run_scoped3A : memref<!tpu.dma_semaphore, #tpu.memory_space<semaphore_mem>>)
      %dma_wait3A = arith.constant 0 : i32
      %dma_wait3A_76 = tpu.memref_slice %arg10[%add3A_55, %dma_wait3A] : memref<10240x128xf32, #tpu.memory_space<vmem_shared>> -> memref<128x128xf32, #tpu.memory_space<vmem_shared>>
      %dma_wait3A_77 = arith.constant 0 : i32
      %dma_wait3A_78 = tpu.memref_slice %arg10[%add3A_55, %dma_wait3A_77] : memref<10240x128xf32, #tpu.memory_space<vmem_shared>> -> memref<128x128xf32, #tpu.memory_space<vmem_shared>>
      tpu.wait_dma2 semaphore(%run_scoped3A : memref<!tpu.dma_semaphore, #tpu.memory_space<semaphore_mem>>) src(%dma_wait3A_78 : memref<128x128xf32, #tpu.memory_space<vmem_shared>>) dst(%arg6 : memref<128x128xf32, #tpu.memory_space<vmem>>)
      tpu.yield
    }) : () -> ()
    %mul3A_56 = arith.constant 10240 : i32
    %mul3A_57 = arith.muli %arg0, %mul3A_56 : i32
    %add3A_58 = arith.addi %mul3A_57, %add3A_55 : i32
    "tpu.region"() ({
      %run_scoped3A = tpu.sem_alloc : memref<!tpu.dma_semaphore, #tpu.memory_space<semaphore_mem>>
      %dma_start3A = arith.constant 0 : i32
      %dma_start3A_73 = tpu.memref_slice %arg5[%add3A_58, %dma_start3A] : memref<20480x128xf32, #tpu.memory_space<hbm>> -> memref<128x128xf32, #tpu.memory_space<hbm>>
      %dma_start3A_74 = arith.constant 0 : i32
      %dma_start3A_75 = tpu.memref_slice %arg5[%add3A_58, %dma_start3A_74] : memref<20480x128xf32, #tpu.memory_space<hbm>> -> memref<128x128xf32, #tpu.memory_space<hbm>>
      tpu.enqueue_dma source(%arg6 : memref<128x128xf32, #tpu.memory_space<vmem>>) target(%dma_start3A_75 : memref<128x128xf32, #tpu.memory_space<hbm>>) target_semaphore(%run_scoped3A : memref<!tpu.dma_semaphore, #tpu.memory_space<semaphore_mem>>)
      %dma_wait3A = arith.constant 0 : i32
      %dma_wait3A_76 = tpu.memref_slice %arg5[%add3A_58, %dma_wait3A] : memref<20480x128xf32, #tpu.memory_space<hbm>> -> memref<128x128xf32, #tpu.memory_space<hbm>>
      %dma_wait3A_77 = arith.constant 0 : i32
      %dma_wait3A_78 = tpu.memref_slice %arg5[%add3A_58, %dma_wait3A_77] : memref<20480x128xf32, #tpu.memory_space<hbm>> -> memref<128x128xf32, #tpu.memory_space<hbm>>
      tpu.wait_dma2 semaphore(%run_scoped3A : memref<!tpu.dma_semaphore, #tpu.memory_space<semaphore_mem>>) src(%arg6 : memref<128x128xf32, #tpu.memory_space<vmem>>) dst(%dma_wait3A_78 : memref<128x128xf32, #tpu.memory_space<hbm>>)
      tpu.yield
    }) : () -> ()
    %mul3A_59 = arith.constant 640 : i32
    %mul3A_60 = arith.muli %arg1, %mul3A_59 : i32
    %add3A_61 = arith.constant 384 : i32
    %add3A_62 = arith.addi %mul3A_60, %add3A_61 : i32
    "tpu.region"() ({
      %run_scoped3A = tpu.sem_alloc : memref<!tpu.dma_semaphore, #tpu.memory_space<semaphore_mem>>
      %dma_start3A = arith.constant 0 : i32
      %dma_start3A_73 = tpu.memref_slice %arg10[%add3A_62, %dma_start3A] : memref<10240x128xf32, #tpu.memory_space<vmem_shared>> -> memref<128x128xf32, #tpu.memory_space<vmem_shared>>
      %dma_start3A_74 = arith.constant 0 : i32
      %dma_start3A_75 = tpu.memref_slice %arg10[%add3A_62, %dma_start3A_74] : memref<10240x128xf32, #tpu.memory_space<vmem_shared>> -> memref<128x128xf32, #tpu.memory_space<vmem_shared>>
      tpu.enqueue_dma source(%dma_start3A_75 : memref<128x128xf32, #tpu.memory_space<vmem_shared>>) target(%arg6 : memref<128x128xf32, #tpu.memory_space<vmem>>) target_semaphore(%run_scoped3A : memref<!tpu.dma_semaphore, #tpu.memory_space<semaphore_mem>>)
      %dma_wait3A = arith.constant 0 : i32
      %dma_wait3A_76 = tpu.memref_slice %arg10[%add3A_62, %dma_wait3A] : memref<10240x128xf32, #tpu.memory_space<vmem_shared>> -> memref<128x128xf32, #tpu.memory_space<vmem_shared>>
      %dma_wait3A_77 = arith.constant 0 : i32
      %dma_wait3A_78 = tpu.memref_slice %arg10[%add3A_62, %dma_wait3A_77] : memref<10240x128xf32, #tpu.memory_space<vmem_shared>> -> memref<128x128xf32, #tpu.memory_space<vmem_shared>>
      tpu.wait_dma2 semaphore(%run_scoped3A : memref<!tpu.dma_semaphore, #tpu.memory_space<semaphore_mem>>) src(%dma_wait3A_78 : memref<128x128xf32, #tpu.memory_space<vmem_shared>>) dst(%arg6 : memref<128x128xf32, #tpu.memory_space<vmem>>)
      tpu.yield
    }) : () -> ()
    %mul3A_63 = arith.constant 10240 : i32
    %mul3A_64 = arith.muli %arg0, %mul3A_63 : i32
    %add3A_65 = arith.addi %mul3A_64, %add3A_62 : i32
    "tpu.region"() ({
      %run_scoped3A = tpu.sem_alloc : memref<!tpu.dma_semaphore, #tpu.memory_space<semaphore_mem>>
      %dma_start3A = arith.constant 0 : i32
      %dma_start3A_73 = tpu.memref_slice %arg5[%add3A_65, %dma_start3A] : memref<20480x128xf32, #tpu.memory_space<hbm>> -> memref<128x128xf32, #tpu.memory_space<hbm>>
      %dma_start3A_74 = arith.constant 0 : i32
      %dma_start3A_75 = tpu.memref_slice %arg5[%add3A_65, %dma_start3A_74] : memref<20480x128xf32, #tpu.memory_space<hbm>> -> memref<128x128xf32, #tpu.memory_space<hbm>>
      tpu.enqueue_dma source(%arg6 : memref<128x128xf32, #tpu.memory_space<vmem>>) target(%dma_start3A_75 : memref<128x128xf32, #tpu.memory_space<hbm>>) target_semaphore(%run_scoped3A : memref<!tpu.dma_semaphore, #tpu.memory_space<semaphore_mem>>)
      %dma_wait3A = arith.constant 0 : i32
      %dma_wait3A_76 = tpu.memref_slice %arg5[%add3A_65, %dma_wait3A] : memref<20480x128xf32, #tpu.memory_space<hbm>> -> memref<128x128xf32, #tpu.memory_space<hbm>>
      %dma_wait3A_77 = arith.constant 0 : i32
      %dma_wait3A_78 = tpu.memref_slice %arg5[%add3A_65, %dma_wait3A_77] : memref<20480x128xf32, #tpu.memory_space<hbm>> -> memref<128x128xf32, #tpu.memory_space<hbm>>
      tpu.wait_dma2 semaphore(%run_scoped3A : memref<!tpu.dma_semaphore, #tpu.memory_space<semaphore_mem>>) src(%arg6 : memref<128x128xf32, #tpu.memory_space<vmem>>) dst(%dma_wait3A_78 : memref<128x128xf32, #tpu.memory_space<hbm>>)
      tpu.yield
    }) : () -> ()
    %mul3A_66 = arith.constant 640 : i32
    %mul3A_67 = arith.muli %arg1, %mul3A_66 : i32
    %add3A_68 = arith.constant 512 : i32
    %add3A_69 = arith.addi %mul3A_67, %add3A_68 : i32
    "tpu.region"() ({
      %run_scoped3A = tpu.sem_alloc : memref<!tpu.dma_semaphore, #tpu.memory_space<semaphore_mem>>
      %dma_start3A = arith.constant 0 : i32
      %dma_start3A_73 = tpu.memref_slice %arg10[%add3A_69, %dma_start3A] : memref<10240x128xf32, #tpu.memory_space<vmem_shared>> -> memref<128x128xf32, #tpu.memory_space<vmem_shared>>
      %dma_start3A_74 = arith.constant 0 : i32
      %dma_start3A_75 = tpu.memref_slice %arg10[%add3A_69, %dma_start3A_74] : memref<10240x128xf32, #tpu.memory_space<vmem_shared>> -> memref<128x128xf32, #tpu.memory_space<vmem_shared>>
      tpu.enqueue_dma source(%dma_start3A_75 : memref<128x128xf32, #tpu.memory_space<vmem_shared>>) target(%arg6 : memref<128x128xf32, #tpu.memory_space<vmem>>) target_semaphore(%run_scoped3A : memref<!tpu.dma_semaphore, #tpu.memory_space<semaphore_mem>>)
      %dma_wait3A = arith.constant 0 : i32
      %dma_wait3A_76 = tpu.memref_slice %arg10[%add3A_69, %dma_wait3A] : memref<10240x128xf32, #tpu.memory_space<vmem_shared>> -> memref<128x128xf32, #tpu.memory_space<vmem_shared>>
      %dma_wait3A_77 = arith.constant 0 : i32
      %dma_wait3A_78 = tpu.memref_slice %arg10[%add3A_69, %dma_wait3A_77] : memref<10240x128xf32, #tpu.memory_space<vmem_shared>> -> memref<128x128xf32, #tpu.memory_space<vmem_shared>>
      tpu.wait_dma2 semaphore(%run_scoped3A : memref<!tpu.dma_semaphore, #tpu.memory_space<semaphore_mem>>) src(%dma_wait3A_78 : memref<128x128xf32, #tpu.memory_space<vmem_shared>>) dst(%arg6 : memref<128x128xf32, #tpu.memory_space<vmem>>)
      tpu.yield
    }) : () -> ()
    %mul3A_70 = arith.constant 10240 : i32
    %mul3A_71 = arith.muli %arg0, %mul3A_70 : i32
    %add3A_72 = arith.addi %mul3A_71, %add3A_69 : i32
    "tpu.region"() ({
      %run_scoped3A = tpu.sem_alloc : memref<!tpu.dma_semaphore, #tpu.memory_space<semaphore_mem>>
      %dma_start3A = arith.constant 0 : i32
      %dma_start3A_73 = tpu.memref_slice %arg5[%add3A_72, %dma_start3A] : memref<20480x128xf32, #tpu.memory_space<hbm>> -> memref<128x128xf32, #tpu.memory_space<hbm>>
      %dma_start3A_74 = arith.constant 0 : i32
      %dma_start3A_75 = tpu.memref_slice %arg5[%add3A_72, %dma_start3A_74] : memref<20480x128xf32, #tpu.memory_space<hbm>> -> memref<128x128xf32, #tpu.memory_space<hbm>>
      tpu.enqueue_dma source(%arg6 : memref<128x128xf32, #tpu.memory_space<vmem>>) target(%dma_start3A_75 : memref<128x128xf32, #tpu.memory_space<hbm>>) target_semaphore(%run_scoped3A : memref<!tpu.dma_semaphore, #tpu.memory_space<semaphore_mem>>)
      %dma_wait3A = arith.constant 0 : i32
      %dma_wait3A_76 = tpu.memref_slice %arg5[%add3A_72, %dma_wait3A] : memref<20480x128xf32, #tpu.memory_space<hbm>> -> memref<128x128xf32, #tpu.memory_space<hbm>>
      %dma_wait3A_77 = arith.constant 0 : i32
      %dma_wait3A_78 = tpu.memref_slice %arg5[%add3A_72, %dma_wait3A_77] : memref<20480x128xf32, #tpu.memory_space<hbm>> -> memref<128x128xf32, #tpu.memory_space<hbm>>
      tpu.wait_dma2 semaphore(%run_scoped3A : memref<!tpu.dma_semaphore, #tpu.memory_space<semaphore_mem>>) src(%arg6 : memref<128x128xf32, #tpu.memory_space<vmem>>) dst(%dma_wait3A_78 : memref<128x128xf32, #tpu.memory_space<hbm>>)
      tpu.yield
    }) : () -> ()
    return
  }
}

#map = affine_map<(d0, d1) -> (0, 0)>
#map1 = affine_map<(d0, d1) -> (0)>
module attributes {stable_mosaic.version = 14 : i64} {
  func.func @s_kernel(%arg0: i32, %arg1: i32, %arg2: memref<20480x128xf32, #tpu.memory_space<hbm>>, %arg3: memref<647168xi32, #tpu.memory_space<hbm>>, %arg4: memref<323584xi32, #tpu.memory_space<hbm>>, %arg5: memref<20480x128xf32, #tpu.memory_space<hbm>>, %arg6: memref<128x128xf32, #tpu.memory_space<vmem>>, %arg7: memref<128xi32, #tpu.memory_space<vmem>>, %arg8: memref<128xi32, #tpu.memory_space<vmem>>, %arg9: memref<!tpu.dma_semaphore, #tpu.memory_space<semaphore_mem>>, %arg10: memref<10240x128xf32, #tpu.memory_space<vmem_shared>>) attributes {dimension_semantics = [#tpu.dimension_semantics<core_parallel>, #tpu.dimension_semantics<subcore_parallel>], iteration_bounds = array<i64: 2, 16>, scalar_prefetch = 0 : i64, scratch_operands = 5 : i64, tpu.core_type = #tpu.core_type<sc_vector_subcore>, window_params = [{transform_indices = #map}, {transform_indices = #map1}, {transform_indices = #map1}, {transform_indices = #map}]} {
    %broadcast_in_dim3A = arith.constant 0.000000e+00 : f32
    %broadcast_in_dim3A_0 = vector.broadcast %broadcast_in_dim3A : f32 to vector<16xf32>
    %scan3A = arith.constant 0 : i32
    %scan3A_1 = arith.constant 0 : i32
    %scan3A_2 = arith.constant 128 : i32
    %scan3A_3 = arith.addi %scan3A_1, %scan3A_2 : i32
    %scan3A_4 = arith.constant 1 : i32
    scf.for %scan3A_73 = %scan3A_1 to %scan3A_3 step %scan3A_4  : i32 {
      %swap3A = arith.index_cast %scan3A_73 : i32 to index
      %swap3A_74 = arith.constant 0 : index
      %swap3A_75 = tpu.vector_load %arg6[%swap3A, %swap3A_74] {strides = array<i32>} : memref<128x128xf32, #tpu.memory_space<vmem>>, vector<1x16xf32>,
      %swap3A_76 = vector.shape_cast %swap3A_75 : vector<1x16xf32> to vector<16xf32>
      %swap3A_77 = vector.shape_cast %broadcast_in_dim3A_0 : vector<16xf32> to vector<1x16xf32>
      tpu.vector_store %arg6[%swap3A, %swap3A_74], %swap3A_77 {strides = array<i32>} : memref<128x128xf32, #tpu.memory_space<vmem>>, vector<1x16xf32>,
      %swap3A_78 = arith.index_cast %scan3A_73 : i32 to index
      %swap3A_79 = arith.constant 16 : index
      %swap3A_80 = tpu.vector_load %arg6[%swap3A_78, %swap3A_79] {strides = array<i32>} : memref<128x128xf32, #tpu.memory_space<vmem>>, vector<1x16xf32>,
      %swap3A_81 = vector.shape_cast %swap3A_80 : vector<1x16xf32> to vector<16xf32>
      %swap3A_82 = vector.shape_cast %broadcast_in_dim3A_0 : vector<16xf32> to vector<1x16xf32>
      tpu.vector_store %arg6[%swap3A_78, %swap3A_79], %swap3A_82 {strides = array<i32>} : memref<128x128xf32, #tpu.memory_space<vmem>>, vector<1x16xf32>,
      %swap3A_83 = arith.index_cast %scan3A_73 : i32 to index
      %swap3A_84 = arith.constant 32 : index
      %swap3A_85 = tpu.vector_load %arg6[%swap3A_83, %swap3A_84] {strides = array<i32>} : memref<128x128xf32, #tpu.memory_space<vmem>>, vector<1x16xf32>,
      %swap3A_86 = vector.shape_cast %swap3A_85 : vector<1x16xf32> to vector<16xf32>
      %swap3A_87 = vector.shape_cast %broadcast_in_dim3A_0 : vector<16xf32> to vector<1x16xf32>
      tpu.vector_store %arg6[%swap3A_83, %swap3A_84], %swap3A_87 {strides = array<i32>} : memref<128x128xf32, #tpu.memory_space<vmem>>, vector<1x16xf32>,
      %swap3A_88 = arith.index_cast %scan3A_73 : i32 to index
      %swap3A_89 = arith.constant 48 : index
      %swap3A_90 = tpu.vector_load %arg6[%swap3A_88, %swap3A_89] {strides = array<i32>} : memref<128x128xf32, #tpu.memory_space<vmem>>, vector<1x16xf32>,
      %swap3A_91 = vector.shape_cast %swap3A_90 : vector<1x16xf32> to vector<16xf32>
      %swap3A_92 = vector.shape_cast %broadcast_in_dim3A_0 : vector<16xf32> to vector<1x16xf32>
      tpu.vector_store %arg6[%swap3A_88, %swap3A_89], %swap3A_92 {strides = array<i32>} : memref<128x128xf32, #tpu.memory_space<vmem>>, vector<1x16xf32>,
      %swap3A_93 = arith.index_cast %scan3A_73 : i32 to index
      %swap3A_94 = arith.constant 64 : index
      %swap3A_95 = tpu.vector_load %arg6[%swap3A_93, %swap3A_94] {strides = array<i32>} : memref<128x128xf32, #tpu.memory_space<vmem>>, vector<1x16xf32>,
      %swap3A_96 = vector.shape_cast %swap3A_95 : vector<1x16xf32> to vector<16xf32>
      %swap3A_97 = vector.shape_cast %broadcast_in_dim3A_0 : vector<16xf32> to vector<1x16xf32>
      tpu.vector_store %arg6[%swap3A_93, %swap3A_94], %swap3A_97 {strides = array<i32>} : memref<128x128xf32, #tpu.memory_space<vmem>>, vector<1x16xf32>,
      %swap3A_98 = arith.index_cast %scan3A_73 : i32 to index
      %swap3A_99 = arith.constant 80 : index
      %swap3A_100 = tpu.vector_load %arg6[%swap3A_98, %swap3A_99] {strides = array<i32>} : memref<128x128xf32, #tpu.memory_space<vmem>>, vector<1x16xf32>,
      %swap3A_101 = vector.shape_cast %swap3A_100 : vector<1x16xf32> to vector<16xf32>
      %swap3A_102 = vector.shape_cast %broadcast_in_dim3A_0 : vector<16xf32> to vector<1x16xf32>
      tpu.vector_store %arg6[%swap3A_98, %swap3A_99], %swap3A_102 {strides = array<i32>} : memref<128x128xf32, #tpu.memory_space<vmem>>, vector<1x16xf32>,
      %swap3A_103 = arith.index_cast %scan3A_73 : i32 to index
      %swap3A_104 = arith.constant 96 : index
      %swap3A_105 = tpu.vector_load %arg6[%swap3A_103, %swap3A_104] {strides = array<i32>} : memref<128x128xf32, #tpu.memory_space<vmem>>, vector<1x16xf32>,
      %swap3A_106 = vector.shape_cast %swap3A_105 : vector<1x16xf32> to vector<16xf32>
      %swap3A_107 = vector.shape_cast %broadcast_in_dim3A_0 : vector<16xf32> to vector<1x16xf32>
      tpu.vector_store %arg6[%swap3A_103, %swap3A_104], %swap3A_107 {strides = array<i32>} : memref<128x128xf32, #tpu.memory_space<vmem>>, vector<1x16xf32>,
      %swap3A_108 = arith.index_cast %scan3A_73 : i32 to index
      %swap3A_109 = arith.constant 112 : index
      %swap3A_110 = tpu.vector_load %arg6[%swap3A_108, %swap3A_109] {strides = array<i32>} : memref<128x128xf32, #tpu.memory_space<vmem>>, vector<1x16xf32>,
      %swap3A_111 = vector.shape_cast %swap3A_110 : vector<1x16xf32> to vector<16xf32>
      %swap3A_112 = vector.shape_cast %broadcast_in_dim3A_0 : vector<16xf32> to vector<1x16xf32>
      tpu.vector_store %arg6[%swap3A_108, %swap3A_109], %swap3A_112 {strides = array<i32>} : memref<128x128xf32, #tpu.memory_space<vmem>>, vector<1x16xf32>,
    }
    %scan3A_5 = arith.constant 128 : i32
    %mul3A = arith.constant 640 : i32
    %mul3A_6 = arith.muli %arg1, %mul3A : i32
    %add3A = arith.constant 0 : i32
    %add3A_7 = arith.addi %mul3A_6, %add3A : i32
    "tpu.region"() ({
      %run_scoped3A = tpu.sem_alloc : memref<!tpu.dma_semaphore, #tpu.memory_space<semaphore_mem>>
      %dma_start3A = arith.constant 0 : i32
      %dma_start3A_73 = tpu.memref_slice %arg10[%add3A_7, %dma_start3A] : memref<10240x128xf32, #tpu.memory_space<vmem_shared>> -> memref<128x128xf32, #tpu.memory_space<vmem_shared>>
      %dma_start3A_74 = arith.constant 0 : i32
      %dma_start3A_75 = tpu.memref_slice %arg10[%add3A_7, %dma_start3A_74] : memref<10240x128xf32, #tpu.memory_space<vmem_shared>> -> memref<128x128xf32, #tpu.memory_space<vmem_shared>>
      tpu.enqueue_dma source(%arg6 : memref<128x128xf32, #tpu.memory_space<vmem>>) target(%dma_start3A_75 : memref<128x128xf32, #tpu.memory_space<vmem_shared>>) target_semaphore(%run_scoped3A : memref<!tpu.dma_semaphore, #tpu.memory_space<semaphore_mem>>)
      %dma_wait3A = arith.constant 0 : i32
      %dma_wait3A_76 = tpu.memref_slice %arg10[%add3A_7, %dma_wait3A] : memref<10240x128xf32, #tpu.memory_space<vmem_shared>> -> memref<128x128xf32, #tpu.memory_space<vmem_shared>>
      %dma_wait3A_77 = arith.constant 0 : i32
      %dma_wait3A_78 = tpu.memref_slice %arg10[%add3A_7, %dma_wait3A_77] : memref<10240x128xf32, #tpu.memory_space<vmem_shared>> -> memref<128x128xf32, #tpu.memory_space<vmem_shared>>
      tpu.wait_dma2 semaphore(%run_scoped3A : memref<!tpu.dma_semaphore, #tpu.memory_space<semaphore_mem>>) src(%arg6 : memref<128x128xf32, #tpu.memory_space<vmem>>) dst(%dma_wait3A_78 : memref<128x128xf32, #tpu.memory_space<vmem_shared>>)
      tpu.yield
    }) : () -> ()
    %mul3A_8 = arith.constant 640 : i32
    %mul3A_9 = arith.muli %arg1, %mul3A_8 : i32
    %add3A_10 = arith.constant 128 : i32
    %add3A_11 = arith.addi %mul3A_9, %add3A_10 : i32
    "tpu.region"() ({
      %run_scoped3A = tpu.sem_alloc : memref<!tpu.dma_semaphore, #tpu.memory_space<semaphore_mem>>
      %dma_start3A = arith.constant 0 : i32
      %dma_start3A_73 = tpu.memref_slice %arg10[%add3A_11, %dma_start3A] : memref<10240x128xf32, #tpu.memory_space<vmem_shared>> -> memref<128x128xf32, #tpu.memory_space<vmem_shared>>
      %dma_start3A_74 = arith.constant 0 : i32
      %dma_start3A_75 = tpu.memref_slice %arg10[%add3A_11, %dma_start3A_74] : memref<10240x128xf32, #tpu.memory_space<vmem_shared>> -> memref<128x128xf32, #tpu.memory_space<vmem_shared>>
      tpu.enqueue_dma source(%arg6 : memref<128x128xf32, #tpu.memory_space<vmem>>) target(%dma_start3A_75 : memref<128x128xf32, #tpu.memory_space<vmem_shared>>) target_semaphore(%run_scoped3A : memref<!tpu.dma_semaphore, #tpu.memory_space<semaphore_mem>>)
      %dma_wait3A = arith.constant 0 : i32
      %dma_wait3A_76 = tpu.memref_slice %arg10[%add3A_11, %dma_wait3A] : memref<10240x128xf32, #tpu.memory_space<vmem_shared>> -> memref<128x128xf32, #tpu.memory_space<vmem_shared>>
      %dma_wait3A_77 = arith.constant 0 : i32
      %dma_wait3A_78 = tpu.memref_slice %arg10[%add3A_11, %dma_wait3A_77] : memref<10240x128xf32, #tpu.memory_space<vmem_shared>> -> memref<128x128xf32, #tpu.memory_space<vmem_shared>>
      tpu.wait_dma2 semaphore(%run_scoped3A : memref<!tpu.dma_semaphore, #tpu.memory_space<semaphore_mem>>) src(%arg6 : memref<128x128xf32, #tpu.memory_space<vmem>>) dst(%dma_wait3A_78 : memref<128x128xf32, #tpu.memory_space<vmem_shared>>)
      tpu.yield
    }) : () -> ()
    %mul3A_12 = arith.constant 640 : i32
    %mul3A_13 = arith.muli %arg1, %mul3A_12 : i32
    %add3A_14 = arith.constant 256 : i32
    %add3A_15 = arith.addi %mul3A_13, %add3A_14 : i32
    "tpu.region"() ({
      %run_scoped3A = tpu.sem_alloc : memref<!tpu.dma_semaphore, #tpu.memory_space<semaphore_mem>>
      %dma_start3A = arith.constant 0 : i32
      %dma_start3A_73 = tpu.memref_slice %arg10[%add3A_15, %dma_start3A] : memref<10240x128xf32, #tpu.memory_space<vmem_shared>> -> memref<128x128xf32, #tpu.memory_space<vmem_shared>>
      %dma_start3A_74 = arith.constant 0 : i32
      %dma_start3A_75 = tpu.memref_slice %arg10[%add3A_15, %dma_start3A_74] : memref<10240x128xf32, #tpu.memory_space<vmem_shared>> -> memref<128x128xf32, #tpu.memory_space<vmem_shared>>
      tpu.enqueue_dma source(%arg6 : memref<128x128xf32, #tpu.memory_space<vmem>>) target(%dma_start3A_75 : memref<128x128xf32, #tpu.memory_space<vmem_shared>>) target_semaphore(%run_scoped3A : memref<!tpu.dma_semaphore, #tpu.memory_space<semaphore_mem>>)
      %dma_wait3A = arith.constant 0 : i32
      %dma_wait3A_76 = tpu.memref_slice %arg10[%add3A_15, %dma_wait3A] : memref<10240x128xf32, #tpu.memory_space<vmem_shared>> -> memref<128x128xf32, #tpu.memory_space<vmem_shared>>
      %dma_wait3A_77 = arith.constant 0 : i32
      %dma_wait3A_78 = tpu.memref_slice %arg10[%add3A_15, %dma_wait3A_77] : memref<10240x128xf32, #tpu.memory_space<vmem_shared>> -> memref<128x128xf32, #tpu.memory_space<vmem_shared>>
      tpu.wait_dma2 semaphore(%run_scoped3A : memref<!tpu.dma_semaphore, #tpu.memory_space<semaphore_mem>>) src(%arg6 : memref<128x128xf32, #tpu.memory_space<vmem>>) dst(%dma_wait3A_78 : memref<128x128xf32, #tpu.memory_space<vmem_shared>>)
      tpu.yield
    }) : () -> ()
    %mul3A_16 = arith.constant 640 : i32
    %mul3A_17 = arith.muli %arg1, %mul3A_16 : i32
    %add3A_18 = arith.constant 384 : i32
    %add3A_19 = arith.addi %mul3A_17, %add3A_18 : i32
    "tpu.region"() ({
      %run_scoped3A = tpu.sem_alloc : memref<!tpu.dma_semaphore, #tpu.memory_space<semaphore_mem>>
      %dma_start3A = arith.constant 0 : i32
      %dma_start3A_73 = tpu.memref_slice %arg10[%add3A_19, %dma_start3A] : memref<10240x128xf32, #tpu.memory_space<vmem_shared>> -> memref<128x128xf32, #tpu.memory_space<vmem_shared>>
      %dma_start3A_74 = arith.constant 0 : i32
      %dma_start3A_75 = tpu.memref_slice %arg10[%add3A_19, %dma_start3A_74] : memref<10240x128xf32, #tpu.memory_space<vmem_shared>> -> memref<128x128xf32, #tpu.memory_space<vmem_shared>>
      tpu.enqueue_dma source(%arg6 : memref<128x128xf32, #tpu.memory_space<vmem>>) target(%dma_start3A_75 : memref<128x128xf32, #tpu.memory_space<vmem_shared>>) target_semaphore(%run_scoped3A : memref<!tpu.dma_semaphore, #tpu.memory_space<semaphore_mem>>)
      %dma_wait3A = arith.constant 0 : i32
      %dma_wait3A_76 = tpu.memref_slice %arg10[%add3A_19, %dma_wait3A] : memref<10240x128xf32, #tpu.memory_space<vmem_shared>> -> memref<128x128xf32, #tpu.memory_space<vmem_shared>>
      %dma_wait3A_77 = arith.constant 0 : i32
      %dma_wait3A_78 = tpu.memref_slice %arg10[%add3A_19, %dma_wait3A_77] : memref<10240x128xf32, #tpu.memory_space<vmem_shared>> -> memref<128x128xf32, #tpu.memory_space<vmem_shared>>
      tpu.wait_dma2 semaphore(%run_scoped3A : memref<!tpu.dma_semaphore, #tpu.memory_space<semaphore_mem>>) src(%arg6 : memref<128x128xf32, #tpu.memory_space<vmem>>) dst(%dma_wait3A_78 : memref<128x128xf32, #tpu.memory_space<vmem_shared>>)
      tpu.yield
    }) : () -> ()
    %mul3A_20 = arith.constant 640 : i32
    %mul3A_21 = arith.muli %arg1, %mul3A_20 : i32
    %add3A_22 = arith.constant 512 : i32
    %add3A_23 = arith.addi %mul3A_21, %add3A_22 : i32
    "tpu.region"() ({
      %run_scoped3A = tpu.sem_alloc : memref<!tpu.dma_semaphore, #tpu.memory_space<semaphore_mem>>
      %dma_start3A = arith.constant 0 : i32
      %dma_start3A_73 = tpu.memref_slice %arg10[%add3A_23, %dma_start3A] : memref<10240x128xf32, #tpu.memory_space<vmem_shared>> -> memref<128x128xf32, #tpu.memory_space<vmem_shared>>
      %dma_start3A_74 = arith.constant 0 : i32
      %dma_start3A_75 = tpu.memref_slice %arg10[%add3A_23, %dma_start3A_74] : memref<10240x128xf32, #tpu.memory_space<vmem_shared>> -> memref<128x128xf32, #tpu.memory_space<vmem_shared>>
      tpu.enqueue_dma source(%arg6 : memref<128x128xf32, #tpu.memory_space<vmem>>) target(%dma_start3A_75 : memref<128x128xf32, #tpu.memory_space<vmem_shared>>) target_semaphore(%run_scoped3A : memref<!tpu.dma_semaphore, #tpu.memory_space<semaphore_mem>>)
      %dma_wait3A = arith.constant 0 : i32
      %dma_wait3A_76 = tpu.memref_slice %arg10[%add3A_23, %dma_wait3A] : memref<10240x128xf32, #tpu.memory_space<vmem_shared>> -> memref<128x128xf32, #tpu.memory_space<vmem_shared>>
      %dma_wait3A_77 = arith.constant 0 : i32
      %dma_wait3A_78 = tpu.memref_slice %arg10[%add3A_23, %dma_wait3A_77] : memref<10240x128xf32, #tpu.memory_space<vmem_shared>> -> memref<128x128xf32, #tpu.memory_space<vmem_shared>>
      tpu.wait_dma2 semaphore(%run_scoped3A : memref<!tpu.dma_semaphore, #tpu.memory_space<semaphore_mem>>) src(%arg6 : memref<128x128xf32, #tpu.memory_space<vmem>>) dst(%dma_wait3A_78 : memref<128x128xf32, #tpu.memory_space<vmem_shared>>)
      tpu.yield
    }) : () -> ()
    %barrier3A = arith.constant 0 : index
    tpu.barrier barrier_id(%barrier3A)
    %mul3A_24 = arith.constant 323584 : i32
    %mul3A_25 = arith.muli %arg0, %mul3A_24 : i32
    %mul3A_26 = arith.constant 20224 : i32
    %mul3A_27 = arith.muli %arg1, %mul3A_26 : i32
    %add3A_28 = arith.addi %mul3A_25, %mul3A_27 : i32
    %mul3A_29 = arith.constant 20224 : i32
    %mul3A_30 = arith.muli %arg1, %mul3A_29 : i32
    %scan3A_31 = arith.constant 0 : i32
    %scan3A_32 = arith.constant 0 : i32
    %scan3A_33 = arith.constant 158 : i32
    %scan3A_34 = arith.addi %scan3A_32, %scan3A_33 : i32
    %scan3A_35 = arith.constant 1 : i32
    scf.for %scan3A_73 = %scan3A_32 to %scan3A_34 step %scan3A_35  : i32 {
      %mul3A_74 = arith.constant 128 : i32
      %mul3A_75 = arith.muli %scan3A_73, %mul3A_74 : i32
      %add3A_76 = arith.addi %add3A_28, %mul3A_75 : i32
      "tpu.region"() ({
        %run_scoped3A = tpu.sem_alloc : memref<!tpu.dma_semaphore, #tpu.memory_space<semaphore_mem>>
        %dma_start3A_84 = tpu.memref_slice %arg3[%add3A_76] : memref<647168xi32, #tpu.memory_space<hbm>> -> memref<128xi32, #tpu.memory_space<hbm>>
        %dma_start3A_85 = tpu.memref_slice %arg3[%add3A_76] : memref<647168xi32, #tpu.memory_space<hbm>> -> memref<128xi32, #tpu.memory_space<hbm>>
        tpu.enqueue_dma source(%dma_start3A_85 : memref<128xi32, #tpu.memory_space<hbm>>) target(%arg7 : memref<128xi32, #tpu.memory_space<vmem>>) target_semaphore(%run_scoped3A : memref<!tpu.dma_semaphore, #tpu.memory_space<semaphore_mem>>)
        %dma_wait3A_86 = tpu.memref_slice %arg3[%add3A_76] : memref<647168xi32, #tpu.memory_space<hbm>> -> memref<128xi32, #tpu.memory_space<hbm>>
        %dma_wait3A_87 = tpu.memref_slice %arg3[%add3A_76] : memref<647168xi32, #tpu.memory_space<hbm>> -> memref<128xi32, #tpu.memory_space<hbm>>
        tpu.wait_dma2 semaphore(%run_scoped3A : memref<!tpu.dma_semaphore, #tpu.memory_space<semaphore_mem>>) src(%dma_wait3A_87 : memref<128xi32, #tpu.memory_space<hbm>>) dst(%arg7 : memref<128xi32, #tpu.memory_space<vmem>>)
        tpu.yield
      }) : () -> ()
      %mul3A_77 = arith.constant 128 : i32
      %mul3A_78 = arith.muli %scan3A_73, %mul3A_77 : i32
      %add3A_79 = arith.addi %mul3A_30, %mul3A_78 : i32
      "tpu.region"() ({
        %run_scoped3A = tpu.sem_alloc : memref<!tpu.dma_semaphore, #tpu.memory_space<semaphore_mem>>
        %dma_start3A_84 = tpu.memref_slice %arg4[%add3A_79] : memref<323584xi32, #tpu.memory_space<hbm>> -> memref<128xi32, #tpu.memory_space<hbm>>
        %dma_start3A_85 = tpu.memref_slice %arg4[%add3A_79] : memref<323584xi32, #tpu.memory_space<hbm>> -> memref<128xi32, #tpu.memory_space<hbm>>
        tpu.enqueue_dma source(%dma_start3A_85 : memref<128xi32, #tpu.memory_space<hbm>>) target(%arg8 : memref<128xi32, #tpu.memory_space<vmem>>) target_semaphore(%run_scoped3A : memref<!tpu.dma_semaphore, #tpu.memory_space<semaphore_mem>>)
        %dma_wait3A_86 = tpu.memref_slice %arg4[%add3A_79] : memref<323584xi32, #tpu.memory_space<hbm>> -> memref<128xi32, #tpu.memory_space<hbm>>
        %dma_wait3A_87 = tpu.memref_slice %arg4[%add3A_79] : memref<323584xi32, #tpu.memory_space<hbm>> -> memref<128xi32, #tpu.memory_space<hbm>>
        tpu.wait_dma2 semaphore(%run_scoped3A : memref<!tpu.dma_semaphore, #tpu.memory_space<semaphore_mem>>) src(%dma_wait3A_87 : memref<128xi32, #tpu.memory_space<hbm>>) dst(%arg8 : memref<128xi32, #tpu.memory_space<vmem>>)
        tpu.yield
      }) : () -> ()
      %dma_start3A = arith.constant 0 : i32
      %dma_start3A_80 = arith.constant 0 : i32
      %dma_start3A_81 = tpu.memref_slice %arg2[%dma_start3A, %dma_start3A_80] : memref<20480x128xf32, #tpu.memory_space<hbm>> -> memref<20480x128xf32, #tpu.memory_space<hbm>>
      tpu.enqueue_indirect_dma source(%dma_start3A_81 : memref<20480x128xf32, #tpu.memory_space<hbm>>) target(%arg6 : memref<128x128xf32, #tpu.memory_space<vmem>>) offsets(%arg7 : memref<128xi32, #tpu.memory_space<vmem>>) semaphore(%arg9 : memref<!tpu.dma_semaphore, #tpu.memory_space<semaphore_mem>>)
      %dma_wait3A = arith.constant 0 : i32
      %dma_wait3A_82 = arith.constant 0 : i32
      %dma_wait3A_83 = tpu.memref_slice %arg2[%dma_wait3A, %dma_wait3A_82] : memref<20480x128xf32, #tpu.memory_space<hbm>> -> memref<20480x128xf32, #tpu.memory_space<hbm>>
      tpu.wait_indirect_dma semaphore(%arg9 : memref<!tpu.dma_semaphore, #tpu.memory_space<semaphore_mem>>) src(%dma_wait3A_83 : memref<20480x128xf32, #tpu.memory_space<hbm>>) dst(%arg6 : memref<128x128xf32, #tpu.memory_space<vmem>>)
      "tpu.region"() ({
        %run_scoped3A = tpu.sem_alloc : memref<!tpu.dma_semaphore, #tpu.memory_space<semaphore_mem>>
        %dma_start3A_84 = arith.constant 0 : i32
        %dma_start3A_85 = arith.constant 0 : i32
        %dma_start3A_86 = tpu.memref_slice %arg10[%dma_start3A_84, %dma_start3A_85] : memref<10240x128xf32, #tpu.memory_space<vmem_shared>> -> memref<10240x128xf32, #tpu.memory_space<vmem_shared>>
        tpu.enqueue_indirect_dma source(%arg6 : memref<128x128xf32, #tpu.memory_space<vmem>>) target(%dma_start3A_86 : memref<10240x128xf32, #tpu.memory_space<vmem_shared>>) offsets(%arg8 : memref<128xi32, #tpu.memory_space<vmem>>) semaphore(%run_scoped3A : memref<!tpu.dma_semaphore, #tpu.memory_space<semaphore_mem>>) {add = true}
        %dma_wait3A_87 = arith.constant 0 : i32
        %dma_wait3A_88 = arith.constant 0 : i32
        %dma_wait3A_89 = tpu.memref_slice %arg10[%dma_wait3A_87, %dma_wait3A_88] : memref<10240x128xf32, #tpu.memory_space<vmem_shared>> -> memref<10240x128xf32, #tpu.memory_space<vmem_shared>>
        tpu.wait_indirect_dma semaphore(%run_scoped3A : memref<!tpu.dma_semaphore, #tpu.memory_space<semaphore_mem>>) src(%arg6 : memref<128x128xf32, #tpu.memory_space<vmem>>) dst(%dma_wait3A_89 : memref<10240x128xf32, #tpu.memory_space<vmem_shared>>)
        tpu.yield
      }) : () -> ()
    }
    %scan3A_36 = arith.constant 158 : i32
    %barrier3A_37 = arith.constant 0 : index
    tpu.barrier barrier_id(%barrier3A_37)
    %mul3A_38 = arith.constant 640 : i32
    %mul3A_39 = arith.muli %arg1, %mul3A_38 : i32
    %add3A_40 = arith.constant 0 : i32
    %add3A_41 = arith.addi %mul3A_39, %add3A_40 : i32
    "tpu.region"() ({
      %run_scoped3A = tpu.sem_alloc : memref<!tpu.dma_semaphore, #tpu.memory_space<semaphore_mem>>
      %dma_start3A = arith.constant 0 : i32
      %dma_start3A_73 = tpu.memref_slice %arg10[%add3A_41, %dma_start3A] : memref<10240x128xf32, #tpu.memory_space<vmem_shared>> -> memref<128x128xf32, #tpu.memory_space<vmem_shared>>
      %dma_start3A_74 = arith.constant 0 : i32
      %dma_start3A_75 = tpu.memref_slice %arg10[%add3A_41, %dma_start3A_74] : memref<10240x128xf32, #tpu.memory_space<vmem_shared>> -> memref<128x128xf32, #tpu.memory_space<vmem_shared>>
      tpu.enqueue_dma source(%dma_start3A_75 : memref<128x128xf32, #tpu.memory_space<vmem_shared>>) target(%arg6 : memref<128x128xf32, #tpu.memory_space<vmem>>) target_semaphore(%run_scoped3A : memref<!tpu.dma_semaphore, #tpu.memory_space<semaphore_mem>>)
      %dma_wait3A = arith.constant 0 : i32
      %dma_wait3A_76 = tpu.memref_slice %arg10[%add3A_41, %dma_wait3A] : memref<10240x128xf32, #tpu.memory_space<vmem_shared>> -> memref<128x128xf32, #tpu.memory_space<vmem_shared>>
      %dma_wait3A_77 = arith.constant 0 : i32
      %dma_wait3A_78 = tpu.memref_slice %arg10[%add3A_41, %dma_wait3A_77] : memref<10240x128xf32, #tpu.memory_space<vmem_shared>> -> memref<128x128xf32, #tpu.memory_space<vmem_shared>>
      tpu.wait_dma2 semaphore(%run_scoped3A : memref<!tpu.dma_semaphore, #tpu.memory_space<semaphore_mem>>) src(%dma_wait3A_78 : memref<128x128xf32, #tpu.memory_space<vmem_shared>>) dst(%arg6 : memref<128x128xf32, #tpu.memory_space<vmem>>)
      tpu.yield
    }) : () -> ()
    %mul3A_42 = arith.constant 10240 : i32
    %mul3A_43 = arith.muli %arg0, %mul3A_42 : i32
    %add3A_44 = arith.addi %mul3A_43, %add3A_41 : i32
    "tpu.region"() ({
      %run_scoped3A = tpu.sem_alloc : memref<!tpu.dma_semaphore, #tpu.memory_space<semaphore_mem>>
      %dma_start3A = arith.constant 0 : i32
      %dma_start3A_73 = tpu.memref_slice %arg5[%add3A_44, %dma_start3A] : memref<20480x128xf32, #tpu.memory_space<hbm>> -> memref<128x128xf32, #tpu.memory_space<hbm>>
      %dma_start3A_74 = arith.constant 0 : i32
      %dma_start3A_75 = tpu.memref_slice %arg5[%add3A_44, %dma_start3A_74] : memref<20480x128xf32, #tpu.memory_space<hbm>> -> memref<128x128xf32, #tpu.memory_space<hbm>>
      tpu.enqueue_dma source(%arg6 : memref<128x128xf32, #tpu.memory_space<vmem>>) target(%dma_start3A_75 : memref<128x128xf32, #tpu.memory_space<hbm>>) target_semaphore(%run_scoped3A : memref<!tpu.dma_semaphore, #tpu.memory_space<semaphore_mem>>)
      %dma_wait3A = arith.constant 0 : i32
      %dma_wait3A_76 = tpu.memref_slice %arg5[%add3A_44, %dma_wait3A] : memref<20480x128xf32, #tpu.memory_space<hbm>> -> memref<128x128xf32, #tpu.memory_space<hbm>>
      %dma_wait3A_77 = arith.constant 0 : i32
      %dma_wait3A_78 = tpu.memref_slice %arg5[%add3A_44, %dma_wait3A_77] : memref<20480x128xf32, #tpu.memory_space<hbm>> -> memref<128x128xf32, #tpu.memory_space<hbm>>
      tpu.wait_dma2 semaphore(%run_scoped3A : memref<!tpu.dma_semaphore, #tpu.memory_space<semaphore_mem>>) src(%arg6 : memref<128x128xf32, #tpu.memory_space<vmem>>) dst(%dma_wait3A_78 : memref<128x128xf32, #tpu.memory_space<hbm>>)
      tpu.yield
    }) : () -> ()
    %mul3A_45 = arith.constant 640 : i32
    %mul3A_46 = arith.muli %arg1, %mul3A_45 : i32
    %add3A_47 = arith.constant 128 : i32
    %add3A_48 = arith.addi %mul3A_46, %add3A_47 : i32
    "tpu.region"() ({
      %run_scoped3A = tpu.sem_alloc : memref<!tpu.dma_semaphore, #tpu.memory_space<semaphore_mem>>
      %dma_start3A = arith.constant 0 : i32
      %dma_start3A_73 = tpu.memref_slice %arg10[%add3A_48, %dma_start3A] : memref<10240x128xf32, #tpu.memory_space<vmem_shared>> -> memref<128x128xf32, #tpu.memory_space<vmem_shared>>
      %dma_start3A_74 = arith.constant 0 : i32
      %dma_start3A_75 = tpu.memref_slice %arg10[%add3A_48, %dma_start3A_74] : memref<10240x128xf32, #tpu.memory_space<vmem_shared>> -> memref<128x128xf32, #tpu.memory_space<vmem_shared>>
      tpu.enqueue_dma source(%dma_start3A_75 : memref<128x128xf32, #tpu.memory_space<vmem_shared>>) target(%arg6 : memref<128x128xf32, #tpu.memory_space<vmem>>) target_semaphore(%run_scoped3A : memref<!tpu.dma_semaphore, #tpu.memory_space<semaphore_mem>>)
      %dma_wait3A = arith.constant 0 : i32
      %dma_wait3A_76 = tpu.memref_slice %arg10[%add3A_48, %dma_wait3A] : memref<10240x128xf32, #tpu.memory_space<vmem_shared>> -> memref<128x128xf32, #tpu.memory_space<vmem_shared>>
      %dma_wait3A_77 = arith.constant 0 : i32
      %dma_wait3A_78 = tpu.memref_slice %arg10[%add3A_48, %dma_wait3A_77] : memref<10240x128xf32, #tpu.memory_space<vmem_shared>> -> memref<128x128xf32, #tpu.memory_space<vmem_shared>>
      tpu.wait_dma2 semaphore(%run_scoped3A : memref<!tpu.dma_semaphore, #tpu.memory_space<semaphore_mem>>) src(%dma_wait3A_78 : memref<128x128xf32, #tpu.memory_space<vmem_shared>>) dst(%arg6 : memref<128x128xf32, #tpu.memory_space<vmem>>)
      tpu.yield
    }) : () -> ()
    %mul3A_49 = arith.constant 10240 : i32
    %mul3A_50 = arith.muli %arg0, %mul3A_49 : i32
    %add3A_51 = arith.addi %mul3A_50, %add3A_48 : i32
    "tpu.region"() ({
      %run_scoped3A = tpu.sem_alloc : memref<!tpu.dma_semaphore, #tpu.memory_space<semaphore_mem>>
      %dma_start3A = arith.constant 0 : i32
      %dma_start3A_73 = tpu.memref_slice %arg5[%add3A_51, %dma_start3A] : memref<20480x128xf32, #tpu.memory_space<hbm>> -> memref<128x128xf32, #tpu.memory_space<hbm>>
      %dma_start3A_74 = arith.constant 0 : i32
      %dma_start3A_75 = tpu.memref_slice %arg5[%add3A_51, %dma_start3A_74] : memref<20480x128xf32, #tpu.memory_space<hbm>> -> memref<128x128xf32, #tpu.memory_space<hbm>>
      tpu.enqueue_dma source(%arg6 : memref<128x128xf32, #tpu.memory_space<vmem>>) target(%dma_start3A_75 : memref<128x128xf32, #tpu.memory_space<hbm>>) target_semaphore(%run_scoped3A : memref<!tpu.dma_semaphore, #tpu.memory_space<semaphore_mem>>)
      %dma_wait3A = arith.constant 0 : i32
      %dma_wait3A_76 = tpu.memref_slice %arg5[%add3A_51, %dma_wait3A] : memref<20480x128xf32, #tpu.memory_space<hbm>> -> memref<128x128xf32, #tpu.memory_space<hbm>>
      %dma_wait3A_77 = arith.constant 0 : i32
      %dma_wait3A_78 = tpu.memref_slice %arg5[%add3A_51, %dma_wait3A_77] : memref<20480x128xf32, #tpu.memory_space<hbm>> -> memref<128x128xf32, #tpu.memory_space<hbm>>
      tpu.wait_dma2 semaphore(%run_scoped3A : memref<!tpu.dma_semaphore, #tpu.memory_space<semaphore_mem>>) src(%arg6 : memref<128x128xf32, #tpu.memory_space<vmem>>) dst(%dma_wait3A_78 : memref<128x128xf32, #tpu.memory_space<hbm>>)
      tpu.yield
    }) : () -> ()
    %mul3A_52 = arith.constant 640 : i32
    %mul3A_53 = arith.muli %arg1, %mul3A_52 : i32
    %add3A_54 = arith.constant 256 : i32
    %add3A_55 = arith.addi %mul3A_53, %add3A_54 : i32
    "tpu.region"() ({
      %run_scoped3A = tpu.sem_alloc : memref<!tpu.dma_semaphore, #tpu.memory_space<semaphore_mem>>
      %dma_start3A = arith.constant 0 : i32
      %dma_start3A_73 = tpu.memref_slice %arg10[%add3A_55, %dma_start3A] : memref<10240x128xf32, #tpu.memory_space<vmem_shared>> -> memref<128x128xf32, #tpu.memory_space<vmem_shared>>
      %dma_start3A_74 = arith.constant 0 : i32
      %dma_start3A_75 = tpu.memref_slice %arg10[%add3A_55, %dma_start3A_74] : memref<10240x128xf32, #tpu.memory_space<vmem_shared>> -> memref<128x128xf32, #tpu.memory_space<vmem_shared>>
      tpu.enqueue_dma source(%dma_start3A_75 : memref<128x128xf32, #tpu.memory_space<vmem_shared>>) target(%arg6 : memref<128x128xf32, #tpu.memory_space<vmem>>) target_semaphore(%run_scoped3A : memref<!tpu.dma_semaphore, #tpu.memory_space<semaphore_mem>>)
      %dma_wait3A = arith.constant 0 : i32
      %dma_wait3A_76 = tpu.memref_slice %arg10[%add3A_55, %dma_wait3A] : memref<10240x128xf32, #tpu.memory_space<vmem_shared>> -> memref<128x128xf32, #tpu.memory_space<vmem_shared>>
      %dma_wait3A_77 = arith.constant 0 : i32
      %dma_wait3A_78 = tpu.memref_slice %arg10[%add3A_55, %dma_wait3A_77] : memref<10240x128xf32, #tpu.memory_space<vmem_shared>> -> memref<128x128xf32, #tpu.memory_space<vmem_shared>>
      tpu.wait_dma2 semaphore(%run_scoped3A : memref<!tpu.dma_semaphore, #tpu.memory_space<semaphore_mem>>) src(%dma_wait3A_78 : memref<128x128xf32, #tpu.memory_space<vmem_shared>>) dst(%arg6 : memref<128x128xf32, #tpu.memory_space<vmem>>)
      tpu.yield
    }) : () -> ()
    %mul3A_56 = arith.constant 10240 : i32
    %mul3A_57 = arith.muli %arg0, %mul3A_56 : i32
    %add3A_58 = arith.addi %mul3A_57, %add3A_55 : i32
    "tpu.region"() ({
      %run_scoped3A = tpu.sem_alloc : memref<!tpu.dma_semaphore, #tpu.memory_space<semaphore_mem>>
      %dma_start3A = arith.constant 0 : i32
      %dma_start3A_73 = tpu.memref_slice %arg5[%add3A_58, %dma_start3A] : memref<20480x128xf32, #tpu.memory_space<hbm>> -> memref<128x128xf32, #tpu.memory_space<hbm>>
      %dma_start3A_74 = arith.constant 0 : i32
      %dma_start3A_75 = tpu.memref_slice %arg5[%add3A_58, %dma_start3A_74] : memref<20480x128xf32, #tpu.memory_space<hbm>> -> memref<128x128xf32, #tpu.memory_space<hbm>>
      tpu.enqueue_dma source(%arg6 : memref<128x128xf32, #tpu.memory_space<vmem>>) target(%dma_start3A_75 : memref<128x128xf32, #tpu.memory_space<hbm>>) target_semaphore(%run_scoped3A : memref<!tpu.dma_semaphore, #tpu.memory_space<semaphore_mem>>)
      %dma_wait3A = arith.constant 0 : i32
      %dma_wait3A_76 = tpu.memref_slice %arg5[%add3A_58, %dma_wait3A] : memref<20480x128xf32, #tpu.memory_space<hbm>> -> memref<128x128xf32, #tpu.memory_space<hbm>>
      %dma_wait3A_77 = arith.constant 0 : i32
      %dma_wait3A_78 = tpu.memref_slice %arg5[%add3A_58, %dma_wait3A_77] : memref<20480x128xf32, #tpu.memory_space<hbm>> -> memref<128x128xf32, #tpu.memory_space<hbm>>
      tpu.wait_dma2 semaphore(%run_scoped3A : memref<!tpu.dma_semaphore, #tpu.memory_space<semaphore_mem>>) src(%arg6 : memref<128x128xf32, #tpu.memory_space<vmem>>) dst(%dma_wait3A_78 : memref<128x128xf32, #tpu.memory_space<hbm>>)
      tpu.yield
    }) : () -> ()
    %mul3A_59 = arith.constant 640 : i32
    %mul3A_60 = arith.muli %arg1, %mul3A_59 : i32
    %add3A_61 = arith.constant 384 : i32
    %add3A_62 = arith.addi %mul3A_60, %add3A_61 : i32
    "tpu.region"() ({
      %run_scoped3A = tpu.sem_alloc : memref<!tpu.dma_semaphore, #tpu.memory_space<semaphore_mem>>
      %dma_start3A = arith.constant 0 : i32
      %dma_start3A_73 = tpu.memref_slice %arg10[%add3A_62, %dma_start3A] : memref<10240x128xf32, #tpu.memory_space<vmem_shared>> -> memref<128x128xf32, #tpu.memory_space<vmem_shared>>
      %dma_start3A_74 = arith.constant 0 : i32
      %dma_start3A_75 = tpu.memref_slice %arg10[%add3A_62, %dma_start3A_74] : memref<10240x128xf32, #tpu.memory_space<vmem_shared>> -> memref<128x128xf32, #tpu.memory_space<vmem_shared>>
      tpu.enqueue_dma source(%dma_start3A_75 : memref<128x128xf32, #tpu.memory_space<vmem_shared>>) target(%arg6 : memref<128x128xf32, #tpu.memory_space<vmem>>) target_semaphore(%run_scoped3A : memref<!tpu.dma_semaphore, #tpu.memory_space<semaphore_mem>>)
      %dma_wait3A = arith.constant 0 : i32
      %dma_wait3A_76 = tpu.memref_slice %arg10[%add3A_62, %dma_wait3A] : memref<10240x128xf32, #tpu.memory_space<vmem_shared>> -> memref<128x128xf32, #tpu.memory_space<vmem_shared>>
      %dma_wait3A_77 = arith.constant 0 : i32
      %dma_wait3A_78 = tpu.memref_slice %arg10[%add3A_62, %dma_wait3A_77] : memref<10240x128xf32, #tpu.memory_space<vmem_shared>> -> memref<128x128xf32, #tpu.memory_space<vmem_shared>>
      tpu.wait_dma2 semaphore(%run_scoped3A : memref<!tpu.dma_semaphore, #tpu.memory_space<semaphore_mem>>) src(%dma_wait3A_78 : memref<128x128xf32, #tpu.memory_space<vmem_shared>>) dst(%arg6 : memref<128x128xf32, #tpu.memory_space<vmem>>)
      tpu.yield
    }) : () -> ()
    %mul3A_63 = arith.constant 10240 : i32
    %mul3A_64 = arith.muli %arg0, %mul3A_63 : i32
    %add3A_65 = arith.addi %mul3A_64, %add3A_62 : i32
    "tpu.region"() ({
      %run_scoped3A = tpu.sem_alloc : memref<!tpu.dma_semaphore, #tpu.memory_space<semaphore_mem>>
      %dma_start3A = arith.constant 0 : i32
      %dma_start3A_73 = tpu.memref_slice %arg5[%add3A_65, %dma_start3A] : memref<20480x128xf32, #tpu.memory_space<hbm>> -> memref<128x128xf32, #tpu.memory_space<hbm>>
      %dma_start3A_74 = arith.constant 0 : i32
      %dma_start3A_75 = tpu.memref_slice %arg5[%add3A_65, %dma_start3A_74] : memref<20480x128xf32, #tpu.memory_space<hbm>> -> memref<128x128xf32, #tpu.memory_space<hbm>>
      tpu.enqueue_dma source(%arg6 : memref<128x128xf32, #tpu.memory_space<vmem>>) target(%dma_start3A_75 : memref<128x128xf32, #tpu.memory_space<hbm>>) target_semaphore(%run_scoped3A : memref<!tpu.dma_semaphore, #tpu.memory_space<semaphore_mem>>)
      %dma_wait3A = arith.constant 0 : i32
      %dma_wait3A_76 = tpu.memref_slice %arg5[%add3A_65, %dma_wait3A] : memref<20480x128xf32, #tpu.memory_space<hbm>> -> memref<128x128xf32, #tpu.memory_space<hbm>>
      %dma_wait3A_77 = arith.constant 0 : i32
      %dma_wait3A_78 = tpu.memref_slice %arg5[%add3A_65, %dma_wait3A_77] : memref<20480x128xf32, #tpu.memory_space<hbm>> -> memref<128x128xf32, #tpu.memory_space<hbm>>
      tpu.wait_dma2 semaphore(%run_scoped3A : memref<!tpu.dma_semaphore, #tpu.memory_space<semaphore_mem>>) src(%arg6 : memref<128x128xf32, #tpu.memory_space<vmem>>) dst(%dma_wait3A_78 : memref<128x128xf32, #tpu.memory_space<hbm>>)
      tpu.yield
    }) : () -> ()
    %mul3A_66 = arith.constant 640 : i32
    %mul3A_67 = arith.muli %arg1, %mul3A_66 : i32
    %add3A_68 = arith.constant 512 : i32
    %add3A_69 = arith.addi %mul3A_67, %add3A_68 : i32
    "tpu.region"() ({
      %run_scoped3A = tpu.sem_alloc : memref<!tpu.dma_semaphore, #tpu.memory_space<semaphore_mem>>
      %dma_start3A = arith.constant 0 : i32
      %dma_start3A_73 = tpu.memref_slice %arg10[%add3A_69, %dma_start3A] : memref<10240x128xf32, #tpu.memory_space<vmem_shared>> -> memref<128x128xf32, #tpu.memory_space<vmem_shared>>
      %dma_start3A_74 = arith.constant 0 : i32
      %dma_start3A_75 = tpu.memref_slice %arg10[%add3A_69, %dma_start3A_74] : memref<10240x128xf32, #tpu.memory_space<vmem_shared>> -> memref<128x128xf32, #tpu.memory_space<vmem_shared>>
      tpu.enqueue_dma source(%dma_start3A_75 : memref<128x128xf32, #tpu.memory_space<vmem_shared>>) target(%arg6 : memref<128x128xf32, #tpu.memory_space<vmem>>) target_semaphore(%run_scoped3A : memref<!tpu.dma_semaphore, #tpu.memory_space<semaphore_mem>>)
      %dma_wait3A = arith.constant 0 : i32
      %dma_wait3A_76 = tpu.memref_slice %arg10[%add3A_69, %dma_wait3A] : memref<10240x128xf32, #tpu.memory_space<vmem_shared>> -> memref<128x128xf32, #tpu.memory_space<vmem_shared>>
      %dma_wait3A_77 = arith.constant 0 : i32
      %dma_wait3A_78 = tpu.memref_slice %arg10[%add3A_69, %dma_wait3A_77] : memref<10240x128xf32, #tpu.memory_space<vmem_shared>> -> memref<128x128xf32, #tpu.memory_space<vmem_shared>>
      tpu.wait_dma2 semaphore(%run_scoped3A : memref<!tpu.dma_semaphore, #tpu.memory_space<semaphore_mem>>) src(%dma_wait3A_78 : memref<128x128xf32, #tpu.memory_space<vmem_shared>>) dst(%arg6 : memref<128x128xf32, #tpu.memory_space<vmem>>)
      tpu.yield
    }) : () -> ()
    %mul3A_70 = arith.constant 10240 : i32
    %mul3A_71 = arith.muli %arg0, %mul3A_70 : i32
    %add3A_72 = arith.addi %mul3A_71, %add3A_69 : i32
    "tpu.region"() ({
      %run_scoped3A = tpu.sem_alloc : memref<!tpu.dma_semaphore, #tpu.memory_space<semaphore_mem>>
      %dma_start3A = arith.constant 0 : i32
      %dma_start3A_73 = tpu.memref_slice %arg5[%add3A_72, %dma_start3A] : memref<20480x128xf32, #tpu.memory_space<hbm>> -> memref<128x128xf32, #tpu.memory_space<hbm>>
      %dma_start3A_74 = arith.constant 0 : i32
      %dma_start3A_75 = tpu.memref_slice %arg5[%add3A_72, %dma_start3A_74] : memref<20480x128xf32, #tpu.memory_space<hbm>> -> memref<128x128xf32, #tpu.memory_space<hbm>>
      tpu.enqueue_dma source(%arg6 : memref<128x128xf32, #tpu.memory_space<vmem>>) target(%dma_start3A_75 : memref<128x128xf32, #tpu.memory_space<hbm>>) target_semaphore(%run_scoped3A : memref<!tpu.dma_semaphore, #tpu.memory_space<semaphore_mem>>)
      %dma_wait3A = arith.constant 0 : i32
      %dma_wait3A_76 = tpu.memref_slice %arg5[%add3A_72, %dma_wait3A] : memref<20480x128xf32, #tpu.memory_space<hbm>> -> memref<128x128xf32, #tpu.memory_space<hbm>>
      %dma_wait3A_77 = arith.constant 0 : i32
      %dma_wait3A_78 = tpu.memref_slice %arg5[%add3A_72, %dma_wait3A_77] : memref<20480x128xf32, #tpu.memory_space<hbm>> -> memref<128x128xf32, #tpu.memory_space<hbm>>
      tpu.wait_dma2 semaphore(%run_scoped3A : memref<!tpu.dma_semaphore, #tpu.memory_space<semaphore_mem>>) src(%arg6 : memref<128x128xf32, #tpu.memory_space<vmem>>) dst(%dma_wait3A_78 : memref<128x128xf32, #tpu.memory_space<hbm>>)
      tpu.yield
    }) : () -> ()
    return
  }
}

module attributes {stable_mosaic.version = 14 : i64} {
  func.func @_dinv_body(%arg0: memref<80x128xf32, #tpu.memory_space<vmem>>, %arg1: memref<80x128xf32, #tpu.memory_space<vmem>>, %arg2: memref<80x128xf32, #tpu.memory_space<vmem>>) attributes {dimension_semantics = [], scalar_prefetch = 0 : i64, scratch_operands = 0 : i64, tpu.core_type = #tpu.core_type<tc>} {
    %get3A = arith.constant 0 : index
    %get3A_0 = arith.constant 0 : index
    %get3A_1 = vector.load %arg0[%get3A, %get3A_0] : memref<80x128xf32, #tpu.memory_space<vmem>>, vector<80x128xf32>
    %get3A_2 = arith.constant 0 : index
    %get3A_3 = arith.constant 0 : index
    %get3A_4 = vector.load %arg1[%get3A_2, %get3A_3] : memref<80x128xf32, #tpu.memory_space<vmem>>, vector<80x128xf32>
    %add3A = arith.addf %get3A_1, %get3A_4 : vector<80x128xf32>
    %gt3A = arith.constant 0.000000e+00 : f32
    %gt3A_5 = vector.broadcast %gt3A : f32 to vector<80x128xf32>
    %gt3A_6 = arith.cmpf ogt, %add3A, %gt3A_5 : vector<80x128xf32>
    %rsqrt3A = math.rsqrt %add3A : vector<80x128xf32>
    %jit3A = arith.constant 0.000000e+00 : f32
    %broadcast_in_dim3A = vector.broadcast %jit3A : f32 to vector<80x128xf32>
    %select_n3A = arith.select %gt3A_6, %rsqrt3A, %broadcast_in_dim3A : vector<80x128xi1>, vector<80x128xf32>
    %swap3A = arith.constant 0 : index
    %swap3A_7 = arith.constant 0 : index
    %swap3A_8 = vector.load %arg2[%swap3A, %swap3A_7] : memref<80x128xf32, #tpu.memory_space<vmem>>, vector<80x128xf32>
    tpu.vector_store %arg2[%swap3A, %swap3A_7], %select_n3A {strides = array<i32>} : memref<80x128xf32, #tpu.memory_space<vmem>>, vector<80x128xf32>,
    return
  }
}

module attributes {stable_mosaic.version = 14 : i64} {
  func.func @_premul0_body(%arg0: i32, %arg1: memref<512x128xf32, #tpu.memory_space<vmem>>, %arg2: memref<512x1xf32, #tpu.memory_space<vmem>>, %arg3: memref<512x128xf32, #tpu.memory_space<vmem>>) attributes {dimension_semantics = [#tpu.dimension_semantics<arbitrary>], iteration_bounds = array<i64: 20>, scalar_prefetch = 0 : i64, scratch_operands = 0 : i64, tpu.core_type = #tpu.core_type<tc>, window_params = [{transform_indices = @transform_0, window_bounds = array<i64: 512, 128>}, {transform_indices = @transform_1, window_bounds = array<i64: 512, 1>}, {transform_indices = @transform_2, window_bounds = array<i64: 512, 128>}]} {
    %get3A = arith.constant 0 : index
    %get3A_0 = arith.constant 0 : index
    %get3A_1 = vector.load %arg2[%get3A, %get3A_0] : memref<512x1xf32, #tpu.memory_space<vmem>>, vector<512x1xf32>
    %get3A_2 = arith.constant 0 : index
    %get3A_3 = arith.constant 0 : index
    %get3A_4 = vector.load %arg1[%get3A_2, %get3A_3] : memref<512x128xf32, #tpu.memory_space<vmem>>, vector<512x128xf32>
    %mul3A = vector.broadcast %get3A_1 : vector<512x1xf32> to vector<512x128xf32>
    %mul3A_5 = arith.mulf %mul3A, %get3A_4 : vector<512x128xf32>
    %neg3A = arith.constant 0.000000e+00 : f32
    %neg3A_6 = vector.broadcast %neg3A : f32 to vector<512x128xf32>
    %neg3A_7 = arith.subf %neg3A_6, %mul3A_5 : vector<512x128xf32>
    %swap3A = arith.constant 0 : index
    %swap3A_8 = arith.constant 0 : index
    %swap3A_9 = vector.load %arg3[%swap3A, %swap3A_8] : memref<512x128xf32, #tpu.memory_space<vmem>>, vector<512x128xf32>
    tpu.vector_store %arg3[%swap3A, %swap3A_8], %neg3A_7 {strides = array<i32>} : memref<512x128xf32, #tpu.memory_space<vmem>>, vector<512x128xf32>,
    return
  }
  func.func @transform_0(%arg0: i32) -> (i32, i32) {
    %c0_i32 = arith.constant 0 : i32
    %c0_i32_0 = arith.constant 0 : i32
    return %arg0, %c0_i32 : i32, i32
  }
  func.func @transform_1(%arg0: i32) -> (i32, i32) {
    %c0_i32 = arith.constant 0 : i32
    %c0_i32_0 = arith.constant 0 : i32
    return %arg0, %c0_i32 : i32, i32
  }
  func.func @transform_2(%arg0: i32) -> (i32, i32) {
    %c0_i32 = arith.constant 0 : i32
    %c0_i32_0 = arith.constant 0 : i32
    return %arg0, %c0_i32 : i32, i32
  }
}

module attributes {stable_mosaic.version = 14 : i64} {
  func.func @_premul_sum_body(%arg0: i32, %arg1: memref<512x128xf32, #tpu.memory_space<vmem>>, %arg2: memref<512x128xf32, #tpu.memory_space<vmem>>, %arg3: memref<512x1xf32, #tpu.memory_space<vmem>>, %arg4: memref<512x128xf32, #tpu.memory_space<vmem>>) attributes {dimension_semantics = [#tpu.dimension_semantics<arbitrary>], iteration_bounds = array<i64: 20>, scalar_prefetch = 0 : i64, scratch_operands = 0 : i64, tpu.core_type = #tpu.core_type<tc>, window_params = [{transform_indices = @transform_0, window_bounds = array<i64: 512, 128>}, {transform_indices = @transform_1, window_bounds = array<i64: 512, 128>}, {transform_indices = @transform_2, window_bounds = array<i64: 512, 1>}, {transform_indices = @transform_3, window_bounds = array<i64: 512, 128>}]} {
    %get3A = arith.constant 0 : index
    %get3A_0 = arith.constant 0 : index
    %get3A_1 = vector.load %arg3[%get3A, %get3A_0] : memref<512x1xf32, #tpu.memory_space<vmem>>, vector<512x1xf32>
    %mul3A = arith.mulf %get3A_1, %get3A_1 : vector<512x1xf32>
    %neg3A = arith.constant 0.000000e+00 : f32
    %neg3A_2 = vector.broadcast %neg3A : f32 to vector<512x1xf32>
    %neg3A_3 = arith.subf %neg3A_2, %mul3A : vector<512x1xf32>
    %get3A_4 = arith.constant 0 : index
    %get3A_5 = arith.constant 0 : index
    %get3A_6 = vector.load %arg1[%get3A_4, %get3A_5] : memref<512x128xf32, #tpu.memory_space<vmem>>, vector<512x128xf32>
    %get3A_7 = arith.constant 0 : index
    %get3A_8 = arith.constant 0 : index
    %get3A_9 = vector.load %arg2[%get3A_7, %get3A_8] : memref<512x128xf32, #tpu.memory_space<vmem>>, vector<512x128xf32>
    %add3A = arith.addf %get3A_6, %get3A_9 : vector<512x128xf32>
    %mul3A_10 = vector.broadcast %neg3A_3 : vector<512x1xf32> to vector<512x128xf32>
    %mul3A_11 = arith.mulf %mul3A_10, %add3A : vector<512x128xf32>
    %swap3A = arith.constant 0 : index
    %swap3A_12 = arith.constant 0 : index
    %swap3A_13 = vector.load %arg4[%swap3A, %swap3A_12] : memref<512x128xf32, #tpu.memory_space<vmem>>, vector<512x128xf32>
    tpu.vector_store %arg4[%swap3A, %swap3A_12], %mul3A_11 {strides = array<i32>} : memref<512x128xf32, #tpu.memory_space<vmem>>, vector<512x128xf32>,
    return
  }
  func.func @transform_0(%arg0: i32) -> (i32, i32) {
    %c0_i32 = arith.constant 0 : i32
    %c0_i32_0 = arith.constant 0 : i32
    return %arg0, %c0_i32 : i32, i32
  }
  func.func @transform_1(%arg0: i32) -> (i32, i32) {
    %add3A = arith.constant 20 : i32
    %add3A_0 = arith.addi %arg0, %add3A : i32
    %c0_i32 = arith.constant 0 : i32
    %c0_i32_1 = arith.constant 0 : i32
    return %add3A_0, %c0_i32 : i32, i32
  }
  func.func @transform_2(%arg0: i32) -> (i32, i32) {
    %c0_i32 = arith.constant 0 : i32
    %c0_i32_0 = arith.constant 0 : i32
    return %arg0, %c0_i32 : i32, i32
  }
  func.func @transform_3(%arg0: i32) -> (i32, i32) {
    %c0_i32 = arith.constant 0 : i32
    %c0_i32_0 = arith.constant 0 : i32
    return %arg0, %c0_i32 : i32, i32
  }
}

module attributes {stable_mosaic.version = 14 : i64} {
  func.func @_q_sum_body(%arg0: i32, %arg1: memref<512x128xf32, #tpu.memory_space<vmem>>, %arg2: memref<512x128xf32, #tpu.memory_space<vmem>>, %arg3: memref<512x128xf32, #tpu.memory_space<vmem>>, %arg4: memref<512x1xf32, #tpu.memory_space<vmem>>, %arg5: memref<512x128xf32, #tpu.memory_space<vmem>>) attributes {dimension_semantics = [#tpu.dimension_semantics<arbitrary>], iteration_bounds = array<i64: 20>, scalar_prefetch = 0 : i64, scratch_operands = 0 : i64, tpu.core_type = #tpu.core_type<tc>, window_params = [{transform_indices = @transform_0, window_bounds = array<i64: 512, 128>}, {transform_indices = @transform_1, window_bounds = array<i64: 512, 128>}, {transform_indices = @transform_2, window_bounds = array<i64: 512, 128>}, {transform_indices = @transform_3, window_bounds = array<i64: 512, 1>}, {transform_indices = @transform_4, window_bounds = array<i64: 512, 128>}]} {
    %get3A = arith.constant 0 : index
    %get3A_0 = arith.constant 0 : index
    %get3A_1 = vector.load %arg4[%get3A, %get3A_0] : memref<512x1xf32, #tpu.memory_space<vmem>>, vector<512x1xf32>
    %neg3A = arith.constant 0.000000e+00 : f32
    %neg3A_2 = vector.broadcast %neg3A : f32 to vector<512x1xf32>
    %neg3A_3 = arith.subf %neg3A_2, %get3A_1 : vector<512x1xf32>
    %mul3A = arith.constant 2.000000e+00 : f32
    %mul3A_4 = vector.broadcast %mul3A : f32 to vector<512x1xf32>
    %mul3A_5 = arith.mulf %mul3A_4, %get3A_1 : vector<512x1xf32>
    %get3A_6 = arith.constant 0 : index
    %get3A_7 = arith.constant 0 : index
    %get3A_8 = vector.load %arg1[%get3A_6, %get3A_7] : memref<512x128xf32, #tpu.memory_space<vmem>>, vector<512x128xf32>
    %get3A_9 = arith.constant 0 : index
    %get3A_10 = arith.constant 0 : index
    %get3A_11 = vector.load %arg2[%get3A_9, %get3A_10] : memref<512x128xf32, #tpu.memory_space<vmem>>, vector<512x128xf32>
    %add3A = arith.addf %get3A_8, %get3A_11 : vector<512x128xf32>
    %mul3A_12 = vector.broadcast %mul3A_5 : vector<512x1xf32> to vector<512x128xf32>
    %mul3A_13 = arith.mulf %mul3A_12, %add3A : vector<512x128xf32>
    %get3A_14 = arith.constant 0 : index
    %get3A_15 = arith.constant 0 : index
    %get3A_16 = vector.load %arg3[%get3A_14, %get3A_15] : memref<512x128xf32, #tpu.memory_space<vmem>>, vector<512x128xf32>
    %sub3A = arith.subf %mul3A_13, %get3A_16 : vector<512x128xf32>
    %mul3A_17 = vector.broadcast %neg3A_3 : vector<512x1xf32> to vector<512x128xf32>
    %mul3A_18 = arith.mulf %mul3A_17, %sub3A : vector<512x128xf32>
    %swap3A = arith.constant 0 : index
    %swap3A_19 = arith.constant 0 : index
    %swap3A_20 = vector.load %arg5[%swap3A, %swap3A_19] : memref<512x128xf32, #tpu.memory_space<vmem>>, vector<512x128xf32>
    tpu.vector_store %arg5[%swap3A, %swap3A_19], %mul3A_18 {strides = array<i32>} : memref<512x128xf32, #tpu.memory_space<vmem>>, vector<512x128xf32>,
    return
  }
  func.func @transform_0(%arg0: i32) -> (i32, i32) {
    %c0_i32 = arith.constant 0 : i32
    %c0_i32_0 = arith.constant 0 : i32
    return %arg0, %c0_i32 : i32, i32
  }
  func.func @transform_1(%arg0: i32) -> (i32, i32) {
    %add3A = arith.constant 20 : i32
    %add3A_0 = arith.addi %arg0, %add3A : i32
    %c0_i32 = arith.constant 0 : i32
    %c0_i32_1 = arith.constant 0 : i32
    return %add3A_0, %c0_i32 : i32, i32
  }
  func.func @transform_2(%arg0: i32) -> (i32, i32) {
    %c0_i32 = arith.constant 0 : i32
    %c0_i32_0 = arith.constant 0 : i32
    return %arg0, %c0_i32 : i32, i32
  }
  func.func @transform_3(%arg0: i32) -> (i32, i32) {
    %c0_i32 = arith.constant 0 : i32
    %c0_i32_0 = arith.constant 0 : i32
    return %arg0, %c0_i32 : i32, i32
  }
  func.func @transform_4(%arg0: i32) -> (i32, i32) {
    %c0_i32 = arith.constant 0 : i32
    %c0_i32_0 = arith.constant 0 : i32
    return %arg0, %c0_i32 : i32, i32
  }
}

module attributes {stable_mosaic.version = 14 : i64} {
  func.func @_m1_body(%arg0: i32, %arg1: memref<512x128xf32, #tpu.memory_space<vmem>>, %arg2: memref<512x128xf32, #tpu.memory_space<vmem>>, %arg3: memref<512x128xf32, #tpu.memory_space<vmem>>, %arg4: memref<512x128xf32, #tpu.memory_space<vmem>>, %arg5: memref<512x128xf32, #tpu.memory_space<vmem>>, %arg6: memref<512x128xf32, #tpu.memory_space<vmem>>, %arg7: memref<512x128xf32, #tpu.memory_space<vmem>>, %arg8: memref<512x1xf32, #tpu.memory_space<vmem>>, %arg9: memref<4x128x256xf32, #tpu.memory_space<vmem>>, %arg10: memref<1x256xf32, #tpu.memory_space<vmem>>, %arg11: memref<512x128xf32, #tpu.memory_space<vmem>>, %arg12: memref<512x128xf32, #tpu.memory_space<vmem>>, %arg13: memref<512x128xf32, #tpu.memory_space<vmem>>, %arg14: memref<512x128xf32, #tpu.memory_space<vmem>>) attributes {dimension_semantics = [#tpu.dimension_semantics<arbitrary>], iteration_bounds = array<i64: 20>, scalar_prefetch = 0 : i64, scratch_operands = 0 : i64, tpu.core_type = #tpu.core_type<tc>, window_params = [{transform_indices = @transform_0, window_bounds = array<i64: 512, 128>}, {transform_indices = @transform_1, window_bounds = array<i64: 512, 128>}, {transform_indices = @transform_2, window_bounds = array<i64: 512, 128>}, {transform_indices = @transform_3, window_bounds = array<i64: 512, 128>}, {transform_indices = @transform_4, window_bounds = array<i64: 512, 128>}, {transform_indices = @transform_5, window_bounds = array<i64: 512, 128>}, {transform_indices = @transform_6, window_bounds = array<i64: 512, 128>}, {transform_indices = @transform_7, window_bounds = array<i64: 512, 1>}, {pipeline_mode = #tpu.pipeline_mode<synchronous>, transform_indices = @transform_8, window_bounds = array<i64: 4, 128, 256>}, {pipeline_mode = #tpu.pipeline_mode<synchronous>, transform_indices = @transform_9, window_bounds = array<i64: 1, 256>}, {transform_indices = @transform_10, window_bounds = array<i64: 512, 128>}, {transform_indices = @transform_11, window_bounds = array<i64: 512, 128>}, {transform_indices = @transform_12, window_bounds = array<i64: 512, 128>}, {transform_indices = @transform_13, window_bounds = array<i64: 512, 128>}]} {
    %get3A = arith.constant 0 : index
    %get3A_0 = arith.constant 0 : index
    %get3A_1 = vector.load %arg8[%get3A, %get3A_0] : memref<512x1xf32, #tpu.memory_space<vmem>>, vector<512x1xf32>
    %get3A_2 = arith.constant 0 : index
    %get3A_3 = arith.constant 0 : index
    %get3A_4 = vector.load %arg1[%get3A_2, %get3A_3] : memref<512x128xf32, #tpu.memory_space<vmem>>, vector<512x128xf32>
    %get3A_5 = arith.constant 0 : index
    %get3A_6 = arith.constant 0 : index
    %get3A_7 = vector.load %arg2[%get3A_5, %get3A_6] : memref<512x128xf32, #tpu.memory_space<vmem>>, vector<512x128xf32>
    %get3A_8 = arith.constant 0 : index
    %get3A_9 = arith.constant 0 : index
    %get3A_10 = vector.load %arg3[%get3A_8, %get3A_9] : memref<512x128xf32, #tpu.memory_space<vmem>>, vector<512x128xf32>
    %add3A = arith.addf %get3A_7, %get3A_10 : vector<512x128xf32>
    %mul3A = vector.broadcast %get3A_1 : vector<512x1xf32> to vector<512x128xf32>
    %mul3A_11 = arith.mulf %mul3A, %add3A : vector<512x128xf32>
    %mul3A_12 = arith.constant 2.000000e+00 : f32
    %mul3A_13 = vector.broadcast %mul3A_12 : f32 to vector<512x1xf32>
    %mul3A_14 = arith.mulf %mul3A_13, %get3A_1 : vector<512x1xf32>
    %get3A_15 = arith.constant 0 : index
    %get3A_16 = arith.constant 0 : index
    %get3A_17 = vector.load %arg4[%get3A_15, %get3A_16] : memref<512x128xf32, #tpu.memory_space<vmem>>, vector<512x128xf32>
    %get3A_18 = arith.constant 0 : index
    %get3A_19 = arith.constant 0 : index
    %get3A_20 = vector.load %arg5[%get3A_18, %get3A_19] : memref<512x128xf32, #tpu.memory_space<vmem>>, vector<512x128xf32>
    %add3A_21 = arith.addf %get3A_17, %get3A_20 : vector<512x128xf32>
    %mul3A_22 = vector.broadcast %mul3A_14 : vector<512x1xf32> to vector<512x128xf32>
    %mul3A_23 = arith.mulf %mul3A_22, %add3A_21 : vector<512x128xf32>
    %sub3A = arith.subf %mul3A_23, %get3A_4 : vector<512x128xf32>
    %mul3A_24 = arith.constant 2.000000e+00 : f32
    %mul3A_25 = vector.broadcast %mul3A_24 : f32 to vector<512x1xf32>
    %mul3A_26 = arith.mulf %mul3A_25, %get3A_1 : vector<512x1xf32>
    %get3A_27 = arith.constant 0 : index
    %get3A_28 = arith.constant 0 : index
    %get3A_29 = vector.load %arg6[%get3A_27, %get3A_28] : memref<512x128xf32, #tpu.memory_space<vmem>>, vector<512x128xf32>
    %get3A_30 = arith.constant 0 : index
    %get3A_31 = arith.constant 0 : index
    %get3A_32 = vector.load %arg7[%get3A_30, %get3A_31] : memref<512x128xf32, #tpu.memory_space<vmem>>, vector<512x128xf32>
    %add3A_33 = arith.addf %get3A_29, %get3A_32 : vector<512x128xf32>
    %mul3A_34 = vector.broadcast %mul3A_26 : vector<512x1xf32> to vector<512x128xf32>
    %mul3A_35 = arith.mulf %mul3A_34, %add3A_33 : vector<512x128xf32>
    %sub3A_36 = arith.subf %mul3A_35, %mul3A_11 : vector<512x128xf32>
    %get3A_37 = arith.constant 0 : index
    %get3A_38 = arith.constant 0 : index
    %get3A_39 = vector.load %arg10[%get3A_37, %get3A_38] : memref<1x256xf32, #tpu.memory_space<vmem>>, vector<1x256xf32>
    %broadcast_in_dim3A = arith.constant 1.000000e+00 : f32
    %broadcast_in_dim3A_40 = vector.broadcast %broadcast_in_dim3A : f32 to vector<512x1xf32>
    %mul3A_41 = vector.broadcast %get3A_39 : vector<1x256xf32> to vector<512x256xf32>
    %mul3A_42 = vector.broadcast %broadcast_in_dim3A_40 : vector<512x1xf32> to vector<512x256xf32>
    %mul3A_43 = arith.mulf %mul3A_41, %mul3A_42 : vector<512x256xf32>
    %get3A_44 = arith.constant 0 : index
    %get3A_45 = arith.constant 0 : index
    %get3A_46 = arith.constant 0 : index
    %get3A_47 = vector.load %arg9[%get3A_44, %get3A_45, %get3A_46] : memref<4x128x256xf32, #tpu.memory_space<vmem>>, vector<1x128x256xf32>
    %get3A_48 = vector.shape_cast %get3A_47 : vector<1x128x256xf32> to vector<128x256xf32>
    %dot_general3A = arith.constant dense<0.000000e+00> : vector<512x256xf32>
    %dot_general3A_49 = tpu.matmul %get3A_4, %get3A_48, %dot_general3A {dimension_numbers = #tpu.dot_dimension_numbers<[1], [0], [0], [1], [0, 0, 1, 1], [], []>, transpose_lhs_hint = false} : vector<512x128xf32>, vector<128x256xf32>, vector<512x256xf32> -> vector<512x256xf32>
    %add3A_50 = arith.addf %mul3A_43, %dot_general3A_49 : vector<512x256xf32>
    %get3A_51 = arith.constant 1 : index
    %get3A_52 = arith.constant 0 : index
    %get3A_53 = arith.constant 0 : index
    %get3A_54 = vector.load %arg9[%get3A_51, %get3A_52, %get3A_53] : memref<4x128x256xf32, #tpu.memory_space<vmem>>, vector<1x128x256xf32>
    %get3A_55 = vector.shape_cast %get3A_54 : vector<1x128x256xf32> to vector<128x256xf32>
    %dot_general3A_56 = arith.constant dense<0.000000e+00> : vector<512x256xf32>
    %dot_general3A_57 = tpu.matmul %mul3A_11, %get3A_55, %dot_general3A_56 {dimension_numbers = #tpu.dot_dimension_numbers<[1], [0], [0], [1], [0, 0, 1, 1], [], []>, transpose_lhs_hint = false} : vector<512x128xf32>, vector<128x256xf32>, vector<512x256xf32> -> vector<512x256xf32>
    %add3A_58 = arith.addf %add3A_50, %dot_general3A_57 : vector<512x256xf32>
    %get3A_59 = arith.constant 2 : index
    %get3A_60 = arith.constant 0 : index
    %get3A_61 = arith.constant 0 : index
    %get3A_62 = vector.load %arg9[%get3A_59, %get3A_60, %get3A_61] : memref<4x128x256xf32, #tpu.memory_space<vmem>>, vector<1x128x256xf32>
    %get3A_63 = vector.shape_cast %get3A_62 : vector<1x128x256xf32> to vector<128x256xf32>
    %dot_general3A_64 = arith.constant dense<0.000000e+00> : vector<512x256xf32>
    %dot_general3A_65 = tpu.matmul %sub3A, %get3A_63, %dot_general3A_64 {dimension_numbers = #tpu.dot_dimension_numbers<[1], [0], [0], [1], [0, 0, 1, 1], [], []>, transpose_lhs_hint = false} : vector<512x128xf32>, vector<128x256xf32>, vector<512x256xf32> -> vector<512x256xf32>
    %add3A_66 = arith.addf %add3A_58, %dot_general3A_65 : vector<512x256xf32>
    %get3A_67 = arith.constant 3 : index
    %get3A_68 = arith.constant 0 : index
    %get3A_69 = arith.constant 0 : index
    %get3A_70 = vector.load %arg9[%get3A_67, %get3A_68, %get3A_69] : memref<4x128x256xf32, #tpu.memory_space<vmem>>, vector<1x128x256xf32>
    %get3A_71 = vector.shape_cast %get3A_70 : vector<1x128x256xf32> to vector<128x256xf32>
    %dot_general3A_72 = arith.constant dense<0.000000e+00> : vector<512x256xf32>
    %dot_general3A_73 = tpu.matmul %sub3A_36, %get3A_71, %dot_general3A_72 {dimension_numbers = #tpu.dot_dimension_numbers<[1], [0], [0], [1], [0, 0, 1, 1], [], []>, transpose_lhs_hint = false} : vector<512x128xf32>, vector<128x256xf32>, vector<512x256xf32> -> vector<512x256xf32>
    %add3A_74 = arith.addf %add3A_66, %dot_general3A_73 : vector<512x256xf32>
    %max3A = arith.constant 0.000000e+00 : f32
    %max3A_75 = vector.broadcast %max3A : f32 to vector<512x256xf32>
    %max3A_76 = arith.maximumf %add3A_74, %max3A_75 : vector<512x256xf32>
    %slice3A = vector.extract_strided_slice %max3A_76 {offsets = [0, 0], sizes = [512, 128], strides = [1, 1]} : vector<512x256xf32> to vector<512x128xf32>
    %swap3A = arith.constant 0 : index
    %swap3A_77 = arith.constant 0 : index
    %swap3A_78 = vector.load %arg11[%swap3A, %swap3A_77] : memref<512x128xf32, #tpu.memory_space<vmem>>, vector<512x128xf32>
    tpu.vector_store %arg11[%swap3A, %swap3A_77], %slice3A {strides = array<i32>} : memref<512x128xf32, #tpu.memory_space<vmem>>, vector<512x128xf32>,
    %slice3A_79 = vector.extract_strided_slice %max3A_76 {offsets = [0, 128], sizes = [512, 128], strides = [1, 1]} : vector<512x256xf32> to vector<512x128xf32>
    %swap3A_80 = arith.constant 0 : index
    %swap3A_81 = arith.constant 0 : index
    %swap3A_82 = vector.load %arg12[%swap3A_80, %swap3A_81] : memref<512x128xf32, #tpu.memory_space<vmem>>, vector<512x128xf32>
    tpu.vector_store %arg12[%swap3A_80, %swap3A_81], %slice3A_79 {strides = array<i32>} : memref<512x128xf32, #tpu.memory_space<vmem>>, vector<512x128xf32>,
    %neg3A = arith.constant 0.000000e+00 : f32
    %neg3A_83 = vector.broadcast %neg3A : f32 to vector<512x1xf32>
    %neg3A_84 = arith.subf %neg3A_83, %get3A_1 : vector<512x1xf32>
    %slice3A_85 = vector.extract_strided_slice %max3A_76 {offsets = [0, 0], sizes = [512, 128], strides = [1, 1]} : vector<512x256xf32> to vector<512x128xf32>
    %mul3A_86 = vector.broadcast %neg3A_84 : vector<512x1xf32> to vector<512x128xf32>
    %mul3A_87 = arith.mulf %mul3A_86, %slice3A_85 : vector<512x128xf32>
    %swap3A_88 = arith.constant 0 : index
    %swap3A_89 = arith.constant 0 : index
    %swap3A_90 = vector.load %arg13[%swap3A_88, %swap3A_89] : memref<512x128xf32, #tpu.memory_space<vmem>>, vector<512x128xf32>
    tpu.vector_store %arg13[%swap3A_88, %swap3A_89], %mul3A_87 {strides = array<i32>} : memref<512x128xf32, #tpu.memory_space<vmem>>, vector<512x128xf32>,
    %neg3A_91 = arith.constant 0.000000e+00 : f32
    %neg3A_92 = vector.broadcast %neg3A_91 : f32 to vector<512x1xf32>
    %neg3A_93 = arith.subf %neg3A_92, %get3A_1 : vector<512x1xf32>
    %slice3A_94 = vector.extract_strided_slice %max3A_76 {offsets = [0, 128], sizes = [512, 128], strides = [1, 1]} : vector<512x256xf32> to vector<512x128xf32>
    %mul3A_95 = vector.broadcast %neg3A_93 : vector<512x1xf32> to vector<512x128xf32>
    %mul3A_96 = arith.mulf %mul3A_95, %slice3A_94 : vector<512x128xf32>
    %swap3A_97 = arith.constant 0 : index
    %swap3A_98 = arith.constant 0 : index
    %swap3A_99 = vector.load %arg14[%swap3A_97, %swap3A_98] : memref<512x128xf32, #tpu.memory_space<vmem>>, vector<512x128xf32>
    tpu.vector_store %arg14[%swap3A_97, %swap3A_98], %mul3A_96 {strides = array<i32>} : memref<512x128xf32, #tpu.memory_space<vmem>>, vector<512x128xf32>,
    return
  }
  func.func @transform_0(%arg0: i32) -> (i32, i32) {
    %c0_i32 = arith.constant 0 : i32
    %c0_i32_0 = arith.constant 0 : i32
    return %arg0, %c0_i32 : i32, i32
  }
  func.func @transform_1(%arg0: i32) -> (i32, i32) {
    %c0_i32 = arith.constant 0 : i32
    %c0_i32_0 = arith.constant 0 : i32
    return %arg0, %c0_i32 : i32, i32
  }
  func.func @transform_2(%arg0: i32) -> (i32, i32) {
    %add3A = arith.constant 20 : i32
    %add3A_0 = arith.addi %arg0, %add3A : i32
    %c0_i32 = arith.constant 0 : i32
    %c0_i32_1 = arith.constant 0 : i32
    return %add3A_0, %c0_i32 : i32, i32
  }
  func.func @transform_3(%arg0: i32) -> (i32, i32) {
    %c0_i32 = arith.constant 0 : i32
    %c0_i32_0 = arith.constant 0 : i32
    return %arg0, %c0_i32 : i32, i32
  }
  func.func @transform_4(%arg0: i32) -> (i32, i32) {
    %add3A = arith.constant 20 : i32
    %add3A_0 = arith.addi %arg0, %add3A : i32
    %c0_i32 = arith.constant 0 : i32
    %c0_i32_1 = arith.constant 0 : i32
    return %add3A_0, %c0_i32 : i32, i32
  }
  func.func @transform_5(%arg0: i32) -> (i32, i32) {
    %c0_i32 = arith.constant 0 : i32
    %c0_i32_0 = arith.constant 0 : i32
    return %arg0, %c0_i32 : i32, i32
  }
  func.func @transform_6(%arg0: i32) -> (i32, i32) {
    %add3A = arith.constant 20 : i32
    %add3A_0 = arith.addi %arg0, %add3A : i32
    %c0_i32 = arith.constant 0 : i32
    %c0_i32_1 = arith.constant 0 : i32
    return %add3A_0, %c0_i32 : i32, i32
  }
  func.func @transform_7(%arg0: i32) -> (i32, i32) {
    %c0_i32 = arith.constant 0 : i32
    %c0_i32_0 = arith.constant 0 : i32
    return %arg0, %c0_i32 : i32, i32
  }
  func.func @transform_8(%arg0: i32) -> (i32, i32, i32) {
    %c0_i32 = arith.constant 0 : i32
    %c0_i32_0 = arith.constant 0 : i32
    %c0_i32_1 = arith.constant 0 : i32
    %c0_i32_2 = arith.constant 0 : i32
    return %c0_i32, %c0_i32_0, %c0_i32_1 : i32, i32, i32
  }
  func.func @transform_9(%arg0: i32) -> (i32, i32) {
    %c0_i32 = arith.constant 0 : i32
    %c0_i32_0 = arith.constant 0 : i32
    %c0_i32_1 = arith.constant 0 : i32
    return %c0_i32, %c0_i32_0 : i32, i32
  }
  func.func @transform_10(%arg0: i32) -> (i32, i32) {
    %c0_i32 = arith.constant 0 : i32
    %c0_i32_0 = arith.constant 0 : i32
    return %arg0, %c0_i32 : i32, i32
  }
  func.func @transform_11(%arg0: i32) -> (i32, i32) {
    %c0_i32 = arith.constant 0 : i32
    %c0_i32_0 = arith.constant 0 : i32
    return %arg0, %c0_i32 : i32, i32
  }
  func.func @transform_12(%arg0: i32) -> (i32, i32) {
    %c0_i32 = arith.constant 0 : i32
    %c0_i32_0 = arith.constant 0 : i32
    return %arg0, %c0_i32 : i32, i32
  }
  func.func @transform_13(%arg0: i32) -> (i32, i32) {
    %c0_i32 = arith.constant 0 : i32
    %c0_i32_0 = arith.constant 0 : i32
    return %arg0, %c0_i32 : i32, i32
  }
}

module attributes {stable_mosaic.version = 14 : i64} {
  func.func @_premul_stk_body(%arg0: i32, %arg1: memref<512x128xf32, #tpu.memory_space<vmem>>, %arg2: memref<512x1xf32, #tpu.memory_space<vmem>>, %arg3: memref<512x128xf32, #tpu.memory_space<vmem>>) attributes {dimension_semantics = [#tpu.dimension_semantics<arbitrary>], iteration_bounds = array<i64: 40>, scalar_prefetch = 0 : i64, scratch_operands = 0 : i64, tpu.core_type = #tpu.core_type<tc>, window_params = [{transform_indices = @transform_0, window_bounds = array<i64: 512, 128>}, {transform_indices = @transform_1, window_bounds = array<i64: 512, 1>}, {transform_indices = @transform_2, window_bounds = array<i64: 512, 128>}]} {
    %get3A = arith.constant 0 : index
    %get3A_0 = arith.constant 0 : index
    %get3A_1 = vector.load %arg2[%get3A, %get3A_0] : memref<512x1xf32, #tpu.memory_space<vmem>>, vector<512x1xf32>
    %mul3A = arith.mulf %get3A_1, %get3A_1 : vector<512x1xf32>
    %neg3A = arith.constant 0.000000e+00 : f32
    %neg3A_2 = vector.broadcast %neg3A : f32 to vector<512x1xf32>
    %neg3A_3 = arith.subf %neg3A_2, %mul3A : vector<512x1xf32>
    %get3A_4 = arith.constant 0 : index
    %get3A_5 = arith.constant 0 : index
    %get3A_6 = vector.load %arg1[%get3A_4, %get3A_5] : memref<512x128xf32, #tpu.memory_space<vmem>>, vector<512x128xf32>
    %mul3A_7 = vector.broadcast %neg3A_3 : vector<512x1xf32> to vector<512x128xf32>
    %mul3A_8 = arith.mulf %mul3A_7, %get3A_6 : vector<512x128xf32>
    %swap3A = arith.constant 0 : index
    %swap3A_9 = arith.constant 0 : index
    %swap3A_10 = vector.load %arg3[%swap3A, %swap3A_9] : memref<512x128xf32, #tpu.memory_space<vmem>>, vector<512x128xf32>
    tpu.vector_store %arg3[%swap3A, %swap3A_9], %mul3A_8 {strides = array<i32>} : memref<512x128xf32, #tpu.memory_space<vmem>>, vector<512x128xf32>,
    return
  }
  func.func @transform_0(%arg0: i32) -> (i32, i32) {
    %c0_i32 = arith.constant 0 : i32
    %c0_i32_0 = arith.constant 0 : i32
    return %arg0, %c0_i32 : i32, i32
  }
  func.func @transform_1(%arg0: i32) -> (i32, i32) {
    %jit3A = arith.constant 20 : i32
    %eq3A = arith.constant 0 : i32
    %eq3A_0 = arith.cmpi eq, %jit3A, %eq3A : i32
    %jit3A_1 = arith.constant 1 : i32
    %select_n3A = arith.select %eq3A_0, %jit3A_1, %jit3A : i32
    %rem3A = arith.remsi %arg0, %select_n3A : i32
    %ne3A = arith.constant 0 : i32
    %ne3A_2 = arith.cmpi ne, %rem3A, %ne3A : i32
    %lt3A = arith.constant 0 : i32
    %lt3A_3 = arith.cmpi slt, %rem3A, %lt3A : i32
    %lt3A_4 = arith.constant 0 : i32
    %lt3A_5 = arith.cmpi slt, %select_n3A, %lt3A_4 : i32
    %ne3A_6 = arith.xori %lt3A_3, %lt3A_5 : i1
    %and3A = arith.andi %ne3A_6, %ne3A_2 : i1
    %add3A = arith.addi %rem3A, %select_n3A : i32
    %select_n3A_7 = arith.select %and3A, %add3A, %rem3A : i32
    %c0_i32 = arith.constant 0 : i32
    %c0_i32_8 = arith.constant 0 : i32
    return %select_n3A_7, %c0_i32 : i32, i32
  }
  func.func @transform_2(%arg0: i32) -> (i32, i32) {
    %c0_i32 = arith.constant 0 : i32
    %c0_i32_0 = arith.constant 0 : i32
    return %arg0, %c0_i32 : i32, i32
  }
}

module attributes {stable_mosaic.version = 14 : i64} {
  func.func @_q_stk_body(%arg0: i32, %arg1: memref<512x128xf32, #tpu.memory_space<vmem>>, %arg2: memref<512x128xf32, #tpu.memory_space<vmem>>, %arg3: memref<512x1xf32, #tpu.memory_space<vmem>>, %arg4: memref<512x128xf32, #tpu.memory_space<vmem>>) attributes {dimension_semantics = [#tpu.dimension_semantics<arbitrary>], iteration_bounds = array<i64: 40>, scalar_prefetch = 0 : i64, scratch_operands = 0 : i64, tpu.core_type = #tpu.core_type<tc>, window_params = [{transform_indices = @transform_0, window_bounds = array<i64: 512, 128>}, {transform_indices = @transform_1, window_bounds = array<i64: 512, 128>}, {transform_indices = @transform_2, window_bounds = array<i64: 512, 1>}, {transform_indices = @transform_3, window_bounds = array<i64: 512, 128>}]} {
    %get3A = arith.constant 0 : index
    %get3A_0 = arith.constant 0 : index
    %get3A_1 = vector.load %arg3[%get3A, %get3A_0] : memref<512x1xf32, #tpu.memory_space<vmem>>, vector<512x1xf32>
    %neg3A = arith.constant 0.000000e+00 : f32
    %neg3A_2 = vector.broadcast %neg3A : f32 to vector<512x1xf32>
    %neg3A_3 = arith.subf %neg3A_2, %get3A_1 : vector<512x1xf32>
    %mul3A = arith.constant 2.000000e+00 : f32
    %mul3A_4 = vector.broadcast %mul3A : f32 to vector<512x1xf32>
    %mul3A_5 = arith.mulf %mul3A_4, %get3A_1 : vector<512x1xf32>
    %get3A_6 = arith.constant 0 : index
    %get3A_7 = arith.constant 0 : index
    %get3A_8 = vector.load %arg1[%get3A_6, %get3A_7] : memref<512x128xf32, #tpu.memory_space<vmem>>, vector<512x128xf32>
    %mul3A_9 = vector.broadcast %mul3A_5 : vector<512x1xf32> to vector<512x128xf32>
    %mul3A_10 = arith.mulf %mul3A_9, %get3A_8 : vector<512x128xf32>
    %get3A_11 = arith.constant 0 : index
    %get3A_12 = arith.constant 0 : index
    %get3A_13 = vector.load %arg2[%get3A_11, %get3A_12] : memref<512x128xf32, #tpu.memory_space<vmem>>, vector<512x128xf32>
    %sub3A = arith.subf %mul3A_10, %get3A_13 : vector<512x128xf32>
    %mul3A_14 = vector.broadcast %neg3A_3 : vector<512x1xf32> to vector<512x128xf32>
    %mul3A_15 = arith.mulf %mul3A_14, %sub3A : vector<512x128xf32>
    %swap3A = arith.constant 0 : index
    %swap3A_16 = arith.constant 0 : index
    %swap3A_17 = vector.load %arg4[%swap3A, %swap3A_16] : memref<512x128xf32, #tpu.memory_space<vmem>>, vector<512x128xf32>
    tpu.vector_store %arg4[%swap3A, %swap3A_16], %mul3A_15 {strides = array<i32>} : memref<512x128xf32, #tpu.memory_space<vmem>>, vector<512x128xf32>,
    return
  }
  func.func @transform_0(%arg0: i32) -> (i32, i32) {
    %c0_i32 = arith.constant 0 : i32
    %c0_i32_0 = arith.constant 0 : i32
    return %arg0, %c0_i32 : i32, i32
  }
  func.func @transform_1(%arg0: i32) -> (i32, i32) {
    %c0_i32 = arith.constant 0 : i32
    %c0_i32_0 = arith.constant 0 : i32
    return %arg0, %c0_i32 : i32, i32
  }
  func.func @transform_2(%arg0: i32) -> (i32, i32) {
    %jit3A = arith.constant 20 : i32
    %eq3A = arith.constant 0 : i32
    %eq3A_0 = arith.cmpi eq, %jit3A, %eq3A : i32
    %jit3A_1 = arith.constant 1 : i32
    %select_n3A = arith.select %eq3A_0, %jit3A_1, %jit3A : i32
    %rem3A = arith.remsi %arg0, %select_n3A : i32
    %ne3A = arith.constant 0 : i32
    %ne3A_2 = arith.cmpi ne, %rem3A, %ne3A : i32
    %lt3A = arith.constant 0 : i32
    %lt3A_3 = arith.cmpi slt, %rem3A, %lt3A : i32
    %lt3A_4 = arith.constant 0 : i32
    %lt3A_5 = arith.cmpi slt, %select_n3A, %lt3A_4 : i32
    %ne3A_6 = arith.xori %lt3A_3, %lt3A_5 : i1
    %and3A = arith.andi %ne3A_6, %ne3A_2 : i1
    %add3A = arith.addi %rem3A, %select_n3A : i32
    %select_n3A_7 = arith.select %and3A, %add3A, %rem3A : i32
    %c0_i32 = arith.constant 0 : i32
    %c0_i32_8 = arith.constant 0 : i32
    return %select_n3A_7, %c0_i32 : i32, i32
  }
  func.func @transform_3(%arg0: i32) -> (i32, i32) {
    %c0_i32 = arith.constant 0 : i32
    %c0_i32_0 = arith.constant 0 : i32
    return %arg0, %c0_i32 : i32, i32
  }
}

module attributes {stable_mosaic.version = 14 : i64} {
  func.func @_m2_body(%arg0: i32, %arg1: memref<512x128xf32, #tpu.memory_space<vmem>>, %arg2: memref<512x128xf32, #tpu.memory_space<vmem>>, %arg3: memref<512x128xf32, #tpu.memory_space<vmem>>, %arg4: memref<512x128xf32, #tpu.memory_space<vmem>>, %arg5: memref<512x128xf32, #tpu.memory_space<vmem>>, %arg6: memref<512x128xf32, #tpu.memory_space<vmem>>, %arg7: memref<512x128xf32, #tpu.memory_space<vmem>>, %arg8: memref<512x128xf32, #tpu.memory_space<vmem>>, %arg9: memref<512x1xf32, #tpu.memory_space<vmem>>, %arg10: memref<4x256x256xf32, #tpu.memory_space<vmem>>, %arg11: memref<1x256xf32, #tpu.memory_space<vmem>>, %arg12: memref<1x256xf32, #tpu.memory_space<vmem>>) attributes {dimension_semantics = [#tpu.dimension_semantics<arbitrary>], iteration_bounds = array<i64: 20>, scalar_prefetch = 0 : i64, scratch_operands = 0 : i64, tpu.core_type = #tpu.core_type<tc>, window_params = [{transform_indices = @transform_0, window_bounds = array<i64: 512, 128>}, {transform_indices = @transform_1, window_bounds = array<i64: 512, 128>}, {transform_indices = @transform_2, window_bounds = array<i64: 512, 128>}, {transform_indices = @transform_3, window_bounds = array<i64: 512, 128>}, {transform_indices = @transform_4, window_bounds = array<i64: 512, 128>}, {transform_indices = @transform_5, window_bounds = array<i64: 512, 128>}, {transform_indices = @transform_6, window_bounds = array<i64: 512, 128>}, {transform_indices = @transform_7, window_bounds = array<i64: 512, 128>}, {transform_indices = @transform_8, window_bounds = array<i64: 512, 1>}, {pipeline_mode = #tpu.pipeline_mode<synchronous>, transform_indices = @transform_9, window_bounds = array<i64: 4, 256, 256>}, {pipeline_mode = #tpu.pipeline_mode<synchronous>, transform_indices = @transform_10, window_bounds = array<i64: 1, 256>}, {pipeline_mode = #tpu.pipeline_mode<synchronous>, transform_indices = @transform_11, window_bounds = array<i64: 1, 256>}]} {
    %get3A = arith.constant 0 : index
    %get3A_0 = arith.constant 0 : index
    %get3A_1 = vector.load %arg9[%get3A, %get3A_0] : memref<512x1xf32, #tpu.memory_space<vmem>>, vector<512x1xf32>
    %get3A_2 = arith.constant 0 : index
    %get3A_3 = arith.constant 0 : index
    %get3A_4 = vector.load %arg11[%get3A_2, %get3A_3] : memref<1x256xf32, #tpu.memory_space<vmem>>, vector<1x256xf32>
    %broadcast_in_dim3A = arith.constant 1.000000e+00 : f32
    %broadcast_in_dim3A_5 = vector.broadcast %broadcast_in_dim3A : f32 to vector<512x1xf32>
    %mul3A = vector.broadcast %get3A_4 : vector<1x256xf32> to vector<512x256xf32>
    %mul3A_6 = vector.broadcast %broadcast_in_dim3A_5 : vector<512x1xf32> to vector<512x256xf32>
    %mul3A_7 = arith.mulf %mul3A, %mul3A_6 : vector<512x256xf32>
    %get3A_8 = arith.constant 0 : index
    %get3A_9 = arith.constant 0 : index
    %get3A_10 = vector.load %arg1[%get3A_8, %get3A_9] : memref<512x128xf32, #tpu.memory_space<vmem>>, vector<512x128xf32>
    %get3A_11 = arith.constant 0 : index
    %get3A_12 = arith.constant 0 : index
    %get3A_13 = vector.load %arg3[%get3A_11, %get3A_12] : memref<512x128xf32, #tpu.memory_space<vmem>>, vector<512x128xf32>
    %mul3A_14 = vector.broadcast %get3A_1 : vector<512x1xf32> to vector<512x128xf32>
    %mul3A_15 = arith.mulf %mul3A_14, %get3A_13 : vector<512x128xf32>
    %mul3A_16 = arith.constant 2.000000e+00 : f32
    %mul3A_17 = vector.broadcast %mul3A_16 : f32 to vector<512x1xf32>
    %mul3A_18 = arith.mulf %mul3A_17, %get3A_1 : vector<512x1xf32>
    %get3A_19 = arith.constant 0 : index
    %get3A_20 = arith.constant 0 : index
    %get3A_21 = vector.load %arg5[%get3A_19, %get3A_20] : memref<512x128xf32, #tpu.memory_space<vmem>>, vector<512x128xf32>
    %mul3A_22 = vector.broadcast %mul3A_18 : vector<512x1xf32> to vector<512x128xf32>
    %mul3A_23 = arith.mulf %mul3A_22, %get3A_21 : vector<512x128xf32>
    %sub3A = arith.subf %mul3A_23, %get3A_10 : vector<512x128xf32>
    %mul3A_24 = arith.constant 2.000000e+00 : f32
    %mul3A_25 = vector.broadcast %mul3A_24 : f32 to vector<512x1xf32>
    %mul3A_26 = arith.mulf %mul3A_25, %get3A_1 : vector<512x1xf32>
    %get3A_27 = arith.constant 0 : index
    %get3A_28 = arith.constant 0 : index
    %get3A_29 = vector.load %arg7[%get3A_27, %get3A_28] : memref<512x128xf32, #tpu.memory_space<vmem>>, vector<512x128xf32>
    %mul3A_30 = vector.broadcast %mul3A_26 : vector<512x1xf32> to vector<512x128xf32>
    %mul3A_31 = arith.mulf %mul3A_30, %get3A_29 : vector<512x128xf32>
    %sub3A_32 = arith.subf %mul3A_31, %mul3A_15 : vector<512x128xf32>
    %get3A_33 = arith.constant 0 : index
    %get3A_34 = arith.constant 0 : index
    %get3A_35 = arith.constant 0 : index
    %get3A_36 = vector.load %arg10[%get3A_33, %get3A_34, %get3A_35] : memref<4x256x256xf32, #tpu.memory_space<vmem>>, vector<1x128x256xf32>
    %get3A_37 = vector.shape_cast %get3A_36 : vector<1x128x256xf32> to vector<128x256xf32>
    %get3A_38 = arith.constant 1 : index
    %get3A_39 = arith.constant 0 : index
    %get3A_40 = arith.constant 0 : index
    %get3A_41 = vector.load %arg10[%get3A_38, %get3A_39, %get3A_40] : memref<4x256x256xf32, #tpu.memory_space<vmem>>, vector<1x128x256xf32>
    %get3A_42 = vector.shape_cast %get3A_41 : vector<1x128x256xf32> to vector<128x256xf32>
    %get3A_43 = arith.constant 2 : index
    %get3A_44 = arith.constant 0 : index
    %get3A_45 = arith.constant 0 : index
    %get3A_46 = vector.load %arg10[%get3A_43, %get3A_44, %get3A_45] : memref<4x256x256xf32, #tpu.memory_space<vmem>>, vector<1x128x256xf32>
    %get3A_47 = vector.shape_cast %get3A_46 : vector<1x128x256xf32> to vector<128x256xf32>
    %get3A_48 = arith.constant 3 : index
    %get3A_49 = arith.constant 0 : index
    %get3A_50 = arith.constant 0 : index
    %get3A_51 = vector.load %arg10[%get3A_48, %get3A_49, %get3A_50] : memref<4x256x256xf32, #tpu.memory_space<vmem>>, vector<1x128x256xf32>
    %get3A_52 = vector.shape_cast %get3A_51 : vector<1x128x256xf32> to vector<128x256xf32>
    %dot_general3A = arith.constant dense<0.000000e+00> : vector<512x256xf32>
    %dot_general3A_53 = tpu.matmul %get3A_10, %get3A_37, %dot_general3A {dimension_numbers = #tpu.dot_dimension_numbers<[1], [0], [0], [1], [0, 0, 1, 1], [], []>, transpose_lhs_hint = false} : vector<512x128xf32>, vector<128x256xf32>, vector<512x256xf32> -> vector<512x256xf32>
    %add3A = arith.addf %mul3A_7, %dot_general3A_53 : vector<512x256xf32>
    %dot_general3A_54 = arith.constant dense<0.000000e+00> : vector<512x256xf32>
    %dot_general3A_55 = tpu.matmul %mul3A_15, %get3A_42, %dot_general3A_54 {dimension_numbers = #tpu.dot_dimension_numbers<[1], [0], [0], [1], [0, 0, 1, 1], [], []>, transpose_lhs_hint = false} : vector<512x128xf32>, vector<128x256xf32>, vector<512x256xf32> -> vector<512x256xf32>
    %add3A_56 = arith.addf %add3A, %dot_general3A_55 : vector<512x256xf32>
    %dot_general3A_57 = arith.constant dense<0.000000e+00> : vector<512x256xf32>
    %dot_general3A_58 = tpu.matmul %sub3A, %get3A_47, %dot_general3A_57 {dimension_numbers = #tpu.dot_dimension_numbers<[1], [0], [0], [1], [0, 0, 1, 1], [], []>, transpose_lhs_hint = false} : vector<512x128xf32>, vector<128x256xf32>, vector<512x256xf32> -> vector<512x256xf32>
    %add3A_59 = arith.addf %add3A_56, %dot_general3A_58 : vector<512x256xf32>
    %dot_general3A_60 = arith.constant dense<0.000000e+00> : vector<512x256xf32>
    %dot_general3A_61 = tpu.matmul %sub3A_32, %get3A_52, %dot_general3A_60 {dimension_numbers = #tpu.dot_dimension_numbers<[1], [0], [0], [1], [0, 0, 1, 1], [], []>, transpose_lhs_hint = false} : vector<512x128xf32>, vector<128x256xf32>, vector<512x256xf32> -> vector<512x256xf32>
    %add3A_62 = arith.addf %add3A_59, %dot_general3A_61 : vector<512x256xf32>
    %get3A_63 = arith.constant 0 : index
    %get3A_64 = arith.constant 0 : index
    %get3A_65 = vector.load %arg2[%get3A_63, %get3A_64] : memref<512x128xf32, #tpu.memory_space<vmem>>, vector<512x128xf32>
    %get3A_66 = arith.constant 0 : index
    %get3A_67 = arith.constant 0 : index
    %get3A_68 = vector.load %arg4[%get3A_66, %get3A_67] : memref<512x128xf32, #tpu.memory_space<vmem>>, vector<512x128xf32>
    %mul3A_69 = vector.broadcast %get3A_1 : vector<512x1xf32> to vector<512x128xf32>
    %mul3A_70 = arith.mulf %mul3A_69, %get3A_68 : vector<512x128xf32>
    %mul3A_71 = arith.constant 2.000000e+00 : f32
    %mul3A_72 = vector.broadcast %mul3A_71 : f32 to vector<512x1xf32>
    %mul3A_73 = arith.mulf %mul3A_72, %get3A_1 : vector<512x1xf32>
    %get3A_74 = arith.constant 0 : index
    %get3A_75 = arith.constant 0 : index
    %get3A_76 = vector.load %arg6[%get3A_74, %get3A_75] : memref<512x128xf32, #tpu.memory_space<vmem>>, vector<512x128xf32>
    %mul3A_77 = vector.broadcast %mul3A_73 : vector<512x1xf32> to vector<512x128xf32>
    %mul3A_78 = arith.mulf %mul3A_77, %get3A_76 : vector<512x128xf32>
    %sub3A_79 = arith.subf %mul3A_78, %get3A_65 : vector<512x128xf32>
    %mul3A_80 = arith.constant 2.000000e+00 : f32
    %mul3A_81 = vector.broadcast %mul3A_80 : f32 to vector<512x1xf32>
    %mul3A_82 = arith.mulf %mul3A_81, %get3A_1 : vector<512x1xf32>
    %get3A_83 = arith.constant 0 : index
    %get3A_84 = arith.constant 0 : index
    %get3A_85 = vector.load %arg8[%get3A_83, %get3A_84] : memref<512x128xf32, #tpu.memory_space<vmem>>, vector<512x128xf32>
    %mul3A_86 = vector.broadcast %mul3A_82 : vector<512x1xf32> to vector<512x128xf32>
    %mul3A_87 = arith.mulf %mul3A_86, %get3A_85 : vector<512x128xf32>
    %sub3A_88 = arith.subf %mul3A_87, %mul3A_70 : vector<512x128xf32>
    %get3A_89 = arith.constant 0 : index
    %get3A_90 = arith.constant 128 : index
    %get3A_91 = arith.constant 0 : index
    %get3A_92 = vector.load %arg10[%get3A_89, %get3A_90, %get3A_91] : memref<4x256x256xf32, #tpu.memory_space<vmem>>, vector<1x128x256xf32>
    %get3A_93 = vector.shape_cast %get3A_92 : vector<1x128x256xf32> to vector<128x256xf32>
    %get3A_94 = arith.constant 1 : index
    %get3A_95 = arith.constant 128 : index
    %get3A_96 = arith.constant 0 : index
    %get3A_97 = vector.load %arg10[%get3A_94, %get3A_95, %get3A_96] : memref<4x256x256xf32, #tpu.memory_space<vmem>>, vector<1x128x256xf32>
    %get3A_98 = vector.shape_cast %get3A_97 : vector<1x128x256xf32> to vector<128x256xf32>
    %get3A_99 = arith.constant 2 : index
    %get3A_100 = arith.constant 128 : index
    %get3A_101 = arith.constant 0 : index
    %get3A_102 = vector.load %arg10[%get3A_99, %get3A_100, %get3A_101] : memref<4x256x256xf32, #tpu.memory_space<vmem>>, vector<1x128x256xf32>
    %get3A_103 = vector.shape_cast %get3A_102 : vector<1x128x256xf32> to vector<128x256xf32>
    %get3A_104 = arith.constant 3 : index
    %get3A_105 = arith.constant 128 : index
    %get3A_106 = arith.constant 0 : index
    %get3A_107 = vector.load %arg10[%get3A_104, %get3A_105, %get3A_106] : memref<4x256x256xf32, #tpu.memory_space<vmem>>, vector<1x128x256xf32>
    %get3A_108 = vector.shape_cast %get3A_107 : vector<1x128x256xf32> to vector<128x256xf32>
    %dot_general3A_109 = arith.constant dense<0.000000e+00> : vector<512x256xf32>
    %dot_general3A_110 = tpu.matmul %get3A_65, %get3A_93, %dot_general3A_109 {dimension_numbers = #tpu.dot_dimension_numbers<[1], [0], [0], [1], [0, 0, 1, 1], [], []>, transpose_lhs_hint = false} : vector<512x128xf32>, vector<128x256xf32>, vector<512x256xf32> -> vector<512x256xf32>
    %add3A_111 = arith.addf %add3A_62, %dot_general3A_110 : vector<512x256xf32>
    %dot_general3A_112 = arith.constant dense<0.000000e+00> : vector<512x256xf32>
    %dot_general3A_113 = tpu.matmul %mul3A_70, %get3A_98, %dot_general3A_112 {dimension_numbers = #tpu.dot_dimension_numbers<[1], [0], [0], [1], [0, 0, 1, 1], [], []>, transpose_lhs_hint = false} : vector<512x128xf32>, vector<128x256xf32>, vector<512x256xf32> -> vector<512x256xf32>
    %add3A_114 = arith.addf %add3A_111, %dot_general3A_113 : vector<512x256xf32>
    %dot_general3A_115 = arith.constant dense<0.000000e+00> : vector<512x256xf32>
    %dot_general3A_116 = tpu.matmul %sub3A_79, %get3A_103, %dot_general3A_115 {dimension_numbers = #tpu.dot_dimension_numbers<[1], [0], [0], [1], [0, 0, 1, 1], [], []>, transpose_lhs_hint = false} : vector<512x128xf32>, vector<128x256xf32>, vector<512x256xf32> -> vector<512x256xf32>
    %add3A_117 = arith.addf %add3A_114, %dot_general3A_116 : vector<512x256xf32>
    %dot_general3A_118 = arith.constant dense<0.000000e+00> : vector<512x256xf32>
    %dot_general3A_119 = tpu.matmul %sub3A_88, %get3A_108, %dot_general3A_118 {dimension_numbers = #tpu.dot_dimension_numbers<[1], [0], [0], [1], [0, 0, 1, 1], [], []>, transpose_lhs_hint = false} : vector<512x128xf32>, vector<128x256xf32>, vector<512x256xf32> -> vector<512x256xf32>
    %add3A_120 = arith.addf %add3A_117, %dot_general3A_119 : vector<512x256xf32>
    %max3A = arith.constant 0.000000e+00 : f32
    %max3A_121 = vector.broadcast %max3A : f32 to vector<512x256xf32>
    %max3A_122 = arith.maximumf %add3A_120, %max3A_121 : vector<512x256xf32>
    %mul3A_123 = arith.constant 512 : i32
    %mul3A_124 = arith.muli %arg0, %mul3A_123 : i32
    %iota3A = tpu.iota {dimensions = array<i32: 0>} : vector<512x1xi32>
    %add3A_125 = vector.broadcast %mul3A_124 : i32 to vector<512x1xi32>
    %add3A_126 = arith.addi %add3A_125, %iota3A : vector<512x1xi32>
    %lt3A = arith.constant 10000 : i32
    %lt3A_127 = vector.broadcast %lt3A : i32 to vector<512x1xi32>
    %lt3A_128 = arith.cmpi slt, %add3A_126, %lt3A_127 : vector<512x1xi32>
    %jit3A = arith.constant 0.000000e+00 : f32
    %broadcast_in_dim3A_129 = vector.shape_cast %lt3A_128 : vector<512x1xi1> to vector<512x1xi1>
    %broadcast_in_dim3A_130 = vector.broadcast %broadcast_in_dim3A_129 : vector<512x1xi1> to vector<512x256xi1>
    %broadcast_in_dim3A_131 = vector.broadcast %jit3A : f32 to vector<512x256xf32>
    %select_n3A = arith.select %broadcast_in_dim3A_130, %max3A_122, %broadcast_in_dim3A_131 : vector<512x256xi1>, vector<512x256xf32>
    %reduce_sum3A = arith.constant dense<0.000000e+00> : vector<256xf32>
    %reduce_sum3A_132 = vector.multi_reduction <add>, %select_n3A, %reduce_sum3A [0] : vector<512x256xf32> to vector<256xf32>
    %broadcast_in_dim3A_133 = vector.shape_cast %reduce_sum3A_132 : vector<256xf32> to vector<1x256xf32>
    %eq3A = arith.constant 0 : i32
    %eq3A_134 = arith.cmpi eq, %arg0, %eq3A : i32
    %convert_element_type3A = arith.extui %eq3A_134 : i1 to i32
    %cond3A = arith.constant 0 : i32
    %cond3A_135 = arith.cmpi ne, %convert_element_type3A, %cond3A : i32
    scf.if %cond3A_135 {
      %swap3A = arith.constant 0 : index
      %swap3A_140 = arith.constant 0 : index
      %swap3A_141 = vector.load %arg12[%swap3A, %swap3A_140] : memref<1x256xf32, #tpu.memory_space<vmem>>, vector<1x256xf32>
      tpu.vector_store %arg12[%swap3A, %swap3A_140], %broadcast_in_dim3A_133 {strides = array<i32>} : memref<1x256xf32, #tpu.memory_space<vmem>>, vector<1x256xf32>,
    } else {
    }
    %gt3A = arith.constant 0 : i32
    %gt3A_136 = arith.cmpi sgt, %arg0, %gt3A : i32
    %convert_element_type3A_137 = arith.extui %gt3A_136 : i1 to i32
    %cond3A_138 = arith.constant 0 : i32
    %cond3A_139 = arith.cmpi ne, %convert_element_type3A_137, %cond3A_138 : i32
    scf.if %cond3A_139 {
      %get3A_140 = arith.constant 0 : index
      %get3A_141 = arith.constant 0 : index
      %get3A_142 = vector.load %arg12[%get3A_140, %get3A_141] : memref<1x256xf32, #tpu.memory_space<vmem>>, vector<1x256xf32>
      %add3A_143 = arith.addf %get3A_142, %broadcast_in_dim3A_133 : vector<1x256xf32>
      %swap3A = arith.constant 0 : index
      %swap3A_144 = arith.constant 0 : index
      %swap3A_145 = vector.load %arg12[%swap3A, %swap3A_144] : memref<1x256xf32, #tpu.memory_space<vmem>>, vector<1x256xf32>
      tpu.vector_store %arg12[%swap3A, %swap3A_144], %add3A_143 {strides = array<i32>} : memref<1x256xf32, #tpu.memory_space<vmem>>, vector<1x256xf32>,
    } else {
    }
    return
  }
  func.func @transform_0(%arg0: i32) -> (i32, i32) {
    %c0_i32 = arith.constant 0 : i32
    %c0_i32_0 = arith.constant 0 : i32
    return %arg0, %c0_i32 : i32, i32
  }
  func.func @transform_1(%arg0: i32) -> (i32, i32) {
    %c0_i32 = arith.constant 0 : i32
    %c0_i32_0 = arith.constant 0 : i32
    return %arg0, %c0_i32 : i32, i32
  }
  func.func @transform_2(%arg0: i32) -> (i32, i32) {
    %c0_i32 = arith.constant 0 : i32
    %c0_i32_0 = arith.constant 0 : i32
    return %arg0, %c0_i32 : i32, i32
  }
  func.func @transform_3(%arg0: i32) -> (i32, i32) {
    %add3A = arith.constant 20 : i32
    %add3A_0 = arith.addi %arg0, %add3A : i32
    %c0_i32 = arith.constant 0 : i32
    %c0_i32_1 = arith.constant 0 : i32
    return %add3A_0, %c0_i32 : i32, i32
  }
  func.func @transform_4(%arg0: i32) -> (i32, i32) {
    %c0_i32 = arith.constant 0 : i32
    %c0_i32_0 = arith.constant 0 : i32
    return %arg0, %c0_i32 : i32, i32
  }
  func.func @transform_5(%arg0: i32) -> (i32, i32) {
    %add3A = arith.constant 20 : i32
    %add3A_0 = arith.addi %arg0, %add3A : i32
    %c0_i32 = arith.constant 0 : i32
    %c0_i32_1 = arith.constant 0 : i32
    return %add3A_0, %c0_i32 : i32, i32
  }
  func.func @transform_6(%arg0: i32) -> (i32, i32) {
    %c0_i32 = arith.constant 0 : i32
    %c0_i32_0 = arith.constant 0 : i32
    return %arg0, %c0_i32 : i32, i32
  }
  func.func @transform_7(%arg0: i32) -> (i32, i32) {
    %add3A = arith.constant 20 : i32
    %add3A_0 = arith.addi %arg0, %add3A : i32
    %c0_i32 = arith.constant 0 : i32
    %c0_i32_1 = arith.constant 0 : i32
    return %add3A_0, %c0_i32 : i32, i32
  }
  func.func @transform_8(%arg0: i32) -> (i32, i32) {
    %c0_i32 = arith.constant 0 : i32
    %c0_i32_0 = arith.constant 0 : i32
    return %arg0, %c0_i32 : i32, i32
  }
  func.func @transform_9(%arg0: i32) -> (i32, i32, i32) {
    %c0_i32 = arith.constant 0 : i32
    %c0_i32_0 = arith.constant 0 : i32
    %c0_i32_1 = arith.constant 0 : i32
    %c0_i32_2 = arith.constant 0 : i32
    return %c0_i32, %c0_i32_0, %c0_i32_1 : i32, i32, i32
  }
  func.func @transform_10(%arg0: i32) -> (i32, i32) {
    %c0_i32 = arith.constant 0 : i32
    %c0_i32_0 = arith.constant 0 : i32
    %c0_i32_1 = arith.constant 0 : i32
    return %c0_i32, %c0_i32_0 : i32, i32
  }
  func.func @transform_11(%arg0: i32) -> (i32, i32) {
    %c0_i32 = arith.constant 0 : i32
    %c0_i32_0 = arith.constant 0 : i32
    %c0_i32_1 = arith.constant 0 : i32
    return %c0_i32, %c0_i32_0 : i32, i32
  }
}

module attributes {stable_mosaic.version = 14 : i64} {
  func.func @_head_body(%arg0: memref<1x256xf32, #tpu.memory_space<vmem>>, %arg1: memref<256x64xf32, #tpu.memory_space<vmem>>, %arg2: memref<1x64xf32, #tpu.memory_space<vmem>>, %arg3: memref<1x64xf32, #tpu.memory_space<vmem>>) attributes {dimension_semantics = [], scalar_prefetch = 0 : i64, scratch_operands = 0 : i64, tpu.core_type = #tpu.core_type<tc>} {
    %get3A = arith.constant 0 : index
    %get3A_0 = arith.constant 0 : index
    %get3A_1 = vector.load %arg0[%get3A, %get3A_0] : memref<1x256xf32, #tpu.memory_space<vmem>>, vector<1x256xf32>
    %get3A_2 = arith.constant 0 : index
    %get3A_3 = arith.constant 0 : index
    %get3A_4 = vector.load %arg1[%get3A_2, %get3A_3] : memref<256x64xf32, #tpu.memory_space<vmem>>, vector<256x64xf32>
    %dot_general3A = arith.constant dense<0.000000e+00> : vector<1x64xf32>
    %dot_general3A_5 = tpu.matmul %get3A_1, %get3A_4, %dot_general3A {dimension_numbers = #tpu.dot_dimension_numbers<[1], [0], [0], [1], [0, 0, 1, 1], [], []>, transpose_lhs_hint = false} : vector<1x256xf32>, vector<256x64xf32>, vector<1x64xf32> -> vector<1x64xf32>
    %get3A_6 = arith.constant 0 : index
    %get3A_7 = arith.constant 0 : index
    %get3A_8 = vector.load %arg2[%get3A_6, %get3A_7] : memref<1x64xf32, #tpu.memory_space<vmem>>, vector<1x64xf32>
    %add3A = arith.addf %dot_general3A_5, %get3A_8 : vector<1x64xf32>
    %swap3A = arith.constant 0 : index
    %swap3A_9 = arith.constant 0 : index
    %swap3A_10 = vector.load %arg3[%swap3A, %swap3A_9] : memref<1x64xf32, #tpu.memory_space<vmem>>, vector<1x64xf32>
    tpu.vector_store %arg3[%swap3A, %swap3A_9], %add3A {strides = array<i32>} : memref<1x64xf32, #tpu.memory_space<vmem>>, vector<1x64xf32>,
    return
  }
}

</mosaic_0001>

<sc_bundles>
// kernel: kernel.18.cloned.1.call-start
scs
__scs_entry_jumppad:
0x0: {  	(pc) =	sbr.rel $0x88, $3  }
0x1: {  	(tag) =	ssettag $0x0;
	lr =	simm.s32 $0x1  }
0x2: {  	[smem:$0x3F99] =	sst lr;
	_ =	strace $0xD0000000  }
0x3: {  	_ = 	snop  }
0x4: {  	_ = 	snop  }
0x5: {  	_ = 	snop  }
0x6: {  	_ = 	snop  }
0x7: {  	_ = 	snop  }
__scs_overlays_trampoline_lowered:
0x8: {  	[smem:$0x3FA8] =	sst s0  }
0x9: {  	[smem:$0x3FA9] =	sst s1  }
0xa: {  	[smem:$0x3FAA] =	sst s2  }
0xb: {  	[smem:$0x3FAB] =	sst s3  }
0xc: {  	[smem:$0x3FAC] =	sst s4  }
0xd: {  	[smem:$0x3FAD] =	sst s5  }
0xe: {  	[smem:$0x3FAE] =	sst s6  }
0xf: {  	[smem:$0x3FAF] =	sst s7  }
0x10: {  	[smem:$0x3FB0] =	sst s8  }
0x11: {  	[smem:$0x3FB1] =	sst s9;
	s0 =	simm.s32 @!p0 $0x0  }
0x12: {  	s1 =	sld [smem:$0x3F97];
	s0 =	simm.s32 @p0 $0x1  }
0x13: {  	[smem:$0x3FB2] =	sst s0;
	s0 =	simm.s32 @!p1 $0x0  }
0x14: {  	s2 =	sld [smem:$0x3F96];
	s0 =	simm.s32 @p1 $0x1  }
0x15: {  	[smem:$0x3FB3] =	sst s0;
	s0 =	simm.s32 @!p2 $0x0  }
0x16: {  	s3 =	sld [smem:$0x3FDB];
	s0 =	simm.s32 @p2 $0x1  }
0x17: {  	s4 =	simm.s32 $0x1BF5;
	[smem:$0x3FB5] =	sst s0  }
0x18: {  	s0 =	sld [smem:$0x3F98];
	_ =	swait.ge [sflag:s4], $0x0  }
0x19: {  	s7 =	sld [smem:$0x3F99]  }
0x1a: {  	s8 =	sadd.s32 $0xFFFFE003, lr  }
0x1b: {  	s9 =	sadd.s32 $0xFFFFFEF7, lr;
	s5 =	simm.s32 $0xFFFFFFFF;
	p2 =	slt.u32 s8, $0xFFFFF086  }
0x1c: {  	p1 =	slt.u32 s9, $0xF7A;
	s5 =	simm.s32 @!p2 $0x0  }
0x1d: {  	s5 =	simm.s32 @p1 $0x1;
	p0 =	seq.s32 s7, s2  }
0x1e: {  	s7 =	smul.u32 @!p0 $0xF7A, s2;
	p2 =	seq.s32 @!p0 s5, $0x0  }
0x1f: {  	s9 =	smul.u32 $0xF7A, s1;
	s8 =	simm.s32 @!p0 $0x1BF5;
	p2 =	por !p2, p0  }
0x20: {  	[sflag:s8] =	ssyncset.s32 @!p0 $0xFFFFF086;
	s6 =	sadd.s32 @!p0 s3, s7;
	s7 =	simm.s32 @!p0 $0x108  }
0x21: {  	s3 =	sadd.s32 s3, s9;
	s6 =	sadd.s32 @!p0 $0x88, s6;
	s7 =	simm.s32 @p2 $0x1082  }
0x22: {  	[simem:s7], [sflag:s8] =	dma.local @!p0 [hbm:s6], $0xF7A  }
0x23: {  	s9 =	sor.u32 $0xD0000000, s2;
	s6 =	simm.s32 $0x108;
	_ =	swait.ge @!p0 [sflag:s8], $0x0  }
0x24: {  	s3 =	sadd.s32 $0x88, s3;
	s6 =	simm.s32 @!p1 $0x1082;
	[sflag:s4] =	ssyncset.s32 $0xFFFFF086  }
0x25: {  	[simem:s6], [sflag:s4] =	dma.local [hbm:s3], $0xF7A  }
0x26: {  	[smem:$0x3F99] =	sst s1;
	(tag) =	ssettag s2;
	_ =	strace s9  }
0x27: {  	s1 =	sld [smem:$0x3FA9]  }
0x28: {  	s2 =	sld [smem:$0x3FAA]  }
0x29: {  	s4 =	sld [smem:$0x3FAC]  }
0x2a: {  	p0 =	seq.s32 s5, $0x0;
	s5 =	sld [smem:$0x3FAD]  }
0x2b: {  	s6 =	sld [smem:$0x3FAE]  }
0x2c: {  	s7 =	sld [smem:$0x3FAF]  }
0x2d: {  	s3 =	simm.s32 $0x108;
	s8 =	sld [smem:$0x3FB0]  }
0x2e: {  	s3 =	simm.s32 @!p0 $0x1082;
	s9 =	sld [smem:$0x3FB1]  }
0x2f: {  	lr =	sadd.s32 s0, s3;
	s0 =	sld [smem:$0x3FA8]  }
0x30: {  	s3 =	sld [smem:$0x3FAB]  }
0x31: {  	[smem:$0x3FB4] =	sst s10  }
0x32: {  	s10 =	sld [smem:$0x3FB2];
	_ =	sdelay $0x3  }
0x33: {  	p0 =	seq.s32 s10, $0x1;
	s10 =	sld [smem:$0x3FB4];
	_ =	sdelay $0x3  }
0x34: {  	[smem:$0x3FB4] =	sst s10  }
0x35: {  	s10 =	sld [smem:$0x3FB3];
	_ =	sdelay $0x3  }
0x36: {  	p1 =	seq.s32 s10, $0x1;
	s10 =	sld [smem:$0x3FB4];
	_ =	sdelay $0x3  }
0x37: {  	[smem:$0x3FB4] =	sst s10  }
0x38: {  	s10 =	sld [smem:$0x3FB5]  }
0x39: {  	_ = 	snop;
	(pc) =	sbr.ind lr, $3  }
0x3a: {  	_ = 	snop  }
0x3b: {  	_ = 	snop  }
0x3c: {  	p2 =	seq.s32 s10, $0x1;
	s10 =	sld [smem:$0x3FB4]  }
0x3d: {  	_ =	shalt  }
0x3e: {  	_ =	shalt  }
0x3f: {  	_ =	shalt  }
0x40: {  	_ =	shalt  }
0x41: {  	_ =	shalt  }
0x42: {  	_ =	shalt  }
0x43: {  	_ =	shalt  }
0x44: {  	_ =	shalt  }
0x45: {  	_ =	shalt  }
0x46: {  	_ =	shalt  }
0x47: {  	_ =	shalt  }
0x48: {  	_ =	shalt  }
0x49: {  	_ =	shalt  }
0x4a: {  	_ =	shalt  }
0x4b: {  	_ =	shalt  }
0x4c: {  	_ =	shalt  }
0x4d: {  	_ =	shalt  }
0x4e: {  	_ =	shalt  }
0x4f: {  	_ =	shalt  }
0x50: {  	_ =	shalt  }
0x51: {  	_ =	shalt  }
0x52: {  	_ =	shalt  }
0x53: {  	_ =	shalt  }
0x54: {  	_ =	shalt  }
0x55: {  	_ =	shalt  }
0x56: {  	_ =	shalt  }
0x57: {  	_ =	shalt  }
0x58: {  	_ =	shalt  }
0x59: {  	_ =	shalt  }
0x5a: {  	_ =	shalt  }
0x5b: {  	_ =	shalt  }
0x5c: {  	_ =	shalt  }
0x5d: {  	_ =	shalt  }
0x5e: {  	_ =	shalt  }
0x5f: {  	_ =	shalt  }
0x60: {  	_ =	shalt  }
0x61: {  	_ =	shalt  }
0x62: {  	_ =	shalt  }
0x63: {  	_ =	shalt  }
0x64: {  	_ =	shalt  }
0x65: {  	_ =	shalt  }
0x66: {  	_ =	shalt  }
0x67: {  	_ =	shalt  }
0x68: {  	_ =	shalt  }
0x69: {  	_ =	shalt  }
0x6a: {  	_ =	shalt  }
0x6b: {  	_ =	shalt  }
0x6c: {  	_ =	shalt  }
0x6d: {  	_ =	shalt  }
0x6e: {  	_ =	shalt  }
0x6f: {  	_ =	shalt  }
0x70: {  	_ =	shalt  }
0x71: {  	_ =	shalt  }
0x72: {  	_ =	shalt  }
0x73: {  	_ =	shalt  }
0x74: {  	_ =	shalt  }
0x75: {  	_ =	shalt  }
0x76: {  	_ =	shalt  }
0x77: {  	_ =	shalt  }
0x78: {  	_ =	shalt  }
0x79: {  	_ =	shalt  }
0x7a: {  	_ =	shalt  }
0x7b: {  	_ =	shalt  }
0x7c: {  	_ =	shalt  }
0x7d: {  	_ =	shalt  }
0x7e: {  	_ =	shalt  }
0x7f: {  	_ =	shalt  }
0x80: {  	_ =	shalt  }
0x81: {  	_ =	shalt  }
0x82: {  	_ =	shalt  }
0x83: {  	_ =	shalt  }
0x84: {  	_ =	shalt  }
0x85: {  	_ =	shalt  }
0x86: {  	_ =	shalt  }
0x87: {  	_ =	shalt  }
.Lfunc_end0:
.L_simem_size_0:
called_computation_lowered:
.L_overlay_start_0:
0x88: {  	s2 =	sld [smem:$0x3FD9]  }
0x89: {  	s3 =	sld [smem:$0x3FFE];
	_ =	sdelay $0x1  }
0x8a: {  	s1 =	srdreg.scid  }
0x8b: {  	s0 =	sand.u32 $0x1, s1  }
0x8c: {  	s16 =	sshll.u32 s0, $0xA;
	s2 =	sadd.s32 s3, s2  }
0x8d: {  	s2 =	sadd.s32 s2, s16  }
0x8e: {  	[smem:$0x3FC0] =	sst s2  }
0x8f: {  	_ = 	snop  }
0x90: {  	(tm) =	ssettm $0x1  }
0x91: {  	s17 =	sld [smem:$0x3FFB];
	_ =	sdelay $0x3  }
0x92: {  	_ =	strace s17  }
0x93: {  	s2 =	sld [smem:$0x3FFC];
	_ =	sdelay $0x3  }
0x94: {  	_ =	strace s2  }
0x95: {  	s2 =	sld [smem:$0x3FFD];
	_ =	sdelay $0x3  }
0x96: {  	_ =	strace s2  }
0x97: {  	_ =	strace $0x8FFFFFFF  }
0x98: {  	s18 =	sld [smem:$0x3FDB];
	_ =	sdelay $0x1  }
0x99: {  	s19 =	simm.s32 $_scs_section_size  }
0x9a: {  	s4 =	simm.s32 $_size__tile_overlayer_lowered;
	s5 =	simm.s32 $_tile_overlayer_lowered  }
0x9b: {  	s22 =	simm.s32 $0x1BFF;
	s21 =	sshll.u32 s5, $0x1;
	s2 =	sadd.s32 s19, s18  }
0x9c: {  	s6 =	simm.s32 $0x0;
	s20 =	sshll.u32 s4, $0x1;
	s4 =	sadd.s32 s21, s2  }
0x9d: {  	[timem:s6], [sflag:s22] =	dma.local [hbm:s4], s20  }
0x9e: {  	_ =	swait.ge [sflag:s22], s20  }
0x9f: {  	s3 =	ssub.s32 $0x0, s20;
	[sflag:s22] =	ssyncset.done $0x0  }
0xa0: {  	[sflag:s22] =	ssyncadd.s32 s3;
	_ =	sdelay $0x1  }
0xa1: {  	s23 =	simm.s32 $0x1B8B  }
0xa2: {  	_ =	swait.ge [sflag:s23], $0x1  }
0xa3: {  	[sflag:s23] =	ssyncset.done $0x0  }
0xa4: {  	s25 =	simm.s32 $0x1B8E;
	s24 =	sld [smem:$0x3FFE];
	[sflag:s23] =	ssyncadd.s32 $0xFFFFFFFF  }
0xa5: {  	s26 =	simm.s32 $execute0_lowered;
	[smem:$0x3FD2] =	sst s25  }
0xa6: {  	s4 =	sshll.u32 s26, $0x1;
	_ =	strace $0x80000046;
	[dreg:$0x1] =	wrdreg $0xFFFFFFFF  }
0xa7: {  	s28 =	simm.s32 $_size_execute0_lowered;
	s2 =	sadd.s32 s2, s4;
	[dreg:$0x0] =	wrdreg $0x0  }
0xa8: {  	s4 =	sshll.u32 s28, $0x1;
	[dreg:$0x2] =	wrdreg s2  }
0xa9: {  	[dreg:$0x3] =	wrdreg s4  }
0xaa: {  	[dreg:$0x4] =	wrdreg $0xC0  }
0xab: {  	_ =	task [dreg:s6], $0x5FFFF  }
0xac: {  	[dreg:$0x1] =	wrdreg $0xFFFFFFFF  }
0xad: {  	[dreg:$0x0] =	wrdreg $0x60  }
0xae: {  	[dreg:$0x2] =	wrdreg s24  }
0xaf: {  	[dreg:$0x3] =	wrdreg $0x3800  }
0xb0: {  	[dreg:$0x4] =	wrdreg $0x9  }
0xb1: {  	_ =	task.clear_ibuf [dreg:s6], $0x5FFFF;
	_ =	strace $0x90000046  }
0xb2: {  	s29 =	simm.s32 $0x9;
	_ =	strace $0x80000048  }
0xb3: {  	_ =	swait.ge [sflag:s29], $0x1  }
0xb4: {  	[sflag:s29] =	ssyncadd.s32 $0xFFFFFFFF  }
0xb5: {  	_ =	strace $0x90000048  }
0xb6: {  	_ =	sfence  }
0xb7: {  	s30 =	sld [smem:$0x0];
	_ =	sdelay $0x2  }
0xb8: {  	s31 =	sshll.u32 s1, $0xD;
	s1 =	sshrl.u32 s1, $0x2  }
0xb9: {  	s3 =	sand.u32 $0x4000, s31;
	s1 =	sadd.s32 s1, s30  }
0xba: {  	s0 =	sor.u32 s3, s0;
	s1 =	sshll.u32 s1, $0x11  }
0xbb: {  	s0 =	sor.u32 s1, s0  }
0xbc: {  	s0 =	sadd.s32 $0x8F2B, s0  }
0xbd: {  	[sflag:s0] =	ssyncadd.remote.s32 $0x1  }
0xbe: {  	_ =	sfence.sel $0xFFFF  }
0xbf: {  	[dreg:$0x0] =	wrdreg $0xFFFFFFFF;
	(pc) =	sbr.abs _section_cstart, $3  }
0xc0: {  	[dreg:$0x1] =	wrdreg $0xFFFFFFFF  }
0xc1: {  	_ =	task.clear_ibuf [dreg:s6], $0x2FFFF;
	_ =	strace $0x9FFFFFFF  }
0xc2: {  	(tm) =	ssettm $0x7FFFFFFF  }
0xc3: {  	_ =	shalt  }
tec
execute0_lowered:
.L_overlay_start_1:
0x0: {  	(tag) =	ssettag $0x1  }
0x1: {  	s4 =	rddreg [dreg:$0x0]  }
0x2: {  	s2 =	rddreg [dreg:$0x1]  }
0x3: {  	s0 =	rddreg [dreg:$0x2];
	s1 =	stileid.u32  }
0x4: {  	s6 =	srdreg.scid;
	s5 =	smul.u32 $0x9E0, s1  }
0x5: {  	s3 =	simm.s32 $0x0;
	s6 =	sand.u32 $0x1, s6;
	s7 =	smul.u32 $0x280, s1  }
0x6: {  	s12 =	simm.s32 $0x0;
	[smem:$0x7FF] =	sst s3;
	s8 =	smul.u32 $0x2800, s6  }
0x7: {  	_ =	strace $0x80000047;
	s29 =	ssub.s32 $0x2, s6;
	s11 =	smul.u32 $0x4F0, s6  }
0x8: {  	s9 =	sadd.s32 s5, s4;
	s10 =	sshrl.u32 s29, $0x1;
	s28 =	sadd.s32 s7, s8  }
0x9: {  	s30 =	ssub.s32 s29, s10;
	s31 =	sadd.s32 s11, s9;
	s8 =	simm.s32 $0x1  }
0xa: {  	s9 =	simm.s32 $0x300;
	s10 =	simm.s32 $0x80;
	s5 =	sshrl.u32 s28, $0x3  }
0xb: {  	s11 =	simm.s32 $0x280;
	s6 =	smax.u32 s30, $0x1;
	s5 =	sadd.s32 s5, s4  }
0xc: {  	v0 =	vimm.f32 $0.0e+00;
	v1 =	vimm.f32 $1.000000000e+00;
	s4 =	sadd.s32 s7, s2;
	s7 =	sadd.s32 $0x4A00, s31;
	s5 =	sadd.s32 $0xE800, s5  }
.LBB2_1:
0xd: {  	[tilespmem:$0x0] =	vst v0  }
0xe: {  	[tilespmem:$0x10] =	vst v0  }
0xf: {  	[tilespmem:$0x20] =	vst v0  }
0x10: {  	[tilespmem:$0x30] =	vst v0  }
0x11: {  	[tilespmem:$0x40] =	vst v0  }
0x12: {  	[tilespmem:$0x50] =	vst v0  }
0x13: {  	[tilespmem:$0x60] =	vst v0  }
0x14: {  	[tilespmem:$0x70] =	vst v0  }
0x15: {  	[tilespmem:$0x80] =	vst v0  }
0x16: {  	[tilespmem:$0x90] =	vst v0  }
0x17: {  	[tilespmem:$0xA0] =	vst v0  }
0x18: {  	[tilespmem:$0xB0] =	vst v0  }
0x19: {  	[tilespmem:$0xC0] =	vst v0  }
0x1a: {  	[tilespmem:$0xD0] =	vst v0  }
0x1b: {  	[tilespmem:$0xE0] =	vst v0  }
0x1c: {  	[tilespmem:$0xF0] =	vst v0  }
0x1d: {  	[tilespmem:$0x100] =	vst v0  }
0x1e: {  	[tilespmem:$0x110] =	vst v0  }
0x1f: {  	[tilespmem:$0x120] =	vst v0  }
0x20: {  	[tilespmem:$0x130] =	vst v0  }
0x21: {  	[tilespmem:$0x140] =	vst v0  }
0x22: {  	[tilespmem:$0x150] =	vst v0  }
0x23: {  	[tilespmem:$0x160] =	vst v0  }
0x24: {  	[tilespmem:$0x170] =	vst v0  }
0x25: {  	[tilespmem:$0x180] =	vst v0  }
0x26: {  	[tilespmem:$0x190] =	vst v0  }
0x27: {  	[tilespmem:$0x1A0] =	vst v0  }
0x28: {  	[tilespmem:$0x1B0] =	vst v0  }
0x29: {  	[tilespmem:$0x1C0] =	vst v0  }
0x2a: {  	[tilespmem:$0x1D0] =	vst v0  }
0x2b: {  	[tilespmem:$0x1E0] =	vst v0  }
0x2c: {  	[tilespmem:$0x1F0] =	vst v0  }
0x2d: {  	[tilespmem:$0x200] =	vst v0  }
0x2e: {  	[tilespmem:$0x210] =	vst v0  }
0x2f: {  	[tilespmem:$0x220] =	vst v0  }
0x30: {  	[tilespmem:$0x230] =	vst v0  }
0x31: {  	[tilespmem:$0x240] =	vst v0  }
0x32: {  	[tilespmem:$0x250] =	vst v0  }
0x33: {  	[tilespmem:$0x260] =	vst v0  }
0x34: {  	[tilespmem:$0x270] =	vst v0  }
0x35: {  	[tilespmem:$0x280] =	vst v1  }
0x36: {  	[tilespmem:$0x290] =	vst v1  }
0x37: {  	[tilespmem:$0x2A0] =	vst v1  }
0x38: {  	[tilespmem:$0x2B0] =	vst v1  }
0x39: {  	[tilespmem:$0x2C0] =	vst v1  }
0x3a: {  	[tilespmem:$0x2D0] =	vst v1  }
0x3b: {  	[tilespmem:$0x2E0] =	vst v1  }
0x3c: {  	[tilespmem:$0x2F0] =	vst v1  }
0x3d: {  	[spmem:s4] =	stream.linear.scatter [tilespmem:s3], [sflag:$0x1], $0x280, $0x38;
	[tilespmem:$0x600] =	vst v63  }
0x3e: {  	_ =	swait.ge [sflag:s8], $0x280  }
0x3f: {  	[sflag:s8] =	ssyncset.done $0x0  }
0x40: {  	[sflag:s8] =	ssyncadd.s32 $0xFFFFFD80  }
0x41: {  	s13 =	sadd.s32 $0x0, s7;
	[bflag:$0x0] =	sbarrier.arrive $0xFFFF  }
0x42: {  	[tilespmem:s9], [sflag:$0x1] =	stream.linear.gather [hbm4b:s13+s3], $0x80, $0x38;
	[tilespmem:$0x600] =	vst v63  }
0x43: {  	_ =	swait.ge [sflag:s8], $0x80  }
0x44: {  	[sflag:s8] =	ssyncset.done $0x0  }
0x45: {  	[sflag:s8] =	ssyncadd.s32 $0xFFFFFF80  }
0x46: {  	[spmem:s2] =	stream.indirect.scatter.add.f32 [tilespmem:s11], [sflag:$0x1], $0x1, s9, s10, $0xb8;
	[tilespmem:$0x600] =	vst v63  }
0x47: {  	_ =	swait.ge [sflag:s8], $0x80  }
0x48: {  	s14 =	simm.s32 $0x20;
	s13 =	simm.s32 $0x10;
	[sflag:s8] =	ssyncset.done $0x0  }
.LBB2_2:
0x49: {  	s15 =	sadd.s32 s13, s7  }
0x4a: {  	[sflag:s8] =	ssyncadd.s32 $0xFFFFFF80;
	s13 =	smov.u32 s14;
	s16 =	sadd.s32 $0x10, s14  }
0x4b: {  	[tilespmem:s9], [sflag:$0x1] =	stream.linear.gather [hbm4b:s15+s3], $0x80, $0x38;
	[tilespmem:$0x600] =	vst v63  }
0x4c: {  	p0 =	sne.s32 s14, $0x4E0;
	_ =	swait.ge [sflag:s8], $0x80  }
.Ltmp0:
0x4d: {  	[sflag:s8] =	ssyncset.done $0x0;
	(pc) =	sbr.rel @p0 .LBB2_2-.Ltmp0, $4  }
0x4e: {  	[sflag:s8] =	ssyncadd.s32 $0xFFFFFF80  }
0x4f: {  	[spmem:s2] =	stream.indirect.scatter.add.f32 [tilespmem:s11], [sflag:$0x1], $0x1, s9, s10, $0xb8;
	[tilespmem:$0x600] =	vst v63  }
0x50: {  	_ =	swait.ge [sflag:s8], $0x80  }
0x51: {  	s14 =	smov.u32 s16;
	[sflag:s8] =	ssyncset.done $0x0  }
0x52: {  	s13 =	sadd.s32 s13, s7;
	[sflag:s8] =	ssyncadd.s32 $0xFFFFFF80  }
0x53: {  	[tilespmem:s9], [sflag:$0x1] =	stream.linear.gather [hbm4b:s13+s3], $0x80, $0x38;
	[tilespmem:$0x600] =	vst v63  }
0x54: {  	_ =	swait.ge [sflag:s8], $0x80  }
0x55: {  	[sflag:s8] =	ssyncset.done $0x0  }
0x56: {  	[sflag:s8] =	ssyncadd.s32 $0xFFFFFF80  }
0x57: {  	[spmem:s2] =	stream.indirect.scatter.add.f32 [tilespmem:s11], [sflag:$0x1], $0x1, s9, s10, $0xb8;
	[tilespmem:$0x600] =	vst v63  }
0x58: {  	_ =	swait.ge [sflag:s8], $0x80  }
0x59: {  	[sflag:s8] =	ssyncset.done $0x0  }
0x5a: {  	[sflag:s8] =	ssyncadd.s32 $0xFFFFFF80  }
0x5b: {  	[bflag:$0x0] =	sbarrier.arrive $0xFFFF  }
0x5c: {  	[tilespmem:s3], [sflag:$0x1] =	stream.linear.gather [spmem:s4], $0x280, $0x38;
	[tilespmem:$0x600] =	vst v63  }
0x5d: {  	s12 =	sadd.s32 $0x1, s12;
	_ =	swait.ge [sflag:s8], $0x280  }
0x5e: {  	p0 =	sne.s32 s12, s6;
	[sflag:s8] =	ssyncset.done $0x0  }
.Ltmp1:
0x5f: {  	[sflag:s8] =	ssyncadd.s32 $0xFFFFFD80;
	(pc) =	sbr.rel @p0 .LBB2_1-.Ltmp1, $4  }
0x60: {  	[hbm4b:s5+s3] =	stream.linear.scatter [tilespmem:s3], [sflag:$0x1], $0x280, $0x38;
	[tilespmem:$0x600] =	vst v63  }
0x61: {  	_ =	swait.ge [sflag:s8], $0x280  }
0x62: {  	[sflag:s8] =	ssyncset.done $0x0  }
0x63: {  	[sflag:s8] =	ssyncadd.s32 $0xFFFFFD80  }
0x64: {  	_ =	sfence.sel $0x180000  }
0x65: {  	[bflag:$0x0] =	sbarrier.arrive $0xFFFF  }
0x66: {  	p0 =	sne.s32 s1, $0x0;
	_ =	strace $0x90000047  }
0x67: {  	s0 =	sadd.s32 @!p0 $0x100000, s0;
	[bflag:$0x2] =	sbarrier.arrive $0xFFFF  }
0x68: {  	[sflag:s0] =	ssyncadd.tile.s32 @!p0 $0x1;
	_ =	shalt  }
.Lfunc_end2:
_tile_overlayer_lowered:
.L_overlay_start_2:
0x69: {  	(tag) =	ssettag $0x2  }
0x6a: {  	s0 =	rddreg [dreg:$0x0];
	s2 =	stileid.u32  }
0x6b: {  	s1 =	rddreg [dreg:$0x1];
	p0 =	sne.s32 s2, $0x0  }
0x6c: {  	s3 =	rddreg [dreg:$0x2];
	[bflag:$0x3] =	sbarrier.arrive $0xFFFF;
	s2 =	simm.s32 @!p0 $0x1C01  }
0x6d: {  	[timem:s3], [sflag:s2] =	dma.local @!p0 [hbm:s0], s1  }
0x6e: {  	s0 =	simm.s32 @!p0 $0x1  }
0x6f: {  	_ =	swait.ge @!p0 [sflag:s0], s1  }
0x70: {  	s1 =	ssub.s32 @!p0 $0x0, s1;
	[sflag:s0] =	ssyncset.done @!p0 $0x0  }
0x71: {  	[sflag:s0] =	ssyncadd.s32 @!p0 s1  }
0x72: {  	[bflag:$0x3] =	sbarrier.arrive $0xFFFF  }
0x73: {  	_ =	shalt  }

// kernel: kernel.21.cloned.1.call-start
scs
__scs_entry_jumppad:
0x0: {  	(pc) =	sbr.rel $0x88, $3  }
0x1: {  	(tag) =	ssettag $0x0;
	lr =	simm.s32 $0x1  }
0x2: {  	[smem:$0x3F99] =	sst lr;
	_ =	strace $0xD0000000  }
0x3: {  	_ = 	snop  }
0x4: {  	_ = 	snop  }
0x5: {  	_ = 	snop  }
0x6: {  	_ = 	snop  }
0x7: {  	_ = 	snop  }
__scs_overlays_trampoline_lowered:
0x8: {  	[smem:$0x3FA8] =	sst s0  }
0x9: {  	[smem:$0x3FA9] =	sst s1  }
0xa: {  	[smem:$0x3FAA] =	sst s2  }
0xb: {  	[smem:$0x3FAB] =	sst s3  }
0xc: {  	[smem:$0x3FAC] =	sst s4  }
0xd: {  	[smem:$0x3FAD] =	sst s5  }
0xe: {  	[smem:$0x3FAE] =	sst s6  }
0xf: {  	[smem:$0x3FAF] =	sst s7  }
0x10: {  	[smem:$0x3FB0] =	sst s8  }
0x11: {  	[smem:$0x3FB1] =	sst s9;
	s0 =	simm.s32 @!p0 $0x0  }
0x12: {  	s1 =	sld [smem:$0x3F97];
	s0 =	simm.s32 @p0 $0x1  }
0x13: {  	[smem:$0x3FB2] =	sst s0;
	s0 =	simm.s32 @!p1 $0x0  }
0x14: {  	s2 =	sld [smem:$0x3F96];
	s0 =	simm.s32 @p1 $0x1  }
0x15: {  	[smem:$0x3FB3] =	sst s0;
	s0 =	simm.s32 @!p2 $0x0  }
0x16: {  	s3 =	sld [smem:$0x3FDB];
	s0 =	simm.s32 @p2 $0x1  }
0x17: {  	s4 =	simm.s32 $0x1BF5;
	[smem:$0x3FB5] =	sst s0  }
0x18: {  	s0 =	sld [smem:$0x3F98];
	_ =	swait.ge [sflag:s4], $0x0  }
0x19: {  	s7 =	sld [smem:$0x3F99]  }
0x1a: {  	s8 =	sadd.s32 $0xFFFFE003, lr  }
0x1b: {  	s9 =	sadd.s32 $0xFFFFFEF7, lr;
	s5 =	simm.s32 $0xFFFFFFFF;
	p2 =	slt.u32 s8, $0xFFFFF086  }
0x1c: {  	p1 =	slt.u32 s9, $0xF7A;
	s5 =	simm.s32 @!p2 $0x0  }
0x1d: {  	s5 =	simm.s32 @p1 $0x1;
	p0 =	seq.s32 s7, s2  }
0x1e: {  	s7 =	smul.u32 @!p0 $0xF7A, s2;
	p2 =	seq.s32 @!p0 s5, $0x0  }
0x1f: {  	s9 =	smul.u32 $0xF7A, s1;
	s8 =	simm.s32 @!p0 $0x1BF5;
	p2 =	por !p2, p0  }
0x20: {  	[sflag:s8] =	ssyncset.s32 @!p0 $0xFFFFF086;
	s6 =	sadd.s32 @!p0 s3, s7;
	s7 =	simm.s32 @!p0 $0x108  }
0x21: {  	s3 =	sadd.s32 s3, s9;
	s6 =	sadd.s32 @!p0 $0x88, s6;
	s7 =	simm.s32 @p2 $0x1082  }
0x22: {  	[simem:s7], [sflag:s8] =	dma.local @!p0 [hbm:s6], $0xF7A  }
0x23: {  	s9 =	sor.u32 $0xD0000000, s2;
	s6 =	simm.s32 $0x108;
	_ =	swait.ge @!p0 [sflag:s8], $0x0  }
0x24: {  	s3 =	sadd.s32 $0x88, s3;
	s6 =	simm.s32 @!p1 $0x1082;
	[sflag:s4] =	ssyncset.s32 $0xFFFFF086  }
0x25: {  	[simem:s6], [sflag:s4] =	dma.local [hbm:s3], $0xF7A  }
0x26: {  	[smem:$0x3F99] =	sst s1;
	(tag) =	ssettag s2;
	_ =	strace s9  }
0x27: {  	s1 =	sld [smem:$0x3FA9]  }
0x28: {  	s2 =	sld [smem:$0x3FAA]  }
0x29: {  	s4 =	sld [smem:$0x3FAC]  }
0x2a: {  	p0 =	seq.s32 s5, $0x0;
	s5 =	sld [smem:$0x3FAD]  }
0x2b: {  	s6 =	sld [smem:$0x3FAE]  }
0x2c: {  	s7 =	sld [smem:$0x3FAF]  }
0x2d: {  	s3 =	simm.s32 $0x108;
	s8 =	sld [smem:$0x3FB0]  }
0x2e: {  	s3 =	simm.s32 @!p0 $0x1082;
	s9 =	sld [smem:$0x3FB1]  }
0x2f: {  	lr =	sadd.s32 s0, s3;
	s0 =	sld [smem:$0x3FA8]  }
0x30: {  	s3 =	sld [smem:$0x3FAB]  }
0x31: {  	[smem:$0x3FB4] =	sst s10  }
0x32: {  	s10 =	sld [smem:$0x3FB2];
	_ =	sdelay $0x3  }
0x33: {  	p0 =	seq.s32 s10, $0x1;
	s10 =	sld [smem:$0x3FB4];
	_ =	sdelay $0x3  }
0x34: {  	[smem:$0x3FB4] =	sst s10  }
0x35: {  	s10 =	sld [smem:$0x3FB3];
	_ =	sdelay $0x3  }
0x36: {  	p1 =	seq.s32 s10, $0x1;
	s10 =	sld [smem:$0x3FB4];
	_ =	sdelay $0x3  }
0x37: {  	[smem:$0x3FB4] =	sst s10  }
0x38: {  	s10 =	sld [smem:$0x3FB5]  }
0x39: {  	_ = 	snop;
	(pc) =	sbr.ind lr, $3  }
0x3a: {  	_ = 	snop  }
0x3b: {  	_ = 	snop  }
0x3c: {  	p2 =	seq.s32 s10, $0x1;
	s10 =	sld [smem:$0x3FB4]  }
0x3d: {  	_ =	shalt  }
0x3e: {  	_ =	shalt  }
0x3f: {  	_ =	shalt  }
0x40: {  	_ =	shalt  }
0x41: {  	_ =	shalt  }
0x42: {  	_ =	shalt  }
0x43: {  	_ =	shalt  }
0x44: {  	_ =	shalt  }
0x45: {  	_ =	shalt  }
0x46: {  	_ =	shalt  }
0x47: {  	_ =	shalt  }
0x48: {  	_ =	shalt  }
0x49: {  	_ =	shalt  }
0x4a: {  	_ =	shalt  }
0x4b: {  	_ =	shalt  }
0x4c: {  	_ =	shalt  }
0x4d: {  	_ =	shalt  }
0x4e: {  	_ =	shalt  }
0x4f: {  	_ =	shalt  }
0x50: {  	_ =	shalt  }
0x51: {  	_ =	shalt  }
0x52: {  	_ =	shalt  }
0x53: {  	_ =	shalt  }
0x54: {  	_ =	shalt  }
0x55: {  	_ =	shalt  }
0x56: {  	_ =	shalt  }
0x57: {  	_ =	shalt  }
0x58: {  	_ =	shalt  }
0x59: {  	_ =	shalt  }
0x5a: {  	_ =	shalt  }
0x5b: {  	_ =	shalt  }
0x5c: {  	_ =	shalt  }
0x5d: {  	_ =	shalt  }
0x5e: {  	_ =	shalt  }
0x5f: {  	_ =	shalt  }
0x60: {  	_ =	shalt  }
0x61: {  	_ =	shalt  }
0x62: {  	_ =	shalt  }
0x63: {  	_ =	shalt  }
0x64: {  	_ =	shalt  }
0x65: {  	_ =	shalt  }
0x66: {  	_ =	shalt  }
0x67: {  	_ =	shalt  }
0x68: {  	_ =	shalt  }
0x69: {  	_ =	shalt  }
0x6a: {  	_ =	shalt  }
0x6b: {  	_ =	shalt  }
0x6c: {  	_ =	shalt  }
0x6d: {  	_ =	shalt  }
0x6e: {  	_ =	shalt  }
0x6f: {  	_ =	shalt  }
0x70: {  	_ =	shalt  }
0x71: {  	_ =	shalt  }
0x72: {  	_ =	shalt  }
0x73: {  	_ =	shalt  }
0x74: {  	_ =	shalt  }
0x75: {  	_ =	shalt  }
0x76: {  	_ =	shalt  }
0x77: {  	_ =	shalt  }
0x78: {  	_ =	shalt  }
0x79: {  	_ =	shalt  }
0x7a: {  	_ =	shalt  }
0x7b: {  	_ =	shalt  }
0x7c: {  	_ =	shalt  }
0x7d: {  	_ =	shalt  }
0x7e: {  	_ =	shalt  }
0x7f: {  	_ =	shalt  }
0x80: {  	_ =	shalt  }
0x81: {  	_ =	shalt  }
0x82: {  	_ =	shalt  }
0x83: {  	_ =	shalt  }
0x84: {  	_ =	shalt  }
0x85: {  	_ =	shalt  }
0x86: {  	_ =	shalt  }
0x87: {  	_ =	shalt  }
.Lfunc_end0:
.L_simem_size_0:
called_computation.1_lowered:
.L_overlay_start_0:
0x88: {  	s2 =	sld [smem:$0x3FD9]  }
0x89: {  	s3 =	sld [smem:$0x3FFE];
	_ =	sdelay $0x1  }
0x8a: {  	s1 =	srdreg.scid  }
0x8b: {  	s0 =	sand.u32 $0x1, s1  }
0x8c: {  	s16 =	sshll.u32 s0, $0xA;
	s2 =	sadd.s32 s3, s2  }
0x8d: {  	s2 =	sadd.s32 s2, s16  }
0x8e: {  	[smem:$0x3FC0] =	sst s2  }
0x8f: {  	_ = 	snop  }
0x90: {  	(tm) =	ssettm $0x1  }
0x91: {  	s17 =	sld [smem:$0x3FFB];
	_ =	sdelay $0x3  }
0x92: {  	_ =	strace s17  }
0x93: {  	s2 =	sld [smem:$0x3FFC];
	_ =	sdelay $0x3  }
0x94: {  	_ =	strace s2  }
0x95: {  	s2 =	sld [smem:$0x3FFD];
	_ =	sdelay $0x3  }
0x96: {  	_ =	strace s2  }
0x97: {  	_ =	strace $0x8FFFFFFF  }
0x98: {  	s18 =	sld [smem:$0x3FDB];
	_ =	sdelay $0x1  }
0x99: {  	s19 =	simm.s32 $_scs_section_size  }
0x9a: {  	s4 =	simm.s32 $_size__tile_overlayer_lowered;
	s5 =	simm.s32 $_tile_overlayer_lowered  }
0x9b: {  	s22 =	simm.s32 $0x1BFF;
	s21 =	sshll.u32 s5, $0x1;
	s2 =	sadd.s32 s19, s18  }
0x9c: {  	s6 =	simm.s32 $0x0;
	s20 =	sshll.u32 s4, $0x1;
	s4 =	sadd.s32 s21, s2  }
0x9d: {  	[timem:s6], [sflag:s22] =	dma.local [hbm:s4], s20  }
0x9e: {  	_ =	swait.ge [sflag:s22], s20  }
0x9f: {  	s3 =	ssub.s32 $0x0, s20;
	[sflag:s22] =	ssyncset.done $0x0  }
0xa0: {  	[sflag:s22] =	ssyncadd.s32 s3;
	_ =	sdelay $0x1  }
0xa1: {  	s23 =	simm.s32 $0x1B8B  }
0xa2: {  	_ =	swait.ge [sflag:s23], $0x1  }
0xa3: {  	[sflag:s23] =	ssyncset.done $0x0  }
0xa4: {  	s25 =	simm.s32 $0x1B8E;
	s24 =	sld [smem:$0x3FFE];
	[sflag:s23] =	ssyncadd.s32 $0xFFFFFFFF  }
0xa5: {  	s26 =	simm.s32 $execute0_lowered;
	[smem:$0x3FD2] =	sst s25  }
0xa6: {  	s4 =	sshll.u32 s26, $0x1;
	_ =	strace $0x80000049;
	[dreg:$0x1] =	wrdreg $0xFFFFFFFF  }
0xa7: {  	s28 =	simm.s32 $_size_execute0_lowered;
	s2 =	sadd.s32 s2, s4;
	[dreg:$0x0] =	wrdreg $0x0  }
0xa8: {  	s4 =	sshll.u32 s28, $0x1;
	[dreg:$0x2] =	wrdreg s2  }
0xa9: {  	[dreg:$0x3] =	wrdreg s4  }
0xaa: {  	[dreg:$0x4] =	wrdreg $0xC0  }
0xab: {  	_ =	task [dreg:s6], $0x5FFFF  }
0xac: {  	[dreg:$0x1] =	wrdreg $0xFFFFFFFF  }
0xad: {  	[dreg:$0x0] =	wrdreg $0x60  }
0xae: {  	[dreg:$0x2] =	wrdreg s24  }
0xaf: {  	[dreg:$0x3] =	wrdreg $0x41000  }
0xb0: {  	[dreg:$0x4] =	wrdreg $0x9  }
0xb1: {  	_ =	task.clear_ibuf [dreg:s6], $0x5FFFF;
	_ =	strace $0x90000049  }
0xb2: {  	s29 =	simm.s32 $0x9;
	_ =	strace $0x8000004B  }
0xb3: {  	_ =	swait.ge [sflag:s29], $0x1  }
0xb4: {  	[sflag:s29] =	ssyncadd.s32 $0xFFFFFFFF  }
0xb5: {  	_ =	strace $0x9000004B  }
0xb6: {  	_ =	sfence  }
0xb7: {  	s30 =	sld [smem:$0x0];
	_ =	sdelay $0x2  }
0xb8: {  	s31 =	sshll.u32 s1, $0xD;
	s1 =	sshrl.u32 s1, $0x2  }
0xb9: {  	s3 =	sand.u32 $0x4000, s31;
	s1 =	sadd.s32 s1, s30  }
0xba: {  	s0 =	sor.u32 s3, s0;
	s1 =	sshll.u32 s1, $0x11  }
0xbb: {  	s0 =	sor.u32 s1, s0  }
0xbc: {  	s0 =	sadd.s32 $0x8F2B, s0  }
0xbd: {  	[sflag:s0] =	ssyncadd.remote.s32 $0x1  }
0xbe: {  	_ =	sfence.sel $0xFFFF  }
0xbf: {  	[dreg:$0x0] =	wrdreg $0xFFFFFFFF;
	(pc) =	sbr.abs _section_cstart, $3  }
0xc0: {  	[dreg:$0x1] =	wrdreg $0xFFFFFFFF  }
0xc1: {  	_ =	task.clear_ibuf [dreg:s6], $0x2FFFF;
	_ =	strace $0x9FFFFFFF  }
0xc2: {  	(tm) =	ssettm $0x7FFFFFFF  }
0xc3: {  	_ =	shalt  }
tec
execute0_lowered:
.L_overlay_start_1:
0x0: {  	(tag) =	ssettag $0x1  }
0x1: {  	s5 =	rddreg [dreg:$0x0]  }
0x2: {  	s2 =	rddreg [dreg:$0x1]  }
0x3: {  	s0 =	rddreg [dreg:$0x2];
	s3 =	simm.s32 $0x0;
	s1 =	stileid.u32  }
0x4: {  	s4 =	srdreg.scid;
	s20 =	simm.s32 $0x4080;
	s6 =	smul.u32 $0x9E0, s1  }
0x5: {  	s21 =	simm.s32 $0x80;
	[smem:$0x7FF] =	sst s3;
	s10 =	smul.u32 $0x280, s1  }
0x6: {  	s12 =	sand.u32 $0x1, s4;
	s4 =	sadd.s32 $0x69000, s5;
	s8 =	smul.u32 $0x50000, s1  }
0x7: {  	s14 =	sadd.s32 $0x91000, s5;
	_ =	strace $0x8000004A;
	s19 =	smul.u32 $0x2800, s12  }
0x8: {  	s7 =	ssub.s32 $0x2, s12;
	s28 =	smul.u32 $0x4F0, s12;
	s15 =	sadd.s32 s6, s5  }
0x9: {  	s22 =	sshrl.u32 s7, $0x1;
	s23 =	sshrl.u32 s8, $0x2;
	s11 =	sadd.s32 $0x80, s10  }
0xa: {  	s13 =	sadd.s32 $0x100, s10;
	s17 =	sadd.s32 $0x180, s10;
	s18 =	sadd.s32 $0x200, s10  }
0xb: {  	s16 =	ssub.s32 s7, s22;
	s5 =	sadd.s32 s23, s2;
	s24 =	sshll.u32 s11, $0x7  }
0xc: {  	s25 =	sshll.u32 s13, $0x7;
	s26 =	sshll.u32 s17, $0x7;
	s9 =	sshll.u32 s18, $0x7  }
0xd: {  	s10 =	sadd.s32 s10, s19;
	s11 =	sadd.s32 s19, s11;
	s13 =	sadd.s32 s19, s13  }
0xe: {  	s17 =	sadd.s32 s19, s17;
	s18 =	sadd.s32 s19, s18;
	s31 =	sadd.s32 s28, s15  }
0xf: {  	s19 =	simm.s32 $0x4000;
	s22 =	simm.s32 $0x1;
	s23 =	simm.s32 $0x0  }
0x10: {  	s6 =	sadd.s32 s24, s2;
	s7 =	sadd.s32 s25, s2;
	s8 =	sadd.s32 s26, s2  }
0x11: {  	s9 =	sadd.s32 s9, s2;
	s10 =	sshll.u32 s10, $0x4;
	s11 =	sshll.u32 s11, $0x4  }
0x12: {  	s13 =	sshll.u32 s13, $0x4;
	s29 =	sshll.u32 s17, $0x4;
	s30 =	sshll.u32 s18, $0x4  }
0x13: {  	s15 =	smax.u32 s16, $0x1;
	s16 =	sadd.s32 $0x37200, s31;
	s17 =	sadd.s32 $0x4A00, s31  }
0x14: {  	s18 =	simm.s32 $0x2;
	s10 =	sadd.s32 s14, s10;
	s11 =	sadd.s32 s14, s11  }
0x15: {  	v0 =	vimm.f32 $0.0e+00;
	s12 =	sadd.s32 s14, s13;
	s13 =	sadd.s32 s14, s29;
	s14 =	sadd.s32 s14, s30  }
.LBB2_1:
0x16: {  	s24 =	simm.s32 $0x0;
	s25 =	simm.s32 $0x200  }
.LBB2_2:
0x17: {  	p0 =	sne.s32 s25, $0xFE00;
	[tilespmem:s24+$0x70] =	vst v0  }
0x18: {  	[tilespmem:s24+$0x0] =	vst v0  }
0x19: {  	[tilespmem:s24+$0x10] =	vst v0  }
.Ltmp0:
0x1a: {  	[tilespmem:s24+$0x20] =	vst v0;
	(pc) =	sbr.rel @p0 .LBB2_2-.Ltmp0, $4  }
0x1b: {  	[tilespmem:s24+$0x30] =	vst v0  }
0x1c: {  	[tilespmem:s24+$0x40] =	vst v0  }
0x1d: {  	[tilespmem:s24+$0x50] =	vst v0  }
0x1e: {  	[tilespmem:s24+$0x60] =	vst v0;
	s24 =	sshra.s32 s25, $0x2;
	s25 =	sadd.s32 $0x200, s25  }
0x1f: {  	[tilespmem:s24+$0x70] =	vst v0  }
0x20: {  	[tilespmem:s24+$0x0] =	vst v0  }
0x21: {  	[tilespmem:s24+$0x10] =	vst v0  }
0x22: {  	[tilespmem:s24+$0x20] =	vst v0  }
0x23: {  	[tilespmem:s24+$0x30] =	vst v0  }
0x24: {  	[tilespmem:s24+$0x40] =	vst v0  }
0x25: {  	[tilespmem:s24+$0x50] =	vst v0  }
0x26: {  	[tilespmem:s24+$0x60] =	vst v0;
	s29 =	simm.s32 $0x0  }
0x27: {  	[spmem:s5] =	stream.linear.scatter [tilespmem:s29], [sflag:$0x2], $0x4000, $0x38;
	[tilespmem:$0x18100] =	vst v63  }
0x28: {  	_ =	swait.ge [sflag:s18], $0x4000  }
0x29: {  	[sflag:s18] =	ssyncset.done $0x0  }
0x2a: {  	[sflag:s18] =	ssyncadd.s32 $0xFFFFC000  }
0x2b: {  	[spmem:s6] =	stream.linear.scatter [tilespmem:s29], [sflag:$0x2], $0x4000, $0x38;
	[tilespmem:$0x18100] =	vst v63  }
0x2c: {  	_ =	swait.ge [sflag:s18], $0x4000  }
0x2d: {  	[sflag:s18] =	ssyncset.done $0x0  }
0x2e: {  	[sflag:s18] =	ssyncadd.s32 $0xFFFFC000  }
0x2f: {  	[spmem:s7] =	stream.linear.scatter [tilespmem:s29], [sflag:$0x2], $0x4000, $0x38;
	[tilespmem:$0x18100] =	vst v63  }
0x30: {  	_ =	swait.ge [sflag:s18], $0x4000  }
0x31: {  	[sflag:s18] =	ssyncset.done $0x0  }
0x32: {  	[sflag:s18] =	ssyncadd.s32 $0xFFFFC000  }
0x33: {  	[spmem:s8] =	stream.linear.scatter [tilespmem:s29], [sflag:$0x2], $0x4000, $0x38;
	[tilespmem:$0x18100] =	vst v63  }
0x34: {  	_ =	swait.ge [sflag:s18], $0x4000  }
0x35: {  	[sflag:s18] =	ssyncset.done $0x0  }
0x36: {  	[sflag:s18] =	ssyncadd.s32 $0xFFFFC000  }
0x37: {  	[spmem:s9] =	stream.linear.scatter [tilespmem:s29], [sflag:$0x2], $0x4000, $0x38;
	[tilespmem:$0x18100] =	vst v63  }
0x38: {  	_ =	swait.ge [sflag:s18], $0x4000  }
0x39: {  	[sflag:s18] =	ssyncset.done $0x0  }
0x3a: {  	[sflag:s18] =	ssyncadd.s32 $0xFFFFC000  }
0x3b: {  	s30 =	sadd.s32 $0x0, s17;
	[bflag:$0x0] =	sbarrier.arrive $0xFFFF  }
0x3c: {  	[tilespmem:s19], [sflag:$0x2] =	stream.linear.gather [hbm4b:s30+s3], $0x80, $0x38;
	[tilespmem:$0x18100] =	vst v63  }
0x3d: {  	_ =	swait.ge [sflag:s18], $0x80  }
0x3e: {  	[sflag:s18] =	ssyncset.done $0x0  }
0x3f: {  	s31 =	sadd.s32 $0x0, s16;
	[sflag:s18] =	ssyncadd.s32 $0xFFFFFF80  }
0x40: {  	[tilespmem:s20], [sflag:$0x2] =	stream.linear.gather [hbm4b:s31+s3], $0x80, $0x38;
	[tilespmem:$0x18100] =	vst v63  }
0x41: {  	_ =	swait.ge [sflag:s18], $0x80  }
0x42: {  	[sflag:s18] =	ssyncset.done $0x0  }
0x43: {  	[sflag:s18] =	ssyncadd.s32 $0xFFFFFF80  }
0x44: {  	[tilespmem:s3], [sflag:$0x1] =	stream.indirect.gather [hbm4b:s4+s21], $0x80, s19, s21, $0xb8;
	[tilespmem:$0x18100] =	vst v63  }
0x45: {  	_ =	swait.ge [sflag:s22], $0x4000  }
0x46: {  	[sflag:s22] =	ssyncset.done $0x0  }
0x47: {  	[sflag:s22] =	ssyncadd.s32 $0xFFFFC000  }
0x48: {  	[spmem:s2] =	stream.indirect.scatter.add.f32 [tilespmem:s3], [sflag:$0x2], $0x80, s20, s21, $0xb8;
	[tilespmem:$0x18100] =	vst v63  }
0x49: {  	_ =	swait.ge [sflag:s18], $0x4000  }
0x4a: {  	s24 =	simm.s32 $0x10;
	s25 =	simm.s32 $0x20;
	[sflag:s18] =	ssyncset.done $0x0  }
.LBB2_4:
0x4b: {  	s26 =	sadd.s32 s24, s17  }
0x4c: {  	[sflag:s18] =	ssyncadd.s32 $0xFFFFC000;
	s28 =	smov.u32 s25;
	s29 =	sadd.s32 $0x10, s25  }
0x4d: {  	[tilespmem:s19], [sflag:$0x2] =	stream.linear.gather [hbm4b:s26+s3], $0x80, $0x38;
	[tilespmem:$0x18100] =	vst v63  }
0x4e: {  	p0 =	sne.s32 s25, $0x4E0;
	_ =	swait.ge [sflag:s18], $0x80  }
0x4f: {  	[sflag:s18] =	ssyncset.done $0x0  }
0x50: {  	s25 =	sadd.s32 s24, s16;
	s24 =	smov.u32 s28;
	[sflag:s18] =	ssyncadd.s32 $0xFFFFFF80  }
0x51: {  	[tilespmem:s20], [sflag:$0x2] =	stream.linear.gather [hbm4b:s25+s3], $0x80, $0x38;
	[tilespmem:$0x18100] =	vst v63  }
0x52: {  	_ =	swait.ge [sflag:s18], $0x80  }
0x53: {  	[sflag:s18] =	ssyncset.done $0x0  }
0x54: {  	[sflag:s18] =	ssyncadd.s32 $0xFFFFFF80  }
0x55: {  	[tilespmem:s3], [sflag:$0x1] =	stream.indirect.gather [hbm4b:s4+s21], $0x80, s19, s21, $0xb8;
	[tilespmem:$0x18100] =	vst v63  }
0x56: {  	_ =	swait.ge [sflag:s22], $0x4000  }
.Ltmp1:
0x57: {  	[sflag:s22] =	ssyncset.done $0x0;
	(pc) =	sbr.rel @p0 .LBB2_4-.Ltmp1, $4  }
0x58: {  	[sflag:s22] =	ssyncadd.s32 $0xFFFFC000  }
0x59: {  	[spmem:s2] =	stream.indirect.scatter.add.f32 [tilespmem:s3], [sflag:$0x2], $0x80, s20, s21, $0xb8;
	[tilespmem:$0x18100] =	vst v63  }
0x5a: {  	_ =	swait.ge [sflag:s18], $0x4000  }
0x5b: {  	s25 =	smov.u32 s29;
	[sflag:s18] =	ssyncset.done $0x0  }
0x5c: {  	s25 =	sadd.s32 s24, s17;
	[sflag:s18] =	ssyncadd.s32 $0xFFFFC000  }
0x5d: {  	[tilespmem:s19], [sflag:$0x2] =	stream.linear.gather [hbm4b:s25+s3], $0x80, $0x38;
	[tilespmem:$0x18100] =	vst v63  }
0x5e: {  	_ =	swait.ge [sflag:s18], $0x80  }
0x5f: {  	[sflag:s18] =	ssyncset.done $0x0  }
0x60: {  	s31 =	sadd.s32 s24, s16;
	[sflag:s18] =	ssyncadd.s32 $0xFFFFFF80  }
0x61: {  	[tilespmem:s20], [sflag:$0x2] =	stream.linear.gather [hbm4b:s31+s3], $0x80, $0x38;
	[tilespmem:$0x18100] =	vst v63  }
0x62: {  	_ =	swait.ge [sflag:s18], $0x80  }
0x63: {  	[sflag:s18] =	ssyncset.done $0x0  }
0x64: {  	[sflag:s18] =	ssyncadd.s32 $0xFFFFFF80  }
0x65: {  	[tilespmem:s3], [sflag:$0x1] =	stream.indirect.gather [hbm4b:s4+s21], $0x80, s19, s21, $0xb8;
	[tilespmem:$0x18100] =	vst v63  }
0x66: {  	_ =	swait.ge [sflag:s22], $0x4000  }
0x67: {  	[sflag:s22] =	ssyncset.done $0x0  }
0x68: {  	[sflag:s22] =	ssyncadd.s32 $0xFFFFC000  }
0x69: {  	[spmem:s2] =	stream.indirect.scatter.add.f32 [tilespmem:s3], [sflag:$0x2], $0x80, s20, s21, $0xb8;
	[tilespmem:$0x18100] =	vst v63  }
0x6a: {  	_ =	swait.ge [sflag:s18], $0x4000  }
0x6b: {  	[sflag:s18] =	ssyncset.done $0x0  }
0x6c: {  	[sflag:s18] =	ssyncadd.s32 $0xFFFFC000  }
0x6d: {  	[bflag:$0x0] =	sbarrier.arrive $0xFFFF  }
0x6e: {  	[tilespmem:s3], [sflag:$0x2] =	stream.linear.gather [spmem:s5], $0x4000, $0x38;
	[tilespmem:$0x18100] =	vst v63  }
0x6f: {  	_ =	swait.ge [sflag:s18], $0x4000  }
0x70: {  	[sflag:s18] =	ssyncset.done $0x0  }
0x71: {  	[sflag:s18] =	ssyncadd.s32 $0xFFFFC000  }
0x72: {  	[hbm4b:s10+s3] =	stream.linear.scatter [tilespmem:s3], [sflag:$0x2], $0x4000, $0x38;
	[tilespmem:$0x18100] =	vst v63  }
0x73: {  	_ =	swait.ge [sflag:s18], $0x4000  }
0x74: {  	[sflag:s18] =	ssyncset.done $0x0  }
0x75: {  	[sflag:s18] =	ssyncadd.s32 $0xFFFFC000  }
0x76: {  	[tilespmem:s3], [sflag:$0x2] =	stream.linear.gather [spmem:s6], $0x4000, $0x38;
	[tilespmem:$0x18100] =	vst v63  }
0x77: {  	_ =	swait.ge [sflag:s18], $0x4000  }
0x78: {  	[sflag:s18] =	ssyncset.done $0x0  }
0x79: {  	[sflag:s18] =	ssyncadd.s32 $0xFFFFC000  }
0x7a: {  	[hbm4b:s11+s3] =	stream.linear.scatter [tilespmem:s3], [sflag:$0x2], $0x4000, $0x38;
	[tilespmem:$0x18100] =	vst v63  }
0x7b: {  	_ =	swait.ge [sflag:s18], $0x4000  }
0x7c: {  	[sflag:s18] =	ssyncset.done $0x0  }
0x7d: {  	[sflag:s18] =	ssyncadd.s32 $0xFFFFC000  }
0x7e: {  	[tilespmem:s3], [sflag:$0x2] =	stream.linear.gather [spmem:s7], $0x4000, $0x38;
	[tilespmem:$0x18100] =	vst v63  }
0x7f: {  	_ =	swait.ge [sflag:s18], $0x4000  }
0x80: {  	[sflag:s18] =	ssyncset.done $0x0  }
0x81: {  	[sflag:s18] =	ssyncadd.s32 $0xFFFFC000  }
0x82: {  	[hbm4b:s12+s3] =	stream.linear.scatter [tilespmem:s3], [sflag:$0x2], $0x4000, $0x38;
	[tilespmem:$0x18100] =	vst v63  }
0x83: {  	_ =	swait.ge [sflag:s18], $0x4000  }
0x84: {  	[sflag:s18] =	ssyncset.done $0x0  }
0x85: {  	[sflag:s18] =	ssyncadd.s32 $0xFFFFC000  }
0x86: {  	[tilespmem:s3], [sflag:$0x2] =	stream.linear.gather [spmem:s8], $0x4000, $0x38;
	[tilespmem:$0x18100] =	vst v63  }
0x87: {  	_ =	swait.ge [sflag:s18], $0x4000  }
0x88: {  	[sflag:s18] =	ssyncset.done $0x0  }
0x89: {  	[sflag:s18] =	ssyncadd.s32 $0xFFFFC000  }
0x8a: {  	[hbm4b:s13+s3] =	stream.linear.scatter [tilespmem:s3], [sflag:$0x2], $0x4000, $0x38;
	[tilespmem:$0x18100] =	vst v63  }
0x8b: {  	_ =	swait.ge [sflag:s18], $0x4000  }
0x8c: {  	[sflag:s18] =	ssyncset.done $0x0  }
0x8d: {  	[sflag:s18] =	ssyncadd.s32 $0xFFFFC000  }
0x8e: {  	[tilespmem:s3], [sflag:$0x2] =	stream.linear.gather [spmem:s9], $0x4000, $0x38;
	[tilespmem:$0x18100] =	vst v63  }
0x8f: {  	s23 =	sadd.s32 $0x1, s23;
	_ =	swait.ge [sflag:s18], $0x4000  }
0x90: {  	p0 =	sne.s32 s23, s15;
	[sflag:s18] =	ssyncset.done $0x0  }
.Ltmp2:
0x91: {  	[sflag:s18] =	ssyncadd.s32 $0xFFFFC000;
	(pc) =	sbr.rel @p0 .LBB2_1-.Ltmp2, $4  }
0x92: {  	[hbm4b:s14+s3] =	stream.linear.scatter [tilespmem:s3], [sflag:$0x2], $0x4000, $0x38;
	[tilespmem:$0x18100] =	vst v63  }
0x93: {  	_ =	swait.ge [sflag:s18], $0x4000  }
0x94: {  	[sflag:s18] =	ssyncset.done $0x0  }
0x95: {  	[sflag:s18] =	ssyncadd.s32 $0xFFFFC000  }
0x96: {  	_ =	sfence.sel $0x180000  }
0x97: {  	[bflag:$0x0] =	sbarrier.arrive $0xFFFF  }
0x98: {  	p0 =	sne.s32 s1, $0x0;
	_ =	strace $0x9000004A  }
0x99: {  	s0 =	sadd.s32 @!p0 $0x100000, s0;
	[bflag:$0x2] =	sbarrier.arrive $0xFFFF  }
0x9a: {  	[sflag:s0] =	ssyncadd.tile.s32 @!p0 $0x1;
	_ =	shalt  }
.Lfunc_end2:
_tile_overlayer_lowered:
.L_overlay_start_2:
0x9b: {  	(tag) =	ssettag $0x2  }
0x9c: {  	s0 =	rddreg [dreg:$0x0];
	s2 =	stileid.u32  }
0x9d: {  	s1 =	rddreg [dreg:$0x1];
	p0 =	sne.s32 s2, $0x0  }
0x9e: {  	s3 =	rddreg [dreg:$0x2];
	[bflag:$0x3] =	sbarrier.arrive $0xFFFF;
	s2 =	simm.s32 @!p0 $0x1C02  }
0x9f: {  	[timem:s3], [sflag:s2] =	dma.local @!p0 [hbm:s0], s1  }
0xa0: {  	s0 =	simm.s32 @!p0 $0x2  }
0xa1: {  	_ =	swait.ge @!p0 [sflag:s0], s1  }
0xa2: {  	s1 =	ssub.s32 @!p0 $0x0, s1;
	[sflag:s0] =	ssyncset.done @!p0 $0x0  }
0xa3: {  	[sflag:s0] =	ssyncadd.s32 @!p0 s1  }
0xa4: {  	[bflag:$0x3] =	sbarrier.arrive $0xFFFF  }
0xa5: {  	_ =	shalt  }

// kernel: kernel.24.cloned.1.call-start
scs
__scs_entry_jumppad:
0x0: {  	(pc) =	sbr.rel $0x88, $3  }
0x1: {  	(tag) =	ssettag $0x0;
	lr =	simm.s32 $0x1  }
0x2: {  	[smem:$0x3F99] =	sst lr;
	_ =	strace $0xD0000000  }
0x3: {  	_ = 	snop  }
0x4: {  	_ = 	snop  }
0x5: {  	_ = 	snop  }
0x6: {  	_ = 	snop  }
0x7: {  	_ = 	snop  }
__scs_overlays_trampoline_lowered:
0x8: {  	[smem:$0x3FA8] =	sst s0  }
0x9: {  	[smem:$0x3FA9] =	sst s1  }
0xa: {  	[smem:$0x3FAA] =	sst s2  }
0xb: {  	[smem:$0x3FAB] =	sst s3  }
0xc: {  	[smem:$0x3FAC] =	sst s4  }
0xd: {  	[smem:$0x3FAD] =	sst s5  }
0xe: {  	[smem:$0x3FAE] =	sst s6  }
0xf: {  	[smem:$0x3FAF] =	sst s7  }
0x10: {  	[smem:$0x3FB0] =	sst s8  }
0x11: {  	[smem:$0x3FB1] =	sst s9;
	s0 =	simm.s32 @!p0 $0x0  }
0x12: {  	s1 =	sld [smem:$0x3F97];
	s0 =	simm.s32 @p0 $0x1  }
0x13: {  	[smem:$0x3FB2] =	sst s0;
	s0 =	simm.s32 @!p1 $0x0  }
0x14: {  	s2 =	sld [smem:$0x3F96];
	s0 =	simm.s32 @p1 $0x1  }
0x15: {  	[smem:$0x3FB3] =	sst s0;
	s0 =	simm.s32 @!p2 $0x0  }
0x16: {  	s3 =	sld [smem:$0x3FDB];
	s0 =	simm.s32 @p2 $0x1  }
0x17: {  	s4 =	simm.s32 $0x1BF5;
	[smem:$0x3FB5] =	sst s0  }
0x18: {  	s0 =	sld [smem:$0x3F98];
	_ =	swait.ge [sflag:s4], $0x0  }
0x19: {  	s7 =	sld [smem:$0x3F99]  }
0x1a: {  	s8 =	sadd.s32 $0xFFFFE003, lr  }
0x1b: {  	s9 =	sadd.s32 $0xFFFFFEF7, lr;
	s5 =	simm.s32 $0xFFFFFFFF;
	p2 =	slt.u32 s8, $0xFFFFF086  }
0x1c: {  	p1 =	slt.u32 s9, $0xF7A;
	s5 =	simm.s32 @!p2 $0x0  }
0x1d: {  	s5 =	simm.s32 @p1 $0x1;
	p0 =	seq.s32 s7, s2  }
0x1e: {  	s7 =	smul.u32 @!p0 $0xF7A, s2;
	p2 =	seq.s32 @!p0 s5, $0x0  }
0x1f: {  	s9 =	smul.u32 $0xF7A, s1;
	s8 =	simm.s32 @!p0 $0x1BF5;
	p2 =	por !p2, p0  }
0x20: {  	[sflag:s8] =	ssyncset.s32 @!p0 $0xFFFFF086;
	s6 =	sadd.s32 @!p0 s3, s7;
	s7 =	simm.s32 @!p0 $0x108  }
0x21: {  	s3 =	sadd.s32 s3, s9;
	s6 =	sadd.s32 @!p0 $0x88, s6;
	s7 =	simm.s32 @p2 $0x1082  }
0x22: {  	[simem:s7], [sflag:s8] =	dma.local @!p0 [hbm:s6], $0xF7A  }
0x23: {  	s9 =	sor.u32 $0xD0000000, s2;
	s6 =	simm.s32 $0x108;
	_ =	swait.ge @!p0 [sflag:s8], $0x0  }
0x24: {  	s3 =	sadd.s32 $0x88, s3;
	s6 =	simm.s32 @!p1 $0x1082;
	[sflag:s4] =	ssyncset.s32 $0xFFFFF086  }
0x25: {  	[simem:s6], [sflag:s4] =	dma.local [hbm:s3], $0xF7A  }
0x26: {  	[smem:$0x3F99] =	sst s1;
	(tag) =	ssettag s2;
	_ =	strace s9  }
0x27: {  	s1 =	sld [smem:$0x3FA9]  }
0x28: {  	s2 =	sld [smem:$0x3FAA]  }
0x29: {  	s4 =	sld [smem:$0x3FAC]  }
0x2a: {  	p0 =	seq.s32 s5, $0x0;
	s5 =	sld [smem:$0x3FAD]  }
0x2b: {  	s6 =	sld [smem:$0x3FAE]  }
0x2c: {  	s7 =	sld [smem:$0x3FAF]  }
0x2d: {  	s3 =	simm.s32 $0x108;
	s8 =	sld [smem:$0x3FB0]  }
0x2e: {  	s3 =	simm.s32 @!p0 $0x1082;
	s9 =	sld [smem:$0x3FB1]  }
0x2f: {  	lr =	sadd.s32 s0, s3;
	s0 =	sld [smem:$0x3FA8]  }
0x30: {  	s3 =	sld [smem:$0x3FAB]  }
0x31: {  	[smem:$0x3FB4] =	sst s10  }
0x32: {  	s10 =	sld [smem:$0x3FB2];
	_ =	sdelay $0x3  }
0x33: {  	p0 =	seq.s32 s10, $0x1;
	s10 =	sld [smem:$0x3FB4];
	_ =	sdelay $0x3  }
0x34: {  	[smem:$0x3FB4] =	sst s10  }
0x35: {  	s10 =	sld [smem:$0x3FB3];
	_ =	sdelay $0x3  }
0x36: {  	p1 =	seq.s32 s10, $0x1;
	s10 =	sld [smem:$0x3FB4];
	_ =	sdelay $0x3  }
0x37: {  	[smem:$0x3FB4] =	sst s10  }
0x38: {  	s10 =	sld [smem:$0x3FB5]  }
0x39: {  	_ = 	snop;
	(pc) =	sbr.ind lr, $3  }
0x3a: {  	_ = 	snop  }
0x3b: {  	_ = 	snop  }
0x3c: {  	p2 =	seq.s32 s10, $0x1;
	s10 =	sld [smem:$0x3FB4]  }
0x3d: {  	_ =	shalt  }
0x3e: {  	_ =	shalt  }
0x3f: {  	_ =	shalt  }
0x40: {  	_ =	shalt  }
0x41: {  	_ =	shalt  }
0x42: {  	_ =	shalt  }
0x43: {  	_ =	shalt  }
0x44: {  	_ =	shalt  }
0x45: {  	_ =	shalt  }
0x46: {  	_ =	shalt  }
0x47: {  	_ =	shalt  }
0x48: {  	_ =	shalt  }
0x49: {  	_ =	shalt  }
0x4a: {  	_ =	shalt  }
0x4b: {  	_ =	shalt  }
0x4c: {  	_ =	shalt  }
0x4d: {  	_ =	shalt  }
0x4e: {  	_ =	shalt  }
0x4f: {  	_ =	shalt  }
0x50: {  	_ =	shalt  }
0x51: {  	_ =	shalt  }
0x52: {  	_ =	shalt  }
0x53: {  	_ =	shalt  }
0x54: {  	_ =	shalt  }
0x55: {  	_ =	shalt  }
0x56: {  	_ =	shalt  }
0x57: {  	_ =	shalt  }
0x58: {  	_ =	shalt  }
0x59: {  	_ =	shalt  }
0x5a: {  	_ =	shalt  }
0x5b: {  	_ =	shalt  }
0x5c: {  	_ =	shalt  }
0x5d: {  	_ =	shalt  }
0x5e: {  	_ =	shalt  }
0x5f: {  	_ =	shalt  }
0x60: {  	_ =	shalt  }
0x61: {  	_ =	shalt  }
0x62: {  	_ =	shalt  }
0x63: {  	_ =	shalt  }
0x64: {  	_ =	shalt  }
0x65: {  	_ =	shalt  }
0x66: {  	_ =	shalt  }
0x67: {  	_ =	shalt  }
0x68: {  	_ =	shalt  }
0x69: {  	_ =	shalt  }
0x6a: {  	_ =	shalt  }
0x6b: {  	_ =	shalt  }
0x6c: {  	_ =	shalt  }
0x6d: {  	_ =	shalt  }
0x6e: {  	_ =	shalt  }
0x6f: {  	_ =	shalt  }
0x70: {  	_ =	shalt  }
0x71: {  	_ =	shalt  }
0x72: {  	_ =	shalt  }
0x73: {  	_ =	shalt  }
0x74: {  	_ =	shalt  }
0x75: {  	_ =	shalt  }
0x76: {  	_ =	shalt  }
0x77: {  	_ =	shalt  }
0x78: {  	_ =	shalt  }
0x79: {  	_ =	shalt  }
0x7a: {  	_ =	shalt  }
0x7b: {  	_ =	shalt  }
0x7c: {  	_ =	shalt  }
0x7d: {  	_ =	shalt  }
0x7e: {  	_ =	shalt  }
0x7f: {  	_ =	shalt  }
0x80: {  	_ =	shalt  }
0x81: {  	_ =	shalt  }
0x82: {  	_ =	shalt  }
0x83: {  	_ =	shalt  }
0x84: {  	_ =	shalt  }
0x85: {  	_ =	shalt  }
0x86: {  	_ =	shalt  }
0x87: {  	_ =	shalt  }
.Lfunc_end0:
.L_simem_size_0:
called_computation.2_lowered:
.L_overlay_start_0:
0x88: {  	s2 =	sld [smem:$0x3FD9]  }
0x89: {  	s3 =	sld [smem:$0x3FFE];
	_ =	sdelay $0x1  }
0x8a: {  	s1 =	srdreg.scid  }
0x8b: {  	s0 =	sand.u32 $0x1, s1  }
0x8c: {  	s16 =	sshll.u32 s0, $0xA;
	s2 =	sadd.s32 s3, s2  }
0x8d: {  	s2 =	sadd.s32 s2, s16  }
0x8e: {  	[smem:$0x3FC0] =	sst s2  }
0x8f: {  	_ = 	snop  }
0x90: {  	(tm) =	ssettm $0x1  }
0x91: {  	s17 =	sld [smem:$0x3FFB];
	_ =	sdelay $0x3  }
0x92: {  	_ =	strace s17  }
0x93: {  	s2 =	sld [smem:$0x3FFC];
	_ =	sdelay $0x3  }
0x94: {  	_ =	strace s2  }
0x95: {  	s2 =	sld [smem:$0x3FFD];
	_ =	sdelay $0x3  }
0x96: {  	_ =	strace s2  }
0x97: {  	_ =	strace $0x8FFFFFFF  }
0x98: {  	s18 =	sld [smem:$0x3FDB];
	_ =	sdelay $0x1  }
0x99: {  	s19 =	simm.s32 $_scs_section_size  }
0x9a: {  	s4 =	simm.s32 $_size__tile_overlayer_lowered;
	s5 =	simm.s32 $_tile_overlayer_lowered  }
0x9b: {  	s22 =	simm.s32 $0x1BFF;
	s21 =	sshll.u32 s5, $0x1;
	s2 =	sadd.s32 s19, s18  }
0x9c: {  	s6 =	simm.s32 $0x0;
	s20 =	sshll.u32 s4, $0x1;
	s4 =	sadd.s32 s21, s2  }
0x9d: {  	[timem:s6], [sflag:s22] =	dma.local [hbm:s4], s20  }
0x9e: {  	_ =	swait.ge [sflag:s22], s20  }
0x9f: {  	s3 =	ssub.s32 $0x0, s20;
	[sflag:s22] =	ssyncset.done $0x0  }
0xa0: {  	[sflag:s22] =	ssyncadd.s32 s3;
	_ =	sdelay $0x1  }
0xa1: {  	s23 =	simm.s32 $0x1B8B  }
0xa2: {  	_ =	swait.ge [sflag:s23], $0x1  }
0xa3: {  	[sflag:s23] =	ssyncset.done $0x0  }
0xa4: {  	s25 =	simm.s32 $0x1B8E;
	s24 =	sld [smem:$0x3FFE];
	[sflag:s23] =	ssyncadd.s32 $0xFFFFFFFF  }
0xa5: {  	s26 =	simm.s32 $execute0_lowered;
	[smem:$0x3FD2] =	sst s25  }
0xa6: {  	s4 =	sshll.u32 s26, $0x1;
	_ =	strace $0x8000004C;
	[dreg:$0x1] =	wrdreg $0xFFFFFFFF  }
0xa7: {  	s28 =	simm.s32 $_size_execute0_lowered;
	s2 =	sadd.s32 s2, s4;
	[dreg:$0x0] =	wrdreg $0x0  }
0xa8: {  	s4 =	sshll.u32 s28, $0x1;
	[dreg:$0x2] =	wrdreg s2  }
0xa9: {  	[dreg:$0x3] =	wrdreg s4  }
0xaa: {  	[dreg:$0x4] =	wrdreg $0xC0  }
0xab: {  	_ =	task [dreg:s6], $0x5FFFF  }
0xac: {  	[dreg:$0x1] =	wrdreg $0xFFFFFFFF  }
0xad: {  	[dreg:$0x0] =	wrdreg $0x60  }
0xae: {  	[dreg:$0x2] =	wrdreg s24  }
0xaf: {  	[dreg:$0x3] =	wrdreg $0x41000  }
0xb0: {  	[dreg:$0x4] =	wrdreg $0x9  }
0xb1: {  	_ =	task.clear_ibuf [dreg:s6], $0x5FFFF;
	_ =	strace $0x9000004C  }
0xb2: {  	s29 =	simm.s32 $0x9;
	_ =	strace $0x8000004E  }
0xb3: {  	_ =	swait.ge [sflag:s29], $0x1  }
0xb4: {  	[sflag:s29] =	ssyncadd.s32 $0xFFFFFFFF  }
0xb5: {  	_ =	strace $0x9000004E  }
0xb6: {  	_ =	sfence  }
0xb7: {  	s30 =	sld [smem:$0x0];
	_ =	sdelay $0x2  }
0xb8: {  	s31 =	sshll.u32 s1, $0xD;
	s1 =	sshrl.u32 s1, $0x2  }
0xb9: {  	s3 =	sand.u32 $0x4000, s31;
	s1 =	sadd.s32 s1, s30  }
0xba: {  	s0 =	sor.u32 s3, s0;
	s1 =	sshll.u32 s1, $0x11  }
0xbb: {  	s0 =	sor.u32 s1, s0  }
0xbc: {  	s0 =	sadd.s32 $0x8F2B, s0  }
0xbd: {  	[sflag:s0] =	ssyncadd.remote.s32 $0x1  }
0xbe: {  	_ =	sfence.sel $0xFFFF  }
0xbf: {  	[dreg:$0x0] =	wrdreg $0xFFFFFFFF;
	(pc) =	sbr.abs _section_cstart, $3  }
0xc0: {  	[dreg:$0x1] =	wrdreg $0xFFFFFFFF  }
0xc1: {  	_ =	task.clear_ibuf [dreg:s6], $0x2FFFF;
	_ =	strace $0x9FFFFFFF  }
0xc2: {  	(tm) =	ssettm $0x7FFFFFFF  }
0xc3: {  	_ =	shalt  }
tec
execute0_lowered:
.L_overlay_start_1:
0x0: {  	(tag) =	ssettag $0x1  }
0x1: {  	s5 =	rddreg [dreg:$0x0]  }
0x2: {  	s2 =	rddreg [dreg:$0x1]  }
0x3: {  	s0 =	rddreg [dreg:$0x2];
	s3 =	simm.s32 $0x0;
	s1 =	stileid.u32  }
0x4: {  	s4 =	srdreg.scid;
	s20 =	simm.s32 $0x4080;
	s6 =	smul.u32 $0x9E0, s1  }
0x5: {  	s21 =	simm.s32 $0x80;
	[smem:$0x7FF] =	sst s3;
	s10 =	smul.u32 $0x280, s1  }
0x6: {  	s12 =	sand.u32 $0x1, s4;
	s4 =	sadd.s32 $0x69000, s5;
	s8 =	smul.u32 $0x50000, s1  }
0x7: {  	s14 =	sadd.s32 $0xE1000, s5;
	_ =	strace $0x8000004D;
	s19 =	smul.u32 $0x2800, s12  }
0x8: {  	s7 =	ssub.s32 $0x2, s12;
	s28 =	smul.u32 $0x4F0, s12;
	s15 =	sadd.s32 s6, s5  }
0x9: {  	s22 =	sshrl.u32 s7, $0x1;
	s23 =	sshrl.u32 s8, $0x2;
	s11 =	sadd.s32 $0x80, s10  }
0xa: {  	s13 =	sadd.s32 $0x100, s10;
	s17 =	sadd.s32 $0x180, s10;
	s18 =	sadd.s32 $0x200, s10  }
0xb: {  	s16 =	ssub.s32 s7, s22;
	s5 =	sadd.s32 s23, s2;
	s24 =	sshll.u32 s11, $0x7  }
0xc: {  	s25 =	sshll.u32 s13, $0x7;
	s26 =	sshll.u32 s17, $0x7;
	s9 =	sshll.u32 s18, $0x7  }
0xd: {  	s10 =	sadd.s32 s10, s19;
	s11 =	sadd.s32 s19, s11;
	s13 =	sadd.s32 s19, s13  }
0xe: {  	s17 =	sadd.s32 s19, s17;
	s18 =	sadd.s32 s19, s18;
	s31 =	sadd.s32 s28, s15  }
0xf: {  	s19 =	simm.s32 $0x4000;
	s22 =	simm.s32 $0x1;
	s23 =	simm.s32 $0x0  }
0x10: {  	s6 =	sadd.s32 s24, s2;
	s7 =	sadd.s32 s25, s2;
	s8 =	sadd.s32 s26, s2  }
0x11: {  	s9 =	sadd.s32 s9, s2;
	s10 =	sshll.u32 s10, $0x4;
	s11 =	sshll.u32 s11, $0x4  }
0x12: {  	s13 =	sshll.u32 s13, $0x4;
	s29 =	sshll.u32 s17, $0x4;
	s30 =	sshll.u32 s18, $0x4  }
0x13: {  	s15 =	smax.u32 s16, $0x1;
	s16 =	sadd.s32 $0x37200, s31;
	s17 =	sadd.s32 $0x4A00, s31  }
0x14: {  	s18 =	simm.s32 $0x2;
	s10 =	sadd.s32 s14, s10;
	s11 =	sadd.s32 s14, s11  }
0x15: {  	v0 =	vimm.f32 $0.0e+00;
	s12 =	sadd.s32 s14, s13;
	s13 =	sadd.s32 s14, s29;
	s14 =	sadd.s32 s14, s30  }
.LBB2_1:
0x16: {  	s24 =	simm.s32 $0x0;
	s25 =	simm.s32 $0x200  }
.LBB2_2:
0x17: {  	p0 =	sne.s32 s25, $0xFE00;
	[tilespmem:s24+$0x70] =	vst v0  }
0x18: {  	[tilespmem:s24+$0x0] =	vst v0  }
0x19: {  	[tilespmem:s24+$0x10] =	vst v0  }
.Ltmp0:
0x1a: {  	[tilespmem:s24+$0x20] =	vst v0;
	(pc) =	sbr.rel @p0 .LBB2_2-.Ltmp0, $4  }
0x1b: {  	[tilespmem:s24+$0x30] =	vst v0  }
0x1c: {  	[tilespmem:s24+$0x40] =	vst v0  }
0x1d: {  	[tilespmem:s24+$0x50] =	vst v0  }
0x1e: {  	[tilespmem:s24+$0x60] =	vst v0;
	s24 =	sshra.s32 s25, $0x2;
	s25 =	sadd.s32 $0x200, s25  }
0x1f: {  	[tilespmem:s24+$0x70] =	vst v0  }
0x20: {  	[tilespmem:s24+$0x0] =	vst v0  }
0x21: {  	[tilespmem:s24+$0x10] =	vst v0  }
0x22: {  	[tilespmem:s24+$0x20] =	vst v0  }
0x23: {  	[tilespmem:s24+$0x30] =	vst v0  }
0x24: {  	[tilespmem:s24+$0x40] =	vst v0  }
0x25: {  	[tilespmem:s24+$0x50] =	vst v0  }
0x26: {  	[tilespmem:s24+$0x60] =	vst v0;
	s29 =	simm.s32 $0x0  }
0x27: {  	[spmem:s5] =	stream.linear.scatter [tilespmem:s29], [sflag:$0x2], $0x4000, $0x38;
	[tilespmem:$0x18100] =	vst v63  }
0x28: {  	_ =	swait.ge [sflag:s18], $0x4000  }
0x29: {  	[sflag:s18] =	ssyncset.done $0x0  }
0x2a: {  	[sflag:s18] =	ssyncadd.s32 $0xFFFFC000  }
0x2b: {  	[spmem:s6] =	stream.linear.scatter [tilespmem:s29], [sflag:$0x2], $0x4000, $0x38;
	[tilespmem:$0x18100] =	vst v63  }
0x2c: {  	_ =	swait.ge [sflag:s18], $0x4000  }
0x2d: {  	[sflag:s18] =	ssyncset.done $0x0  }
0x2e: {  	[sflag:s18] =	ssyncadd.s32 $0xFFFFC000  }
0x2f: {  	[spmem:s7] =	stream.linear.scatter [tilespmem:s29], [sflag:$0x2], $0x4000, $0x38;
	[tilespmem:$0x18100] =	vst v63  }
0x30: {  	_ =	swait.ge [sflag:s18], $0x4000  }
0x31: {  	[sflag:s18] =	ssyncset.done $0x0  }
0x32: {  	[sflag:s18] =	ssyncadd.s32 $0xFFFFC000  }
0x33: {  	[spmem:s8] =	stream.linear.scatter [tilespmem:s29], [sflag:$0x2], $0x4000, $0x38;
	[tilespmem:$0x18100] =	vst v63  }
0x34: {  	_ =	swait.ge [sflag:s18], $0x4000  }
0x35: {  	[sflag:s18] =	ssyncset.done $0x0  }
0x36: {  	[sflag:s18] =	ssyncadd.s32 $0xFFFFC000  }
0x37: {  	[spmem:s9] =	stream.linear.scatter [tilespmem:s29], [sflag:$0x2], $0x4000, $0x38;
	[tilespmem:$0x18100] =	vst v63  }
0x38: {  	_ =	swait.ge [sflag:s18], $0x4000  }
0x39: {  	[sflag:s18] =	ssyncset.done $0x0  }
0x3a: {  	[sflag:s18] =	ssyncadd.s32 $0xFFFFC000  }
0x3b: {  	s30 =	sadd.s32 $0x0, s17;
	[bflag:$0x0] =	sbarrier.arrive $0xFFFF  }
0x3c: {  	[tilespmem:s19], [sflag:$0x2] =	stream.linear.gather [hbm4b:s30+s3], $0x80, $0x38;
	[tilespmem:$0x18100] =	vst v63  }
0x3d: {  	_ =	swait.ge [sflag:s18], $0x80  }
0x3e: {  	[sflag:s18] =	ssyncset.done $0x0  }
0x3f: {  	s31 =	sadd.s32 $0x0, s16;
	[sflag:s18] =	ssyncadd.s32 $0xFFFFFF80  }
0x40: {  	[tilespmem:s20], [sflag:$0x2] =	stream.linear.gather [hbm4b:s31+s3], $0x80, $0x38;
	[tilespmem:$0x18100] =	vst v63  }
0x41: {  	_ =	swait.ge [sflag:s18], $0x80  }
0x42: {  	[sflag:s18] =	ssyncset.done $0x0  }
0x43: {  	[sflag:s18] =	ssyncadd.s32 $0xFFFFFF80  }
0x44: {  	[tilespmem:s3], [sflag:$0x1] =	stream.indirect.gather [hbm4b:s4+s21], $0x80, s19, s21, $0xb8;
	[tilespmem:$0x18100] =	vst v63  }
0x45: {  	_ =	swait.ge [sflag:s22], $0x4000  }
0x46: {  	[sflag:s22] =	ssyncset.done $0x0  }
0x47: {  	[sflag:s22] =	ssyncadd.s32 $0xFFFFC000  }
0x48: {  	[spmem:s2] =	stream.indirect.scatter.add.f32 [tilespmem:s3], [sflag:$0x2], $0x80, s20, s21, $0xb8;
	[tilespmem:$0x18100] =	vst v63  }
0x49: {  	_ =	swait.ge [sflag:s18], $0x4000  }
0x4a: {  	s24 =	simm.s32 $0x10;
	s25 =	simm.s32 $0x20;
	[sflag:s18] =	ssyncset.done $0x0  }
.LBB2_4:
0x4b: {  	s26 =	sadd.s32 s24, s17  }
0x4c: {  	[sflag:s18] =	ssyncadd.s32 $0xFFFFC000;
	s28 =	smov.u32 s25;
	s29 =	sadd.s32 $0x10, s25  }
0x4d: {  	[tilespmem:s19], [sflag:$0x2] =	stream.linear.gather [hbm4b:s26+s3], $0x80, $0x38;
	[tilespmem:$0x18100] =	vst v63  }
0x4e: {  	p0 =	sne.s32 s25, $0x4E0;
	_ =	swait.ge [sflag:s18], $0x80  }
0x4f: {  	[sflag:s18] =	ssyncset.done $0x0  }
0x50: {  	s25 =	sadd.s32 s24, s16;
	s24 =	smov.u32 s28;
	[sflag:s18] =	ssyncadd.s32 $0xFFFFFF80  }
0x51: {  	[tilespmem:s20], [sflag:$0x2] =	stream.linear.gather [hbm4b:s25+s3], $0x80, $0x38;
	[tilespmem:$0x18100] =	vst v63  }
0x52: {  	_ =	swait.ge [sflag:s18], $0x80  }
0x53: {  	[sflag:s18] =	ssyncset.done $0x0  }
0x54: {  	[sflag:s18] =	ssyncadd.s32 $0xFFFFFF80  }
0x55: {  	[tilespmem:s3], [sflag:$0x1] =	stream.indirect.gather [hbm4b:s4+s21], $0x80, s19, s21, $0xb8;
	[tilespmem:$0x18100] =	vst v63  }
0x56: {  	_ =	swait.ge [sflag:s22], $0x4000  }
.Ltmp1:
0x57: {  	[sflag:s22] =	ssyncset.done $0x0;
	(pc) =	sbr.rel @p0 .LBB2_4-.Ltmp1, $4  }
0x58: {  	[sflag:s22] =	ssyncadd.s32 $0xFFFFC000  }
0x59: {  	[spmem:s2] =	stream.indirect.scatter.add.f32 [tilespmem:s3], [sflag:$0x2], $0x80, s20, s21, $0xb8;
	[tilespmem:$0x18100] =	vst v63  }
0x5a: {  	_ =	swait.ge [sflag:s18], $0x4000  }
0x5b: {  	s25 =	smov.u32 s29;
	[sflag:s18] =	ssyncset.done $0x0  }
0x5c: {  	s25 =	sadd.s32 s24, s17;
	[sflag:s18] =	ssyncadd.s32 $0xFFFFC000  }
0x5d: {  	[tilespmem:s19], [sflag:$0x2] =	stream.linear.gather [hbm4b:s25+s3], $0x80, $0x38;
	[tilespmem:$0x18100] =	vst v63  }
0x5e: {  	_ =	swait.ge [sflag:s18], $0x80  }
0x5f: {  	[sflag:s18] =	ssyncset.done $0x0  }
0x60: {  	s31 =	sadd.s32 s24, s16;
	[sflag:s18] =	ssyncadd.s32 $0xFFFFFF80  }
0x61: {  	[tilespmem:s20], [sflag:$0x2] =	stream.linear.gather [hbm4b:s31+s3], $0x80, $0x38;
	[tilespmem:$0x18100] =	vst v63  }
0x62: {  	_ =	swait.ge [sflag:s18], $0x80  }
0x63: {  	[sflag:s18] =	ssyncset.done $0x0  }
0x64: {  	[sflag:s18] =	ssyncadd.s32 $0xFFFFFF80  }
0x65: {  	[tilespmem:s3], [sflag:$0x1] =	stream.indirect.gather [hbm4b:s4+s21], $0x80, s19, s21, $0xb8;
	[tilespmem:$0x18100] =	vst v63  }
0x66: {  	_ =	swait.ge [sflag:s22], $0x4000  }
0x67: {  	[sflag:s22] =	ssyncset.done $0x0  }
0x68: {  	[sflag:s22] =	ssyncadd.s32 $0xFFFFC000  }
0x69: {  	[spmem:s2] =	stream.indirect.scatter.add.f32 [tilespmem:s3], [sflag:$0x2], $0x80, s20, s21, $0xb8;
	[tilespmem:$0x18100] =	vst v63  }
0x6a: {  	_ =	swait.ge [sflag:s18], $0x4000  }
0x6b: {  	[sflag:s18] =	ssyncset.done $0x0  }
0x6c: {  	[sflag:s18] =	ssyncadd.s32 $0xFFFFC000  }
0x6d: {  	[bflag:$0x0] =	sbarrier.arrive $0xFFFF  }
0x6e: {  	[tilespmem:s3], [sflag:$0x2] =	stream.linear.gather [spmem:s5], $0x4000, $0x38;
	[tilespmem:$0x18100] =	vst v63  }
0x6f: {  	_ =	swait.ge [sflag:s18], $0x4000  }
0x70: {  	[sflag:s18] =	ssyncset.done $0x0  }
0x71: {  	[sflag:s18] =	ssyncadd.s32 $0xFFFFC000  }
0x72: {  	[hbm4b:s10+s3] =	stream.linear.scatter [tilespmem:s3], [sflag:$0x2], $0x4000, $0x38;
	[tilespmem:$0x18100] =	vst v63  }
0x73: {  	_ =	swait.ge [sflag:s18], $0x4000  }
0x74: {  	[sflag:s18] =	ssyncset.done $0x0  }
0x75: {  	[sflag:s18] =	ssyncadd.s32 $0xFFFFC000  }
0x76: {  	[tilespmem:s3], [sflag:$0x2] =	stream.linear.gather [spmem:s6], $0x4000, $0x38;
	[tilespmem:$0x18100] =	vst v63  }
0x77: {  	_ =	swait.ge [sflag:s18], $0x4000  }
0x78: {  	[sflag:s18] =	ssyncset.done $0x0  }
0x79: {  	[sflag:s18] =	ssyncadd.s32 $0xFFFFC000  }
0x7a: {  	[hbm4b:s11+s3] =	stream.linear.scatter [tilespmem:s3], [sflag:$0x2], $0x4000, $0x38;
	[tilespmem:$0x18100] =	vst v63  }
0x7b: {  	_ =	swait.ge [sflag:s18], $0x4000  }
0x7c: {  	[sflag:s18] =	ssyncset.done $0x0  }
0x7d: {  	[sflag:s18] =	ssyncadd.s32 $0xFFFFC000  }
0x7e: {  	[tilespmem:s3], [sflag:$0x2] =	stream.linear.gather [spmem:s7], $0x4000, $0x38;
	[tilespmem:$0x18100] =	vst v63  }
0x7f: {  	_ =	swait.ge [sflag:s18], $0x4000  }
0x80: {  	[sflag:s18] =	ssyncset.done $0x0  }
0x81: {  	[sflag:s18] =	ssyncadd.s32 $0xFFFFC000  }
0x82: {  	[hbm4b:s12+s3] =	stream.linear.scatter [tilespmem:s3], [sflag:$0x2], $0x4000, $0x38;
	[tilespmem:$0x18100] =	vst v63  }
0x83: {  	_ =	swait.ge [sflag:s18], $0x4000  }
0x84: {  	[sflag:s18] =	ssyncset.done $0x0  }
0x85: {  	[sflag:s18] =	ssyncadd.s32 $0xFFFFC000  }
0x86: {  	[tilespmem:s3], [sflag:$0x2] =	stream.linear.gather [spmem:s8], $0x4000, $0x38;
	[tilespmem:$0x18100] =	vst v63  }
0x87: {  	_ =	swait.ge [sflag:s18], $0x4000  }
0x88: {  	[sflag:s18] =	ssyncset.done $0x0  }
0x89: {  	[sflag:s18] =	ssyncadd.s32 $0xFFFFC000  }
0x8a: {  	[hbm4b:s13+s3] =	stream.linear.scatter [tilespmem:s3], [sflag:$0x2], $0x4000, $0x38;
	[tilespmem:$0x18100] =	vst v63  }
0x8b: {  	_ =	swait.ge [sflag:s18], $0x4000  }
0x8c: {  	[sflag:s18] =	ssyncset.done $0x0  }
0x8d: {  	[sflag:s18] =	ssyncadd.s32 $0xFFFFC000  }
0x8e: {  	[tilespmem:s3], [sflag:$0x2] =	stream.linear.gather [spmem:s9], $0x4000, $0x38;
	[tilespmem:$0x18100] =	vst v63  }
0x8f: {  	s23 =	sadd.s32 $0x1, s23;
	_ =	swait.ge [sflag:s18], $0x4000  }
0x90: {  	p0 =	sne.s32 s23, s15;
	[sflag:s18] =	ssyncset.done $0x0  }
.Ltmp2:
0x91: {  	[sflag:s18] =	ssyncadd.s32 $0xFFFFC000;
	(pc) =	sbr.rel @p0 .LBB2_1-.Ltmp2, $4  }
0x92: {  	[hbm4b:s14+s3] =	stream.linear.scatter [tilespmem:s3], [sflag:$0x2], $0x4000, $0x38;
	[tilespmem:$0x18100] =	vst v63  }
0x93: {  	_ =	swait.ge [sflag:s18], $0x4000  }
0x94: {  	[sflag:s18] =	ssyncset.done $0x0  }
0x95: {  	[sflag:s18] =	ssyncadd.s32 $0xFFFFC000  }
0x96: {  	_ =	sfence.sel $0x180000  }
0x97: {  	[bflag:$0x0] =	sbarrier.arrive $0xFFFF  }
0x98: {  	p0 =	sne.s32 s1, $0x0;
	_ =	strace $0x9000004D  }
0x99: {  	s0 =	sadd.s32 @!p0 $0x100000, s0;
	[bflag:$0x2] =	sbarrier.arrive $0xFFFF  }
0x9a: {  	[sflag:s0] =	ssyncadd.tile.s32 @!p0 $0x1;
	_ =	shalt  }
.Lfunc_end2:
_tile_overlayer_lowered:
.L_overlay_start_2:
0x9b: {  	(tag) =	ssettag $0x2  }
0x9c: {  	s0 =	rddreg [dreg:$0x0];
	s2 =	stileid.u32  }
0x9d: {  	s1 =	rddreg [dreg:$0x1];
	p0 =	sne.s32 s2, $0x0  }
0x9e: {  	s3 =	rddreg [dreg:$0x2];
	[bflag:$0x3] =	sbarrier.arrive $0xFFFF;
	s2 =	simm.s32 @!p0 $0x1C02  }
0x9f: {  	[timem:s3], [sflag:s2] =	dma.local @!p0 [hbm:s0], s1  }
0xa0: {  	s0 =	simm.s32 @!p0 $0x2  }
0xa1: {  	_ =	swait.ge @!p0 [sflag:s0], s1  }
0xa2: {  	s1 =	ssub.s32 @!p0 $0x0, s1;
	[sflag:s0] =	ssyncset.done @!p0 $0x0  }
0xa3: {  	[sflag:s0] =	ssyncadd.s32 @!p0 s1  }
0xa4: {  	[bflag:$0x3] =	sbarrier.arrive $0xFFFF  }
0xa5: {  	_ =	shalt  }

// kernel: kernel.27.cloned.1.call-start
scs
__scs_entry_jumppad:
0x0: {  	(pc) =	sbr.rel $0x88, $3  }
0x1: {  	(tag) =	ssettag $0x0;
	lr =	simm.s32 $0x1  }
0x2: {  	[smem:$0x3F99] =	sst lr;
	_ =	strace $0xD0000000  }
0x3: {  	_ = 	snop  }
0x4: {  	_ = 	snop  }
0x5: {  	_ = 	snop  }
0x6: {  	_ = 	snop  }
0x7: {  	_ = 	snop  }
__scs_overlays_trampoline_lowered:
0x8: {  	[smem:$0x3FA8] =	sst s0  }
0x9: {  	[smem:$0x3FA9] =	sst s1  }
0xa: {  	[smem:$0x3FAA] =	sst s2  }
0xb: {  	[smem:$0x3FAB] =	sst s3  }
0xc: {  	[smem:$0x3FAC] =	sst s4  }
0xd: {  	[smem:$0x3FAD] =	sst s5  }
0xe: {  	[smem:$0x3FAE] =	sst s6  }
0xf: {  	[smem:$0x3FAF] =	sst s7  }
0x10: {  	[smem:$0x3FB0] =	sst s8  }
0x11: {  	[smem:$0x3FB1] =	sst s9;
	s0 =	simm.s32 @!p0 $0x0  }
0x12: {  	s1 =	sld [smem:$0x3F97];
	s0 =	simm.s32 @p0 $0x1  }
0x13: {  	[smem:$0x3FB2] =	sst s0;
	s0 =	simm.s32 @!p1 $0x0  }
0x14: {  	s2 =	sld [smem:$0x3F96];
	s0 =	simm.s32 @p1 $0x1  }
0x15: {  	[smem:$0x3FB3] =	sst s0;
	s0 =	simm.s32 @!p2 $0x0  }
0x16: {  	s3 =	sld [smem:$0x3FDB];
	s0 =	simm.s32 @p2 $0x1  }
0x17: {  	s4 =	simm.s32 $0x1BF5;
	[smem:$0x3FB5] =	sst s0  }
0x18: {  	s0 =	sld [smem:$0x3F98];
	_ =	swait.ge [sflag:s4], $0x0  }
0x19: {  	s7 =	sld [smem:$0x3F99]  }
0x1a: {  	s8 =	sadd.s32 $0xFFFFE003, lr  }
0x1b: {  	s9 =	sadd.s32 $0xFFFFFEF7, lr;
	s5 =	simm.s32 $0xFFFFFFFF;
	p2 =	slt.u32 s8, $0xFFFFF086  }
0x1c: {  	p1 =	slt.u32 s9, $0xF7A;
	s5 =	simm.s32 @!p2 $0x0  }
0x1d: {  	s5 =	simm.s32 @p1 $0x1;
	p0 =	seq.s32 s7, s2  }
0x1e: {  	s7 =	smul.u32 @!p0 $0xF7A, s2;
	p2 =	seq.s32 @!p0 s5, $0x0  }
0x1f: {  	s9 =	smul.u32 $0xF7A, s1;
	s8 =	simm.s32 @!p0 $0x1BF5;
	p2 =	por !p2, p0  }
0x20: {  	[sflag:s8] =	ssyncset.s32 @!p0 $0xFFFFF086;
	s6 =	sadd.s32 @!p0 s3, s7;
	s7 =	simm.s32 @!p0 $0x108  }
0x21: {  	s3 =	sadd.s32 s3, s9;
	s6 =	sadd.s32 @!p0 $0x88, s6;
	s7 =	simm.s32 @p2 $0x1082  }
0x22: {  	[simem:s7], [sflag:s8] =	dma.local @!p0 [hbm:s6], $0xF7A  }
0x23: {  	s9 =	sor.u32 $0xD0000000, s2;
	s6 =	simm.s32 $0x108;
	_ =	swait.ge @!p0 [sflag:s8], $0x0  }
0x24: {  	s3 =	sadd.s32 $0x88, s3;
	s6 =	simm.s32 @!p1 $0x1082;
	[sflag:s4] =	ssyncset.s32 $0xFFFFF086  }
0x25: {  	[simem:s6], [sflag:s4] =	dma.local [hbm:s3], $0xF7A  }
0x26: {  	[smem:$0x3F99] =	sst s1;
	(tag) =	ssettag s2;
	_ =	strace s9  }
0x27: {  	s1 =	sld [smem:$0x3FA9]  }
0x28: {  	s2 =	sld [smem:$0x3FAA]  }
0x29: {  	s4 =	sld [smem:$0x3FAC]  }
0x2a: {  	p0 =	seq.s32 s5, $0x0;
	s5 =	sld [smem:$0x3FAD]  }
0x2b: {  	s6 =	sld [smem:$0x3FAE]  }
0x2c: {  	s7 =	sld [smem:$0x3FAF]  }
0x2d: {  	s3 =	simm.s32 $0x108;
	s8 =	sld [smem:$0x3FB0]  }
0x2e: {  	s3 =	simm.s32 @!p0 $0x1082;
	s9 =	sld [smem:$0x3FB1]  }
0x2f: {  	lr =	sadd.s32 s0, s3;
	s0 =	sld [smem:$0x3FA8]  }
0x30: {  	s3 =	sld [smem:$0x3FAB]  }
0x31: {  	[smem:$0x3FB4] =	sst s10  }
0x32: {  	s10 =	sld [smem:$0x3FB2];
	_ =	sdelay $0x3  }
0x33: {  	p0 =	seq.s32 s10, $0x1;
	s10 =	sld [smem:$0x3FB4];
	_ =	sdelay $0x3  }
0x34: {  	[smem:$0x3FB4] =	sst s10  }
0x35: {  	s10 =	sld [smem:$0x3FB3];
	_ =	sdelay $0x3  }
0x36: {  	p1 =	seq.s32 s10, $0x1;
	s10 =	sld [smem:$0x3FB4];
	_ =	sdelay $0x3  }
0x37: {  	[smem:$0x3FB4] =	sst s10  }
0x38: {  	s10 =	sld [smem:$0x3FB5]  }
0x39: {  	_ = 	snop;
	(pc) =	sbr.ind lr, $3  }
0x3a: {  	_ = 	snop  }
0x3b: {  	_ = 	snop  }
0x3c: {  	p2 =	seq.s32 s10, $0x1;
	s10 =	sld [smem:$0x3FB4]  }
0x3d: {  	_ =	shalt  }
0x3e: {  	_ =	shalt  }
0x3f: {  	_ =	shalt  }
0x40: {  	_ =	shalt  }
0x41: {  	_ =	shalt  }
0x42: {  	_ =	shalt  }
0x43: {  	_ =	shalt  }
0x44: {  	_ =	shalt  }
0x45: {  	_ =	shalt  }
0x46: {  	_ =	shalt  }
0x47: {  	_ =	shalt  }
0x48: {  	_ =	shalt  }
0x49: {  	_ =	shalt  }
0x4a: {  	_ =	shalt  }
0x4b: {  	_ =	shalt  }
0x4c: {  	_ =	shalt  }
0x4d: {  	_ =	shalt  }
0x4e: {  	_ =	shalt  }
0x4f: {  	_ =	shalt  }
0x50: {  	_ =	shalt  }
0x51: {  	_ =	shalt  }
0x52: {  	_ =	shalt  }
0x53: {  	_ =	shalt  }
0x54: {  	_ =	shalt  }
0x55: {  	_ =	shalt  }
0x56: {  	_ =	shalt  }
0x57: {  	_ =	shalt  }
0x58: {  	_ =	shalt  }
0x59: {  	_ =	shalt  }
0x5a: {  	_ =	shalt  }
0x5b: {  	_ =	shalt  }
0x5c: {  	_ =	shalt  }
0x5d: {  	_ =	shalt  }
0x5e: {  	_ =	shalt  }
0x5f: {  	_ =	shalt  }
0x60: {  	_ =	shalt  }
0x61: {  	_ =	shalt  }
0x62: {  	_ =	shalt  }
0x63: {  	_ =	shalt  }
0x64: {  	_ =	shalt  }
0x65: {  	_ =	shalt  }
0x66: {  	_ =	shalt  }
0x67: {  	_ =	shalt  }
0x68: {  	_ =	shalt  }
0x69: {  	_ =	shalt  }
0x6a: {  	_ =	shalt  }
0x6b: {  	_ =	shalt  }
0x6c: {  	_ =	shalt  }
0x6d: {  	_ =	shalt  }
0x6e: {  	_ =	shalt  }
0x6f: {  	_ =	shalt  }
0x70: {  	_ =	shalt  }
0x71: {  	_ =	shalt  }
0x72: {  	_ =	shalt  }
0x73: {  	_ =	shalt  }
0x74: {  	_ =	shalt  }
0x75: {  	_ =	shalt  }
0x76: {  	_ =	shalt  }
0x77: {  	_ =	shalt  }
0x78: {  	_ =	shalt  }
0x79: {  	_ =	shalt  }
0x7a: {  	_ =	shalt  }
0x7b: {  	_ =	shalt  }
0x7c: {  	_ =	shalt  }
0x7d: {  	_ =	shalt  }
0x7e: {  	_ =	shalt  }
0x7f: {  	_ =	shalt  }
0x80: {  	_ =	shalt  }
0x81: {  	_ =	shalt  }
0x82: {  	_ =	shalt  }
0x83: {  	_ =	shalt  }
0x84: {  	_ =	shalt  }
0x85: {  	_ =	shalt  }
0x86: {  	_ =	shalt  }
0x87: {  	_ =	shalt  }
.Lfunc_end0:
.L_simem_size_0:
called_computation.3_lowered:
.L_overlay_start_0:
0x88: {  	s2 =	sld [smem:$0x3FD9]  }
0x89: {  	s3 =	sld [smem:$0x3FFE];
	_ =	sdelay $0x1  }
0x8a: {  	s1 =	srdreg.scid  }
0x8b: {  	s0 =	sand.u32 $0x1, s1  }
0x8c: {  	s16 =	sshll.u32 s0, $0xA;
	s2 =	sadd.s32 s3, s2  }
0x8d: {  	s2 =	sadd.s32 s2, s16  }
0x8e: {  	[smem:$0x3FC0] =	sst s2  }
0x8f: {  	_ = 	snop  }
0x90: {  	(tm) =	ssettm $0x1  }
0x91: {  	s17 =	sld [smem:$0x3FFB];
	_ =	sdelay $0x3  }
0x92: {  	_ =	strace s17  }
0x93: {  	s2 =	sld [smem:$0x3FFC];
	_ =	sdelay $0x3  }
0x94: {  	_ =	strace s2  }
0x95: {  	s2 =	sld [smem:$0x3FFD];
	_ =	sdelay $0x3  }
0x96: {  	_ =	strace s2  }
0x97: {  	_ =	strace $0x8FFFFFFF  }
0x98: {  	s18 =	sld [smem:$0x3FDB];
	_ =	sdelay $0x1  }
0x99: {  	s19 =	simm.s32 $_scs_section_size  }
0x9a: {  	s4 =	simm.s32 $_size__tile_overlayer_lowered;
	s5 =	simm.s32 $_tile_overlayer_lowered  }
0x9b: {  	s22 =	simm.s32 $0x1BFF;
	s21 =	sshll.u32 s5, $0x1;
	s2 =	sadd.s32 s19, s18  }
0x9c: {  	s6 =	simm.s32 $0x0;
	s20 =	sshll.u32 s4, $0x1;
	s4 =	sadd.s32 s21, s2  }
0x9d: {  	[timem:s6], [sflag:s22] =	dma.local [hbm:s4], s20  }
0x9e: {  	_ =	swait.ge [sflag:s22], s20  }
0x9f: {  	s3 =	ssub.s32 $0x0, s20;
	[sflag:s22] =	ssyncset.done $0x0  }
0xa0: {  	[sflag:s22] =	ssyncadd.s32 s3;
	_ =	sdelay $0x1  }
0xa1: {  	s23 =	simm.s32 $0x1B8B  }
0xa2: {  	_ =	swait.ge [sflag:s23], $0x1  }
0xa3: {  	[sflag:s23] =	ssyncset.done $0x0  }
0xa4: {  	s25 =	simm.s32 $0x1B8E;
	s24 =	sld [smem:$0x3FFE];
	[sflag:s23] =	ssyncadd.s32 $0xFFFFFFFF  }
0xa5: {  	s26 =	simm.s32 $execute0_lowered;
	[smem:$0x3FD2] =	sst s25  }
0xa6: {  	s4 =	sshll.u32 s26, $0x1;
	_ =	strace $0x8000004F;
	[dreg:$0x1] =	wrdreg $0xFFFFFFFF  }
0xa7: {  	s28 =	simm.s32 $_size_execute0_lowered;
	s2 =	sadd.s32 s2, s4;
	[dreg:$0x0] =	wrdreg $0x0  }
0xa8: {  	s4 =	sshll.u32 s28, $0x1;
	[dreg:$0x2] =	wrdreg s2  }
0xa9: {  	[dreg:$0x3] =	wrdreg s4  }
0xaa: {  	[dreg:$0x4] =	wrdreg $0xC0  }
0xab: {  	_ =	task [dreg:s6], $0x5FFFF  }
0xac: {  	[dreg:$0x1] =	wrdreg $0xFFFFFFFF  }
0xad: {  	[dreg:$0x0] =	wrdreg $0x60  }
0xae: {  	[dreg:$0x2] =	wrdreg s24  }
0xaf: {  	[dreg:$0x3] =	wrdreg $0x41000  }
0xb0: {  	[dreg:$0x4] =	wrdreg $0x9  }
0xb1: {  	_ =	task.clear_ibuf [dreg:s6], $0x5FFFF;
	_ =	strace $0x9000004F  }
0xb2: {  	s29 =	simm.s32 $0x9;
	_ =	strace $0x80000051  }
0xb3: {  	_ =	swait.ge [sflag:s29], $0x1  }
0xb4: {  	[sflag:s29] =	ssyncadd.s32 $0xFFFFFFFF  }
0xb5: {  	_ =	strace $0x90000051  }
0xb6: {  	_ =	sfence  }
0xb7: {  	s30 =	sld [smem:$0x0];
	_ =	sdelay $0x2  }
0xb8: {  	s31 =	sshll.u32 s1, $0xD;
	s1 =	sshrl.u32 s1, $0x2  }
0xb9: {  	s3 =	sand.u32 $0x4000, s31;
	s1 =	sadd.s32 s1, s30  }
0xba: {  	s0 =	sor.u32 s3, s0;
	s1 =	sshll.u32 s1, $0x11  }
0xbb: {  	s0 =	sor.u32 s1, s0  }
0xbc: {  	s0 =	sadd.s32 $0x8F2B, s0  }
0xbd: {  	[sflag:s0] =	ssyncadd.remote.s32 $0x1  }
0xbe: {  	_ =	sfence.sel $0xFFFF  }
0xbf: {  	[dreg:$0x0] =	wrdreg $0xFFFFFFFF;
	(pc) =	sbr.abs _section_cstart, $3  }
0xc0: {  	[dreg:$0x1] =	wrdreg $0xFFFFFFFF  }
0xc1: {  	_ =	task.clear_ibuf [dreg:s6], $0x2FFFF;
	_ =	strace $0x9FFFFFFF  }
0xc2: {  	(tm) =	ssettm $0x7FFFFFFF  }
0xc3: {  	_ =	shalt  }
tec
execute0_lowered:
.L_overlay_start_1:
0x0: {  	(tag) =	ssettag $0x1  }
0x1: {  	s5 =	rddreg [dreg:$0x0]  }
0x2: {  	s2 =	rddreg [dreg:$0x1]  }
0x3: {  	s0 =	rddreg [dreg:$0x2];
	s3 =	simm.s32 $0x0;
	s1 =	stileid.u32  }
0x4: {  	s4 =	srdreg.scid;
	s20 =	simm.s32 $0x4080;
	s6 =	smul.u32 $0x9E0, s1  }
0x5: {  	s21 =	simm.s32 $0x80;
	[smem:$0x7FF] =	sst s3;
	s10 =	smul.u32 $0x280, s1  }
0x6: {  	s12 =	sand.u32 $0x1, s4;
	s4 =	sadd.s32 $0x69000, s5;
	s8 =	smul.u32 $0x50000, s1  }
0x7: {  	s14 =	sadd.s32 $0x131000, s5;
	_ =	strace $0x80000050;
	s19 =	smul.u32 $0x2800, s12  }
0x8: {  	s7 =	ssub.s32 $0x2, s12;
	s28 =	smul.u32 $0x4F0, s12;
	s15 =	sadd.s32 s6, s5  }
0x9: {  	s22 =	sshrl.u32 s7, $0x1;
	s23 =	sshrl.u32 s8, $0x2;
	s11 =	sadd.s32 $0x80, s10  }
0xa: {  	s13 =	sadd.s32 $0x100, s10;
	s17 =	sadd.s32 $0x180, s10;
	s18 =	sadd.s32 $0x200, s10  }
0xb: {  	s16 =	ssub.s32 s7, s22;
	s5 =	sadd.s32 s23, s2;
	s24 =	sshll.u32 s11, $0x7  }
0xc: {  	s25 =	sshll.u32 s13, $0x7;
	s26 =	sshll.u32 s17, $0x7;
	s9 =	sshll.u32 s18, $0x7  }
0xd: {  	s10 =	sadd.s32 s10, s19;
	s11 =	sadd.s32 s19, s11;
	s13 =	sadd.s32 s19, s13  }
0xe: {  	s17 =	sadd.s32 s19, s17;
	s18 =	sadd.s32 s19, s18;
	s31 =	sadd.s32 s28, s15  }
0xf: {  	s19 =	simm.s32 $0x4000;
	s22 =	simm.s32 $0x1;
	s23 =	simm.s32 $0x0  }
0x10: {  	s6 =	sadd.s32 s24, s2;
	s7 =	sadd.s32 s25, s2;
	s8 =	sadd.s32 s26, s2  }
0x11: {  	s9 =	sadd.s32 s9, s2;
	s10 =	sshll.u32 s10, $0x4;
	s11 =	sshll.u32 s11, $0x4  }
0x12: {  	s13 =	sshll.u32 s13, $0x4;
	s29 =	sshll.u32 s17, $0x4;
	s30 =	sshll.u32 s18, $0x4  }
0x13: {  	s15 =	smax.u32 s16, $0x1;
	s16 =	sadd.s32 $0x37200, s31;
	s17 =	sadd.s32 $0x4A00, s31  }
0x14: {  	s18 =	simm.s32 $0x2;
	s10 =	sadd.s32 s14, s10;
	s11 =	sadd.s32 s14, s11  }
0x15: {  	v0 =	vimm.f32 $0.0e+00;
	s12 =	sadd.s32 s14, s13;
	s13 =	sadd.s32 s14, s29;
	s14 =	sadd.s32 s14, s30  }
.LBB2_1:
0x16: {  	s24 =	simm.s32 $0x0;
	s25 =	simm.s32 $0x200  }
.LBB2_2:
0x17: {  	p0 =	sne.s32 s25, $0xFE00;
	[tilespmem:s24+$0x70] =	vst v0  }
0x18: {  	[tilespmem:s24+$0x0] =	vst v0  }
0x19: {  	[tilespmem:s24+$0x10] =	vst v0  }
.Ltmp0:
0x1a: {  	[tilespmem:s24+$0x20] =	vst v0;
	(pc) =	sbr.rel @p0 .LBB2_2-.Ltmp0, $4  }
0x1b: {  	[tilespmem:s24+$0x30] =	vst v0  }
0x1c: {  	[tilespmem:s24+$0x40] =	vst v0  }
0x1d: {  	[tilespmem:s24+$0x50] =	vst v0  }
0x1e: {  	[tilespmem:s24+$0x60] =	vst v0;
	s24 =	sshra.s32 s25, $0x2;
	s25 =	sadd.s32 $0x200, s25  }
0x1f: {  	[tilespmem:s24+$0x70] =	vst v0  }
0x20: {  	[tilespmem:s24+$0x0] =	vst v0  }
0x21: {  	[tilespmem:s24+$0x10] =	vst v0  }
0x22: {  	[tilespmem:s24+$0x20] =	vst v0  }
0x23: {  	[tilespmem:s24+$0x30] =	vst v0  }
0x24: {  	[tilespmem:s24+$0x40] =	vst v0  }
0x25: {  	[tilespmem:s24+$0x50] =	vst v0  }
0x26: {  	[tilespmem:s24+$0x60] =	vst v0;
	s29 =	simm.s32 $0x0  }
0x27: {  	[spmem:s5] =	stream.linear.scatter [tilespmem:s29], [sflag:$0x2], $0x4000, $0x38;
	[tilespmem:$0x18100] =	vst v63  }
0x28: {  	_ =	swait.ge [sflag:s18], $0x4000  }
0x29: {  	[sflag:s18] =	ssyncset.done $0x0  }
0x2a: {  	[sflag:s18] =	ssyncadd.s32 $0xFFFFC000  }
0x2b: {  	[spmem:s6] =	stream.linear.scatter [tilespmem:s29], [sflag:$0x2], $0x4000, $0x38;
	[tilespmem:$0x18100] =	vst v63  }
0x2c: {  	_ =	swait.ge [sflag:s18], $0x4000  }
0x2d: {  	[sflag:s18] =	ssyncset.done $0x0  }
0x2e: {  	[sflag:s18] =	ssyncadd.s32 $0xFFFFC000  }
0x2f: {  	[spmem:s7] =	stream.linear.scatter [tilespmem:s29], [sflag:$0x2], $0x4000, $0x38;
	[tilespmem:$0x18100] =	vst v63  }
0x30: {  	_ =	swait.ge [sflag:s18], $0x4000  }
0x31: {  	[sflag:s18] =	ssyncset.done $0x0  }
0x32: {  	[sflag:s18] =	ssyncadd.s32 $0xFFFFC000  }
0x33: {  	[spmem:s8] =	stream.linear.scatter [tilespmem:s29], [sflag:$0x2], $0x4000, $0x38;
	[tilespmem:$0x18100] =	vst v63  }
0x34: {  	_ =	swait.ge [sflag:s18], $0x4000  }
0x35: {  	[sflag:s18] =	ssyncset.done $0x0  }
0x36: {  	[sflag:s18] =	ssyncadd.s32 $0xFFFFC000  }
0x37: {  	[spmem:s9] =	stream.linear.scatter [tilespmem:s29], [sflag:$0x2], $0x4000, $0x38;
	[tilespmem:$0x18100] =	vst v63  }
0x38: {  	_ =	swait.ge [sflag:s18], $0x4000  }
0x39: {  	[sflag:s18] =	ssyncset.done $0x0  }
0x3a: {  	[sflag:s18] =	ssyncadd.s32 $0xFFFFC000  }
0x3b: {  	s30 =	sadd.s32 $0x0, s17;
	[bflag:$0x0] =	sbarrier.arrive $0xFFFF  }
0x3c: {  	[tilespmem:s19], [sflag:$0x2] =	stream.linear.gather [hbm4b:s30+s3], $0x80, $0x38;
	[tilespmem:$0x18100] =	vst v63  }
0x3d: {  	_ =	swait.ge [sflag:s18], $0x80  }
0x3e: {  	[sflag:s18] =	ssyncset.done $0x0  }
0x3f: {  	s31 =	sadd.s32 $0x0, s16;
	[sflag:s18] =	ssyncadd.s32 $0xFFFFFF80  }
0x40: {  	[tilespmem:s20], [sflag:$0x2] =	stream.linear.gather [hbm4b:s31+s3], $0x80, $0x38;
	[tilespmem:$0x18100] =	vst v63  }
0x41: {  	_ =	swait.ge [sflag:s18], $0x80  }
0x42: {  	[sflag:s18] =	ssyncset.done $0x0  }
0x43: {  	[sflag:s18] =	ssyncadd.s32 $0xFFFFFF80  }
0x44: {  	[tilespmem:s3], [sflag:$0x1] =	stream.indirect.gather [hbm4b:s4+s21], $0x80, s19, s21, $0xb8;
	[tilespmem:$0x18100] =	vst v63  }
0x45: {  	_ =	swait.ge [sflag:s22], $0x4000  }
0x46: {  	[sflag:s22] =	ssyncset.done $0x0  }
0x47: {  	[sflag:s22] =	ssyncadd.s32 $0xFFFFC000  }
0x48: {  	[spmem:s2] =	stream.indirect.scatter.add.f32 [tilespmem:s3], [sflag:$0x2], $0x80, s20, s21, $0xb8;
	[tilespmem:$0x18100] =	vst v63  }
0x49: {  	_ =	swait.ge [sflag:s18], $0x4000  }
0x4a: {  	s24 =	simm.s32 $0x10;
	s25 =	simm.s32 $0x20;
	[sflag:s18] =	ssyncset.done $0x0  }
.LBB2_4:
0x4b: {  	s26 =	sadd.s32 s24, s17  }
0x4c: {  	[sflag:s18] =	ssyncadd.s32 $0xFFFFC000;
	s28 =	smov.u32 s25;
	s29 =	sadd.s32 $0x10, s25  }
0x4d: {  	[tilespmem:s19], [sflag:$0x2] =	stream.linear.gather [hbm4b:s26+s3], $0x80, $0x38;
	[tilespmem:$0x18100] =	vst v63  }
0x4e: {  	p0 =	sne.s32 s25, $0x4E0;
	_ =	swait.ge [sflag:s18], $0x80  }
0x4f: {  	[sflag:s18] =	ssyncset.done $0x0  }
0x50: {  	s25 =	sadd.s32 s24, s16;
	s24 =	smov.u32 s28;
	[sflag:s18] =	ssyncadd.s32 $0xFFFFFF80  }
0x51: {  	[tilespmem:s20], [sflag:$0x2] =	stream.linear.gather [hbm4b:s25+s3], $0x80, $0x38;
	[tilespmem:$0x18100] =	vst v63  }
0x52: {  	_ =	swait.ge [sflag:s18], $0x80  }
0x53: {  	[sflag:s18] =	ssyncset.done $0x0  }
0x54: {  	[sflag:s18] =	ssyncadd.s32 $0xFFFFFF80  }
0x55: {  	[tilespmem:s3], [sflag:$0x1] =	stream.indirect.gather [hbm4b:s4+s21], $0x80, s19, s21, $0xb8;
	[tilespmem:$0x18100] =	vst v63  }
0x56: {  	_ =	swait.ge [sflag:s22], $0x4000  }
.Ltmp1:
0x57: {  	[sflag:s22] =	ssyncset.done $0x0;
	(pc) =	sbr.rel @p0 .LBB2_4-.Ltmp1, $4  }
0x58: {  	[sflag:s22] =	ssyncadd.s32 $0xFFFFC000  }
0x59: {  	[spmem:s2] =	stream.indirect.scatter.add.f32 [tilespmem:s3], [sflag:$0x2], $0x80, s20, s21, $0xb8;
	[tilespmem:$0x18100] =	vst v63  }
0x5a: {  	_ =	swait.ge [sflag:s18], $0x4000  }
0x5b: {  	s25 =	smov.u32 s29;
	[sflag:s18] =	ssyncset.done $0x0  }
0x5c: {  	s25 =	sadd.s32 s24, s17;
	[sflag:s18] =	ssyncadd.s32 $0xFFFFC000  }
0x5d: {  	[tilespmem:s19], [sflag:$0x2] =	stream.linear.gather [hbm4b:s25+s3], $0x80, $0x38;
	[tilespmem:$0x18100] =	vst v63  }
0x5e: {  	_ =	swait.ge [sflag:s18], $0x80  }
0x5f: {  	[sflag:s18] =	ssyncset.done $0x0  }
0x60: {  	s31 =	sadd.s32 s24, s16;
	[sflag:s18] =	ssyncadd.s32 $0xFFFFFF80  }
0x61: {  	[tilespmem:s20], [sflag:$0x2] =	stream.linear.gather [hbm4b:s31+s3], $0x80, $0x38;
	[tilespmem:$0x18100] =	vst v63  }
0x62: {  	_ =	swait.ge [sflag:s18], $0x80  }
0x63: {  	[sflag:s18] =	ssyncset.done $0x0  }
0x64: {  	[sflag:s18] =	ssyncadd.s32 $0xFFFFFF80  }
0x65: {  	[tilespmem:s3], [sflag:$0x1] =	stream.indirect.gather [hbm4b:s4+s21], $0x80, s19, s21, $0xb8;
	[tilespmem:$0x18100] =	vst v63  }
0x66: {  	_ =	swait.ge [sflag:s22], $0x4000  }
0x67: {  	[sflag:s22] =	ssyncset.done $0x0  }
0x68: {  	[sflag:s22] =	ssyncadd.s32 $0xFFFFC000  }
0x69: {  	[spmem:s2] =	stream.indirect.scatter.add.f32 [tilespmem:s3], [sflag:$0x2], $0x80, s20, s21, $0xb8;
	[tilespmem:$0x18100] =	vst v63  }
0x6a: {  	_ =	swait.ge [sflag:s18], $0x4000  }
0x6b: {  	[sflag:s18] =	ssyncset.done $0x0  }
0x6c: {  	[sflag:s18] =	ssyncadd.s32 $0xFFFFC000  }
0x6d: {  	[bflag:$0x0] =	sbarrier.arrive $0xFFFF  }
0x6e: {  	[tilespmem:s3], [sflag:$0x2] =	stream.linear.gather [spmem:s5], $0x4000, $0x38;
	[tilespmem:$0x18100] =	vst v63  }
0x6f: {  	_ =	swait.ge [sflag:s18], $0x4000  }
0x70: {  	[sflag:s18] =	ssyncset.done $0x0  }
0x71: {  	[sflag:s18] =	ssyncadd.s32 $0xFFFFC000  }
0x72: {  	[hbm4b:s10+s3] =	stream.linear.scatter [tilespmem:s3], [sflag:$0x2], $0x4000, $0x38;
	[tilespmem:$0x18100] =	vst v63  }
0x73: {  	_ =	swait.ge [sflag:s18], $0x4000  }
0x74: {  	[sflag:s18] =	ssyncset.done $0x0  }
0x75: {  	[sflag:s18] =	ssyncadd.s32 $0xFFFFC000  }
0x76: {  	[tilespmem:s3], [sflag:$0x2] =	stream.linear.gather [spmem:s6], $0x4000, $0x38;
	[tilespmem:$0x18100] =	vst v63  }
0x77: {  	_ =	swait.ge [sflag:s18], $0x4000  }
0x78: {  	[sflag:s18] =	ssyncset.done $0x0  }
0x79: {  	[sflag:s18] =	ssyncadd.s32 $0xFFFFC000  }
0x7a: {  	[hbm4b:s11+s3] =	stream.linear.scatter [tilespmem:s3], [sflag:$0x2], $0x4000, $0x38;
	[tilespmem:$0x18100] =	vst v63  }
0x7b: {  	_ =	swait.ge [sflag:s18], $0x4000  }
0x7c: {  	[sflag:s18] =	ssyncset.done $0x0  }
0x7d: {  	[sflag:s18] =	ssyncadd.s32 $0xFFFFC000  }
0x7e: {  	[tilespmem:s3], [sflag:$0x2] =	stream.linear.gather [spmem:s7], $0x4000, $0x38;
	[tilespmem:$0x18100] =	vst v63  }
0x7f: {  	_ =	swait.ge [sflag:s18], $0x4000  }
0x80: {  	[sflag:s18] =	ssyncset.done $0x0  }
0x81: {  	[sflag:s18] =	ssyncadd.s32 $0xFFFFC000  }
0x82: {  	[hbm4b:s12+s3] =	stream.linear.scatter [tilespmem:s3], [sflag:$0x2], $0x4000, $0x38;
	[tilespmem:$0x18100] =	vst v63  }
0x83: {  	_ =	swait.ge [sflag:s18], $0x4000  }
0x84: {  	[sflag:s18] =	ssyncset.done $0x0  }
0x85: {  	[sflag:s18] =	ssyncadd.s32 $0xFFFFC000  }
0x86: {  	[tilespmem:s3], [sflag:$0x2] =	stream.linear.gather [spmem:s8], $0x4000, $0x38;
	[tilespmem:$0x18100] =	vst v63  }
0x87: {  	_ =	swait.ge [sflag:s18], $0x4000  }
0x88: {  	[sflag:s18] =	ssyncset.done $0x0  }
0x89: {  	[sflag:s18] =	ssyncadd.s32 $0xFFFFC000  }
0x8a: {  	[hbm4b:s13+s3] =	stream.linear.scatter [tilespmem:s3], [sflag:$0x2], $0x4000, $0x38;
	[tilespmem:$0x18100] =	vst v63  }
0x8b: {  	_ =	swait.ge [sflag:s18], $0x4000  }
0x8c: {  	[sflag:s18] =	ssyncset.done $0x0  }
0x8d: {  	[sflag:s18] =	ssyncadd.s32 $0xFFFFC000  }
0x8e: {  	[tilespmem:s3], [sflag:$0x2] =	stream.linear.gather [spmem:s9], $0x4000, $0x38;
	[tilespmem:$0x18100] =	vst v63  }
0x8f: {  	s23 =	sadd.s32 $0x1, s23;
	_ =	swait.ge [sflag:s18], $0x4000  }
0x90: {  	p0 =	sne.s32 s23, s15;
	[sflag:s18] =	ssyncset.done $0x0  }
.Ltmp2:
0x91: {  	[sflag:s18] =	ssyncadd.s32 $0xFFFFC000;
	(pc) =	sbr.rel @p0 .LBB2_1-.Ltmp2, $4  }
0x92: {  	[hbm4b:s14+s3] =	stream.linear.scatter [tilespmem:s3], [sflag:$0x2], $0x4000, $0x38;
	[tilespmem:$0x18100] =	vst v63  }
0x93: {  	_ =	swait.ge [sflag:s18], $0x4000  }
0x94: {  	[sflag:s18] =	ssyncset.done $0x0  }
0x95: {  	[sflag:s18] =	ssyncadd.s32 $0xFFFFC000  }
0x96: {  	_ =	sfence.sel $0x180000  }
0x97: {  	[bflag:$0x0] =	sbarrier.arrive $0xFFFF  }
0x98: {  	p0 =	sne.s32 s1, $0x0;
	_ =	strace $0x90000050  }
0x99: {  	s0 =	sadd.s32 @!p0 $0x100000, s0;
	[bflag:$0x2] =	sbarrier.arrive $0xFFFF  }
0x9a: {  	[sflag:s0] =	ssyncadd.tile.s32 @!p0 $0x1;
	_ =	shalt  }
.Lfunc_end2:
_tile_overlayer_lowered:
.L_overlay_start_2:
0x9b: {  	(tag) =	ssettag $0x2  }
0x9c: {  	s0 =	rddreg [dreg:$0x0];
	s2 =	stileid.u32  }
0x9d: {  	s1 =	rddreg [dreg:$0x1];
	p0 =	sne.s32 s2, $0x0  }
0x9e: {  	s3 =	rddreg [dreg:$0x2];
	[bflag:$0x3] =	sbarrier.arrive $0xFFFF;
	s2 =	simm.s32 @!p0 $0x1C02  }
0x9f: {  	[timem:s3], [sflag:s2] =	dma.local @!p0 [hbm:s0], s1  }
0xa0: {  	s0 =	simm.s32 @!p0 $0x2  }
0xa1: {  	_ =	swait.ge @!p0 [sflag:s0], s1  }
0xa2: {  	s1 =	ssub.s32 @!p0 $0x0, s1;
	[sflag:s0] =	ssyncset.done @!p0 $0x0  }
0xa3: {  	[sflag:s0] =	ssyncadd.s32 @!p0 s1  }
0xa4: {  	[bflag:$0x3] =	sbarrier.arrive $0xFFFF  }
0xa5: {  	_ =	shalt  }

// kernel: kernel.30.cloned.1.call-start
scs
__scs_entry_jumppad:
0x0: {  	(pc) =	sbr.rel $0x88, $3  }
0x1: {  	(tag) =	ssettag $0x0;
	lr =	simm.s32 $0x1  }
0x2: {  	[smem:$0x3F99] =	sst lr;
	_ =	strace $0xD0000000  }
0x3: {  	_ = 	snop  }
0x4: {  	_ = 	snop  }
0x5: {  	_ = 	snop  }
0x6: {  	_ = 	snop  }
0x7: {  	_ = 	snop  }
__scs_overlays_trampoline_lowered:
0x8: {  	[smem:$0x3FA8] =	sst s0  }
0x9: {  	[smem:$0x3FA9] =	sst s1  }
0xa: {  	[smem:$0x3FAA] =	sst s2  }
0xb: {  	[smem:$0x3FAB] =	sst s3  }
0xc: {  	[smem:$0x3FAC] =	sst s4  }
0xd: {  	[smem:$0x3FAD] =	sst s5  }
0xe: {  	[smem:$0x3FAE] =	sst s6  }
0xf: {  	[smem:$0x3FAF] =	sst s7  }
0x10: {  	[smem:$0x3FB0] =	sst s8  }
0x11: {  	[smem:$0x3FB1] =	sst s9;
	s0 =	simm.s32 @!p0 $0x0  }
0x12: {  	s1 =	sld [smem:$0x3F97];
	s0 =	simm.s32 @p0 $0x1  }
0x13: {  	[smem:$0x3FB2] =	sst s0;
	s0 =	simm.s32 @!p1 $0x0  }
0x14: {  	s2 =	sld [smem:$0x3F96];
	s0 =	simm.s32 @p1 $0x1  }
0x15: {  	[smem:$0x3FB3] =	sst s0;
	s0 =	simm.s32 @!p2 $0x0  }
0x16: {  	s3 =	sld [smem:$0x3FDB];
	s0 =	simm.s32 @p2 $0x1  }
0x17: {  	s4 =	simm.s32 $0x1BF5;
	[smem:$0x3FB5] =	sst s0  }
0x18: {  	s0 =	sld [smem:$0x3F98];
	_ =	swait.ge [sflag:s4], $0x0  }
0x19: {  	s7 =	sld [smem:$0x3F99]  }
0x1a: {  	s8 =	sadd.s32 $0xFFFFE003, lr  }
0x1b: {  	s9 =	sadd.s32 $0xFFFFFEF7, lr;
	s5 =	simm.s32 $0xFFFFFFFF;
	p2 =	slt.u32 s8, $0xFFFFF086  }
0x1c: {  	p1 =	slt.u32 s9, $0xF7A;
	s5 =	simm.s32 @!p2 $0x0  }
0x1d: {  	s5 =	simm.s32 @p1 $0x1;
	p0 =	seq.s32 s7, s2  }
0x1e: {  	s7 =	smul.u32 @!p0 $0xF7A, s2;
	p2 =	seq.s32 @!p0 s5, $0x0  }
0x1f: {  	s9 =	smul.u32 $0xF7A, s1;
	s8 =	simm.s32 @!p0 $0x1BF5;
	p2 =	por !p2, p0  }
0x20: {  	[sflag:s8] =	ssyncset.s32 @!p0 $0xFFFFF086;
	s6 =	sadd.s32 @!p0 s3, s7;
	s7 =	simm.s32 @!p0 $0x108  }
0x21: {  	s3 =	sadd.s32 s3, s9;
	s6 =	sadd.s32 @!p0 $0x88, s6;
	s7 =	simm.s32 @p2 $0x1082  }
0x22: {  	[simem:s7], [sflag:s8] =	dma.local @!p0 [hbm:s6], $0xF7A  }
0x23: {  	s9 =	sor.u32 $0xD0000000, s2;
	s6 =	simm.s32 $0x108;
	_ =	swait.ge @!p0 [sflag:s8], $0x0  }
0x24: {  	s3 =	sadd.s32 $0x88, s3;
	s6 =	simm.s32 @!p1 $0x1082;
	[sflag:s4] =	ssyncset.s32 $0xFFFFF086  }
0x25: {  	[simem:s6], [sflag:s4] =	dma.local [hbm:s3], $0xF7A  }
0x26: {  	[smem:$0x3F99] =	sst s1;
	(tag) =	ssettag s2;
	_ =	strace s9  }
0x27: {  	s1 =	sld [smem:$0x3FA9]  }
0x28: {  	s2 =	sld [smem:$0x3FAA]  }
0x29: {  	s4 =	sld [smem:$0x3FAC]  }
0x2a: {  	p0 =	seq.s32 s5, $0x0;
	s5 =	sld [smem:$0x3FAD]  }
0x2b: {  	s6 =	sld [smem:$0x3FAE]  }
0x2c: {  	s7 =	sld [smem:$0x3FAF]  }
0x2d: {  	s3 =	simm.s32 $0x108;
	s8 =	sld [smem:$0x3FB0]  }
0x2e: {  	s3 =	simm.s32 @!p0 $0x1082;
	s9 =	sld [smem:$0x3FB1]  }
0x2f: {  	lr =	sadd.s32 s0, s3;
	s0 =	sld [smem:$0x3FA8]  }
0x30: {  	s3 =	sld [smem:$0x3FAB]  }
0x31: {  	[smem:$0x3FB4] =	sst s10  }
0x32: {  	s10 =	sld [smem:$0x3FB2];
	_ =	sdelay $0x3  }
0x33: {  	p0 =	seq.s32 s10, $0x1;
	s10 =	sld [smem:$0x3FB4];
	_ =	sdelay $0x3  }
0x34: {  	[smem:$0x3FB4] =	sst s10  }
0x35: {  	s10 =	sld [smem:$0x3FB3];
	_ =	sdelay $0x3  }
0x36: {  	p1 =	seq.s32 s10, $0x1;
	s10 =	sld [smem:$0x3FB4];
	_ =	sdelay $0x3  }
0x37: {  	[smem:$0x3FB4] =	sst s10  }
0x38: {  	s10 =	sld [smem:$0x3FB5]  }
0x39: {  	_ = 	snop;
	(pc) =	sbr.ind lr, $3  }
0x3a: {  	_ = 	snop  }
0x3b: {  	_ = 	snop  }
0x3c: {  	p2 =	seq.s32 s10, $0x1;
	s10 =	sld [smem:$0x3FB4]  }
0x3d: {  	_ =	shalt  }
0x3e: {  	_ =	shalt  }
0x3f: {  	_ =	shalt  }
0x40: {  	_ =	shalt  }
0x41: {  	_ =	shalt  }
0x42: {  	_ =	shalt  }
0x43: {  	_ =	shalt  }
0x44: {  	_ =	shalt  }
0x45: {  	_ =	shalt  }
0x46: {  	_ =	shalt  }
0x47: {  	_ =	shalt  }
0x48: {  	_ =	shalt  }
0x49: {  	_ =	shalt  }
0x4a: {  	_ =	shalt  }
0x4b: {  	_ =	shalt  }
0x4c: {  	_ =	shalt  }
0x4d: {  	_ =	shalt  }
0x4e: {  	_ =	shalt  }
0x4f: {  	_ =	shalt  }
0x50: {  	_ =	shalt  }
0x51: {  	_ =	shalt  }
0x52: {  	_ =	shalt  }
0x53: {  	_ =	shalt  }
0x54: {  	_ =	shalt  }
0x55: {  	_ =	shalt  }
0x56: {  	_ =	shalt  }
0x57: {  	_ =	shalt  }
0x58: {  	_ =	shalt  }
0x59: {  	_ =	shalt  }
0x5a: {  	_ =	shalt  }
0x5b: {  	_ =	shalt  }
0x5c: {  	_ =	shalt  }
0x5d: {  	_ =	shalt  }
0x5e: {  	_ =	shalt  }
0x5f: {  	_ =	shalt  }
0x60: {  	_ =	shalt  }
0x61: {  	_ =	shalt  }
0x62: {  	_ =	shalt  }
0x63: {  	_ =	shalt  }
0x64: {  	_ =	shalt  }
0x65: {  	_ =	shalt  }
0x66: {  	_ =	shalt  }
0x67: {  	_ =	shalt  }
0x68: {  	_ =	shalt  }
0x69: {  	_ =	shalt  }
0x6a: {  	_ =	shalt  }
0x6b: {  	_ =	shalt  }
0x6c: {  	_ =	shalt  }
0x6d: {  	_ =	shalt  }
0x6e: {  	_ =	shalt  }
0x6f: {  	_ =	shalt  }
0x70: {  	_ =	shalt  }
0x71: {  	_ =	shalt  }
0x72: {  	_ =	shalt  }
0x73: {  	_ =	shalt  }
0x74: {  	_ =	shalt  }
0x75: {  	_ =	shalt  }
0x76: {  	_ =	shalt  }
0x77: {  	_ =	shalt  }
0x78: {  	_ =	shalt  }
0x79: {  	_ =	shalt  }
0x7a: {  	_ =	shalt  }
0x7b: {  	_ =	shalt  }
0x7c: {  	_ =	shalt  }
0x7d: {  	_ =	shalt  }
0x7e: {  	_ =	shalt  }
0x7f: {  	_ =	shalt  }
0x80: {  	_ =	shalt  }
0x81: {  	_ =	shalt  }
0x82: {  	_ =	shalt  }
0x83: {  	_ =	shalt  }
0x84: {  	_ =	shalt  }
0x85: {  	_ =	shalt  }
0x86: {  	_ =	shalt  }
0x87: {  	_ =	shalt  }
.Lfunc_end0:
.L_simem_size_0:
called_computation.4_lowered:
.L_overlay_start_0:
0x88: {  	s2 =	sld [smem:$0x3FD9]  }
0x89: {  	s3 =	sld [smem:$0x3FFE];
	_ =	sdelay $0x1  }
0x8a: {  	s1 =	srdreg.scid  }
0x8b: {  	s0 =	sand.u32 $0x1, s1  }
0x8c: {  	s16 =	sshll.u32 s0, $0xA;
	s2 =	sadd.s32 s3, s2  }
0x8d: {  	s2 =	sadd.s32 s2, s16  }
0x8e: {  	[smem:$0x3FC0] =	sst s2  }
0x8f: {  	_ = 	snop  }
0x90: {  	(tm) =	ssettm $0x1  }
0x91: {  	s17 =	sld [smem:$0x3FFB];
	_ =	sdelay $0x3  }
0x92: {  	_ =	strace s17  }
0x93: {  	s2 =	sld [smem:$0x3FFC];
	_ =	sdelay $0x3  }
0x94: {  	_ =	strace s2  }
0x95: {  	s2 =	sld [smem:$0x3FFD];
	_ =	sdelay $0x3  }
0x96: {  	_ =	strace s2  }
0x97: {  	_ =	strace $0x8FFFFFFF  }
0x98: {  	s18 =	sld [smem:$0x3FDB];
	_ =	sdelay $0x1  }
0x99: {  	s19 =	simm.s32 $_scs_section_size  }
0x9a: {  	s4 =	simm.s32 $_size__tile_overlayer_lowered;
	s5 =	simm.s32 $_tile_overlayer_lowered  }
0x9b: {  	s22 =	simm.s32 $0x1BFF;
	s21 =	sshll.u32 s5, $0x1;
	s2 =	sadd.s32 s19, s18  }
0x9c: {  	s6 =	simm.s32 $0x0;
	s20 =	sshll.u32 s4, $0x1;
	s4 =	sadd.s32 s21, s2  }
0x9d: {  	[timem:s6], [sflag:s22] =	dma.local [hbm:s4], s20  }
0x9e: {  	_ =	swait.ge [sflag:s22], s20  }
0x9f: {  	s3 =	ssub.s32 $0x0, s20;
	[sflag:s22] =	ssyncset.done $0x0  }
0xa0: {  	[sflag:s22] =	ssyncadd.s32 s3;
	_ =	sdelay $0x1  }
0xa1: {  	s23 =	simm.s32 $0x1B8B  }
0xa2: {  	_ =	swait.ge [sflag:s23], $0x1  }
0xa3: {  	[sflag:s23] =	ssyncset.done $0x0  }
0xa4: {  	s25 =	simm.s32 $0x1B8E;
	s24 =	sld [smem:$0x3FFE];
	[sflag:s23] =	ssyncadd.s32 $0xFFFFFFFF  }
0xa5: {  	s26 =	simm.s32 $execute0_lowered;
	[smem:$0x3FD2] =	sst s25  }
0xa6: {  	s4 =	sshll.u32 s26, $0x1;
	_ =	strace $0x80000052;
	[dreg:$0x1] =	wrdreg $0xFFFFFFFF  }
0xa7: {  	s28 =	simm.s32 $_size_execute0_lowered;
	s2 =	sadd.s32 s2, s4;
	[dreg:$0x0] =	wrdreg $0x0  }
0xa8: {  	s4 =	sshll.u32 s28, $0x1;
	[dreg:$0x2] =	wrdreg s2  }
0xa9: {  	[dreg:$0x3] =	wrdreg s4  }
0xaa: {  	[dreg:$0x4] =	wrdreg $0xC0  }
0xab: {  	_ =	task [dreg:s6], $0x5FFFF  }
0xac: {  	[dreg:$0x1] =	wrdreg $0xFFFFFFFF  }
0xad: {  	[dreg:$0x0] =	wrdreg $0x60  }
0xae: {  	[dreg:$0x2] =	wrdreg s24  }
0xaf: {  	[dreg:$0x3] =	wrdreg $0x41000  }
0xb0: {  	[dreg:$0x4] =	wrdreg $0x9  }
0xb1: {  	_ =	task.clear_ibuf [dreg:s6], $0x5FFFF;
	_ =	strace $0x90000052  }
0xb2: {  	s29 =	simm.s32 $0x9;
	_ =	strace $0x80000054  }
0xb3: {  	_ =	swait.ge [sflag:s29], $0x1  }
0xb4: {  	[sflag:s29] =	ssyncadd.s32 $0xFFFFFFFF  }
0xb5: {  	_ =	strace $0x90000054  }
0xb6: {  	_ =	sfence  }
0xb7: {  	s30 =	sld [smem:$0x0];
	_ =	sdelay $0x2  }
0xb8: {  	s31 =	sshll.u32 s1, $0xD;
	s1 =	sshrl.u32 s1, $0x2  }
0xb9: {  	s3 =	sand.u32 $0x4000, s31;
	s1 =	sadd.s32 s1, s30  }
0xba: {  	s0 =	sor.u32 s3, s0;
	s1 =	sshll.u32 s1, $0x11  }
0xbb: {  	s0 =	sor.u32 s1, s0  }
0xbc: {  	s0 =	sadd.s32 $0x8F2B, s0  }
0xbd: {  	[sflag:s0] =	ssyncadd.remote.s32 $0x1  }
0xbe: {  	_ =	sfence.sel $0xFFFF  }
0xbf: {  	[dreg:$0x0] =	wrdreg $0xFFFFFFFF;
	(pc) =	sbr.abs _section_cstart, $3  }
0xc0: {  	[dreg:$0x1] =	wrdreg $0xFFFFFFFF  }
0xc1: {  	_ =	task.clear_ibuf [dreg:s6], $0x2FFFF;
	_ =	strace $0x9FFFFFFF  }
0xc2: {  	(tm) =	ssettm $0x7FFFFFFF  }
0xc3: {  	_ =	shalt  }
tec
execute0_lowered:
.L_overlay_start_1:
0x0: {  	(tag) =	ssettag $0x1  }
0x1: {  	s0 =	srdreg.scid;
	s5 =	rddreg [dreg:$0x0]  }
0x2: {  	s2 =	rddreg [dreg:$0x1];
	s6 =	sand.u32 $0x1, s0  }
0x3: {  	s0 =	stileid.u32;
	s4 =	smul.u32 $0x4F000, s6  }
0x4: {  	s1 =	rddreg [dreg:$0x2];
	s7 =	smul.u32 $0x4F00, s0  }
0x5: {  	s3 =	simm.s32 $0x0;
	s22 =	simm.s32 $0x1;
	s8 =	smul.u32 $0x9E0, s0  }
0x6: {  	s23 =	simm.s32 $0x0;
	[smem:$0x7FF] =	sst s3;
	s25 =	smul.u32 $0x50000, s0  }
0x7: {  	s14 =	sadd.s32 $0x109000, s5;
	s26 =	ssub.s32 $0x2, s6;
	s9 =	smul.u32 $0x280, s0  }
0x8: {  	_ =	strace $0x80000053;
	s18 =	smul.u32 $0x2800, s6;
	s28 =	sshrl.u32 s26, $0x1  }
0x9: {  	s4 =	sadd.s32 s7, s4;
	s17 =	sadd.s32 s8, s5;
	s15 =	ssub.s32 s26, s28  }
0xa: {  	s10 =	sadd.s32 $0x80, s9;
	s12 =	sadd.s32 $0x100, s9;
	s13 =	sadd.s32 $0x180, s9  }
0xb: {  	s19 =	sadd.s32 $0x200, s9;
	s9 =	sadd.s32 s9, s18;
	s7 =	sshrl.u32 s4, $0x3  }
0xc: {  	s4 =	sadd.s32 $0x69000, s5;
	s29 =	sshll.u32 s10, $0x7;
	s30 =	sshll.u32 s12, $0x7  }
0xd: {  	s11 =	sshll.u32 s13, $0x7;
	s10 =	sadd.s32 s18, s10;
	s31 =	sshll.u32 s19, $0x7  }
0xe: {  	s20 =	sshll.u32 s9, $0x4;
	s12 =	sadd.s32 s18, s12;
	s13 =	sadd.s32 s18, s13  }
0xf: {  	s18 =	sadd.s32 s18, s19;
	s15 =	smax.u32 s15, $0x1;
	s17 =	sadd.s32 $0x37200, s17  }
0x10: {  	s19 =	simm.s32 $0x4000;
	s16 =	sadd.s32 s7, s5;
	s7 =	sshrl.u32 s25, $0x2  }
0x11: {  	s6 =	sadd.s32 s29, s2;
	s8 =	sadd.s32 s11, s2;
	s21 =	sshll.u32 s10, $0x4  }
0x12: {  	s9 =	sadd.s32 s31, s2;
	s10 =	sadd.s32 s14, s20;
	s12 =	sshll.u32 s12, $0x4  }
0x13: {  	s13 =	sshll.u32 s13, $0x4;
	s18 =	sshll.u32 s18, $0x4;
	s20 =	simm.s32 $0x4080  }
0x14: {  	s5 =	sadd.s32 s7, s2;
	s7 =	sadd.s32 s30, s2;
	s11 =	sadd.s32 s14, s21  }
0x15: {  	s12 =	sadd.s32 s14, s12;
	s13 =	sadd.s32 s14, s13;
	s14 =	sadd.s32 s14, s18  }
0x16: {  	v0 =	vimm.f32 $0.0e+00;
	s16 =	sadd.s32 $0x181000, s16;
	s18 =	simm.s32 $0x2;
	s21 =	simm.s32 $0x80  }
.LBB2_1:
0x17: {  	s24 =	simm.s32 $0x0;
	s25 =	simm.s32 $0x200  }
.LBB2_2:
0x18: {  	p0 =	sne.s32 s25, $0xFE00;
	[tilespmem:s24+$0x70] =	vst v0  }
0x19: {  	[tilespmem:s24+$0x0] =	vst v0  }
0x1a: {  	[tilespmem:s24+$0x10] =	vst v0  }
.Ltmp0:
0x1b: {  	[tilespmem:s24+$0x20] =	vst v0;
	(pc) =	sbr.rel @p0 .LBB2_2-.Ltmp0, $4  }
0x1c: {  	[tilespmem:s24+$0x30] =	vst v0  }
0x1d: {  	[tilespmem:s24+$0x40] =	vst v0  }
0x1e: {  	[tilespmem:s24+$0x50] =	vst v0  }
0x1f: {  	[tilespmem:s24+$0x60] =	vst v0;
	s24 =	sshra.s32 s25, $0x2;
	s25 =	sadd.s32 $0x200, s25  }
0x20: {  	[tilespmem:s24+$0x70] =	vst v0  }
0x21: {  	[tilespmem:s24+$0x0] =	vst v0  }
0x22: {  	[tilespmem:s24+$0x10] =	vst v0  }
0x23: {  	[tilespmem:s24+$0x20] =	vst v0  }
0x24: {  	[tilespmem:s24+$0x30] =	vst v0  }
0x25: {  	[tilespmem:s24+$0x40] =	vst v0  }
0x26: {  	[tilespmem:s24+$0x50] =	vst v0  }
0x27: {  	[tilespmem:s24+$0x60] =	vst v0;
	s29 =	simm.s32 $0x0  }
0x28: {  	[spmem:s5] =	stream.linear.scatter [tilespmem:s29], [sflag:$0x2], $0x4000, $0x38;
	[tilespmem:$0x18100] =	vst v63  }
0x29: {  	_ =	swait.ge [sflag:s18], $0x4000  }
0x2a: {  	[sflag:s18] =	ssyncset.done $0x0  }
0x2b: {  	[sflag:s18] =	ssyncadd.s32 $0xFFFFC000  }
0x2c: {  	[spmem:s6] =	stream.linear.scatter [tilespmem:s29], [sflag:$0x2], $0x4000, $0x38;
	[tilespmem:$0x18100] =	vst v63  }
0x2d: {  	_ =	swait.ge [sflag:s18], $0x4000  }
0x2e: {  	[sflag:s18] =	ssyncset.done $0x0  }
0x2f: {  	[sflag:s18] =	ssyncadd.s32 $0xFFFFC000  }
0x30: {  	[spmem:s7] =	stream.linear.scatter [tilespmem:s29], [sflag:$0x2], $0x4000, $0x38;
	[tilespmem:$0x18100] =	vst v63  }
0x31: {  	_ =	swait.ge [sflag:s18], $0x4000  }
0x32: {  	[sflag:s18] =	ssyncset.done $0x0  }
0x33: {  	[sflag:s18] =	ssyncadd.s32 $0xFFFFC000  }
0x34: {  	[spmem:s8] =	stream.linear.scatter [tilespmem:s29], [sflag:$0x2], $0x4000, $0x38;
	[tilespmem:$0x18100] =	vst v63  }
0x35: {  	_ =	swait.ge [sflag:s18], $0x4000  }
0x36: {  	[sflag:s18] =	ssyncset.done $0x0  }
0x37: {  	[sflag:s18] =	ssyncadd.s32 $0xFFFFC000  }
0x38: {  	[spmem:s9] =	stream.linear.scatter [tilespmem:s29], [sflag:$0x2], $0x4000, $0x38;
	[tilespmem:$0x18100] =	vst v63  }
0x39: {  	_ =	swait.ge [sflag:s18], $0x4000  }
0x3a: {  	[sflag:s18] =	ssyncset.done $0x0  }
0x3b: {  	[sflag:s18] =	ssyncadd.s32 $0xFFFFC000  }
0x3c: {  	s30 =	sadd.s32 $0x0, s16;
	[bflag:$0x0] =	sbarrier.arrive $0xFFFF  }
0x3d: {  	[tilespmem:s19], [sflag:$0x2] =	stream.linear.gather [hbm4b:s30+s3], $0x80, $0x38;
	[tilespmem:$0x18100] =	vst v63  }
0x3e: {  	_ =	swait.ge [sflag:s18], $0x80  }
0x3f: {  	[sflag:s18] =	ssyncset.done $0x0  }
0x40: {  	s31 =	sadd.s32 $0x0, s17;
	[sflag:s18] =	ssyncadd.s32 $0xFFFFFF80  }
0x41: {  	[tilespmem:s20], [sflag:$0x2] =	stream.linear.gather [hbm4b:s31+s3], $0x80, $0x38;
	[tilespmem:$0x18100] =	vst v63  }
0x42: {  	_ =	swait.ge [sflag:s18], $0x80  }
0x43: {  	[sflag:s18] =	ssyncset.done $0x0  }
0x44: {  	[sflag:s18] =	ssyncadd.s32 $0xFFFFFF80  }
0x45: {  	[tilespmem:s3], [sflag:$0x1] =	stream.indirect.gather [hbm4b:s4+s21], $0x80, s19, s21, $0xb8;
	[tilespmem:$0x18100] =	vst v63  }
0x46: {  	_ =	swait.ge [sflag:s22], $0x4000  }
0x47: {  	[sflag:s22] =	ssyncset.done $0x0  }
0x48: {  	[sflag:s22] =	ssyncadd.s32 $0xFFFFC000  }
0x49: {  	[spmem:s2] =	stream.indirect.scatter.add.f32 [tilespmem:s3], [sflag:$0x2], $0x80, s20, s21, $0xb8;
	[tilespmem:$0x18100] =	vst v63  }
0x4a: {  	_ =	swait.ge [sflag:s18], $0x4000  }
0x4b: {  	s24 =	simm.s32 $0x10;
	s25 =	simm.s32 $0x20;
	[sflag:s18] =	ssyncset.done $0x0  }
.LBB2_4:
0x4c: {  	s26 =	sadd.s32 s24, s16  }
0x4d: {  	[sflag:s18] =	ssyncadd.s32 $0xFFFFC000;
	s28 =	smov.u32 s25;
	s29 =	sadd.s32 $0x10, s25  }
0x4e: {  	[tilespmem:s19], [sflag:$0x2] =	stream.linear.gather [hbm4b:s26+s3], $0x80, $0x38;
	[tilespmem:$0x18100] =	vst v63  }
0x4f: {  	p0 =	sne.s32 s25, $0x9D0;
	_ =	swait.ge [sflag:s18], $0x80  }
0x50: {  	[sflag:s18] =	ssyncset.done $0x0  }
0x51: {  	s25 =	sadd.s32 s24, s17;
	s24 =	smov.u32 s28;
	[sflag:s18] =	ssyncadd.s32 $0xFFFFFF80  }
0x52: {  	[tilespmem:s20], [sflag:$0x2] =	stream.linear.gather [hbm4b:s25+s3], $0x80, $0x38;
	[tilespmem:$0x18100] =	vst v63  }
0x53: {  	_ =	swait.ge [sflag:s18], $0x80  }
0x54: {  	[sflag:s18] =	ssyncset.done $0x0  }
0x55: {  	[sflag:s18] =	ssyncadd.s32 $0xFFFFFF80  }
0x56: {  	[tilespmem:s3], [sflag:$0x1] =	stream.indirect.gather [hbm4b:s4+s21], $0x80, s19, s21, $0xb8;
	[tilespmem:$0x18100] =	vst v63  }
0x57: {  	_ =	swait.ge [sflag:s22], $0x4000  }
.Ltmp1:
0x58: {  	[sflag:s22] =	ssyncset.done $0x0;
	(pc) =	sbr.rel @p0 .LBB2_4-.Ltmp1, $4  }
0x59: {  	[sflag:s22] =	ssyncadd.s32 $0xFFFFC000  }
0x5a: {  	[spmem:s2] =	stream.indirect.scatter.add.f32 [tilespmem:s3], [sflag:$0x2], $0x80, s20, s21, $0xb8;
	[tilespmem:$0x18100] =	vst v63  }
0x5b: {  	_ =	swait.ge [sflag:s18], $0x4000  }
0x5c: {  	s25 =	smov.u32 s29;
	[sflag:s18] =	ssyncset.done $0x0  }
0x5d: {  	s25 =	sadd.s32 s24, s16;
	[sflag:s18] =	ssyncadd.s32 $0xFFFFC000  }
0x5e: {  	[tilespmem:s19], [sflag:$0x2] =	stream.linear.gather [hbm4b:s25+s3], $0x80, $0x38;
	[tilespmem:$0x18100] =	vst v63  }
0x5f: {  	_ =	swait.ge [sflag:s18], $0x80  }
0x60: {  	[sflag:s18] =	ssyncset.done $0x0  }
0x61: {  	s31 =	sadd.s32 s24, s17;
	[sflag:s18] =	ssyncadd.s32 $0xFFFFFF80  }
0x62: {  	[tilespmem:s20], [sflag:$0x2] =	stream.linear.gather [hbm4b:s31+s3], $0x80, $0x38;
	[tilespmem:$0x18100] =	vst v63  }
0x63: {  	_ =	swait.ge [sflag:s18], $0x80  }
0x64: {  	[sflag:s18] =	ssyncset.done $0x0  }
0x65: {  	[sflag:s18] =	ssyncadd.s32 $0xFFFFFF80  }
0x66: {  	[tilespmem:s3], [sflag:$0x1] =	stream.indirect.gather [hbm4b:s4+s21], $0x80, s19, s21, $0xb8;
	[tilespmem:$0x18100] =	vst v63  }
0x67: {  	_ =	swait.ge [sflag:s22], $0x4000  }
0x68: {  	[sflag:s22] =	ssyncset.done $0x0  }
0x69: {  	[sflag:s22] =	ssyncadd.s32 $0xFFFFC000  }
0x6a: {  	[spmem:s2] =	stream.indirect.scatter.add.f32 [tilespmem:s3], [sflag:$0x2], $0x80, s20, s21, $0xb8;
	[tilespmem:$0x18100] =	vst v63  }
0x6b: {  	_ =	swait.ge [sflag:s18], $0x4000  }
0x6c: {  	[sflag:s18] =	ssyncset.done $0x0  }
0x6d: {  	[sflag:s18] =	ssyncadd.s32 $0xFFFFC000  }
0x6e: {  	[bflag:$0x0] =	sbarrier.arrive $0xFFFF  }
0x6f: {  	[tilespmem:s3], [sflag:$0x2] =	stream.linear.gather [spmem:s5], $0x4000, $0x38;
	[tilespmem:$0x18100] =	vst v63  }
0x70: {  	_ =	swait.ge [sflag:s18], $0x4000  }
0x71: {  	[sflag:s18] =	ssyncset.done $0x0  }
0x72: {  	[sflag:s18] =	ssyncadd.s32 $0xFFFFC000  }
0x73: {  	[hbm4b:s10+s3] =	stream.linear.scatter [tilespmem:s3], [sflag:$0x2], $0x4000, $0x38;
	[tilespmem:$0x18100] =	vst v63  }
0x74: {  	_ =	swait.ge [sflag:s18], $0x4000  }
0x75: {  	[sflag:s18] =	ssyncset.done $0x0  }
0x76: {  	[sflag:s18] =	ssyncadd.s32 $0xFFFFC000  }
0x77: {  	[tilespmem:s3], [sflag:$0x2] =	stream.linear.gather [spmem:s6], $0x4000, $0x38;
	[tilespmem:$0x18100] =	vst v63  }
0x78: {  	_ =	swait.ge [sflag:s18], $0x4000  }
0x79: {  	[sflag:s18] =	ssyncset.done $0x0  }
0x7a: {  	[sflag:s18] =	ssyncadd.s32 $0xFFFFC000  }
0x7b: {  	[hbm4b:s11+s3] =	stream.linear.scatter [tilespmem:s3], [sflag:$0x2], $0x4000, $0x38;
	[tilespmem:$0x18100] =	vst v63  }
0x7c: {  	_ =	swait.ge [sflag:s18], $0x4000  }
0x7d: {  	[sflag:s18] =	ssyncset.done $0x0  }
0x7e: {  	[sflag:s18] =	ssyncadd.s32 $0xFFFFC000  }
0x7f: {  	[tilespmem:s3], [sflag:$0x2] =	stream.linear.gather [spmem:s7], $0x4000, $0x38;
	[tilespmem:$0x18100] =	vst v63  }
0x80: {  	_ =	swait.ge [sflag:s18], $0x4000  }
0x81: {  	[sflag:s18] =	ssyncset.done $0x0  }
0x82: {  	[sflag:s18] =	ssyncadd.s32 $0xFFFFC000  }
0x83: {  	[hbm4b:s12+s3] =	stream.linear.scatter [tilespmem:s3], [sflag:$0x2], $0x4000, $0x38;
	[tilespmem:$0x18100] =	vst v63  }
0x84: {  	_ =	swait.ge [sflag:s18], $0x4000  }
0x85: {  	[sflag:s18] =	ssyncset.done $0x0  }
0x86: {  	[sflag:s18] =	ssyncadd.s32 $0xFFFFC000  }
0x87: {  	[tilespmem:s3], [sflag:$0x2] =	stream.linear.gather [spmem:s8], $0x4000, $0x38;
	[tilespmem:$0x18100] =	vst v63  }
0x88: {  	_ =	swait.ge [sflag:s18], $0x4000  }
0x89: {  	[sflag:s18] =	ssyncset.done $0x0  }
0x8a: {  	[sflag:s18] =	ssyncadd.s32 $0xFFFFC000  }
0x8b: {  	[hbm4b:s13+s3] =	stream.linear.scatter [tilespmem:s3], [sflag:$0x2], $0x4000, $0x38;
	[tilespmem:$0x18100] =	vst v63  }
0x8c: {  	_ =	swait.ge [sflag:s18], $0x4000  }
0x8d: {  	[sflag:s18] =	ssyncset.done $0x0  }
0x8e: {  	[sflag:s18] =	ssyncadd.s32 $0xFFFFC000  }
0x8f: {  	[tilespmem:s3], [sflag:$0x2] =	stream.linear.gather [spmem:s9], $0x4000, $0x38;
	[tilespmem:$0x18100] =	vst v63  }
0x90: {  	s23 =	sadd.s32 $0x1, s23;
	_ =	swait.ge [sflag:s18], $0x4000  }
0x91: {  	p0 =	sne.s32 s23, s15;
	[sflag:s18] =	ssyncset.done $0x0  }
.Ltmp2:
0x92: {  	[sflag:s18] =	ssyncadd.s32 $0xFFFFC000;
	(pc) =	sbr.rel @p0 .LBB2_1-.Ltmp2, $4  }
0x93: {  	[hbm4b:s14+s3] =	stream.linear.scatter [tilespmem:s3], [sflag:$0x2], $0x4000, $0x38;
	[tilespmem:$0x18100] =	vst v63  }
0x94: {  	_ =	swait.ge [sflag:s18], $0x4000  }
0x95: {  	[sflag:s18] =	ssyncset.done $0x0  }
0x96: {  	[sflag:s18] =	ssyncadd.s32 $0xFFFFC000  }
0x97: {  	_ =	sfence.sel $0x180000  }
0x98: {  	[bflag:$0x0] =	sbarrier.arrive $0xFFFF  }
0x99: {  	p0 =	sne.s32 s0, $0x0;
	_ =	strace $0x90000053  }
0x9a: {  	s0 =	sadd.s32 @!p0 $0x100000, s1;
	[bflag:$0x2] =	sbarrier.arrive $0xFFFF  }
0x9b: {  	[sflag:s0] =	ssyncadd.tile.s32 @!p0 $0x1;
	_ =	shalt  }
.Lfunc_end2:
_tile_overlayer_lowered:
.L_overlay_start_2:
0x9c: {  	(tag) =	ssettag $0x2  }
0x9d: {  	s0 =	rddreg [dreg:$0x0];
	s2 =	stileid.u32  }
0x9e: {  	s1 =	rddreg [dreg:$0x1];
	p0 =	sne.s32 s2, $0x0  }
0x9f: {  	s3 =	rddreg [dreg:$0x2];
	[bflag:$0x3] =	sbarrier.arrive $0xFFFF;
	s2 =	simm.s32 @!p0 $0x1C02  }
0xa0: {  	[timem:s3], [sflag:s2] =	dma.local @!p0 [hbm:s0], s1  }
0xa1: {  	s0 =	simm.s32 @!p0 $0x2  }
0xa2: {  	_ =	swait.ge @!p0 [sflag:s0], s1  }
0xa3: {  	s1 =	ssub.s32 @!p0 $0x0, s1;
	[sflag:s0] =	ssyncset.done @!p0 $0x0  }
0xa4: {  	[sflag:s0] =	ssyncadd.s32 @!p0 s1  }
0xa5: {  	[bflag:$0x3] =	sbarrier.arrive $0xFFFF  }
0xa6: {  	_ =	shalt  }

// kernel: kernel.33.cloned.1.call-start
scs
__scs_entry_jumppad:
0x0: {  	(pc) =	sbr.rel $0x88, $3  }
0x1: {  	(tag) =	ssettag $0x0;
	lr =	simm.s32 $0x1  }
0x2: {  	[smem:$0x3F99] =	sst lr;
	_ =	strace $0xD0000000  }
0x3: {  	_ = 	snop  }
0x4: {  	_ = 	snop  }
0x5: {  	_ = 	snop  }
0x6: {  	_ = 	snop  }
0x7: {  	_ = 	snop  }
__scs_overlays_trampoline_lowered:
0x8: {  	[smem:$0x3FA8] =	sst s0  }
0x9: {  	[smem:$0x3FA9] =	sst s1  }
0xa: {  	[smem:$0x3FAA] =	sst s2  }
0xb: {  	[smem:$0x3FAB] =	sst s3  }
0xc: {  	[smem:$0x3FAC] =	sst s4  }
0xd: {  	[smem:$0x3FAD] =	sst s5  }
0xe: {  	[smem:$0x3FAE] =	sst s6  }
0xf: {  	[smem:$0x3FAF] =	sst s7  }
0x10: {  	[smem:$0x3FB0] =	sst s8  }
0x11: {  	[smem:$0x3FB1] =	sst s9;
	s0 =	simm.s32 @!p0 $0x0  }
0x12: {  	s1 =	sld [smem:$0x3F97];
	s0 =	simm.s32 @p0 $0x1  }
0x13: {  	[smem:$0x3FB2] =	sst s0;
	s0 =	simm.s32 @!p1 $0x0  }
0x14: {  	s2 =	sld [smem:$0x3F96];
	s0 =	simm.s32 @p1 $0x1  }
0x15: {  	[smem:$0x3FB3] =	sst s0;
	s0 =	simm.s32 @!p2 $0x0  }
0x16: {  	s3 =	sld [smem:$0x3FDB];
	s0 =	simm.s32 @p2 $0x1  }
0x17: {  	s4 =	simm.s32 $0x1BF5;
	[smem:$0x3FB5] =	sst s0  }
0x18: {  	s0 =	sld [smem:$0x3F98];
	_ =	swait.ge [sflag:s4], $0x0  }
0x19: {  	s7 =	sld [smem:$0x3F99]  }
0x1a: {  	s8 =	sadd.s32 $0xFFFFE003, lr  }
0x1b: {  	s9 =	sadd.s32 $0xFFFFFEF7, lr;
	s5 =	simm.s32 $0xFFFFFFFF;
	p2 =	slt.u32 s8, $0xFFFFF086  }
0x1c: {  	p1 =	slt.u32 s9, $0xF7A;
	s5 =	simm.s32 @!p2 $0x0  }
0x1d: {  	s5 =	simm.s32 @p1 $0x1;
	p0 =	seq.s32 s7, s2  }
0x1e: {  	s7 =	smul.u32 @!p0 $0xF7A, s2;
	p2 =	seq.s32 @!p0 s5, $0x0  }
0x1f: {  	s9 =	smul.u32 $0xF7A, s1;
	s8 =	simm.s32 @!p0 $0x1BF5;
	p2 =	por !p2, p0  }
0x20: {  	[sflag:s8] =	ssyncset.s32 @!p0 $0xFFFFF086;
	s6 =	sadd.s32 @!p0 s3, s7;
	s7 =	simm.s32 @!p0 $0x108  }
0x21: {  	s3 =	sadd.s32 s3, s9;
	s6 =	sadd.s32 @!p0 $0x88, s6;
	s7 =	simm.s32 @p2 $0x1082  }
0x22: {  	[simem:s7], [sflag:s8] =	dma.local @!p0 [hbm:s6], $0xF7A  }
0x23: {  	s9 =	sor.u32 $0xD0000000, s2;
	s6 =	simm.s32 $0x108;
	_ =	swait.ge @!p0 [sflag:s8], $0x0  }
0x24: {  	s3 =	sadd.s32 $0x88, s3;
	s6 =	simm.s32 @!p1 $0x1082;
	[sflag:s4] =	ssyncset.s32 $0xFFFFF086  }
0x25: {  	[simem:s6], [sflag:s4] =	dma.local [hbm:s3], $0xF7A  }
0x26: {  	[smem:$0x3F99] =	sst s1;
	(tag) =	ssettag s2;
	_ =	strace s9  }
0x27: {  	s1 =	sld [smem:$0x3FA9]  }
0x28: {  	s2 =	sld [smem:$0x3FAA]  }
0x29: {  	s4 =	sld [smem:$0x3FAC]  }
0x2a: {  	p0 =	seq.s32 s5, $0x0;
	s5 =	sld [smem:$0x3FAD]  }
0x2b: {  	s6 =	sld [smem:$0x3FAE]  }
0x2c: {  	s7 =	sld [smem:$0x3FAF]  }
0x2d: {  	s3 =	simm.s32 $0x108;
	s8 =	sld [smem:$0x3FB0]  }
0x2e: {  	s3 =	simm.s32 @!p0 $0x1082;
	s9 =	sld [smem:$0x3FB1]  }
0x2f: {  	lr =	sadd.s32 s0, s3;
	s0 =	sld [smem:$0x3FA8]  }
0x30: {  	s3 =	sld [smem:$0x3FAB]  }
0x31: {  	[smem:$0x3FB4] =	sst s10  }
0x32: {  	s10 =	sld [smem:$0x3FB2];
	_ =	sdelay $0x3  }
0x33: {  	p0 =	seq.s32 s10, $0x1;
	s10 =	sld [smem:$0x3FB4];
	_ =	sdelay $0x3  }
0x34: {  	[smem:$0x3FB4] =	sst s10  }
0x35: {  	s10 =	sld [smem:$0x3FB3];
	_ =	sdelay $0x3  }
0x36: {  	p1 =	seq.s32 s10, $0x1;
	s10 =	sld [smem:$0x3FB4];
	_ =	sdelay $0x3  }
0x37: {  	[smem:$0x3FB4] =	sst s10  }
0x38: {  	s10 =	sld [smem:$0x3FB5]  }
0x39: {  	_ = 	snop;
	(pc) =	sbr.ind lr, $3  }
0x3a: {  	_ = 	snop  }
0x3b: {  	_ = 	snop  }
0x3c: {  	p2 =	seq.s32 s10, $0x1;
	s10 =	sld [smem:$0x3FB4]  }
0x3d: {  	_ =	shalt  }
0x3e: {  	_ =	shalt  }
0x3f: {  	_ =	shalt  }
0x40: {  	_ =	shalt  }
0x41: {  	_ =	shalt  }
0x42: {  	_ =	shalt  }
0x43: {  	_ =	shalt  }
0x44: {  	_ =	shalt  }
0x45: {  	_ =	shalt  }
0x46: {  	_ =	shalt  }
0x47: {  	_ =	shalt  }
0x48: {  	_ =	shalt  }
0x49: {  	_ =	shalt  }
0x4a: {  	_ =	shalt  }
0x4b: {  	_ =	shalt  }
0x4c: {  	_ =	shalt  }
0x4d: {  	_ =	shalt  }
0x4e: {  	_ =	shalt  }
0x4f: {  	_ =	shalt  }
0x50: {  	_ =	shalt  }
0x51: {  	_ =	shalt  }
0x52: {  	_ =	shalt  }
0x53: {  	_ =	shalt  }
0x54: {  	_ =	shalt  }
0x55: {  	_ =	shalt  }
0x56: {  	_ =	shalt  }
0x57: {  	_ =	shalt  }
0x58: {  	_ =	shalt  }
0x59: {  	_ =	shalt  }
0x5a: {  	_ =	shalt  }
0x5b: {  	_ =	shalt  }
0x5c: {  	_ =	shalt  }
0x5d: {  	_ =	shalt  }
0x5e: {  	_ =	shalt  }
0x5f: {  	_ =	shalt  }
0x60: {  	_ =	shalt  }
0x61: {  	_ =	shalt  }
0x62: {  	_ =	shalt  }
0x63: {  	_ =	shalt  }
0x64: {  	_ =	shalt  }
0x65: {  	_ =	shalt  }
0x66: {  	_ =	shalt  }
0x67: {  	_ =	shalt  }
0x68: {  	_ =	shalt  }
0x69: {  	_ =	shalt  }
0x6a: {  	_ =	shalt  }
0x6b: {  	_ =	shalt  }
0x6c: {  	_ =	shalt  }
0x6d: {  	_ =	shalt  }
0x6e: {  	_ =	shalt  }
0x6f: {  	_ =	shalt  }
0x70: {  	_ =	shalt  }
0x71: {  	_ =	shalt  }
0x72: {  	_ =	shalt  }
0x73: {  	_ =	shalt  }
0x74: {  	_ =	shalt  }
0x75: {  	_ =	shalt  }
0x76: {  	_ =	shalt  }
0x77: {  	_ =	shalt  }
0x78: {  	_ =	shalt  }
0x79: {  	_ =	shalt  }
0x7a: {  	_ =	shalt  }
0x7b: {  	_ =	shalt  }
0x7c: {  	_ =	shalt  }
0x7d: {  	_ =	shalt  }
0x7e: {  	_ =	shalt  }
0x7f: {  	_ =	shalt  }
0x80: {  	_ =	shalt  }
0x81: {  	_ =	shalt  }
0x82: {  	_ =	shalt  }
0x83: {  	_ =	shalt  }
0x84: {  	_ =	shalt  }
0x85: {  	_ =	shalt  }
0x86: {  	_ =	shalt  }
0x87: {  	_ =	shalt  }
.Lfunc_end0:
.L_simem_size_0:
called_computation.5_lowered:
.L_overlay_start_0:
0x88: {  	s2 =	sld [smem:$0x3FD9]  }
0x89: {  	s3 =	sld [smem:$0x3FFE];
	_ =	sdelay $0x1  }
0x8a: {  	s1 =	srdreg.scid  }
0x8b: {  	s0 =	sand.u32 $0x1, s1  }
0x8c: {  	s16 =	sshll.u32 s0, $0xA;
	s2 =	sadd.s32 s3, s2  }
0x8d: {  	s2 =	sadd.s32 s2, s16  }
0x8e: {  	[smem:$0x3FC0] =	sst s2  }
0x8f: {  	_ = 	snop  }
0x90: {  	(tm) =	ssettm $0x1  }
0x91: {  	s17 =	sld [smem:$0x3FFB];
	_ =	sdelay $0x3  }
0x92: {  	_ =	strace s17  }
0x93: {  	s2 =	sld [smem:$0x3FFC];
	_ =	sdelay $0x3  }
0x94: {  	_ =	strace s2  }
0x95: {  	s2 =	sld [smem:$0x3FFD];
	_ =	sdelay $0x3  }
0x96: {  	_ =	strace s2  }
0x97: {  	_ =	strace $0x8FFFFFFF  }
0x98: {  	s18 =	sld [smem:$0x3FDB];
	_ =	sdelay $0x1  }
0x99: {  	s19 =	simm.s32 $_scs_section_size  }
0x9a: {  	s4 =	simm.s32 $_size__tile_overlayer_lowered;
	s5 =	simm.s32 $_tile_overlayer_lowered  }
0x9b: {  	s22 =	simm.s32 $0x1BFF;
	s21 =	sshll.u32 s5, $0x1;
	s2 =	sadd.s32 s19, s18  }
0x9c: {  	s6 =	simm.s32 $0x0;
	s20 =	sshll.u32 s4, $0x1;
	s4 =	sadd.s32 s21, s2  }
0x9d: {  	[timem:s6], [sflag:s22] =	dma.local [hbm:s4], s20  }
0x9e: {  	_ =	swait.ge [sflag:s22], s20  }
0x9f: {  	s3 =	ssub.s32 $0x0, s20;
	[sflag:s22] =	ssyncset.done $0x0  }
0xa0: {  	[sflag:s22] =	ssyncadd.s32 s3;
	_ =	sdelay $0x1  }
0xa1: {  	s23 =	simm.s32 $0x1B8B  }
0xa2: {  	_ =	swait.ge [sflag:s23], $0x1  }
0xa3: {  	[sflag:s23] =	ssyncset.done $0x0  }
0xa4: {  	s25 =	simm.s32 $0x1B8E;
	s24 =	sld [smem:$0x3FFE];
	[sflag:s23] =	ssyncadd.s32 $0xFFFFFFFF  }
0xa5: {  	s26 =	simm.s32 $execute0_lowered;
	[smem:$0x3FD2] =	sst s25  }
0xa6: {  	s4 =	sshll.u32 s26, $0x1;
	_ =	strace $0x80000055;
	[dreg:$0x1] =	wrdreg $0xFFFFFFFF  }
0xa7: {  	s28 =	simm.s32 $_size_execute0_lowered;
	s2 =	sadd.s32 s2, s4;
	[dreg:$0x0] =	wrdreg $0x0  }
0xa8: {  	s4 =	sshll.u32 s28, $0x1;
	[dreg:$0x2] =	wrdreg s2  }
0xa9: {  	[dreg:$0x3] =	wrdreg s4  }
0xaa: {  	[dreg:$0x4] =	wrdreg $0xC0  }
0xab: {  	_ =	task [dreg:s6], $0x5FFFF  }
0xac: {  	[dreg:$0x1] =	wrdreg $0xFFFFFFFF  }
0xad: {  	[dreg:$0x0] =	wrdreg $0x60  }
0xae: {  	[dreg:$0x2] =	wrdreg s24  }
0xaf: {  	[dreg:$0x3] =	wrdreg $0x41000  }
0xb0: {  	[dreg:$0x4] =	wrdreg $0x9  }
0xb1: {  	_ =	task.clear_ibuf [dreg:s6], $0x5FFFF;
	_ =	strace $0x90000055  }
0xb2: {  	s29 =	simm.s32 $0x9;
	_ =	strace $0x80000057  }
0xb3: {  	_ =	swait.ge [sflag:s29], $0x1  }
0xb4: {  	[sflag:s29] =	ssyncadd.s32 $0xFFFFFFFF  }
0xb5: {  	_ =	strace $0x90000057  }
0xb6: {  	_ =	sfence  }
0xb7: {  	s30 =	sld [smem:$0x0];
	_ =	sdelay $0x2  }
0xb8: {  	s31 =	sshll.u32 s1, $0xD;
	s1 =	sshrl.u32 s1, $0x2  }
0xb9: {  	s3 =	sand.u32 $0x4000, s31;
	s1 =	sadd.s32 s1, s30  }
0xba: {  	s0 =	sor.u32 s3, s0;
	s1 =	sshll.u32 s1, $0x11  }
0xbb: {  	s0 =	sor.u32 s1, s0  }
0xbc: {  	s0 =	sadd.s32 $0x8F2B, s0  }
0xbd: {  	[sflag:s0] =	ssyncadd.remote.s32 $0x1  }
0xbe: {  	_ =	sfence.sel $0xFFFF  }
0xbf: {  	[dreg:$0x0] =	wrdreg $0xFFFFFFFF;
	(pc) =	sbr.abs _section_cstart, $3  }
0xc0: {  	[dreg:$0x1] =	wrdreg $0xFFFFFFFF  }
0xc1: {  	_ =	task.clear_ibuf [dreg:s6], $0x2FFFF;
	_ =	strace $0x9FFFFFFF  }
0xc2: {  	(tm) =	ssettm $0x7FFFFFFF  }
0xc3: {  	_ =	shalt  }
tec
execute0_lowered:
.L_overlay_start_1:
0x0: {  	(tag) =	ssettag $0x1  }
0x1: {  	s0 =	srdreg.scid;
	s5 =	rddreg [dreg:$0x0]  }
0x2: {  	s2 =	rddreg [dreg:$0x1];
	s6 =	sand.u32 $0x1, s0  }
0x3: {  	s0 =	stileid.u32;
	s4 =	smul.u32 $0x4F000, s6  }
0x4: {  	s1 =	rddreg [dreg:$0x2];
	s7 =	smul.u32 $0x4F00, s0  }
0x5: {  	s3 =	simm.s32 $0x0;
	s22 =	simm.s32 $0x1;
	s8 =	smul.u32 $0x9E0, s0  }
0x6: {  	s23 =	simm.s32 $0x0;
	[smem:$0x7FF] =	sst s3;
	s25 =	smul.u32 $0x50000, s0  }
0x7: {  	s14 =	sadd.s32 $0x194C00, s5;
	s26 =	ssub.s32 $0x2, s6;
	s9 =	smul.u32 $0x280, s0  }
0x8: {  	_ =	strace $0x80000056;
	s18 =	smul.u32 $0x2800, s6;
	s28 =	sshrl.u32 s26, $0x1  }
0x9: {  	s4 =	sadd.s32 s7, s4;
	s17 =	sadd.s32 s8, s5;
	s15 =	ssub.s32 s26, s28  }
0xa: {  	s10 =	sadd.s32 $0x80, s9;
	s12 =	sadd.s32 $0x100, s9;
	s13 =	sadd.s32 $0x180, s9  }
0xb: {  	s19 =	sadd.s32 $0x200, s9;
	s9 =	sadd.s32 s9, s18;
	s7 =	sshrl.u32 s4, $0x3  }
0xc: {  	s4 =	sadd.s32 $0x41000, s5;
	s29 =	sshll.u32 s10, $0x7;
	s30 =	sshll.u32 s12, $0x7  }
0xd: {  	s11 =	sshll.u32 s13, $0x7;
	s10 =	sadd.s32 s18, s10;
	s31 =	sshll.u32 s19, $0x7  }
0xe: {  	s20 =	sshll.u32 s9, $0x4;
	s12 =	sadd.s32 s18, s12;
	s13 =	sadd.s32 s18, s13  }
0xf: {  	s18 =	sadd.s32 s18, s19;
	s15 =	smax.u32 s15, $0x1;
	s17 =	sadd.s32 $0x37200, s17  }
0x10: {  	s19 =	simm.s32 $0x4000;
	s16 =	sadd.s32 s7, s5;
	s7 =	sshrl.u32 s25, $0x2  }
0x11: {  	s6 =	sadd.s32 s29, s2;
	s8 =	sadd.s32 s11, s2;
	s21 =	sshll.u32 s10, $0x4  }
0x12: {  	s9 =	sadd.s32 s31, s2;
	s10 =	sadd.s32 s14, s20;
	s12 =	sshll.u32 s12, $0x4  }
0x13: {  	s13 =	sshll.u32 s13, $0x4;
	s18 =	sshll.u32 s18, $0x4;
	s20 =	simm.s32 $0x4080  }
0x14: {  	s5 =	sadd.s32 s7, s2;
	s7 =	sadd.s32 s30, s2;
	s11 =	sadd.s32 s14, s21  }
0x15: {  	s12 =	sadd.s32 s14, s12;
	s13 =	sadd.s32 s14, s13;
	s14 =	sadd.s32 s14, s18  }
0x16: {  	v0 =	vimm.f32 $0.0e+00;
	s16 =	sadd.s32 $0x181000, s16;
	s18 =	simm.s32 $0x2;
	s21 =	simm.s32 $0x80  }
.LBB2_1:
0x17: {  	s24 =	simm.s32 $0x0;
	s25 =	simm.s32 $0x200  }
.LBB2_2:
0x18: {  	p0 =	sne.s32 s25, $0xFE00;
	[tilespmem:s24+$0x70] =	vst v0  }
0x19: {  	[tilespmem:s24+$0x0] =	vst v0  }
0x1a: {  	[tilespmem:s24+$0x10] =	vst v0  }
.Ltmp0:
0x1b: {  	[tilespmem:s24+$0x20] =	vst v0;
	(pc) =	sbr.rel @p0 .LBB2_2-.Ltmp0, $4  }
0x1c: {  	[tilespmem:s24+$0x30] =	vst v0  }
0x1d: {  	[tilespmem:s24+$0x40] =	vst v0  }
0x1e: {  	[tilespmem:s24+$0x50] =	vst v0  }
0x1f: {  	[tilespmem:s24+$0x60] =	vst v0;
	s24 =	sshra.s32 s25, $0x2;
	s25 =	sadd.s32 $0x200, s25  }
0x20: {  	[tilespmem:s24+$0x70] =	vst v0  }
0x21: {  	[tilespmem:s24+$0x0] =	vst v0  }
0x22: {  	[tilespmem:s24+$0x10] =	vst v0  }
0x23: {  	[tilespmem:s24+$0x20] =	vst v0  }
0x24: {  	[tilespmem:s24+$0x30] =	vst v0  }
0x25: {  	[tilespmem:s24+$0x40] =	vst v0  }
0x26: {  	[tilespmem:s24+$0x50] =	vst v0  }
0x27: {  	[tilespmem:s24+$0x60] =	vst v0;
	s29 =	simm.s32 $0x0  }
0x28: {  	[spmem:s5] =	stream.linear.scatter [tilespmem:s29], [sflag:$0x2], $0x4000, $0x38;
	[tilespmem:$0x18100] =	vst v63  }
0x29: {  	_ =	swait.ge [sflag:s18], $0x4000  }
0x2a: {  	[sflag:s18] =	ssyncset.done $0x0  }
0x2b: {  	[sflag:s18] =	ssyncadd.s32 $0xFFFFC000  }
0x2c: {  	[spmem:s6] =	stream.linear.scatter [tilespmem:s29], [sflag:$0x2], $0x4000, $0x38;
	[tilespmem:$0x18100] =	vst v63  }
0x2d: {  	_ =	swait.ge [sflag:s18], $0x4000  }
0x2e: {  	[sflag:s18] =	ssyncset.done $0x0  }
0x2f: {  	[sflag:s18] =	ssyncadd.s32 $0xFFFFC000  }
0x30: {  	[spmem:s7] =	stream.linear.scatter [tilespmem:s29], [sflag:$0x2], $0x4000, $0x38;
	[tilespmem:$0x18100] =	vst v63  }
0x31: {  	_ =	swait.ge [sflag:s18], $0x4000  }
0x32: {  	[sflag:s18] =	ssyncset.done $0x0  }
0x33: {  	[sflag:s18] =	ssyncadd.s32 $0xFFFFC000  }
0x34: {  	[spmem:s8] =	stream.linear.scatter [tilespmem:s29], [sflag:$0x2], $0x4000, $0x38;
	[tilespmem:$0x18100] =	vst v63  }
0x35: {  	_ =	swait.ge [sflag:s18], $0x4000  }
0x36: {  	[sflag:s18] =	ssyncset.done $0x0  }
0x37: {  	[sflag:s18] =	ssyncadd.s32 $0xFFFFC000  }
0x38: {  	[spmem:s9] =	stream.linear.scatter [tilespmem:s29], [sflag:$0x2], $0x4000, $0x38;
	[tilespmem:$0x18100] =	vst v63  }
0x39: {  	_ =	swait.ge [sflag:s18], $0x4000  }
0x3a: {  	[sflag:s18] =	ssyncset.done $0x0  }
0x3b: {  	[sflag:s18] =	ssyncadd.s32 $0xFFFFC000  }
0x3c: {  	s30 =	sadd.s32 $0x0, s16;
	[bflag:$0x0] =	sbarrier.arrive $0xFFFF  }
0x3d: {  	[tilespmem:s19], [sflag:$0x2] =	stream.linear.gather [hbm4b:s30+s3], $0x80, $0x38;
	[tilespmem:$0x18100] =	vst v63  }
0x3e: {  	_ =	swait.ge [sflag:s18], $0x80  }
0x3f: {  	[sflag:s18] =	ssyncset.done $0x0  }
0x40: {  	s31 =	sadd.s32 $0x0, s17;
	[sflag:s18] =	ssyncadd.s32 $0xFFFFFF80  }
0x41: {  	[tilespmem:s20], [sflag:$0x2] =	stream.linear.gather [hbm4b:s31+s3], $0x80, $0x38;
	[tilespmem:$0x18100] =	vst v63  }
0x42: {  	_ =	swait.ge [sflag:s18], $0x80  }
0x43: {  	[sflag:s18] =	ssyncset.done $0x0  }
0x44: {  	[sflag:s18] =	ssyncadd.s32 $0xFFFFFF80  }
0x45: {  	[tilespmem:s3], [sflag:$0x1] =	stream.indirect.gather [hbm4b:s4+s21], $0x80, s19, s21, $0xb8;
	[tilespmem:$0x18100] =	vst v63  }
0x46: {  	_ =	swait.ge [sflag:s22], $0x4000  }
0x47: {  	[sflag:s22] =	ssyncset.done $0x0  }
0x48: {  	[sflag:s22] =	ssyncadd.s32 $0xFFFFC000  }
0x49: {  	[spmem:s2] =	stream.indirect.scatter.add.f32 [tilespmem:s3], [sflag:$0x2], $0x80, s20, s21, $0xb8;
	[tilespmem:$0x18100] =	vst v63  }
0x4a: {  	_ =	swait.ge [sflag:s18], $0x4000  }
0x4b: {  	s24 =	simm.s32 $0x10;
	s25 =	simm.s32 $0x20;
	[sflag:s18] =	ssyncset.done $0x0  }
.LBB2_4:
0x4c: {  	s26 =	sadd.s32 s24, s16  }
0x4d: {  	[sflag:s18] =	ssyncadd.s32 $0xFFFFC000;
	s28 =	smov.u32 s25;
	s29 =	sadd.s32 $0x10, s25  }
0x4e: {  	[tilespmem:s19], [sflag:$0x2] =	stream.linear.gather [hbm4b:s26+s3], $0x80, $0x38;
	[tilespmem:$0x18100] =	vst v63  }
0x4f: {  	p0 =	sne.s32 s25, $0x9D0;
	_ =	swait.ge [sflag:s18], $0x80  }
0x50: {  	[sflag:s18] =	ssyncset.done $0x0  }
0x51: {  	s25 =	sadd.s32 s24, s17;
	s24 =	smov.u32 s28;
	[sflag:s18] =	ssyncadd.s32 $0xFFFFFF80  }
0x52: {  	[tilespmem:s20], [sflag:$0x2] =	stream.linear.gather [hbm4b:s25+s3], $0x80, $0x38;
	[tilespmem:$0x18100] =	vst v63  }
0x53: {  	_ =	swait.ge [sflag:s18], $0x80  }
0x54: {  	[sflag:s18] =	ssyncset.done $0x0  }
0x55: {  	[sflag:s18] =	ssyncadd.s32 $0xFFFFFF80  }
0x56: {  	[tilespmem:s3], [sflag:$0x1] =	stream.indirect.gather [hbm4b:s4+s21], $0x80, s19, s21, $0xb8;
	[tilespmem:$0x18100] =	vst v63  }
0x57: {  	_ =	swait.ge [sflag:s22], $0x4000  }
.Ltmp1:
0x58: {  	[sflag:s22] =	ssyncset.done $0x0;
	(pc) =	sbr.rel @p0 .LBB2_4-.Ltmp1, $4  }
0x59: {  	[sflag:s22] =	ssyncadd.s32 $0xFFFFC000  }
0x5a: {  	[spmem:s2] =	stream.indirect.scatter.add.f32 [tilespmem:s3], [sflag:$0x2], $0x80, s20, s21, $0xb8;
	[tilespmem:$0x18100] =	vst v63  }
0x5b: {  	_ =	swait.ge [sflag:s18], $0x4000  }
0x5c: {  	s25 =	smov.u32 s29;
	[sflag:s18] =	ssyncset.done $0x0  }
0x5d: {  	s25 =	sadd.s32 s24, s16;
	[sflag:s18] =	ssyncadd.s32 $0xFFFFC000  }
0x5e: {  	[tilespmem:s19], [sflag:$0x2] =	stream.linear.gather [hbm4b:s25+s3], $0x80, $0x38;
	[tilespmem:$0x18100] =	vst v63  }
0x5f: {  	_ =	swait.ge [sflag:s18], $0x80  }
0x60: {  	[sflag:s18] =	ssyncset.done $0x0  }
0x61: {  	s31 =	sadd.s32 s24, s17;
	[sflag:s18] =	ssyncadd.s32 $0xFFFFFF80  }
0x62: {  	[tilespmem:s20], [sflag:$0x2] =	stream.linear.gather [hbm4b:s31+s3], $0x80, $0x38;
	[tilespmem:$0x18100] =	vst v63  }
0x63: {  	_ =	swait.ge [sflag:s18], $0x80  }
0x64: {  	[sflag:s18] =	ssyncset.done $0x0  }
0x65: {  	[sflag:s18] =	ssyncadd.s32 $0xFFFFFF80  }
0x66: {  	[tilespmem:s3], [sflag:$0x1] =	stream.indirect.gather [hbm4b:s4+s21], $0x80, s19, s21, $0xb8;
	[tilespmem:$0x18100] =	vst v63  }
0x67: {  	_ =	swait.ge [sflag:s22], $0x4000  }
0x68: {  	[sflag:s22] =	ssyncset.done $0x0  }
0x69: {  	[sflag:s22] =	ssyncadd.s32 $0xFFFFC000  }
0x6a: {  	[spmem:s2] =	stream.indirect.scatter.add.f32 [tilespmem:s3], [sflag:$0x2], $0x80, s20, s21, $0xb8;
	[tilespmem:$0x18100] =	vst v63  }
0x6b: {  	_ =	swait.ge [sflag:s18], $0x4000  }
0x6c: {  	[sflag:s18] =	ssyncset.done $0x0  }
0x6d: {  	[sflag:s18] =	ssyncadd.s32 $0xFFFFC000  }
0x6e: {  	[bflag:$0x0] =	sbarrier.arrive $0xFFFF  }
0x6f: {  	[tilespmem:s3], [sflag:$0x2] =	stream.linear.gather [spmem:s5], $0x4000, $0x38;
	[tilespmem:$0x18100] =	vst v63  }
0x70: {  	_ =	swait.ge [sflag:s18], $0x4000  }
0x71: {  	[sflag:s18] =	ssyncset.done $0x0  }
0x72: {  	[sflag:s18] =	ssyncadd.s32 $0xFFFFC000  }
0x73: {  	[hbm4b:s10+s3] =	stream.linear.scatter [tilespmem:s3], [sflag:$0x2], $0x4000, $0x38;
	[tilespmem:$0x18100] =	vst v63  }
0x74: {  	_ =	swait.ge [sflag:s18], $0x4000  }
0x75: {  	[sflag:s18] =	ssyncset.done $0x0  }
0x76: {  	[sflag:s18] =	ssyncadd.s32 $0xFFFFC000  }
0x77: {  	[tilespmem:s3], [sflag:$0x2] =	stream.linear.gather [spmem:s6], $0x4000, $0x38;
	[tilespmem:$0x18100] =	vst v63  }
0x78: {  	_ =	swait.ge [sflag:s18], $0x4000  }
0x79: {  	[sflag:s18] =	ssyncset.done $0x0  }
0x7a: {  	[sflag:s18] =	ssyncadd.s32 $0xFFFFC000  }
0x7b: {  	[hbm4b:s11+s3] =	stream.linear.scatter [tilespmem:s3], [sflag:$0x2], $0x4000, $0x38;
	[tilespmem:$0x18100] =	vst v63  }
0x7c: {  	_ =	swait.ge [sflag:s18], $0x4000  }
0x7d: {  	[sflag:s18] =	ssyncset.done $0x0  }
0x7e: {  	[sflag:s18] =	ssyncadd.s32 $0xFFFFC000  }
0x7f: {  	[tilespmem:s3], [sflag:$0x2] =	stream.linear.gather [spmem:s7], $0x4000, $0x38;
	[tilespmem:$0x18100] =	vst v63  }
0x80: {  	_ =	swait.ge [sflag:s18], $0x4000  }
0x81: {  	[sflag:s18] =	ssyncset.done $0x0  }
0x82: {  	[sflag:s18] =	ssyncadd.s32 $0xFFFFC000  }
0x83: {  	[hbm4b:s12+s3] =	stream.linear.scatter [tilespmem:s3], [sflag:$0x2], $0x4000, $0x38;
	[tilespmem:$0x18100] =	vst v63  }
0x84: {  	_ =	swait.ge [sflag:s18], $0x4000  }
0x85: {  	[sflag:s18] =	ssyncset.done $0x0  }
0x86: {  	[sflag:s18] =	ssyncadd.s32 $0xFFFFC000  }
0x87: {  	[tilespmem:s3], [sflag:$0x2] =	stream.linear.gather [spmem:s8], $0x4000, $0x38;
	[tilespmem:$0x18100] =	vst v63  }
0x88: {  	_ =	swait.ge [sflag:s18], $0x4000  }
0x89: {  	[sflag:s18] =	ssyncset.done $0x0  }
0x8a: {  	[sflag:s18] =	ssyncadd.s32 $0xFFFFC000  }
0x8b: {  	[hbm4b:s13+s3] =	stream.linear.scatter [tilespmem:s3], [sflag:$0x2], $0x4000, $0x38;
	[tilespmem:$0x18100] =	vst v63  }
0x8c: {  	_ =	swait.ge [sflag:s18], $0x4000  }
0x8d: {  	[sflag:s18] =	ssyncset.done $0x0  }
0x8e: {  	[sflag:s18] =	ssyncadd.s32 $0xFFFFC000  }
0x8f: {  	[tilespmem:s3], [sflag:$0x2] =	stream.linear.gather [spmem:s9], $0x4000, $0x38;
	[tilespmem:$0x18100] =	vst v63  }
0x90: {  	s23 =	sadd.s32 $0x1, s23;
	_ =	swait.ge [sflag:s18], $0x4000  }
0x91: {  	p0 =	sne.s32 s23, s15;
	[sflag:s18] =	ssyncset.done $0x0  }
.Ltmp2:
0x92: {  	[sflag:s18] =	ssyncadd.s32 $0xFFFFC000;
	(pc) =	sbr.rel @p0 .LBB2_1-.Ltmp2, $4  }
0x93: {  	[hbm4b:s14+s3] =	stream.linear.scatter [tilespmem:s3], [sflag:$0x2], $0x4000, $0x38;
	[tilespmem:$0x18100] =	vst v63  }
0x94: {  	_ =	swait.ge [sflag:s18], $0x4000  }
0x95: {  	[sflag:s18] =	ssyncset.done $0x0  }
0x96: {  	[sflag:s18] =	ssyncadd.s32 $0xFFFFC000  }
0x97: {  	_ =	sfence.sel $0x180000  }
0x98: {  	[bflag:$0x0] =	sbarrier.arrive $0xFFFF  }
0x99: {  	p0 =	sne.s32 s0, $0x0;
	_ =	strace $0x90000056  }
0x9a: {  	s0 =	sadd.s32 @!p0 $0x100000, s1;
	[bflag:$0x2] =	sbarrier.arrive $0xFFFF  }
0x9b: {  	[sflag:s0] =	ssyncadd.tile.s32 @!p0 $0x1;
	_ =	shalt  }
.Lfunc_end2:
_tile_overlayer_lowered:
.L_overlay_start_2:
0x9c: {  	(tag) =	ssettag $0x2  }
0x9d: {  	s0 =	rddreg [dreg:$0x0];
	s2 =	stileid.u32  }
0x9e: {  	s1 =	rddreg [dreg:$0x1];
	p0 =	sne.s32 s2, $0x0  }
0x9f: {  	s3 =	rddreg [dreg:$0x2];
	[bflag:$0x3] =	sbarrier.arrive $0xFFFF;
	s2 =	simm.s32 @!p0 $0x1C02  }
0xa0: {  	[timem:s3], [sflag:s2] =	dma.local @!p0 [hbm:s0], s1  }
0xa1: {  	s0 =	simm.s32 @!p0 $0x2  }
0xa2: {  	_ =	swait.ge @!p0 [sflag:s0], s1  }
0xa3: {  	s1 =	ssub.s32 @!p0 $0x0, s1;
	[sflag:s0] =	ssyncset.done @!p0 $0x0  }
0xa4: {  	[sflag:s0] =	ssyncadd.s32 @!p0 s1  }
0xa5: {  	[bflag:$0x3] =	sbarrier.arrive $0xFFFF  }
0xa6: {  	_ =	shalt  }

// kernel: kernel.36.cloned.1.call-start
scs
__scs_entry_jumppad:
0x0: {  	(pc) =	sbr.rel $0x88, $3  }
0x1: {  	(tag) =	ssettag $0x0;
	lr =	simm.s32 $0x1  }
0x2: {  	[smem:$0x3F99] =	sst lr;
	_ =	strace $0xD0000000  }
0x3: {  	_ = 	snop  }
0x4: {  	_ = 	snop  }
0x5: {  	_ = 	snop  }
0x6: {  	_ = 	snop  }
0x7: {  	_ = 	snop  }
__scs_overlays_trampoline_lowered:
0x8: {  	[smem:$0x3FA8] =	sst s0  }
0x9: {  	[smem:$0x3FA9] =	sst s1  }
0xa: {  	[smem:$0x3FAA] =	sst s2  }
0xb: {  	[smem:$0x3FAB] =	sst s3  }
0xc: {  	[smem:$0x3FAC] =	sst s4  }
0xd: {  	[smem:$0x3FAD] =	sst s5  }
0xe: {  	[smem:$0x3FAE] =	sst s6  }
0xf: {  	[smem:$0x3FAF] =	sst s7  }
0x10: {  	[smem:$0x3FB0] =	sst s8  }
0x11: {  	[smem:$0x3FB1] =	sst s9;
	s0 =	simm.s32 @!p0 $0x0  }
0x12: {  	s1 =	sld [smem:$0x3F97];
	s0 =	simm.s32 @p0 $0x1  }
0x13: {  	[smem:$0x3FB2] =	sst s0;
	s0 =	simm.s32 @!p1 $0x0  }
0x14: {  	s2 =	sld [smem:$0x3F96];
	s0 =	simm.s32 @p1 $0x1  }
0x15: {  	[smem:$0x3FB3] =	sst s0;
	s0 =	simm.s32 @!p2 $0x0  }
0x16: {  	s3 =	sld [smem:$0x3FDB];
	s0 =	simm.s32 @p2 $0x1  }
0x17: {  	s4 =	simm.s32 $0x1BF5;
	[smem:$0x3FB5] =	sst s0  }
0x18: {  	s0 =	sld [smem:$0x3F98];
	_ =	swait.ge [sflag:s4], $0x0  }
0x19: {  	s7 =	sld [smem:$0x3F99]  }
0x1a: {  	s8 =	sadd.s32 $0xFFFFE003, lr  }
0x1b: {  	s9 =	sadd.s32 $0xFFFFFEF7, lr;
	s5 =	simm.s32 $0xFFFFFFFF;
	p2 =	slt.u32 s8, $0xFFFFF086  }
0x1c: {  	p1 =	slt.u32 s9, $0xF7A;
	s5 =	simm.s32 @!p2 $0x0  }
0x1d: {  	s5 =	simm.s32 @p1 $0x1;
	p0 =	seq.s32 s7, s2  }
0x1e: {  	s7 =	smul.u32 @!p0 $0xF7A, s2;
	p2 =	seq.s32 @!p0 s5, $0x0  }
0x1f: {  	s9 =	smul.u32 $0xF7A, s1;
	s8 =	simm.s32 @!p0 $0x1BF5;
	p2 =	por !p2, p0  }
0x20: {  	[sflag:s8] =	ssyncset.s32 @!p0 $0xFFFFF086;
	s6 =	sadd.s32 @!p0 s3, s7;
	s7 =	simm.s32 @!p0 $0x108  }
0x21: {  	s3 =	sadd.s32 s3, s9;
	s6 =	sadd.s32 @!p0 $0x88, s6;
	s7 =	simm.s32 @p2 $0x1082  }
0x22: {  	[simem:s7], [sflag:s8] =	dma.local @!p0 [hbm:s6], $0xF7A  }
0x23: {  	s9 =	sor.u32 $0xD0000000, s2;
	s6 =	simm.s32 $0x108;
	_ =	swait.ge @!p0 [sflag:s8], $0x0  }
0x24: {  	s3 =	sadd.s32 $0x88, s3;
	s6 =	simm.s32 @!p1 $0x1082;
	[sflag:s4] =	ssyncset.s32 $0xFFFFF086  }
0x25: {  	[simem:s6], [sflag:s4] =	dma.local [hbm:s3], $0xF7A  }
0x26: {  	[smem:$0x3F99] =	sst s1;
	(tag) =	ssettag s2;
	_ =	strace s9  }
0x27: {  	s1 =	sld [smem:$0x3FA9]  }
0x28: {  	s2 =	sld [smem:$0x3FAA]  }
0x29: {  	s4 =	sld [smem:$0x3FAC]  }
0x2a: {  	p0 =	seq.s32 s5, $0x0;
	s5 =	sld [smem:$0x3FAD]  }
0x2b: {  	s6 =	sld [smem:$0x3FAE]  }
0x2c: {  	s7 =	sld [smem:$0x3FAF]  }
0x2d: {  	s3 =	simm.s32 $0x108;
	s8 =	sld [smem:$0x3FB0]  }
0x2e: {  	s3 =	simm.s32 @!p0 $0x1082;
	s9 =	sld [smem:$0x3FB1]  }
0x2f: {  	lr =	sadd.s32 s0, s3;
	s0 =	sld [smem:$0x3FA8]  }
0x30: {  	s3 =	sld [smem:$0x3FAB]  }
0x31: {  	[smem:$0x3FB4] =	sst s10  }
0x32: {  	s10 =	sld [smem:$0x3FB2];
	_ =	sdelay $0x3  }
0x33: {  	p0 =	seq.s32 s10, $0x1;
	s10 =	sld [smem:$0x3FB4];
	_ =	sdelay $0x3  }
0x34: {  	[smem:$0x3FB4] =	sst s10  }
0x35: {  	s10 =	sld [smem:$0x3FB3];
	_ =	sdelay $0x3  }
0x36: {  	p1 =	seq.s32 s10, $0x1;
	s10 =	sld [smem:$0x3FB4];
	_ =	sdelay $0x3  }
0x37: {  	[smem:$0x3FB4] =	sst s10  }
0x38: {  	s10 =	sld [smem:$0x3FB5]  }
0x39: {  	_ = 	snop;
	(pc) =	sbr.ind lr, $3  }
0x3a: {  	_ = 	snop  }
0x3b: {  	_ = 	snop  }
0x3c: {  	p2 =	seq.s32 s10, $0x1;
	s10 =	sld [smem:$0x3FB4]  }
0x3d: {  	_ =	shalt  }
0x3e: {  	_ =	shalt  }
0x3f: {  	_ =	shalt  }
0x40: {  	_ =	shalt  }
0x41: {  	_ =	shalt  }
0x42: {  	_ =	shalt  }
0x43: {  	_ =	shalt  }
0x44: {  	_ =	shalt  }
0x45: {  	_ =	shalt  }
0x46: {  	_ =	shalt  }
0x47: {  	_ =	shalt  }
0x48: {  	_ =	shalt  }
0x49: {  	_ =	shalt  }
0x4a: {  	_ =	shalt  }
0x4b: {  	_ =	shalt  }
0x4c: {  	_ =	shalt  }
0x4d: {  	_ =	shalt  }
0x4e: {  	_ =	shalt  }
0x4f: {  	_ =	shalt  }
0x50: {  	_ =	shalt  }
0x51: {  	_ =	shalt  }
0x52: {  	_ =	shalt  }
0x53: {  	_ =	shalt  }
0x54: {  	_ =	shalt  }
0x55: {  	_ =	shalt  }
0x56: {  	_ =	shalt  }
0x57: {  	_ =	shalt  }
0x58: {  	_ =	shalt  }
0x59: {  	_ =	shalt  }
0x5a: {  	_ =	shalt  }
0x5b: {  	_ =	shalt  }
0x5c: {  	_ =	shalt  }
0x5d: {  	_ =	shalt  }
0x5e: {  	_ =	shalt  }
0x5f: {  	_ =	shalt  }
0x60: {  	_ =	shalt  }
0x61: {  	_ =	shalt  }
0x62: {  	_ =	shalt  }
0x63: {  	_ =	shalt  }
0x64: {  	_ =	shalt  }
0x65: {  	_ =	shalt  }
0x66: {  	_ =	shalt  }
0x67: {  	_ =	shalt  }
0x68: {  	_ =	shalt  }
0x69: {  	_ =	shalt  }
0x6a: {  	_ =	shalt  }
0x6b: {  	_ =	shalt  }
0x6c: {  	_ =	shalt  }
0x6d: {  	_ =	shalt  }
0x6e: {  	_ =	shalt  }
0x6f: {  	_ =	shalt  }
0x70: {  	_ =	shalt  }
0x71: {  	_ =	shalt  }
0x72: {  	_ =	shalt  }
0x73: {  	_ =	shalt  }
0x74: {  	_ =	shalt  }
0x75: {  	_ =	shalt  }
0x76: {  	_ =	shalt  }
0x77: {  	_ =	shalt  }
0x78: {  	_ =	shalt  }
0x79: {  	_ =	shalt  }
0x7a: {  	_ =	shalt  }
0x7b: {  	_ =	shalt  }
0x7c: {  	_ =	shalt  }
0x7d: {  	_ =	shalt  }
0x7e: {  	_ =	shalt  }
0x7f: {  	_ =	shalt  }
0x80: {  	_ =	shalt  }
0x81: {  	_ =	shalt  }
0x82: {  	_ =	shalt  }
0x83: {  	_ =	shalt  }
0x84: {  	_ =	shalt  }
0x85: {  	_ =	shalt  }
0x86: {  	_ =	shalt  }
0x87: {  	_ =	shalt  }
.Lfunc_end0:
.L_simem_size_0:
called_computation.6_lowered:
.L_overlay_start_0:
0x88: {  	s2 =	sld [smem:$0x3FD9]  }
0x89: {  	s3 =	sld [smem:$0x3FFE];
	_ =	sdelay $0x1  }
0x8a: {  	s1 =	srdreg.scid  }
0x8b: {  	s0 =	sand.u32 $0x1, s1  }
0x8c: {  	s16 =	sshll.u32 s0, $0xA;
	s2 =	sadd.s32 s3, s2  }
0x8d: {  	s2 =	sadd.s32 s2, s16  }
0x8e: {  	[smem:$0x3FC0] =	sst s2  }
0x8f: {  	_ = 	snop  }
0x90: {  	(tm) =	ssettm $0x1  }
0x91: {  	s17 =	sld [smem:$0x3FFB];
	_ =	sdelay $0x3  }
0x92: {  	_ =	strace s17  }
0x93: {  	s2 =	sld [smem:$0x3FFC];
	_ =	sdelay $0x3  }
0x94: {  	_ =	strace s2  }
0x95: {  	s2 =	sld [smem:$0x3FFD];
	_ =	sdelay $0x3  }
0x96: {  	_ =	strace s2  }
0x97: {  	_ =	strace $0x8FFFFFFF  }
0x98: {  	s18 =	sld [smem:$0x3FDB];
	_ =	sdelay $0x1  }
0x99: {  	s19 =	simm.s32 $_scs_section_size  }
0x9a: {  	s4 =	simm.s32 $_size__tile_overlayer_lowered;
	s5 =	simm.s32 $_tile_overlayer_lowered  }
0x9b: {  	s22 =	simm.s32 $0x1BFF;
	s21 =	sshll.u32 s5, $0x1;
	s2 =	sadd.s32 s19, s18  }
0x9c: {  	s6 =	simm.s32 $0x0;
	s20 =	sshll.u32 s4, $0x1;
	s4 =	sadd.s32 s21, s2  }
0x9d: {  	[timem:s6], [sflag:s22] =	dma.local [hbm:s4], s20  }
0x9e: {  	_ =	swait.ge [sflag:s22], s20  }
0x9f: {  	s3 =	ssub.s32 $0x0, s20;
	[sflag:s22] =	ssyncset.done $0x0  }
0xa0: {  	[sflag:s22] =	ssyncadd.s32 s3;
	_ =	sdelay $0x1  }
0xa1: {  	s23 =	simm.s32 $0x1B8B  }
0xa2: {  	_ =	swait.ge [sflag:s23], $0x1  }
0xa3: {  	[sflag:s23] =	ssyncset.done $0x0  }
0xa4: {  	s25 =	simm.s32 $0x1B8E;
	s24 =	sld [smem:$0x3FFE];
	[sflag:s23] =	ssyncadd.s32 $0xFFFFFFFF  }
0xa5: {  	s26 =	simm.s32 $execute0_lowered;
	[smem:$0x3FD2] =	sst s25  }
0xa6: {  	s4 =	sshll.u32 s26, $0x1;
	_ =	strace $0x80000058;
	[dreg:$0x1] =	wrdreg $0xFFFFFFFF  }
0xa7: {  	s28 =	simm.s32 $_size_execute0_lowered;
	s2 =	sadd.s32 s2, s4;
	[dreg:$0x0] =	wrdreg $0x0  }
0xa8: {  	s4 =	sshll.u32 s28, $0x1;
	[dreg:$0x2] =	wrdreg s2  }
0xa9: {  	[dreg:$0x3] =	wrdreg s4  }
0xaa: {  	[dreg:$0x4] =	wrdreg $0xC0  }
0xab: {  	_ =	task [dreg:s6], $0x5FFFF  }
0xac: {  	[dreg:$0x1] =	wrdreg $0xFFFFFFFF  }
0xad: {  	[dreg:$0x0] =	wrdreg $0x60  }
0xae: {  	[dreg:$0x2] =	wrdreg s24  }
0xaf: {  	[dreg:$0x3] =	wrdreg $0x41000  }
0xb0: {  	[dreg:$0x4] =	wrdreg $0x9  }
0xb1: {  	_ =	task.clear_ibuf [dreg:s6], $0x5FFFF;
	_ =	strace $0x90000058  }
0xb2: {  	s29 =	simm.s32 $0x9;
	_ =	strace $0x8000005A  }
0xb3: {  	_ =	swait.ge [sflag:s29], $0x1  }
0xb4: {  	[sflag:s29] =	ssyncadd.s32 $0xFFFFFFFF  }
0xb5: {  	_ =	strace $0x9000005A  }
0xb6: {  	_ =	sfence  }
0xb7: {  	s30 =	sld [smem:$0x0];
	_ =	sdelay $0x2  }
0xb8: {  	s31 =	sshll.u32 s1, $0xD;
	s1 =	sshrl.u32 s1, $0x2  }
0xb9: {  	s3 =	sand.u32 $0x4000, s31;
	s1 =	sadd.s32 s1, s30  }
0xba: {  	s0 =	sor.u32 s3, s0;
	s1 =	sshll.u32 s1, $0x11  }
0xbb: {  	s0 =	sor.u32 s1, s0  }
0xbc: {  	s0 =	sadd.s32 $0x8F2B, s0  }
0xbd: {  	[sflag:s0] =	ssyncadd.remote.s32 $0x1  }
0xbe: {  	_ =	sfence.sel $0xFFFF  }
0xbf: {  	[dreg:$0x0] =	wrdreg $0xFFFFFFFF;
	(pc) =	sbr.abs _section_cstart, $3  }
0xc0: {  	[dreg:$0x1] =	wrdreg $0xFFFFFFFF  }
0xc1: {  	_ =	task.clear_ibuf [dreg:s6], $0x2FFFF;
	_ =	strace $0x9FFFFFFF  }
0xc2: {  	(tm) =	ssettm $0x7FFFFFFF  }
0xc3: {  	_ =	shalt  }
tec
execute0_lowered:
.L_overlay_start_1:
0x0: {  	(tag) =	ssettag $0x1  }
0x1: {  	s0 =	srdreg.scid;
	s5 =	rddreg [dreg:$0x0]  }
0x2: {  	s2 =	rddreg [dreg:$0x1];
	s6 =	sand.u32 $0x1, s0  }
0x3: {  	s0 =	stileid.u32;
	s4 =	smul.u32 $0x4F000, s6  }
0x4: {  	s1 =	rddreg [dreg:$0x2];
	s7 =	smul.u32 $0x4F00, s0  }
0x5: {  	s3 =	simm.s32 $0x0;
	s22 =	simm.s32 $0x1;
	s8 =	smul.u32 $0x9E0, s0  }
0x6: {  	s23 =	simm.s32 $0x0;
	[smem:$0x7FF] =	sst s3;
	s25 =	smul.u32 $0x50000, s0  }
0x7: {  	s14 =	sadd.s32 $0x91000, s5;
	s26 =	ssub.s32 $0x2, s6;
	s9 =	smul.u32 $0x280, s0  }
0x8: {  	_ =	strace $0x80000059;
	s18 =	smul.u32 $0x2800, s6;
	s28 =	sshrl.u32 s26, $0x1  }
0x9: {  	s4 =	sadd.s32 s7, s4;
	s17 =	sadd.s32 s8, s5;
	s15 =	ssub.s32 s26, s28  }
0xa: {  	s10 =	sadd.s32 $0x80, s9;
	s12 =	sadd.s32 $0x100, s9;
	s13 =	sadd.s32 $0x180, s9  }
0xb: {  	s19 =	sadd.s32 $0x200, s9;
	s9 =	sadd.s32 s9, s18;
	s7 =	sshrl.u32 s4, $0x3  }
0xc: {  	s4 =	sadd.s32 $0x41000, s5;
	s29 =	sshll.u32 s10, $0x7;
	s30 =	sshll.u32 s12, $0x7  }
0xd: {  	s11 =	sshll.u32 s13, $0x7;
	s10 =	sadd.s32 s18, s10;
	s31 =	sshll.u32 s19, $0x7  }
0xe: {  	s20 =	sshll.u32 s9, $0x4;
	s12 =	sadd.s32 s18, s12;
	s13 =	sadd.s32 s18, s13  }
0xf: {  	s18 =	sadd.s32 s18, s19;
	s15 =	smax.u32 s15, $0x1;
	s17 =	sadd.s32 $0x37200, s17  }
0x10: {  	s19 =	simm.s32 $0x4000;
	s16 =	sadd.s32 s7, s5;
	s7 =	sshrl.u32 s25, $0x2  }
0x11: {  	s6 =	sadd.s32 s29, s2;
	s8 =	sadd.s32 s11, s2;
	s21 =	sshll.u32 s10, $0x4  }
0x12: {  	s9 =	sadd.s32 s31, s2;
	s10 =	sadd.s32 s14, s20;
	s12 =	sshll.u32 s12, $0x4  }
0x13: {  	s13 =	sshll.u32 s13, $0x4;
	s18 =	sshll.u32 s18, $0x4;
	s20 =	simm.s32 $0x4080  }
0x14: {  	s5 =	sadd.s32 s7, s2;
	s7 =	sadd.s32 s30, s2;
	s11 =	sadd.s32 s14, s21  }
0x15: {  	s12 =	sadd.s32 s14, s12;
	s13 =	sadd.s32 s14, s13;
	s14 =	sadd.s32 s14, s18  }
0x16: {  	v0 =	vimm.f32 $0.0e+00;
	s16 =	sadd.s32 $0x181000, s16;
	s18 =	simm.s32 $0x2;
	s21 =	simm.s32 $0x80  }
.LBB2_1:
0x17: {  	s24 =	simm.s32 $0x0;
	s25 =	simm.s32 $0x200  }
.LBB2_2:
0x18: {  	p0 =	sne.s32 s25, $0xFE00;
	[tilespmem:s24+$0x70] =	vst v0  }
0x19: {  	[tilespmem:s24+$0x0] =	vst v0  }
0x1a: {  	[tilespmem:s24+$0x10] =	vst v0  }
.Ltmp0:
0x1b: {  	[tilespmem:s24+$0x20] =	vst v0;
	(pc) =	sbr.rel @p0 .LBB2_2-.Ltmp0, $4  }
0x1c: {  	[tilespmem:s24+$0x30] =	vst v0  }
0x1d: {  	[tilespmem:s24+$0x40] =	vst v0  }
0x1e: {  	[tilespmem:s24+$0x50] =	vst v0  }
0x1f: {  	[tilespmem:s24+$0x60] =	vst v0;
	s24 =	sshra.s32 s25, $0x2;
	s25 =	sadd.s32 $0x200, s25  }
0x20: {  	[tilespmem:s24+$0x70] =	vst v0  }
0x21: {  	[tilespmem:s24+$0x0] =	vst v0  }
0x22: {  	[tilespmem:s24+$0x10] =	vst v0  }
0x23: {  	[tilespmem:s24+$0x20] =	vst v0  }
0x24: {  	[tilespmem:s24+$0x30] =	vst v0  }
0x25: {  	[tilespmem:s24+$0x40] =	vst v0  }
0x26: {  	[tilespmem:s24+$0x50] =	vst v0  }
0x27: {  	[tilespmem:s24+$0x60] =	vst v0;
	s29 =	simm.s32 $0x0  }
0x28: {  	[spmem:s5] =	stream.linear.scatter [tilespmem:s29], [sflag:$0x2], $0x4000, $0x38;
	[tilespmem:$0x18100] =	vst v63  }
0x29: {  	_ =	swait.ge [sflag:s18], $0x4000  }
0x2a: {  	[sflag:s18] =	ssyncset.done $0x0  }
0x2b: {  	[sflag:s18] =	ssyncadd.s32 $0xFFFFC000  }
0x2c: {  	[spmem:s6] =	stream.linear.scatter [tilespmem:s29], [sflag:$0x2], $0x4000, $0x38;
	[tilespmem:$0x18100] =	vst v63  }
0x2d: {  	_ =	swait.ge [sflag:s18], $0x4000  }
0x2e: {  	[sflag:s18] =	ssyncset.done $0x0  }
0x2f: {  	[sflag:s18] =	ssyncadd.s32 $0xFFFFC000  }
0x30: {  	[spmem:s7] =	stream.linear.scatter [tilespmem:s29], [sflag:$0x2], $0x4000, $0x38;
	[tilespmem:$0x18100] =	vst v63  }
0x31: {  	_ =	swait.ge [sflag:s18], $0x4000  }
0x32: {  	[sflag:s18] =	ssyncset.done $0x0  }
0x33: {  	[sflag:s18] =	ssyncadd.s32 $0xFFFFC000  }
0x34: {  	[spmem:s8] =	stream.linear.scatter [tilespmem:s29], [sflag:$0x2], $0x4000, $0x38;
	[tilespmem:$0x18100] =	vst v63  }
0x35: {  	_ =	swait.ge [sflag:s18], $0x4000  }
0x36: {  	[sflag:s18] =	ssyncset.done $0x0  }
0x37: {  	[sflag:s18] =	ssyncadd.s32 $0xFFFFC000  }
0x38: {  	[spmem:s9] =	stream.linear.scatter [tilespmem:s29], [sflag:$0x2], $0x4000, $0x38;
	[tilespmem:$0x18100] =	vst v63  }
0x39: {  	_ =	swait.ge [sflag:s18], $0x4000  }
0x3a: {  	[sflag:s18] =	ssyncset.done $0x0  }
0x3b: {  	[sflag:s18] =	ssyncadd.s32 $0xFFFFC000  }
0x3c: {  	s30 =	sadd.s32 $0x0, s16;
	[bflag:$0x0] =	sbarrier.arrive $0xFFFF  }
0x3d: {  	[tilespmem:s19], [sflag:$0x2] =	stream.linear.gather [hbm4b:s30+s3], $0x80, $0x38;
	[tilespmem:$0x18100] =	vst v63  }
0x3e: {  	_ =	swait.ge [sflag:s18], $0x80  }
0x3f: {  	[sflag:s18] =	ssyncset.done $0x0  }
0x40: {  	s31 =	sadd.s32 $0x0, s17;
	[sflag:s18] =	ssyncadd.s32 $0xFFFFFF80  }
0x41: {  	[tilespmem:s20], [sflag:$0x2] =	stream.linear.gather [hbm4b:s31+s3], $0x80, $0x38;
	[tilespmem:$0x18100] =	vst v63  }
0x42: {  	_ =	swait.ge [sflag:s18], $0x80  }
0x43: {  	[sflag:s18] =	ssyncset.done $0x0  }
0x44: {  	[sflag:s18] =	ssyncadd.s32 $0xFFFFFF80  }
0x45: {  	[tilespmem:s3], [sflag:$0x1] =	stream.indirect.gather [hbm4b:s4+s21], $0x80, s19, s21, $0xb8;
	[tilespmem:$0x18100] =	vst v63  }
0x46: {  	_ =	swait.ge [sflag:s22], $0x4000  }
0x47: {  	[sflag:s22] =	ssyncset.done $0x0  }
0x48: {  	[sflag:s22] =	ssyncadd.s32 $0xFFFFC000  }
0x49: {  	[spmem:s2] =	stream.indirect.scatter.add.f32 [tilespmem:s3], [sflag:$0x2], $0x80, s20, s21, $0xb8;
	[tilespmem:$0x18100] =	vst v63  }
0x4a: {  	_ =	swait.ge [sflag:s18], $0x4000  }
0x4b: {  	s24 =	simm.s32 $0x10;
	s25 =	simm.s32 $0x20;
	[sflag:s18] =	ssyncset.done $0x0  }
.LBB2_4:
0x4c: {  	s26 =	sadd.s32 s24, s16  }
0x4d: {  	[sflag:s18] =	ssyncadd.s32 $0xFFFFC000;
	s28 =	smov.u32 s25;
	s29 =	sadd.s32 $0x10, s25  }
0x4e: {  	[tilespmem:s19], [sflag:$0x2] =	stream.linear.gather [hbm4b:s26+s3], $0x80, $0x38;
	[tilespmem:$0x18100] =	vst v63  }
0x4f: {  	p0 =	sne.s32 s25, $0x9D0;
	_ =	swait.ge [sflag:s18], $0x80  }
0x50: {  	[sflag:s18] =	ssyncset.done $0x0  }
0x51: {  	s25 =	sadd.s32 s24, s17;
	s24 =	smov.u32 s28;
	[sflag:s18] =	ssyncadd.s32 $0xFFFFFF80  }
0x52: {  	[tilespmem:s20], [sflag:$0x2] =	stream.linear.gather [hbm4b:s25+s3], $0x80, $0x38;
	[tilespmem:$0x18100] =	vst v63  }
0x53: {  	_ =	swait.ge [sflag:s18], $0x80  }
0x54: {  	[sflag:s18] =	ssyncset.done $0x0  }
0x55: {  	[sflag:s18] =	ssyncadd.s32 $0xFFFFFF80  }
0x56: {  	[tilespmem:s3], [sflag:$0x1] =	stream.indirect.gather [hbm4b:s4+s21], $0x80, s19, s21, $0xb8;
	[tilespmem:$0x18100] =	vst v63  }
0x57: {  	_ =	swait.ge [sflag:s22], $0x4000  }
.Ltmp1:
0x58: {  	[sflag:s22] =	ssyncset.done $0x0;
	(pc) =	sbr.rel @p0 .LBB2_4-.Ltmp1, $4  }
0x59: {  	[sflag:s22] =	ssyncadd.s32 $0xFFFFC000  }
0x5a: {  	[spmem:s2] =	stream.indirect.scatter.add.f32 [tilespmem:s3], [sflag:$0x2], $0x80, s20, s21, $0xb8;
	[tilespmem:$0x18100] =	vst v63  }
0x5b: {  	_ =	swait.ge [sflag:s18], $0x4000  }
0x5c: {  	s25 =	smov.u32 s29;
	[sflag:s18] =	ssyncset.done $0x0  }
0x5d: {  	s25 =	sadd.s32 s24, s16;
	[sflag:s18] =	ssyncadd.s32 $0xFFFFC000  }
0x5e: {  	[tilespmem:s19], [sflag:$0x2] =	stream.linear.gather [hbm4b:s25+s3], $0x80, $0x38;
	[tilespmem:$0x18100] =	vst v63  }
0x5f: {  	_ =	swait.ge [sflag:s18], $0x80  }
0x60: {  	[sflag:s18] =	ssyncset.done $0x0  }
0x61: {  	s31 =	sadd.s32 s24, s17;
	[sflag:s18] =	ssyncadd.s32 $0xFFFFFF80  }
0x62: {  	[tilespmem:s20], [sflag:$0x2] =	stream.linear.gather [hbm4b:s31+s3], $0x80, $0x38;
	[tilespmem:$0x18100] =	vst v63  }
0x63: {  	_ =	swait.ge [sflag:s18], $0x80  }
0x64: {  	[sflag:s18] =	ssyncset.done $0x0  }
0x65: {  	[sflag:s18] =	ssyncadd.s32 $0xFFFFFF80  }
0x66: {  	[tilespmem:s3], [sflag:$0x1] =	stream.indirect.gather [hbm4b:s4+s21], $0x80, s19, s21, $0xb8;
	[tilespmem:$0x18100] =	vst v63  }
0x67: {  	_ =	swait.ge [sflag:s22], $0x4000  }
0x68: {  	[sflag:s22] =	ssyncset.done $0x0  }
0x69: {  	[sflag:s22] =	ssyncadd.s32 $0xFFFFC000  }
0x6a: {  	[spmem:s2] =	stream.indirect.scatter.add.f32 [tilespmem:s3], [sflag:$0x2], $0x80, s20, s21, $0xb8;
	[tilespmem:$0x18100] =	vst v63  }
0x6b: {  	_ =	swait.ge [sflag:s18], $0x4000  }
0x6c: {  	[sflag:s18] =	ssyncset.done $0x0  }
0x6d: {  	[sflag:s18] =	ssyncadd.s32 $0xFFFFC000  }
0x6e: {  	[bflag:$0x0] =	sbarrier.arrive $0xFFFF  }
0x6f: {  	[tilespmem:s3], [sflag:$0x2] =	stream.linear.gather [spmem:s5], $0x4000, $0x38;
	[tilespmem:$0x18100] =	vst v63  }
0x70: {  	_ =	swait.ge [sflag:s18], $0x4000  }
0x71: {  	[sflag:s18] =	ssyncset.done $0x0  }
0x72: {  	[sflag:s18] =	ssyncadd.s32 $0xFFFFC000  }
0x73: {  	[hbm4b:s10+s3] =	stream.linear.scatter [tilespmem:s3], [sflag:$0x2], $0x4000, $0x38;
	[tilespmem:$0x18100] =	vst v63  }
0x74: {  	_ =	swait.ge [sflag:s18], $0x4000  }
0x75: {  	[sflag:s18] =	ssyncset.done $0x0  }
0x76: {  	[sflag:s18] =	ssyncadd.s32 $0xFFFFC000  }
0x77: {  	[tilespmem:s3], [sflag:$0x2] =	stream.linear.gather [spmem:s6], $0x4000, $0x38;
	[tilespmem:$0x18100] =	vst v63  }
0x78: {  	_ =	swait.ge [sflag:s18], $0x4000  }
0x79: {  	[sflag:s18] =	ssyncset.done $0x0  }
0x7a: {  	[sflag:s18] =	ssyncadd.s32 $0xFFFFC000  }
0x7b: {  	[hbm4b:s11+s3] =	stream.linear.scatter [tilespmem:s3], [sflag:$0x2], $0x4000, $0x38;
	[tilespmem:$0x18100] =	vst v63  }
0x7c: {  	_ =	swait.ge [sflag:s18], $0x4000  }
0x7d: {  	[sflag:s18] =	ssyncset.done $0x0  }
0x7e: {  	[sflag:s18] =	ssyncadd.s32 $0xFFFFC000  }
0x7f: {  	[tilespmem:s3], [sflag:$0x2] =	stream.linear.gather [spmem:s7], $0x4000, $0x38;
	[tilespmem:$0x18100] =	vst v63  }
0x80: {  	_ =	swait.ge [sflag:s18], $0x4000  }
0x81: {  	[sflag:s18] =	ssyncset.done $0x0  }
0x82: {  	[sflag:s18] =	ssyncadd.s32 $0xFFFFC000  }
0x83: {  	[hbm4b:s12+s3] =	stream.linear.scatter [tilespmem:s3], [sflag:$0x2], $0x4000, $0x38;
	[tilespmem:$0x18100] =	vst v63  }
0x84: {  	_ =	swait.ge [sflag:s18], $0x4000  }
0x85: {  	[sflag:s18] =	ssyncset.done $0x0  }
0x86: {  	[sflag:s18] =	ssyncadd.s32 $0xFFFFC000  }
0x87: {  	[tilespmem:s3], [sflag:$0x2] =	stream.linear.gather [spmem:s8], $0x4000, $0x38;
	[tilespmem:$0x18100] =	vst v63  }
0x88: {  	_ =	swait.ge [sflag:s18], $0x4000  }
0x89: {  	[sflag:s18] =	ssyncset.done $0x0  }
0x8a: {  	[sflag:s18] =	ssyncadd.s32 $0xFFFFC000  }
0x8b: {  	[hbm4b:s13+s3] =	stream.linear.scatter [tilespmem:s3], [sflag:$0x2], $0x4000, $0x38;
	[tilespmem:$0x18100] =	vst v63  }
0x8c: {  	_ =	swait.ge [sflag:s18], $0x4000  }
0x8d: {  	[sflag:s18] =	ssyncset.done $0x0  }
0x8e: {  	[sflag:s18] =	ssyncadd.s32 $0xFFFFC000  }
0x8f: {  	[tilespmem:s3], [sflag:$0x2] =	stream.linear.gather [spmem:s9], $0x4000, $0x38;
	[tilespmem:$0x18100] =	vst v63  }
0x90: {  	s23 =	sadd.s32 $0x1, s23;
	_ =	swait.ge [sflag:s18], $0x4000  }
0x91: {  	p0 =	sne.s32 s23, s15;
	[sflag:s18] =	ssyncset.done $0x0  }
.Ltmp2:
0x92: {  	[sflag:s18] =	ssyncadd.s32 $0xFFFFC000;
	(pc) =	sbr.rel @p0 .LBB2_1-.Ltmp2, $4  }
0x93: {  	[hbm4b:s14+s3] =	stream.linear.scatter [tilespmem:s3], [sflag:$0x2], $0x4000, $0x38;
	[tilespmem:$0x18100] =	vst v63  }
0x94: {  	_ =	swait.ge [sflag:s18], $0x4000  }
0x95: {  	[sflag:s18] =	ssyncset.done $0x0  }
0x96: {  	[sflag:s18] =	ssyncadd.s32 $0xFFFFC000  }
0x97: {  	_ =	sfence.sel $0x180000  }
0x98: {  	[bflag:$0x0] =	sbarrier.arrive $0xFFFF  }
0x99: {  	p0 =	sne.s32 s0, $0x0;
	_ =	strace $0x90000059  }
0x9a: {  	s0 =	sadd.s32 @!p0 $0x100000, s1;
	[bflag:$0x2] =	sbarrier.arrive $0xFFFF  }
0x9b: {  	[sflag:s0] =	ssyncadd.tile.s32 @!p0 $0x1;
	_ =	shalt  }
.Lfunc_end2:
_tile_overlayer_lowered:
.L_overlay_start_2:
0x9c: {  	(tag) =	ssettag $0x2  }
0x9d: {  	s0 =	rddreg [dreg:$0x0];
	s2 =	stileid.u32  }
0x9e: {  	s1 =	rddreg [dreg:$0x1];
	p0 =	sne.s32 s2, $0x0  }
0x9f: {  	s3 =	rddreg [dreg:$0x2];
	[bflag:$0x3] =	sbarrier.arrive $0xFFFF;
	s2 =	simm.s32 @!p0 $0x1C02  }
0xa0: {  	[timem:s3], [sflag:s2] =	dma.local @!p0 [hbm:s0], s1  }
0xa1: {  	s0 =	simm.s32 @!p0 $0x2  }
0xa2: {  	_ =	swait.ge @!p0 [sflag:s0], s1  }
0xa3: {  	s1 =	ssub.s32 @!p0 $0x0, s1;
	[sflag:s0] =	ssyncset.done @!p0 $0x0  }
0xa4: {  	[sflag:s0] =	ssyncadd.s32 @!p0 s1  }
0xa5: {  	[bflag:$0x3] =	sbarrier.arrive $0xFFFF  }
0xa6: {  	_ =	shalt  }

</sc_bundles>
